<compile_context>
chip_gen: v7x
topology: tpu7x:2x2x1
jax: 0.10.2.dev20260603
libtpu: 0.0.44.dev20260713+nightly
codegen_flags: <defaults>
</compile_context>

<pallas_src>
import functools

import jax
import jax.numpy as jnp
from jax import lax
from jax.experimental import pallas as pl
from jax.experimental.pallas import tpu as pltpu
from jax.experimental.pallas import tpu_sc as plsc

D_MODEL = 64
BLK = 128
NUM_WORKERS = 32


def _make_kernel(batch, seq):
    assert batch == BLK * NUM_WORKERS
    mesh = plsc.VectorSubcoreMesh(core_axis_name="c", subcore_axis_name="s")

    @functools.partial(
        pl.kernel,
        mesh=mesh,
        out_type=jax.ShapeDtypeStruct(
            (seq, D_MODEL // 8, NUM_WORKERS, 8 * BLK), jnp.float32
        ),
        scratch_types=[
            pltpu.VMEM((BLK, seq), jnp.int32),
            pltpu.VMEM((seq, BLK), jnp.int32),
            pltpu.VMEM((BLK, D_MODEL + 8), jnp.float32),
            [pltpu.VMEM((BLK, D_MODEL), jnp.float32) for _ in range(2)],
            [pltpu.VMEM((D_MODEL // 8, 8 * BLK), jnp.float32) for _ in range(2)],
            [pltpu.SemaphoreType.DMA for _ in range(2)],
            [pltpu.SemaphoreType.DMA for _ in range(2)],
        ],
        compiler_params=pltpu.CompilerParams(
            use_tc_tiling_on_sc=False, needs_layout_passes=False
        ),
    )
    def gather_kernel(
        tok_hbm, table_hbm, y_hbm, idx_raw, idx_t, rows_p, rows, yb, sg, so
    ):
        wid = lax.axis_index("s") * 2 + lax.axis_index("c")
        pltpu.sync_copy(tok_hbm.at[pl.ds(wid * BLK, BLK), :], idx_raw)

        iota = lax.iota(jnp.int32, 16)
        lanes = [iota + (16 * g) for g in range(BLK // 16)]

        @plsc.parallel_loop(0, seq, unroll=4)
        def _idx_transpose(s):
            col = jnp.zeros((16,), jnp.int32) + s
            for g in range(BLK // 16):
                v = plsc.load_gather(idx_raw, [lanes[g], col])
                idx_t[s, pl.ds(16 * g, 16)] = v


        def issue_gather(s, b):
            pltpu.async_copy(table_hbm.at[idx_t.at[s]], rows[b], sg[b])

        def wait_gather(b):
            pltpu.make_async_copy(
                table_hbm.at[pl.ds(0, BLK)], rows[b], sg[b]
            ).wait()

        def transpose(b):
            @plsc.parallel_loop(0, BLK, unroll=8)
            def _repitch(t):
                for d0 in range(0, D_MODEL, 16):
                    rows_p[t, pl.ds(d0, 16)] = rows[b][t, pl.ds(d0, 16)]

            @plsc.parallel_loop(0, D_MODEL, unroll=4)
            def _transpose(d):
                col = jnp.zeros((16,), jnp.int32) + d
                row = lax.shift_right_logical(d, 3)
                off = lax.shift_left(jnp.bitwise_and(d, 7), 7)
                for g in range(BLK // 16):
                    v = plsc.load_gather(rows_p, [lanes[g], col])
                    yb[b][row, pl.ds(off + 16 * g, 16)] = v

        def issue_store(s, b):
            pltpu.async_copy(yb[b], y_hbm.at[s, :, wid, :], so[b])

        def wait_store(b):
            pltpu.make_async_copy(
                yb[b], y_hbm.at[0, :, wid, :], so[b]
            ).wait()

        issue_gather(0, 0)
        issue_gather(1, 1)
        wait_gather(0)
        transpose(0)
        issue_gather(2, 0)
        issue_store(0, 0)
        wait_gather(1)
        transpose(1)
        issue_gather(3, 1)
        issue_store(1, 1)

        def body(i, carry):
            s0 = 2 * i
            wait_gather(0)
            wait_store(0)
            transpose(0)
            pl.when(i < seq // 2 - 1)(lambda: issue_gather(s0 + 2, 0))
            issue_store(s0, 0)
            wait_gather(1)
            wait_store(1)
            transpose(1)
            pl.when(i < seq // 2 - 1)(lambda: issue_gather(s0 + 3, 1))
            issue_store(s0 + 1, 1)
            return carry

        lax.fori_loop(1, seq // 2, body, 0)
        wait_store(0)
        wait_store(1)

    return gather_kernel


def _make_detile(vocab):
    KC = 3
    VW = KC * 128
    PITCH = VW + 8
    n_full = vocab // 128
    tail = vocab - n_full * 128
    n_str = n_full // KC
    assert n_str * KC == n_full
    out_rows = VW * D_MODEL // 128
    mesh = plsc.VectorSubcoreMesh(core_axis_name="c", subcore_axis_name="s")

    @functools.partial(
        pl.kernel,
        mesh=mesh,
        out_type=jax.ShapeDtypeStruct((vocab * D_MODEL // 128, 128), jnp.float32),
        scratch_types=[
            [pltpu.VMEM((D_MODEL, PITCH), jnp.float32) for _ in range(2)],
            [pltpu.VMEM((out_rows, 128), jnp.float32) for _ in range(2)],
            [pltpu.SemaphoreType.DMA for _ in range(2)],
            [pltpu.SemaphoreType.DMA for _ in range(2)],
        ],
        compiler_params=pltpu.CompilerParams(
            use_tc_tiling_on_sc=True, needs_layout_passes=False
        ),
    )
    def detile_kernel(tt_hbm, tail_hbm, out_hbm, inb, outb, si, so):
        wid = lax.axis_index("s") * 2 + lax.axis_index("c")
        nc = (n_str - wid + NUM_WORKERS - 1) // NUM_WORKERS
        iota = lax.iota(jnp.int32, 16)

        def issue_in(k, b):
            off = pl.multiple_of((wid + NUM_WORKERS * k) * VW, 128)
            pltpu.async_copy(
                tt_hbm.at[:, pl.ds(off, VW)], inb[b].at[:, pl.ds(0, VW)], si[b]
            )

        def wait_in(b):
            pltpu.make_async_copy(
                tt_hbm.at[:, pl.ds(0, VW)], inb[b].at[:, pl.ds(0, VW)], si[b]
            ).wait()

        def transpose(b, nv):
            @plsc.parallel_loop(0, nv // 2, unroll=4)
            def _t(row):
                cv0 = jnp.zeros((16,), jnp.int32) + 2 * row
                cv1 = cv0 + 1
                for d0 in range(0, D_MODEL, 16):
                    v0 = plsc.load_gather(inb[b], [d0 + iota, cv0])
                    outb[b][row, pl.ds(d0, 16)] = v0
                for d0 in range(0, D_MODEL, 16):
                    v1 = plsc.load_gather(inb[b], [d0 + iota, cv1])
                    outb[b][row, pl.ds(D_MODEL + d0, 16)] = v1

        def issue_out(k, b):
            off = pl.multiple_of((wid + NUM_WORKERS * k) * out_rows, 8)
            pltpu.async_copy(outb[b], out_hbm.at[pl.ds(off, out_rows), :], so[b])

        def wait_out(b):
            pltpu.make_async_copy(
                outb[b], out_hbm.at[pl.ds(0, out_rows), :], so[b]
            ).wait()

        issue_in(0, 0)

        def step(k, b):
            pl.when(k + 1 < nc)(lambda: issue_in(k + 1, 1 - b))
            wait_in(b)
            pl.when(k >= 2)(lambda: wait_out(b))
            transpose(b, VW)
            issue_out(k, b)

        def body2(j, carry):
            k0 = 2 * j
            pl.when(k0 < nc)(lambda: step(k0, 0))
            pl.when(k0 + 1 < nc)(lambda: step(k0 + 1, 1))
            return carry

        lax.fori_loop(0, (n_str + NUM_WORKERS - 1) // NUM_WORKERS // 2 + 1, body2, 0)
        pl.when(nc >= 2)(lambda: wait_out(0))
        pl.when(nc >= 1)(lambda: wait_out(1))

        if tail:
            tail_rows = tail * D_MODEL // 128

            @pl.when(wid == 0)
            def _tail():
                pltpu.sync_copy(tail_hbm, outb[0].at[pl.ds(0, tail_rows), :])
                pltpu.sync_copy(
                    outb[0].at[pl.ds(0, tail_rows), :],
                    out_hbm.at[pl.ds(n_full * D_MODEL, tail_rows), :],
                )

    return detile_kernel


def kernel(tokens, token_emb):
    batch, seq = tokens.shape
    vocab = token_emb.shape[0]
    tok = tokens.astype(jnp.int32)
    n_full = vocab // 128
    tail = vocab - n_full * 128
    tail_packed = token_emb[n_full * 128 :].reshape(tail * D_MODEL // 128, 128)
    tbl_packed = _make_detile(vocab)(token_emb.T, tail_packed)
    tbl_lin = tbl_packed.reshape(vocab, D_MODEL)
    y4 = _make_kernel(batch, seq)(tok, tbl_lin)
    y5 = y4.reshape(seq, D_MODEL // 8, NUM_WORKERS, 8, BLK)
    return y5.transpose(2, 4, 0, 1, 3).reshape(batch, seq, D_MODEL)

# --- scband reference (transcript-rebuilt; emitter-appended) ---
"""Pipeline reference for scband-text-embedding-36825049596078 (READ-ONLY COPY).

The authoritative reference and input builder live on the scoring server;
editing this copy changes nothing except your own understanding.
"""

import jax, jax.numpy as jnp
import numpy as np

VOCAB = 1000000
D_MODEL = 64
BATCH = 4096
SEQ = 200


def setup_inputs(seed: int = 0) -> dict:
    key = jax.random.key(seed)
    k_tok, k_tab = jax.random.split(key)
    tokens = jax.random.randint(k_tok, (BATCH, SEQ), 0, VOCAB, dtype=jnp.int64 if jax.config.read('jax_enable_x64') else jnp.int32)
    # embedding table, ~N(0,1) like nn.Embedding default init
    token_emb = jax.random.normal(k_tab, (VOCAB, D_MODEL), dtype=jnp.float32)
    return {"tokens": tokens, "token_emb": token_emb}


def reference(tokens, token_emb):
    # faithful translation of TextEmbedding.forward: x = self.token_emb(tokens)
    x = jnp.take(token_emb, tokens, axis=0)
    return x

if __name__ == "__main__":
    import jax
    _d = setup_inputs()
    print(jax.jit(kernel)(*tuple(_d.values())))

</pallas_src>

<mosaic_0001>
#map = affine_map<(d0, d1) -> (0, 0)>
module attributes {stable_mosaic.version = 14 : i64} {
  func.func @detile_kernel(%arg0: i32, %arg1: i32, %arg2: memref<64x1000000xf32, #tpu.memory_space<hbm>>, %arg3: memref<32x128xf32, #tpu.memory_space<hbm>>, %arg4: memref<500000x128xf32, #tpu.memory_space<hbm>>, %arg5: memref<64x392xf32, #tpu.memory_space<vmem>>, %arg6: memref<64x392xf32, #tpu.memory_space<vmem>>, %arg7: memref<192x128xf32, #tpu.memory_space<vmem>>, %arg8: memref<192x128xf32, #tpu.memory_space<vmem>>, %arg9: memref<!tpu.dma_semaphore, #tpu.memory_space<semaphore_mem>>, %arg10: memref<!tpu.dma_semaphore, #tpu.memory_space<semaphore_mem>>, %arg11: memref<!tpu.dma_semaphore, #tpu.memory_space<semaphore_mem>>, %arg12: memref<!tpu.dma_semaphore, #tpu.memory_space<semaphore_mem>>) attributes {dimension_semantics = [#tpu.dimension_semantics<core_parallel>, #tpu.dimension_semantics<subcore_parallel>], iteration_bounds = array<i64: 2, 16>, scalar_prefetch = 0 : i64, scratch_operands = 8 : i64, tpu.core_type = #tpu.core_type<sc_vector_subcore>, window_params = [{transform_indices = #map}, {transform_indices = #map}, {transform_indices = #map}]} {
    %mul3A = arith.constant 2 : i32
    %mul3A_0 = arith.muli %arg1, %mul3A : i32
    %add3A = arith.addi %mul3A_0, %arg0 : i32
    %sub3A = arith.constant 2604 : i32
    %sub3A_1 = arith.subi %sub3A, %add3A : i32
    %add3A_2 = arith.constant 32 : i32
    %add3A_3 = arith.addi %sub3A_1, %add3A_2 : i32
    %sub3A_4 = arith.constant 1 : i32
    %sub3A_5 = arith.subi %add3A_3, %sub3A_4 : i32
    %jit3A = arith.constant 32 : i32
    %div3A = arith.divsi %sub3A_5, %jit3A : i32
    %sign3A = arith.constant 0 : i32
    %sign3A_6 = arith.cmpi sgt, %sub3A_5, %sign3A : i32
    %sign3A_7 = arith.extui %sign3A_6 : i1 to i32
    %sign3A_8 = arith.constant 0 : i32
    %sign3A_9 = arith.cmpi slt, %sub3A_5, %sign3A_8 : i32
    %sign3A_10 = arith.extui %sign3A_9 : i1 to i32
    %sign3A_11 = arith.subi %sign3A_7, %sign3A_10 : i32
    %sign3A_12 = arith.constant 0 : i32
    %sign3A_13 = arith.cmpi sgt, %jit3A, %sign3A_12 : i32
    %sign3A_14 = arith.extui %sign3A_13 : i1 to i32
    %sign3A_15 = arith.constant 0 : i32
    %sign3A_16 = arith.cmpi slt, %jit3A, %sign3A_15 : i32
    %sign3A_17 = arith.extui %sign3A_16 : i1 to i32
    %sign3A_18 = arith.subi %sign3A_14, %sign3A_17 : i32
    %ne3A = arith.cmpi ne, %sign3A_11, %sign3A_18 : i32
    %rem3A = arith.remsi %sub3A_5, %jit3A : i32
    %ne3A_19 = arith.constant 0 : i32
    %ne3A_20 = arith.cmpi ne, %rem3A, %ne3A_19 : i32
    %and3A = arith.andi %ne3A, %ne3A_20 : i1
    %sub3A_21 = arith.constant 1 : i32
    %sub3A_22 = arith.subi %div3A, %sub3A_21 : i32
    %select_n3A = arith.select %and3A, %sub3A_22, %div3A : i32
    %iota3A = tpu.iota {dimensions = array<i32: 0>} : vector<16xi32>
    %add3A_23 = arith.constant 0 : i32
    %add3A_24 = arith.addi %add3A, %add3A_23 : i32
    %mul3A_25 = arith.constant 384 : i32
    %mul3A_26 = arith.muli %add3A_24, %mul3A_25 : i32
    %multiple_of3A = tpu.assume_multiple %mul3A_26, 128 : i32
    %dma_start3A = arith.constant 0 : i32
    %dma_start3A_27 = arith.constant 0 : i32
    %dma_start3A_28 = tpu.memref_slice %arg5[%dma_start3A, %dma_start3A_27] : memref<64x392xf32, #tpu.memory_space<vmem>> -> memref<64x384xf32, #tpu.memory_space<vmem>>
    %dma_start3A_29 = arith.constant 0 : i32
    %dma_start3A_30 = tpu.memref_slice %arg2[%dma_start3A_29, %multiple_of3A] : memref<64x1000000xf32, #tpu.memory_space<hbm>> -> memref<64x384xf32, #tpu.memory_space<hbm>>
    %dma_start3A_31 = arith.constant 0 : i32
    %dma_start3A_32 = arith.constant 0 : i32
    %dma_start3A_33 = tpu.memref_slice %arg5[%dma_start3A_31, %dma_start3A_32] : memref<64x392xf32, #tpu.memory_space<vmem>> -> memref<64x384xf32, #tpu.memory_space<vmem>>
    %dma_start3A_34 = arith.constant 0 : i32
    %dma_start3A_35 = tpu.memref_slice %arg2[%dma_start3A_34, %multiple_of3A] : memref<64x1000000xf32, #tpu.memory_space<hbm>> -> memref<64x384xf32, #tpu.memory_space<hbm>>
    tpu.enqueue_dma source(%dma_start3A_35 : memref<64x384xf32, #tpu.memory_space<hbm>>) target(%dma_start3A_33 : memref<64x384xf32, #tpu.memory_space<vmem>>) target_semaphore(%arg9 : memref<!tpu.dma_semaphore, #tpu.memory_space<semaphore_mem>>)
    %scan3A = arith.constant 0 : i32
    %scan3A_36 = arith.constant 0 : i32
    %scan3A_37 = arith.constant 42 : i32
    %scan3A_38 = arith.addi %scan3A_36, %scan3A_37 : i32
    %scan3A_39 = arith.constant 1 : i32
    scf.for %scan3A_52 = %scan3A_36 to %scan3A_38 step %scan3A_39  : i32 {
      %mul3A_53 = arith.constant 2 : i32
      %mul3A_54 = arith.muli %mul3A_53, %scan3A_52 : i32
      %lt3A = arith.cmpi slt, %mul3A_54, %select_n3A : i32
      %convert_element_type3A_55 = arith.extui %lt3A : i1 to i32
      %cond3A_56 = arith.constant 0 : i32
      %cond3A_57 = arith.cmpi ne, %convert_element_type3A_55, %cond3A_56 : i32
      scf.if %cond3A_57 {
        %add3A_64 = arith.constant 1 : i32
        %add3A_65 = arith.addi %mul3A_54, %add3A_64 : i32
        %lt3A_66 = arith.cmpi slt, %add3A_65, %select_n3A : i32
        %convert_element_type3A_67 = arith.extui %lt3A_66 : i1 to i32
        %cond3A_68 = arith.constant 0 : i32
        %cond3A_69 = arith.cmpi ne, %convert_element_type3A_67, %cond3A_68 : i32
        scf.if %cond3A_69 {
          %add3A_98 = arith.constant 1 : i32
          %add3A_99 = arith.addi %mul3A_54, %add3A_98 : i32
          %mul3A_100 = arith.constant 32 : i32
          %mul3A_101 = arith.muli %mul3A_100, %add3A_99 : i32
          %add3A_102 = arith.addi %add3A, %mul3A_101 : i32
          %mul3A_103 = arith.constant 384 : i32
          %mul3A_104 = arith.muli %add3A_102, %mul3A_103 : i32
          %multiple_of3A_105 = tpu.assume_multiple %mul3A_104, 128 : i32
          %dma_start3A_106 = arith.constant 0 : i32
          %dma_start3A_107 = arith.constant 0 : i32
          %dma_start3A_108 = tpu.memref_slice %arg6[%dma_start3A_106, %dma_start3A_107] : memref<64x392xf32, #tpu.memory_space<vmem>> -> memref<64x384xf32, #tpu.memory_space<vmem>>
          %dma_start3A_109 = arith.constant 0 : i32
          %dma_start3A_110 = tpu.memref_slice %arg2[%dma_start3A_109, %multiple_of3A_105] : memref<64x1000000xf32, #tpu.memory_space<hbm>> -> memref<64x384xf32, #tpu.memory_space<hbm>>
          %dma_start3A_111 = arith.constant 0 : i32
          %dma_start3A_112 = arith.constant 0 : i32
          %dma_start3A_113 = tpu.memref_slice %arg6[%dma_start3A_111, %dma_start3A_112] : memref<64x392xf32, #tpu.memory_space<vmem>> -> memref<64x384xf32, #tpu.memory_space<vmem>>
          %dma_start3A_114 = arith.constant 0 : i32
          %dma_start3A_115 = tpu.memref_slice %arg2[%dma_start3A_114, %multiple_of3A_105] : memref<64x1000000xf32, #tpu.memory_space<hbm>> -> memref<64x384xf32, #tpu.memory_space<hbm>>
          tpu.enqueue_dma source(%dma_start3A_115 : memref<64x384xf32, #tpu.memory_space<hbm>>) target(%dma_start3A_113 : memref<64x384xf32, #tpu.memory_space<vmem>>) target_semaphore(%arg10 : memref<!tpu.dma_semaphore, #tpu.memory_space<semaphore_mem>>)
        } else {
        }
        %dma_wait3A = arith.constant 0 : i32
        %dma_wait3A_70 = arith.constant 0 : i32
        %dma_wait3A_71 = tpu.memref_slice %arg5[%dma_wait3A, %dma_wait3A_70] : memref<64x392xf32, #tpu.memory_space<vmem>> -> memref<64x384xf32, #tpu.memory_space<vmem>>
        %dma_wait3A_72 = arith.constant 0 : i32
        %dma_wait3A_73 = arith.constant 0 : i32
        %dma_wait3A_74 = tpu.memref_slice %arg2[%dma_wait3A_72, %dma_wait3A_73] : memref<64x1000000xf32, #tpu.memory_space<hbm>> -> memref<64x384xf32, #tpu.memory_space<hbm>>
        %dma_wait3A_75 = arith.constant 0 : i32
        %dma_wait3A_76 = arith.constant 0 : i32
        %dma_wait3A_77 = tpu.memref_slice %arg5[%dma_wait3A_75, %dma_wait3A_76] : memref<64x392xf32, #tpu.memory_space<vmem>> -> memref<64x384xf32, #tpu.memory_space<vmem>>
        %dma_wait3A_78 = arith.constant 0 : i32
        %dma_wait3A_79 = arith.constant 0 : i32
        %dma_wait3A_80 = tpu.memref_slice %arg2[%dma_wait3A_78, %dma_wait3A_79] : memref<64x1000000xf32, #tpu.memory_space<hbm>> -> memref<64x384xf32, #tpu.memory_space<hbm>>
        tpu.wait_dma2 semaphore(%arg9 : memref<!tpu.dma_semaphore, #tpu.memory_space<semaphore_mem>>) src(%dma_wait3A_80 : memref<64x384xf32, #tpu.memory_space<hbm>>) dst(%dma_wait3A_77 : memref<64x384xf32, #tpu.memory_space<vmem>>)
        %ge3A_81 = arith.constant 2 : i32
        %ge3A_82 = arith.cmpi sge, %mul3A_54, %ge3A_81 : i32
        %convert_element_type3A_83 = arith.extui %ge3A_82 : i1 to i32
        %cond3A_84 = arith.constant 0 : i32
        %cond3A_85 = arith.cmpi ne, %convert_element_type3A_83, %cond3A_84 : i32
        scf.if %cond3A_85 {
          %dma_wait3A_98 = arith.constant 0 : i32
          %dma_wait3A_99 = arith.constant 0 : i32
          %dma_wait3A_100 = tpu.memref_slice %arg4[%dma_wait3A_98, %dma_wait3A_99] : memref<500000x128xf32, #tpu.memory_space<hbm>> -> memref<192x128xf32, #tpu.memory_space<hbm>>
          %dma_wait3A_101 = arith.constant 0 : i32
          %dma_wait3A_102 = arith.constant 0 : i32
          %dma_wait3A_103 = tpu.memref_slice %arg4[%dma_wait3A_101, %dma_wait3A_102] : memref<500000x128xf32, #tpu.memory_space<hbm>> -> memref<192x128xf32, #tpu.memory_space<hbm>>
          tpu.wait_dma2 semaphore(%arg11 : memref<!tpu.dma_semaphore, #tpu.memory_space<semaphore_mem>>) src(%arg7 : memref<192x128xf32, #tpu.memory_space<vmem>>) dst(%dma_wait3A_103 : memref<192x128xf32, #tpu.memory_space<hbm>>)
        } else {
        }
        %parallel_loop3A = arith.constant 0 : i32
        %parallel_loop3A_86 = arith.constant 192 : i32
        %parallel_loop3A_87 = arith.constant 1 : i32
        scf.for %parallel_loop3A_98 = %parallel_loop3A to %parallel_loop3A_86 step %parallel_loop3A_87  : i32 {
          %parallel_loop3A_99 = arith.constant 0 : i32
          %parallel_loop3A_100 = vector.broadcast %parallel_loop3A_99 : i32 to vector<16xi32>
          %parallel_loop3A_101 = arith.constant 2 : i32
          %parallel_loop3A_102 = arith.muli %parallel_loop3A_101, %parallel_loop3A_98 : i32
          %parallel_loop3A_103 = vector.broadcast %parallel_loop3A_102 : i32 to vector<16xi32>
          %parallel_loop3A_104 = arith.addi %parallel_loop3A_100, %parallel_loop3A_103 : vector<16xi32>
          %parallel_loop3A_105 = arith.constant 1 : i32
          %parallel_loop3A_106 = vector.broadcast %parallel_loop3A_105 : i32 to vector<16xi32>
          %parallel_loop3A_107 = arith.addi %parallel_loop3A_104, %parallel_loop3A_106 : vector<16xi32>
          %parallel_loop3A_108 = arith.constant 0 : i32
          %parallel_loop3A_109 = vector.broadcast %parallel_loop3A_108 : i32 to vector<16xi32>
          %parallel_loop3A_110 = arith.addi %parallel_loop3A_109, %iota3A : vector<16xi32>
          %parallel_loop3A_111 = tpu.vector_load_idx %arg5[%parallel_loop3A_110, %parallel_loop3A_104] : memref<64x392xf32, #tpu.memory_space<vmem>>[vector<16xi32>, vector<16xi32>], vector<16xf32>,
          %parallel_loop3A_112 = arith.index_cast %parallel_loop3A_98 : i32 to index
          %parallel_loop3A_113 = arith.constant 0 : index
          %parallel_loop3A_114 = tpu.vector_load %arg7[%parallel_loop3A_112, %parallel_loop3A_113] {strides = array<i32>} : memref<192x128xf32, #tpu.memory_space<vmem>>, vector<16xf32>,
          tpu.vector_store %arg7[%parallel_loop3A_112, %parallel_loop3A_113], %parallel_loop3A_111 {strides = array<i32>} : memref<192x128xf32, #tpu.memory_space<vmem>>, vector<16xf32>,
          %parallel_loop3A_115 = arith.constant 16 : i32
          %parallel_loop3A_116 = vector.broadcast %parallel_loop3A_115 : i32 to vector<16xi32>
          %parallel_loop3A_117 = arith.addi %parallel_loop3A_116, %iota3A : vector<16xi32>
          %parallel_loop3A_118 = tpu.vector_load_idx %arg5[%parallel_loop3A_117, %parallel_loop3A_104] : memref<64x392xf32, #tpu.memory_space<vmem>>[vector<16xi32>, vector<16xi32>], vector<16xf32>,
          %parallel_loop3A_119 = arith.index_cast %parallel_loop3A_98 : i32 to index
          %parallel_loop3A_120 = arith.constant 16 : index
          %parallel_loop3A_121 = tpu.vector_load %arg7[%parallel_loop3A_119, %parallel_loop3A_120] {strides = array<i32>} : memref<192x128xf32, #tpu.memory_space<vmem>>, vector<16xf32>,
          tpu.vector_store %arg7[%parallel_loop3A_119, %parallel_loop3A_120], %parallel_loop3A_118 {strides = array<i32>} : memref<192x128xf32, #tpu.memory_space<vmem>>, vector<16xf32>,
          %parallel_loop3A_122 = arith.constant 32 : i32
          %parallel_loop3A_123 = vector.broadcast %parallel_loop3A_122 : i32 to vector<16xi32>
          %parallel_loop3A_124 = arith.addi %parallel_loop3A_123, %iota3A : vector<16xi32>
          %parallel_loop3A_125 = tpu.vector_load_idx %arg5[%parallel_loop3A_124, %parallel_loop3A_104] : memref<64x392xf32, #tpu.memory_space<vmem>>[vector<16xi32>, vector<16xi32>], vector<16xf32>,
          %parallel_loop3A_126 = arith.index_cast %parallel_loop3A_98 : i32 to index
          %parallel_loop3A_127 = arith.constant 32 : index
          %parallel_loop3A_128 = tpu.vector_load %arg7[%parallel_loop3A_126, %parallel_loop3A_127] {strides = array<i32>} : memref<192x128xf32, #tpu.memory_space<vmem>>, vector<16xf32>,
          tpu.vector_store %arg7[%parallel_loop3A_126, %parallel_loop3A_127], %parallel_loop3A_125 {strides = array<i32>} : memref<192x128xf32, #tpu.memory_space<vmem>>, vector<16xf32>,
          %parallel_loop3A_129 = arith.constant 48 : i32
          %parallel_loop3A_130 = vector.broadcast %parallel_loop3A_129 : i32 to vector<16xi32>
          %parallel_loop3A_131 = arith.addi %parallel_loop3A_130, %iota3A : vector<16xi32>
          %parallel_loop3A_132 = tpu.vector_load_idx %arg5[%parallel_loop3A_131, %parallel_loop3A_104] : memref<64x392xf32, #tpu.memory_space<vmem>>[vector<16xi32>, vector<16xi32>], vector<16xf32>,
          %parallel_loop3A_133 = arith.index_cast %parallel_loop3A_98 : i32 to index
          %parallel_loop3A_134 = arith.constant 48 : index
          %parallel_loop3A_135 = tpu.vector_load %arg7[%parallel_loop3A_133, %parallel_loop3A_134] {strides = array<i32>} : memref<192x128xf32, #tpu.memory_space<vmem>>, vector<16xf32>,
          tpu.vector_store %arg7[%parallel_loop3A_133, %parallel_loop3A_134], %parallel_loop3A_132 {strides = array<i32>} : memref<192x128xf32, #tpu.memory_space<vmem>>, vector<16xf32>,
          %parallel_loop3A_136 = arith.constant 0 : i32
          %parallel_loop3A_137 = vector.broadcast %parallel_loop3A_136 : i32 to vector<16xi32>
          %parallel_loop3A_138 = arith.addi %parallel_loop3A_137, %iota3A : vector<16xi32>
          %parallel_loop3A_139 = tpu.vector_load_idx %arg5[%parallel_loop3A_138, %parallel_loop3A_107] : memref<64x392xf32, #tpu.memory_space<vmem>>[vector<16xi32>, vector<16xi32>], vector<16xf32>,
          %parallel_loop3A_140 = arith.index_cast %parallel_loop3A_98 : i32 to index
          %parallel_loop3A_141 = arith.constant 64 : index
          %parallel_loop3A_142 = tpu.vector_load %arg7[%parallel_loop3A_140, %parallel_loop3A_141] {strides = array<i32>} : memref<192x128xf32, #tpu.memory_space<vmem>>, vector<16xf32>,
          tpu.vector_store %arg7[%parallel_loop3A_140, %parallel_loop3A_141], %parallel_loop3A_139 {strides = array<i32>} : memref<192x128xf32, #tpu.memory_space<vmem>>, vector<16xf32>,
          %parallel_loop3A_143 = arith.constant 16 : i32
          %parallel_loop3A_144 = vector.broadcast %parallel_loop3A_143 : i32 to vector<16xi32>
          %parallel_loop3A_145 = arith.addi %parallel_loop3A_144, %iota3A : vector<16xi32>
          %parallel_loop3A_146 = tpu.vector_load_idx %arg5[%parallel_loop3A_145, %parallel_loop3A_107] : memref<64x392xf32, #tpu.memory_space<vmem>>[vector<16xi32>, vector<16xi32>], vector<16xf32>,
          %parallel_loop3A_147 = arith.index_cast %parallel_loop3A_98 : i32 to index
          %parallel_loop3A_148 = arith.constant 80 : index
          %parallel_loop3A_149 = tpu.vector_load %arg7[%parallel_loop3A_147, %parallel_loop3A_148] {strides = array<i32>} : memref<192x128xf32, #tpu.memory_space<vmem>>, vector<16xf32>,
          tpu.vector_store %arg7[%parallel_loop3A_147, %parallel_loop3A_148], %parallel_loop3A_146 {strides = array<i32>} : memref<192x128xf32, #tpu.memory_space<vmem>>, vector<16xf32>,
          %parallel_loop3A_150 = arith.constant 32 : i32
          %parallel_loop3A_151 = vector.broadcast %parallel_loop3A_150 : i32 to vector<16xi32>
          %parallel_loop3A_152 = arith.addi %parallel_loop3A_151, %iota3A : vector<16xi32>
          %parallel_loop3A_153 = tpu.vector_load_idx %arg5[%parallel_loop3A_152, %parallel_loop3A_107] : memref<64x392xf32, #tpu.memory_space<vmem>>[vector<16xi32>, vector<16xi32>], vector<16xf32>,
          %parallel_loop3A_154 = arith.index_cast %parallel_loop3A_98 : i32 to index
          %parallel_loop3A_155 = arith.constant 96 : index
          %parallel_loop3A_156 = tpu.vector_load %arg7[%parallel_loop3A_154, %parallel_loop3A_155] {strides = array<i32>} : memref<192x128xf32, #tpu.memory_space<vmem>>, vector<16xf32>,
          tpu.vector_store %arg7[%parallel_loop3A_154, %parallel_loop3A_155], %parallel_loop3A_153 {strides = array<i32>} : memref<192x128xf32, #tpu.memory_space<vmem>>, vector<16xf32>,
          %parallel_loop3A_157 = arith.constant 48 : i32
          %parallel_loop3A_158 = vector.broadcast %parallel_loop3A_157 : i32 to vector<16xi32>
          %parallel_loop3A_159 = arith.addi %parallel_loop3A_158, %iota3A : vector<16xi32>
          %parallel_loop3A_160 = tpu.vector_load_idx %arg5[%parallel_loop3A_159, %parallel_loop3A_107] : memref<64x392xf32, #tpu.memory_space<vmem>>[vector<16xi32>, vector<16xi32>], vector<16xf32>,
          %parallel_loop3A_161 = arith.index_cast %parallel_loop3A_98 : i32 to index
          %parallel_loop3A_162 = arith.constant 112 : index
          %parallel_loop3A_163 = tpu.vector_load %arg7[%parallel_loop3A_161, %parallel_loop3A_162] {strides = array<i32>} : memref<192x128xf32, #tpu.memory_space<vmem>>, vector<16xf32>,
          tpu.vector_store %arg7[%parallel_loop3A_161, %parallel_loop3A_162], %parallel_loop3A_160 {strides = array<i32>} : memref<192x128xf32, #tpu.memory_space<vmem>>, vector<16xf32>,
        } {sc.loop_unroll_factor = 4 : i64, sc.parallel_access}
        %mul3A_88 = arith.constant 32 : i32
        %mul3A_89 = arith.muli %mul3A_88, %mul3A_54 : i32
        %add3A_90 = arith.addi %add3A, %mul3A_89 : i32
        %mul3A_91 = arith.constant 192 : i32
        %mul3A_92 = arith.muli %add3A_90, %mul3A_91 : i32
        %multiple_of3A_93 = tpu.assume_multiple %mul3A_92, 8 : i32
        %dma_start3A_94 = arith.constant 0 : i32
        %dma_start3A_95 = tpu.memref_slice %arg4[%multiple_of3A_93, %dma_start3A_94] : memref<500000x128xf32, #tpu.memory_space<hbm>> -> memref<192x128xf32, #tpu.memory_space<hbm>>
        %dma_start3A_96 = arith.constant 0 : i32
        %dma_start3A_97 = tpu.memref_slice %arg4[%multiple_of3A_93, %dma_start3A_96] : memref<500000x128xf32, #tpu.memory_space<hbm>> -> memref<192x128xf32, #tpu.memory_space<hbm>>
        tpu.enqueue_dma source(%arg7 : memref<192x128xf32, #tpu.memory_space<vmem>>) target(%dma_start3A_97 : memref<192x128xf32, #tpu.memory_space<hbm>>) target_semaphore(%arg11 : memref<!tpu.dma_semaphore, #tpu.memory_space<semaphore_mem>>)
      } else {
      }
      %add3A_58 = arith.constant 1 : i32
      %add3A_59 = arith.addi %mul3A_54, %add3A_58 : i32
      %lt3A_60 = arith.cmpi slt, %add3A_59, %select_n3A : i32
      %convert_element_type3A_61 = arith.extui %lt3A_60 : i1 to i32
      %cond3A_62 = arith.constant 0 : i32
      %cond3A_63 = arith.cmpi ne, %convert_element_type3A_61, %cond3A_62 : i32
      scf.if %cond3A_63 {
        %add3A_64 = arith.constant 1 : i32
        %add3A_65 = arith.addi %mul3A_54, %add3A_64 : i32
        %add3A_66 = arith.constant 1 : i32
        %add3A_67 = arith.addi %add3A_65, %add3A_66 : i32
        %lt3A_68 = arith.cmpi slt, %add3A_67, %select_n3A : i32
        %convert_element_type3A_69 = arith.extui %lt3A_68 : i1 to i32
        %cond3A_70 = arith.constant 0 : i32
        %cond3A_71 = arith.cmpi ne, %convert_element_type3A_69, %cond3A_70 : i32
        scf.if %cond3A_71 {
          %add3A_100 = arith.constant 1 : i32
          %add3A_101 = arith.addi %add3A_65, %add3A_100 : i32
          %mul3A_102 = arith.constant 32 : i32
          %mul3A_103 = arith.muli %mul3A_102, %add3A_101 : i32
          %add3A_104 = arith.addi %add3A, %mul3A_103 : i32
          %mul3A_105 = arith.constant 384 : i32
          %mul3A_106 = arith.muli %add3A_104, %mul3A_105 : i32
          %multiple_of3A_107 = tpu.assume_multiple %mul3A_106, 128 : i32
          %dma_start3A_108 = arith.constant 0 : i32
          %dma_start3A_109 = arith.constant 0 : i32
          %dma_start3A_110 = tpu.memref_slice %arg5[%dma_start3A_108, %dma_start3A_109] : memref<64x392xf32, #tpu.memory_space<vmem>> -> memref<64x384xf32, #tpu.memory_space<vmem>>
          %dma_start3A_111 = arith.constant 0 : i32
          %dma_start3A_112 = tpu.memref_slice %arg2[%dma_start3A_111, %multiple_of3A_107] : memref<64x1000000xf32, #tpu.memory_space<hbm>> -> memref<64x384xf32, #tpu.memory_space<hbm>>
          %dma_start3A_113 = arith.constant 0 : i32
          %dma_start3A_114 = arith.constant 0 : i32
          %dma_start3A_115 = tpu.memref_slice %arg5[%dma_start3A_113, %dma_start3A_114] : memref<64x392xf32, #tpu.memory_space<vmem>> -> memref<64x384xf32, #tpu.memory_space<vmem>>
          %dma_start3A_116 = arith.constant 0 : i32
          %dma_start3A_117 = tpu.memref_slice %arg2[%dma_start3A_116, %multiple_of3A_107] : memref<64x1000000xf32, #tpu.memory_space<hbm>> -> memref<64x384xf32, #tpu.memory_space<hbm>>
          tpu.enqueue_dma source(%dma_start3A_117 : memref<64x384xf32, #tpu.memory_space<hbm>>) target(%dma_start3A_115 : memref<64x384xf32, #tpu.memory_space<vmem>>) target_semaphore(%arg9 : memref<!tpu.dma_semaphore, #tpu.memory_space<semaphore_mem>>)
        } else {
        }
        %dma_wait3A = arith.constant 0 : i32
        %dma_wait3A_72 = arith.constant 0 : i32
        %dma_wait3A_73 = tpu.memref_slice %arg6[%dma_wait3A, %dma_wait3A_72] : memref<64x392xf32, #tpu.memory_space<vmem>> -> memref<64x384xf32, #tpu.memory_space<vmem>>
        %dma_wait3A_74 = arith.constant 0 : i32
        %dma_wait3A_75 = arith.constant 0 : i32
        %dma_wait3A_76 = tpu.memref_slice %arg2[%dma_wait3A_74, %dma_wait3A_75] : memref<64x1000000xf32, #tpu.memory_space<hbm>> -> memref<64x384xf32, #tpu.memory_space<hbm>>
        %dma_wait3A_77 = arith.constant 0 : i32
        %dma_wait3A_78 = arith.constant 0 : i32
        %dma_wait3A_79 = tpu.memref_slice %arg6[%dma_wait3A_77, %dma_wait3A_78] : memref<64x392xf32, #tpu.memory_space<vmem>> -> memref<64x384xf32, #tpu.memory_space<vmem>>
        %dma_wait3A_80 = arith.constant 0 : i32
        %dma_wait3A_81 = arith.constant 0 : i32
        %dma_wait3A_82 = tpu.memref_slice %arg2[%dma_wait3A_80, %dma_wait3A_81] : memref<64x1000000xf32, #tpu.memory_space<hbm>> -> memref<64x384xf32, #tpu.memory_space<hbm>>
        tpu.wait_dma2 semaphore(%arg10 : memref<!tpu.dma_semaphore, #tpu.memory_space<semaphore_mem>>) src(%dma_wait3A_82 : memref<64x384xf32, #tpu.memory_space<hbm>>) dst(%dma_wait3A_79 : memref<64x384xf32, #tpu.memory_space<vmem>>)
        %ge3A_83 = arith.constant 2 : i32
        %ge3A_84 = arith.cmpi sge, %add3A_65, %ge3A_83 : i32
        %convert_element_type3A_85 = arith.extui %ge3A_84 : i1 to i32
        %cond3A_86 = arith.constant 0 : i32
        %cond3A_87 = arith.cmpi ne, %convert_element_type3A_85, %cond3A_86 : i32
        scf.if %cond3A_87 {
          %dma_wait3A_100 = arith.constant 0 : i32
          %dma_wait3A_101 = arith.constant 0 : i32
          %dma_wait3A_102 = tpu.memref_slice %arg4[%dma_wait3A_100, %dma_wait3A_101] : memref<500000x128xf32, #tpu.memory_space<hbm>> -> memref<192x128xf32, #tpu.memory_space<hbm>>
          %dma_wait3A_103 = arith.constant 0 : i32
          %dma_wait3A_104 = arith.constant 0 : i32
          %dma_wait3A_105 = tpu.memref_slice %arg4[%dma_wait3A_103, %dma_wait3A_104] : memref<500000x128xf32, #tpu.memory_space<hbm>> -> memref<192x128xf32, #tpu.memory_space<hbm>>
          tpu.wait_dma2 semaphore(%arg12 : memref<!tpu.dma_semaphore, #tpu.memory_space<semaphore_mem>>) src(%arg8 : memref<192x128xf32, #tpu.memory_space<vmem>>) dst(%dma_wait3A_105 : memref<192x128xf32, #tpu.memory_space<hbm>>)
        } else {
        }
        %parallel_loop3A = arith.constant 0 : i32
        %parallel_loop3A_88 = arith.constant 192 : i32
        %parallel_loop3A_89 = arith.constant 1 : i32
        scf.for %parallel_loop3A_100 = %parallel_loop3A to %parallel_loop3A_88 step %parallel_loop3A_89  : i32 {
          %parallel_loop3A_101 = arith.constant 0 : i32
          %parallel_loop3A_102 = vector.broadcast %parallel_loop3A_101 : i32 to vector<16xi32>
          %parallel_loop3A_103 = arith.constant 2 : i32
          %parallel_loop3A_104 = arith.muli %parallel_loop3A_103, %parallel_loop3A_100 : i32
          %parallel_loop3A_105 = vector.broadcast %parallel_loop3A_104 : i32 to vector<16xi32>
          %parallel_loop3A_106 = arith.addi %parallel_loop3A_102, %parallel_loop3A_105 : vector<16xi32>
          %parallel_loop3A_107 = arith.constant 1 : i32
          %parallel_loop3A_108 = vector.broadcast %parallel_loop3A_107 : i32 to vector<16xi32>
          %parallel_loop3A_109 = arith.addi %parallel_loop3A_106, %parallel_loop3A_108 : vector<16xi32>
          %parallel_loop3A_110 = arith.constant 0 : i32
          %parallel_loop3A_111 = vector.broadcast %parallel_loop3A_110 : i32 to vector<16xi32>
          %parallel_loop3A_112 = arith.addi %parallel_loop3A_111, %iota3A : vector<16xi32>
          %parallel_loop3A_113 = tpu.vector_load_idx %arg6[%parallel_loop3A_112, %parallel_loop3A_106] : memref<64x392xf32, #tpu.memory_space<vmem>>[vector<16xi32>, vector<16xi32>], vector<16xf32>,
          %parallel_loop3A_114 = arith.index_cast %parallel_loop3A_100 : i32 to index
          %parallel_loop3A_115 = arith.constant 0 : index
          %parallel_loop3A_116 = tpu.vector_load %arg8[%parallel_loop3A_114, %parallel_loop3A_115] {strides = array<i32>} : memref<192x128xf32, #tpu.memory_space<vmem>>, vector<16xf32>,
          tpu.vector_store %arg8[%parallel_loop3A_114, %parallel_loop3A_115], %parallel_loop3A_113 {strides = array<i32>} : memref<192x128xf32, #tpu.memory_space<vmem>>, vector<16xf32>,
          %parallel_loop3A_117 = arith.constant 16 : i32
          %parallel_loop3A_118 = vector.broadcast %parallel_loop3A_117 : i32 to vector<16xi32>
          %parallel_loop3A_119 = arith.addi %parallel_loop3A_118, %iota3A : vector<16xi32>
          %parallel_loop3A_120 = tpu.vector_load_idx %arg6[%parallel_loop3A_119, %parallel_loop3A_106] : memref<64x392xf32, #tpu.memory_space<vmem>>[vector<16xi32>, vector<16xi32>], vector<16xf32>,
          %parallel_loop3A_121 = arith.index_cast %parallel_loop3A_100 : i32 to index
          %parallel_loop3A_122 = arith.constant 16 : index
          %parallel_loop3A_123 = tpu.vector_load %arg8[%parallel_loop3A_121, %parallel_loop3A_122] {strides = array<i32>} : memref<192x128xf32, #tpu.memory_space<vmem>>, vector<16xf32>,
          tpu.vector_store %arg8[%parallel_loop3A_121, %parallel_loop3A_122], %parallel_loop3A_120 {strides = array<i32>} : memref<192x128xf32, #tpu.memory_space<vmem>>, vector<16xf32>,
          %parallel_loop3A_124 = arith.constant 32 : i32
          %parallel_loop3A_125 = vector.broadcast %parallel_loop3A_124 : i32 to vector<16xi32>
          %parallel_loop3A_126 = arith.addi %parallel_loop3A_125, %iota3A : vector<16xi32>
          %parallel_loop3A_127 = tpu.vector_load_idx %arg6[%parallel_loop3A_126, %parallel_loop3A_106] : memref<64x392xf32, #tpu.memory_space<vmem>>[vector<16xi32>, vector<16xi32>], vector<16xf32>,
          %parallel_loop3A_128 = arith.index_cast %parallel_loop3A_100 : i32 to index
          %parallel_loop3A_129 = arith.constant 32 : index
          %parallel_loop3A_130 = tpu.vector_load %arg8[%parallel_loop3A_128, %parallel_loop3A_129] {strides = array<i32>} : memref<192x128xf32, #tpu.memory_space<vmem>>, vector<16xf32>,
          tpu.vector_store %arg8[%parallel_loop3A_128, %parallel_loop3A_129], %parallel_loop3A_127 {strides = array<i32>} : memref<192x128xf32, #tpu.memory_space<vmem>>, vector<16xf32>,
          %parallel_loop3A_131 = arith.constant 48 : i32
          %parallel_loop3A_132 = vector.broadcast %parallel_loop3A_131 : i32 to vector<16xi32>
          %parallel_loop3A_133 = arith.addi %parallel_loop3A_132, %iota3A : vector<16xi32>
          %parallel_loop3A_134 = tpu.vector_load_idx %arg6[%parallel_loop3A_133, %parallel_loop3A_106] : memref<64x392xf32, #tpu.memory_space<vmem>>[vector<16xi32>, vector<16xi32>], vector<16xf32>,
          %parallel_loop3A_135 = arith.index_cast %parallel_loop3A_100 : i32 to index
          %parallel_loop3A_136 = arith.constant 48 : index
          %parallel_loop3A_137 = tpu.vector_load %arg8[%parallel_loop3A_135, %parallel_loop3A_136] {strides = array<i32>} : memref<192x128xf32, #tpu.memory_space<vmem>>, vector<16xf32>,
          tpu.vector_store %arg8[%parallel_loop3A_135, %parallel_loop3A_136], %parallel_loop3A_134 {strides = array<i32>} : memref<192x128xf32, #tpu.memory_space<vmem>>, vector<16xf32>,
          %parallel_loop3A_138 = arith.constant 0 : i32
          %parallel_loop3A_139 = vector.broadcast %parallel_loop3A_138 : i32 to vector<16xi32>
          %parallel_loop3A_140 = arith.addi %parallel_loop3A_139, %iota3A : vector<16xi32>
          %parallel_loop3A_141 = tpu.vector_load_idx %arg6[%parallel_loop3A_140, %parallel_loop3A_109] : memref<64x392xf32, #tpu.memory_space<vmem>>[vector<16xi32>, vector<16xi32>], vector<16xf32>,
          %parallel_loop3A_142 = arith.index_cast %parallel_loop3A_100 : i32 to index
          %parallel_loop3A_143 = arith.constant 64 : index
          %parallel_loop3A_144 = tpu.vector_load %arg8[%parallel_loop3A_142, %parallel_loop3A_143] {strides = array<i32>} : memref<192x128xf32, #tpu.memory_space<vmem>>, vector<16xf32>,
          tpu.vector_store %arg8[%parallel_loop3A_142, %parallel_loop3A_143], %parallel_loop3A_141 {strides = array<i32>} : memref<192x128xf32, #tpu.memory_space<vmem>>, vector<16xf32>,
          %parallel_loop3A_145 = arith.constant 16 : i32
          %parallel_loop3A_146 = vector.broadcast %parallel_loop3A_145 : i32 to vector<16xi32>
          %parallel_loop3A_147 = arith.addi %parallel_loop3A_146, %iota3A : vector<16xi32>
          %parallel_loop3A_148 = tpu.vector_load_idx %arg6[%parallel_loop3A_147, %parallel_loop3A_109] : memref<64x392xf32, #tpu.memory_space<vmem>>[vector<16xi32>, vector<16xi32>], vector<16xf32>,
          %parallel_loop3A_149 = arith.index_cast %parallel_loop3A_100 : i32 to index
          %parallel_loop3A_150 = arith.constant 80 : index
          %parallel_loop3A_151 = tpu.vector_load %arg8[%parallel_loop3A_149, %parallel_loop3A_150] {strides = array<i32>} : memref<192x128xf32, #tpu.memory_space<vmem>>, vector<16xf32>,
          tpu.vector_store %arg8[%parallel_loop3A_149, %parallel_loop3A_150], %parallel_loop3A_148 {strides = array<i32>} : memref<192x128xf32, #tpu.memory_space<vmem>>, vector<16xf32>,
          %parallel_loop3A_152 = arith.constant 32 : i32
          %parallel_loop3A_153 = vector.broadcast %parallel_loop3A_152 : i32 to vector<16xi32>
          %parallel_loop3A_154 = arith.addi %parallel_loop3A_153, %iota3A : vector<16xi32>
          %parallel_loop3A_155 = tpu.vector_load_idx %arg6[%parallel_loop3A_154, %parallel_loop3A_109] : memref<64x392xf32, #tpu.memory_space<vmem>>[vector<16xi32>, vector<16xi32>], vector<16xf32>,
          %parallel_loop3A_156 = arith.index_cast %parallel_loop3A_100 : i32 to index
          %parallel_loop3A_157 = arith.constant 96 : index
          %parallel_loop3A_158 = tpu.vector_load %arg8[%parallel_loop3A_156, %parallel_loop3A_157] {strides = array<i32>} : memref<192x128xf32, #tpu.memory_space<vmem>>, vector<16xf32>,
          tpu.vector_store %arg8[%parallel_loop3A_156, %parallel_loop3A_157], %parallel_loop3A_155 {strides = array<i32>} : memref<192x128xf32, #tpu.memory_space<vmem>>, vector<16xf32>,
          %parallel_loop3A_159 = arith.constant 48 : i32
          %parallel_loop3A_160 = vector.broadcast %parallel_loop3A_159 : i32 to vector<16xi32>
          %parallel_loop3A_161 = arith.addi %parallel_loop3A_160, %iota3A : vector<16xi32>
          %parallel_loop3A_162 = tpu.vector_load_idx %arg6[%parallel_loop3A_161, %parallel_loop3A_109] : memref<64x392xf32, #tpu.memory_space<vmem>>[vector<16xi32>, vector<16xi32>], vector<16xf32>,
          %parallel_loop3A_163 = arith.index_cast %parallel_loop3A_100 : i32 to index
          %parallel_loop3A_164 = arith.constant 112 : index
          %parallel_loop3A_165 = tpu.vector_load %arg8[%parallel_loop3A_163, %parallel_loop3A_164] {strides = array<i32>} : memref<192x128xf32, #tpu.memory_space<vmem>>, vector<16xf32>,
          tpu.vector_store %arg8[%parallel_loop3A_163, %parallel_loop3A_164], %parallel_loop3A_162 {strides = array<i32>} : memref<192x128xf32, #tpu.memory_space<vmem>>, vector<16xf32>,
        } {sc.loop_unroll_factor = 4 : i64, sc.parallel_access}
        %mul3A_90 = arith.constant 32 : i32
        %mul3A_91 = arith.muli %mul3A_90, %add3A_65 : i32
        %add3A_92 = arith.addi %add3A, %mul3A_91 : i32
        %mul3A_93 = arith.constant 192 : i32
        %mul3A_94 = arith.muli %add3A_92, %mul3A_93 : i32
        %multiple_of3A_95 = tpu.assume_multiple %mul3A_94, 8 : i32
        %dma_start3A_96 = arith.constant 0 : i32
        %dma_start3A_97 = tpu.memref_slice %arg4[%multiple_of3A_95, %dma_start3A_96] : memref<500000x128xf32, #tpu.memory_space<hbm>> -> memref<192x128xf32, #tpu.memory_space<hbm>>
        %dma_start3A_98 = arith.constant 0 : i32
        %dma_start3A_99 = tpu.memref_slice %arg4[%multiple_of3A_95, %dma_start3A_98] : memref<500000x128xf32, #tpu.memory_space<hbm>> -> memref<192x128xf32, #tpu.memory_space<hbm>>
        tpu.enqueue_dma source(%arg8 : memref<192x128xf32, #tpu.memory_space<vmem>>) target(%dma_start3A_99 : memref<192x128xf32, #tpu.memory_space<hbm>>) target_semaphore(%arg12 : memref<!tpu.dma_semaphore, #tpu.memory_space<semaphore_mem>>)
      } else {
      }
    }
    %scan3A_40 = arith.constant 42 : i32
    %ge3A = arith.constant 2 : i32
    %ge3A_41 = arith.cmpi sge, %select_n3A, %ge3A : i32
    %convert_element_type3A = arith.extui %ge3A_41 : i1 to i32
    %cond3A = arith.constant 0 : i32
    %cond3A_42 = arith.cmpi ne, %convert_element_type3A, %cond3A : i32
    scf.if %cond3A_42 {
      %dma_wait3A = arith.constant 0 : i32
      %dma_wait3A_52 = arith.constant 0 : i32
      %dma_wait3A_53 = tpu.memref_slice %arg4[%dma_wait3A, %dma_wait3A_52] : memref<500000x128xf32, #tpu.memory_space<hbm>> -> memref<192x128xf32, #tpu.memory_space<hbm>>
      %dma_wait3A_54 = arith.constant 0 : i32
      %dma_wait3A_55 = arith.constant 0 : i32
      %dma_wait3A_56 = tpu.memref_slice %arg4[%dma_wait3A_54, %dma_wait3A_55] : memref<500000x128xf32, #tpu.memory_space<hbm>> -> memref<192x128xf32, #tpu.memory_space<hbm>>
      tpu.wait_dma2 semaphore(%arg11 : memref<!tpu.dma_semaphore, #tpu.memory_space<semaphore_mem>>) src(%arg7 : memref<192x128xf32, #tpu.memory_space<vmem>>) dst(%dma_wait3A_56 : memref<192x128xf32, #tpu.memory_space<hbm>>)
    } else {
    }
    %ge3A_43 = arith.constant 1 : i32
    %ge3A_44 = arith.cmpi sge, %select_n3A, %ge3A_43 : i32
    %convert_element_type3A_45 = arith.extui %ge3A_44 : i1 to i32
    %cond3A_46 = arith.constant 0 : i32
    %cond3A_47 = arith.cmpi ne, %convert_element_type3A_45, %cond3A_46 : i32
    scf.if %cond3A_47 {
      %dma_wait3A = arith.constant 0 : i32
      %dma_wait3A_52 = arith.constant 0 : i32
      %dma_wait3A_53 = tpu.memref_slice %arg4[%dma_wait3A, %dma_wait3A_52] : memref<500000x128xf32, #tpu.memory_space<hbm>> -> memref<192x128xf32, #tpu.memory_space<hbm>>
      %dma_wait3A_54 = arith.constant 0 : i32
      %dma_wait3A_55 = arith.constant 0 : i32
      %dma_wait3A_56 = tpu.memref_slice %arg4[%dma_wait3A_54, %dma_wait3A_55] : memref<500000x128xf32, #tpu.memory_space<hbm>> -> memref<192x128xf32, #tpu.memory_space<hbm>>
      tpu.wait_dma2 semaphore(%arg12 : memref<!tpu.dma_semaphore, #tpu.memory_space<semaphore_mem>>) src(%arg8 : memref<192x128xf32, #tpu.memory_space<vmem>>) dst(%dma_wait3A_56 : memref<192x128xf32, #tpu.memory_space<hbm>>)
    } else {
    }
    %eq3A = arith.constant 0 : i32
    %eq3A_48 = arith.cmpi eq, %add3A, %eq3A : i32
    %convert_element_type3A_49 = arith.extui %eq3A_48 : i1 to i32
    %cond3A_50 = arith.constant 0 : i32
    %cond3A_51 = arith.cmpi ne, %convert_element_type3A_49, %cond3A_50 : i32
    scf.if %cond3A_51 {
      "tpu.region"() ({
        %run_scoped3A = tpu.sem_alloc : memref<!tpu.dma_semaphore, #tpu.memory_space<semaphore_mem>>
        %dma_start3A_52 = arith.constant 0 : i32
        %dma_start3A_53 = arith.constant 0 : i32
        %dma_start3A_54 = tpu.memref_slice %arg7[%dma_start3A_52, %dma_start3A_53] : memref<192x128xf32, #tpu.memory_space<vmem>> -> memref<32x128xf32, #tpu.memory_space<vmem>>
        %dma_start3A_55 = arith.constant 0 : i32
        %dma_start3A_56 = arith.constant 0 : i32
        %dma_start3A_57 = tpu.memref_slice %arg7[%dma_start3A_55, %dma_start3A_56] : memref<192x128xf32, #tpu.memory_space<vmem>> -> memref<32x128xf32, #tpu.memory_space<vmem>>
        tpu.enqueue_dma source(%arg3 : memref<32x128xf32, #tpu.memory_space<hbm>>) target(%dma_start3A_57 : memref<32x128xf32, #tpu.memory_space<vmem>>) target_semaphore(%run_scoped3A : memref<!tpu.dma_semaphore, #tpu.memory_space<semaphore_mem>>)
        %dma_wait3A = arith.constant 0 : i32
        %dma_wait3A_58 = arith.constant 0 : i32
        %dma_wait3A_59 = tpu.memref_slice %arg7[%dma_wait3A, %dma_wait3A_58] : memref<192x128xf32, #tpu.memory_space<vmem>> -> memref<32x128xf32, #tpu.memory_space<vmem>>
        %dma_wait3A_60 = arith.constant 0 : i32
        %dma_wait3A_61 = arith.constant 0 : i32
        %dma_wait3A_62 = tpu.memref_slice %arg7[%dma_wait3A_60, %dma_wait3A_61] : memref<192x128xf32, #tpu.memory_space<vmem>> -> memref<32x128xf32, #tpu.memory_space<vmem>>
        tpu.wait_dma2 semaphore(%run_scoped3A : memref<!tpu.dma_semaphore, #tpu.memory_space<semaphore_mem>>) src(%arg3 : memref<32x128xf32, #tpu.memory_space<hbm>>) dst(%dma_wait3A_62 : memref<32x128xf32, #tpu.memory_space<vmem>>)
        tpu.yield
      }) : () -> ()
      "tpu.region"() ({
        %run_scoped3A = tpu.sem_alloc : memref<!tpu.dma_semaphore, #tpu.memory_space<semaphore_mem>>
        %dma_start3A_52 = arith.constant 0 : i32
        %dma_start3A_53 = arith.constant 0 : i32
        %dma_start3A_54 = tpu.memref_slice %arg7[%dma_start3A_52, %dma_start3A_53] : memref<192x128xf32, #tpu.memory_space<vmem>> -> memref<32x128xf32, #tpu.memory_space<vmem>>
        %dma_start3A_55 = arith.constant 499968 : i32
        %dma_start3A_56 = arith.constant 0 : i32
        %dma_start3A_57 = tpu.memref_slice %arg4[%dma_start3A_55, %dma_start3A_56] : memref<500000x128xf32, #tpu.memory_space<hbm>> -> memref<32x128xf32, #tpu.memory_space<hbm>>
        %dma_start3A_58 = arith.constant 499968 : i32
        %dma_start3A_59 = arith.constant 0 : i32
        %dma_start3A_60 = tpu.memref_slice %arg4[%dma_start3A_58, %dma_start3A_59] : memref<500000x128xf32, #tpu.memory_space<hbm>> -> memref<32x128xf32, #tpu.memory_space<hbm>>
        %dma_start3A_61 = arith.constant 0 : i32
        %dma_start3A_62 = arith.constant 0 : i32
        %dma_start3A_63 = tpu.memref_slice %arg7[%dma_start3A_61, %dma_start3A_62] : memref<192x128xf32, #tpu.memory_space<vmem>> -> memref<32x128xf32, #tpu.memory_space<vmem>>
        tpu.enqueue_dma source(%dma_start3A_63 : memref<32x128xf32, #tpu.memory_space<vmem>>) target(%dma_start3A_60 : memref<32x128xf32, #tpu.memory_space<hbm>>) target_semaphore(%run_scoped3A : memref<!tpu.dma_semaphore, #tpu.memory_space<semaphore_mem>>)
        %dma_wait3A = arith.constant 0 : i32
        %dma_wait3A_64 = arith.constant 0 : i32
        %dma_wait3A_65 = tpu.memref_slice %arg7[%dma_wait3A, %dma_wait3A_64] : memref<192x128xf32, #tpu.memory_space<vmem>> -> memref<32x128xf32, #tpu.memory_space<vmem>>
        %dma_wait3A_66 = arith.constant 499968 : i32
        %dma_wait3A_67 = arith.constant 0 : i32
        %dma_wait3A_68 = tpu.memref_slice %arg4[%dma_wait3A_66, %dma_wait3A_67] : memref<500000x128xf32, #tpu.memory_space<hbm>> -> memref<32x128xf32, #tpu.memory_space<hbm>>
        %dma_wait3A_69 = arith.constant 499968 : i32
        %dma_wait3A_70 = arith.constant 0 : i32
        %dma_wait3A_71 = tpu.memref_slice %arg4[%dma_wait3A_69, %dma_wait3A_70] : memref<500000x128xf32, #tpu.memory_space<hbm>> -> memref<32x128xf32, #tpu.memory_space<hbm>>
        %dma_wait3A_72 = arith.constant 0 : i32
        %dma_wait3A_73 = arith.constant 0 : i32
        %dma_wait3A_74 = tpu.memref_slice %arg7[%dma_wait3A_72, %dma_wait3A_73] : memref<192x128xf32, #tpu.memory_space<vmem>> -> memref<32x128xf32, #tpu.memory_space<vmem>>
        tpu.wait_dma2 semaphore(%run_scoped3A : memref<!tpu.dma_semaphore, #tpu.memory_space<semaphore_mem>>) src(%dma_wait3A_74 : memref<32x128xf32, #tpu.memory_space<vmem>>) dst(%dma_wait3A_71 : memref<32x128xf32, #tpu.memory_space<hbm>>)
        tpu.yield
      }) : () -> ()
    } else {
    }
    return
  }
}

#map = affine_map<(d0, d1) -> (0, 0)>
#map1 = affine_map<(d0, d1) -> (0, 0, 0, 0)>
module attributes {stable_mosaic.version = 14 : i64} {
  func.func @gather_kernel(%arg0: i32, %arg1: i32, %arg2: memref<4096x200xi32, #tpu.memory_space<hbm>>, %arg3: memref<1000000x64xf32, #tpu.memory_space<hbm>>, %arg4: memref<200x8x32x1024xf32, #tpu.memory_space<hbm>>, %arg5: memref<128x200xi32, #tpu.memory_space<vmem>>, %arg6: memref<200x128xi32, #tpu.memory_space<vmem>>, %arg7: memref<128x72xf32, #tpu.memory_space<vmem>>, %arg8: memref<128x64xf32, #tpu.memory_space<vmem>>, %arg9: memref<128x64xf32, #tpu.memory_space<vmem>>, %arg10: memref<8x1024xf32, #tpu.memory_space<vmem>>, %arg11: memref<8x1024xf32, #tpu.memory_space<vmem>>, %arg12: memref<!tpu.dma_semaphore, #tpu.memory_space<semaphore_mem>>, %arg13: memref<!tpu.dma_semaphore, #tpu.memory_space<semaphore_mem>>, %arg14: memref<!tpu.dma_semaphore, #tpu.memory_space<semaphore_mem>>, %arg15: memref<!tpu.dma_semaphore, #tpu.memory_space<semaphore_mem>>) attributes {dimension_semantics = [#tpu.dimension_semantics<core_parallel>, #tpu.dimension_semantics<subcore_parallel>], iteration_bounds = array<i64: 2, 16>, scalar_prefetch = 0 : i64, scratch_operands = 11 : i64, tpu.core_type = #tpu.core_type<sc_vector_subcore>, window_params = [{transform_indices = #map}, {transform_indices = #map}, {transform_indices = #map1}]} {
    %mul3A = arith.constant 2 : i32
    %mul3A_0 = arith.muli %arg1, %mul3A : i32
    %add3A = arith.addi %mul3A_0, %arg0 : i32
    %mul3A_1 = arith.constant 128 : i32
    %mul3A_2 = arith.muli %add3A, %mul3A_1 : i32
    "tpu.region"() ({
      %run_scoped3A = tpu.sem_alloc : memref<!tpu.dma_semaphore, #tpu.memory_space<semaphore_mem>>
      %dma_start3A_120 = arith.constant 0 : i32
      %dma_start3A_121 = tpu.memref_slice %arg2[%mul3A_2, %dma_start3A_120] : memref<4096x200xi32, #tpu.memory_space<hbm>> -> memref<128x200xi32, #tpu.memory_space<hbm>>
      %dma_start3A_122 = arith.constant 0 : i32
      %dma_start3A_123 = tpu.memref_slice %arg2[%mul3A_2, %dma_start3A_122] : memref<4096x200xi32, #tpu.memory_space<hbm>> -> memref<128x200xi32, #tpu.memory_space<hbm>>
      tpu.enqueue_dma source(%dma_start3A_123 : memref<128x200xi32, #tpu.memory_space<hbm>>) target(%arg5 : memref<128x200xi32, #tpu.memory_space<vmem>>) target_semaphore(%run_scoped3A : memref<!tpu.dma_semaphore, #tpu.memory_space<semaphore_mem>>)
      %dma_wait3A_124 = arith.constant 0 : i32
      %dma_wait3A_125 = tpu.memref_slice %arg2[%mul3A_2, %dma_wait3A_124] : memref<4096x200xi32, #tpu.memory_space<hbm>> -> memref<128x200xi32, #tpu.memory_space<hbm>>
      %dma_wait3A_126 = arith.constant 0 : i32
      %dma_wait3A_127 = tpu.memref_slice %arg2[%mul3A_2, %dma_wait3A_126] : memref<4096x200xi32, #tpu.memory_space<hbm>> -> memref<128x200xi32, #tpu.memory_space<hbm>>
      tpu.wait_dma2 semaphore(%run_scoped3A : memref<!tpu.dma_semaphore, #tpu.memory_space<semaphore_mem>>) src(%dma_wait3A_127 : memref<128x200xi32, #tpu.memory_space<hbm>>) dst(%arg5 : memref<128x200xi32, #tpu.memory_space<vmem>>)
      tpu.yield
    }) : () -> ()
    %iota3A = tpu.iota {dimensions = array<i32: 0>} : vector<16xi32>
    %add3A_3 = arith.constant 0 : i32
    %add3A_4 = vector.broadcast %add3A_3 : i32 to vector<16xi32>
    %add3A_5 = arith.addi %iota3A, %add3A_4 : vector<16xi32>
    %add3A_6 = arith.constant 16 : i32
    %add3A_7 = vector.broadcast %add3A_6 : i32 to vector<16xi32>
    %add3A_8 = arith.addi %iota3A, %add3A_7 : vector<16xi32>
    %add3A_9 = arith.constant 32 : i32
    %add3A_10 = vector.broadcast %add3A_9 : i32 to vector<16xi32>
    %add3A_11 = arith.addi %iota3A, %add3A_10 : vector<16xi32>
    %add3A_12 = arith.constant 48 : i32
    %add3A_13 = vector.broadcast %add3A_12 : i32 to vector<16xi32>
    %add3A_14 = arith.addi %iota3A, %add3A_13 : vector<16xi32>
    %add3A_15 = arith.constant 64 : i32
    %add3A_16 = vector.broadcast %add3A_15 : i32 to vector<16xi32>
    %add3A_17 = arith.addi %iota3A, %add3A_16 : vector<16xi32>
    %add3A_18 = arith.constant 80 : i32
    %add3A_19 = vector.broadcast %add3A_18 : i32 to vector<16xi32>
    %add3A_20 = arith.addi %iota3A, %add3A_19 : vector<16xi32>
    %add3A_21 = arith.constant 96 : i32
    %add3A_22 = vector.broadcast %add3A_21 : i32 to vector<16xi32>
    %add3A_23 = arith.addi %iota3A, %add3A_22 : vector<16xi32>
    %add3A_24 = arith.constant 112 : i32
    %add3A_25 = vector.broadcast %add3A_24 : i32 to vector<16xi32>
    %add3A_26 = arith.addi %iota3A, %add3A_25 : vector<16xi32>
    %parallel_loop3A = arith.constant 0 : i32
    %parallel_loop3A_27 = arith.constant 200 : i32
    %parallel_loop3A_28 = arith.constant 1 : i32
    scf.for %parallel_loop3A_120 = %parallel_loop3A to %parallel_loop3A_27 step %parallel_loop3A_28  : i32 {
      %parallel_loop3A_121 = arith.constant 0 : i32
      %parallel_loop3A_122 = vector.broadcast %parallel_loop3A_121 : i32 to vector<16xi32>
      %parallel_loop3A_123 = vector.broadcast %parallel_loop3A_120 : i32 to vector<16xi32>
      %parallel_loop3A_124 = arith.addi %parallel_loop3A_122, %parallel_loop3A_123 : vector<16xi32>
      %parallel_loop3A_125 = tpu.vector_load_idx %arg5[%add3A_5, %parallel_loop3A_124] : memref<128x200xi32, #tpu.memory_space<vmem>>[vector<16xi32>, vector<16xi32>], vector<16xi32>,
      %parallel_loop3A_126 = arith.index_cast %parallel_loop3A_120 : i32 to index
      %parallel_loop3A_127 = arith.constant 0 : index
      %parallel_loop3A_128 = tpu.vector_load %arg6[%parallel_loop3A_126, %parallel_loop3A_127] {strides = array<i32>} : memref<200x128xi32, #tpu.memory_space<vmem>>, vector<16xi32>,
      tpu.vector_store %arg6[%parallel_loop3A_126, %parallel_loop3A_127], %parallel_loop3A_125 {strides = array<i32>} : memref<200x128xi32, #tpu.memory_space<vmem>>, vector<16xi32>,
      %parallel_loop3A_129 = tpu.vector_load_idx %arg5[%add3A_8, %parallel_loop3A_124] : memref<128x200xi32, #tpu.memory_space<vmem>>[vector<16xi32>, vector<16xi32>], vector<16xi32>,
      %parallel_loop3A_130 = arith.index_cast %parallel_loop3A_120 : i32 to index
      %parallel_loop3A_131 = arith.constant 16 : index
      %parallel_loop3A_132 = tpu.vector_load %arg6[%parallel_loop3A_130, %parallel_loop3A_131] {strides = array<i32>} : memref<200x128xi32, #tpu.memory_space<vmem>>, vector<16xi32>,
      tpu.vector_store %arg6[%parallel_loop3A_130, %parallel_loop3A_131], %parallel_loop3A_129 {strides = array<i32>} : memref<200x128xi32, #tpu.memory_space<vmem>>, vector<16xi32>,
      %parallel_loop3A_133 = tpu.vector_load_idx %arg5[%add3A_11, %parallel_loop3A_124] : memref<128x200xi32, #tpu.memory_space<vmem>>[vector<16xi32>, vector<16xi32>], vector<16xi32>,
      %parallel_loop3A_134 = arith.index_cast %parallel_loop3A_120 : i32 to index
      %parallel_loop3A_135 = arith.constant 32 : index
      %parallel_loop3A_136 = tpu.vector_load %arg6[%parallel_loop3A_134, %parallel_loop3A_135] {strides = array<i32>} : memref<200x128xi32, #tpu.memory_space<vmem>>, vector<16xi32>,
      tpu.vector_store %arg6[%parallel_loop3A_134, %parallel_loop3A_135], %parallel_loop3A_133 {strides = array<i32>} : memref<200x128xi32, #tpu.memory_space<vmem>>, vector<16xi32>,
      %parallel_loop3A_137 = tpu.vector_load_idx %arg5[%add3A_14, %parallel_loop3A_124] : memref<128x200xi32, #tpu.memory_space<vmem>>[vector<16xi32>, vector<16xi32>], vector<16xi32>,
      %parallel_loop3A_138 = arith.index_cast %parallel_loop3A_120 : i32 to index
      %parallel_loop3A_139 = arith.constant 48 : index
      %parallel_loop3A_140 = tpu.vector_load %arg6[%parallel_loop3A_138, %parallel_loop3A_139] {strides = array<i32>} : memref<200x128xi32, #tpu.memory_space<vmem>>, vector<16xi32>,
      tpu.vector_store %arg6[%parallel_loop3A_138, %parallel_loop3A_139], %parallel_loop3A_137 {strides = array<i32>} : memref<200x128xi32, #tpu.memory_space<vmem>>, vector<16xi32>,
      %parallel_loop3A_141 = tpu.vector_load_idx %arg5[%add3A_17, %parallel_loop3A_124] : memref<128x200xi32, #tpu.memory_space<vmem>>[vector<16xi32>, vector<16xi32>], vector<16xi32>,
      %parallel_loop3A_142 = arith.index_cast %parallel_loop3A_120 : i32 to index
      %parallel_loop3A_143 = arith.constant 64 : index
      %parallel_loop3A_144 = tpu.vector_load %arg6[%parallel_loop3A_142, %parallel_loop3A_143] {strides = array<i32>} : memref<200x128xi32, #tpu.memory_space<vmem>>, vector<16xi32>,
      tpu.vector_store %arg6[%parallel_loop3A_142, %parallel_loop3A_143], %parallel_loop3A_141 {strides = array<i32>} : memref<200x128xi32, #tpu.memory_space<vmem>>, vector<16xi32>,
      %parallel_loop3A_145 = tpu.vector_load_idx %arg5[%add3A_20, %parallel_loop3A_124] : memref<128x200xi32, #tpu.memory_space<vmem>>[vector<16xi32>, vector<16xi32>], vector<16xi32>,
      %parallel_loop3A_146 = arith.index_cast %parallel_loop3A_120 : i32 to index
      %parallel_loop3A_147 = arith.constant 80 : index
      %parallel_loop3A_148 = tpu.vector_load %arg6[%parallel_loop3A_146, %parallel_loop3A_147] {strides = array<i32>} : memref<200x128xi32, #tpu.memory_space<vmem>>, vector<16xi32>,
      tpu.vector_store %arg6[%parallel_loop3A_146, %parallel_loop3A_147], %parallel_loop3A_145 {strides = array<i32>} : memref<200x128xi32, #tpu.memory_space<vmem>>, vector<16xi32>,
      %parallel_loop3A_149 = tpu.vector_load_idx %arg5[%add3A_23, %parallel_loop3A_124] : memref<128x200xi32, #tpu.memory_space<vmem>>[vector<16xi32>, vector<16xi32>], vector<16xi32>,
      %parallel_loop3A_150 = arith.index_cast %parallel_loop3A_120 : i32 to index
      %parallel_loop3A_151 = arith.constant 96 : index
      %parallel_loop3A_152 = tpu.vector_load %arg6[%parallel_loop3A_150, %parallel_loop3A_151] {strides = array<i32>} : memref<200x128xi32, #tpu.memory_space<vmem>>, vector<16xi32>,
      tpu.vector_store %arg6[%parallel_loop3A_150, %parallel_loop3A_151], %parallel_loop3A_149 {strides = array<i32>} : memref<200x128xi32, #tpu.memory_space<vmem>>, vector<16xi32>,
      %parallel_loop3A_153 = tpu.vector_load_idx %arg5[%add3A_26, %parallel_loop3A_124] : memref<128x200xi32, #tpu.memory_space<vmem>>[vector<16xi32>, vector<16xi32>], vector<16xi32>,
      %parallel_loop3A_154 = arith.index_cast %parallel_loop3A_120 : i32 to index
      %parallel_loop3A_155 = arith.constant 112 : index
      %parallel_loop3A_156 = tpu.vector_load %arg6[%parallel_loop3A_154, %parallel_loop3A_155] {strides = array<i32>} : memref<200x128xi32, #tpu.memory_space<vmem>>, vector<16xi32>,
      tpu.vector_store %arg6[%parallel_loop3A_154, %parallel_loop3A_155], %parallel_loop3A_153 {strides = array<i32>} : memref<200x128xi32, #tpu.memory_space<vmem>>, vector<16xi32>,
    } {sc.loop_unroll_factor = 4 : i64, sc.parallel_access}
    %dma_start3A = arith.constant 0 : i32
    %dma_start3A_29 = arith.constant 0 : i32
    %dma_start3A_30 = tpu.memref_slice %arg6[%dma_start3A, %dma_start3A_29] : memref<200x128xi32, #tpu.memory_space<vmem>> -> memref<1x128xi32, #tpu.memory_space<vmem>>
    %dma_start3A_31 = tpu.memref_squeeze %dma_start3A_30 : memref<1x128xi32, #tpu.memory_space<vmem>> -> memref<128xi32, #tpu.memory_space<vmem>>
    %dma_start3A_32 = arith.constant 0 : i32
    %dma_start3A_33 = arith.constant 0 : i32
    %dma_start3A_34 = tpu.memref_slice %arg3[%dma_start3A_32, %dma_start3A_33] : memref<1000000x64xf32, #tpu.memory_space<hbm>> -> memref<1000000x64xf32, #tpu.memory_space<hbm>>
    tpu.enqueue_indirect_dma source(%dma_start3A_34 : memref<1000000x64xf32, #tpu.memory_space<hbm>>) target(%arg8 : memref<128x64xf32, #tpu.memory_space<vmem>>) offsets(%dma_start3A_31 : memref<128xi32, #tpu.memory_space<vmem>>) semaphore(%arg12 : memref<!tpu.dma_semaphore, #tpu.memory_space<semaphore_mem>>)
    %dma_start3A_35 = arith.constant 1 : i32
    %dma_start3A_36 = arith.constant 0 : i32
    %dma_start3A_37 = tpu.memref_slice %arg6[%dma_start3A_35, %dma_start3A_36] : memref<200x128xi32, #tpu.memory_space<vmem>> -> memref<1x128xi32, #tpu.memory_space<vmem>>
    %dma_start3A_38 = tpu.memref_squeeze %dma_start3A_37 : memref<1x128xi32, #tpu.memory_space<vmem>> -> memref<128xi32, #tpu.memory_space<vmem>>
    %dma_start3A_39 = arith.constant 0 : i32
    %dma_start3A_40 = arith.constant 0 : i32
    %dma_start3A_41 = tpu.memref_slice %arg3[%dma_start3A_39, %dma_start3A_40] : memref<1000000x64xf32, #tpu.memory_space<hbm>> -> memref<1000000x64xf32, #tpu.memory_space<hbm>>
    tpu.enqueue_indirect_dma source(%dma_start3A_41 : memref<1000000x64xf32, #tpu.memory_space<hbm>>) target(%arg9 : memref<128x64xf32, #tpu.memory_space<vmem>>) offsets(%dma_start3A_38 : memref<128xi32, #tpu.memory_space<vmem>>) semaphore(%arg13 : memref<!tpu.dma_semaphore, #tpu.memory_space<semaphore_mem>>)
    %dma_wait3A = arith.constant 0 : i32
    %dma_wait3A_42 = arith.constant 0 : i32
    %dma_wait3A_43 = tpu.memref_slice %arg3[%dma_wait3A, %dma_wait3A_42] : memref<1000000x64xf32, #tpu.memory_space<hbm>> -> memref<128x64xf32, #tpu.memory_space<hbm>>
    %dma_wait3A_44 = arith.constant 0 : i32
    %dma_wait3A_45 = arith.constant 0 : i32
    %dma_wait3A_46 = tpu.memref_slice %arg3[%dma_wait3A_44, %dma_wait3A_45] : memref<1000000x64xf32, #tpu.memory_space<hbm>> -> memref<128x64xf32, #tpu.memory_space<hbm>>
    tpu.wait_dma2 semaphore(%arg12 : memref<!tpu.dma_semaphore, #tpu.memory_space<semaphore_mem>>) src(%dma_wait3A_46 : memref<128x64xf32, #tpu.memory_space<hbm>>) dst(%arg8 : memref<128x64xf32, #tpu.memory_space<vmem>>)
    %parallel_loop3A_47 = arith.constant 0 : i32
    %parallel_loop3A_48 = arith.constant 128 : i32
    %parallel_loop3A_49 = arith.constant 1 : i32
    scf.for %parallel_loop3A_120 = %parallel_loop3A_47 to %parallel_loop3A_48 step %parallel_loop3A_49  : i32 {
      %parallel_loop3A_121 = arith.index_cast %parallel_loop3A_120 : i32 to index
      %parallel_loop3A_122 = arith.constant 0 : index
      %parallel_loop3A_123 = tpu.vector_load %arg8[%parallel_loop3A_121, %parallel_loop3A_122] {strides = array<i32>} : memref<128x64xf32, #tpu.memory_space<vmem>>, vector<16xf32>,
      %parallel_loop3A_124 = arith.index_cast %parallel_loop3A_120 : i32 to index
      %parallel_loop3A_125 = arith.constant 0 : index
      %parallel_loop3A_126 = tpu.vector_load %arg7[%parallel_loop3A_124, %parallel_loop3A_125] {strides = array<i32>} : memref<128x72xf32, #tpu.memory_space<vmem>>, vector<16xf32>,
      tpu.vector_store %arg7[%parallel_loop3A_124, %parallel_loop3A_125], %parallel_loop3A_123 {strides = array<i32>} : memref<128x72xf32, #tpu.memory_space<vmem>>, vector<16xf32>,
      %parallel_loop3A_127 = arith.index_cast %parallel_loop3A_120 : i32 to index
      %parallel_loop3A_128 = arith.constant 16 : index
      %parallel_loop3A_129 = tpu.vector_load %arg8[%parallel_loop3A_127, %parallel_loop3A_128] {strides = array<i32>} : memref<128x64xf32, #tpu.memory_space<vmem>>, vector<16xf32>,
      %parallel_loop3A_130 = arith.index_cast %parallel_loop3A_120 : i32 to index
      %parallel_loop3A_131 = arith.constant 16 : index
      %parallel_loop3A_132 = tpu.vector_load %arg7[%parallel_loop3A_130, %parallel_loop3A_131] {strides = array<i32>} : memref<128x72xf32, #tpu.memory_space<vmem>>, vector<16xf32>,
      tpu.vector_store %arg7[%parallel_loop3A_130, %parallel_loop3A_131], %parallel_loop3A_129 {strides = array<i32>} : memref<128x72xf32, #tpu.memory_space<vmem>>, vector<16xf32>,
      %parallel_loop3A_133 = arith.index_cast %parallel_loop3A_120 : i32 to index
      %parallel_loop3A_134 = arith.constant 32 : index
      %parallel_loop3A_135 = tpu.vector_load %arg8[%parallel_loop3A_133, %parallel_loop3A_134] {strides = array<i32>} : memref<128x64xf32, #tpu.memory_space<vmem>>, vector<16xf32>,
      %parallel_loop3A_136 = arith.index_cast %parallel_loop3A_120 : i32 to index
      %parallel_loop3A_137 = arith.constant 32 : index
      %parallel_loop3A_138 = tpu.vector_load %arg7[%parallel_loop3A_136, %parallel_loop3A_137] {strides = array<i32>} : memref<128x72xf32, #tpu.memory_space<vmem>>, vector<16xf32>,
      tpu.vector_store %arg7[%parallel_loop3A_136, %parallel_loop3A_137], %parallel_loop3A_135 {strides = array<i32>} : memref<128x72xf32, #tpu.memory_space<vmem>>, vector<16xf32>,
      %parallel_loop3A_139 = arith.index_cast %parallel_loop3A_120 : i32 to index
      %parallel_loop3A_140 = arith.constant 48 : index
      %parallel_loop3A_141 = tpu.vector_load %arg8[%parallel_loop3A_139, %parallel_loop3A_140] {strides = array<i32>} : memref<128x64xf32, #tpu.memory_space<vmem>>, vector<16xf32>,
      %parallel_loop3A_142 = arith.index_cast %parallel_loop3A_120 : i32 to index
      %parallel_loop3A_143 = arith.constant 48 : index
      %parallel_loop3A_144 = tpu.vector_load %arg7[%parallel_loop3A_142, %parallel_loop3A_143] {strides = array<i32>} : memref<128x72xf32, #tpu.memory_space<vmem>>, vector<16xf32>,
      tpu.vector_store %arg7[%parallel_loop3A_142, %parallel_loop3A_143], %parallel_loop3A_141 {strides = array<i32>} : memref<128x72xf32, #tpu.memory_space<vmem>>, vector<16xf32>,
    } {sc.loop_unroll_factor = 8 : i64, sc.parallel_access}
    %parallel_loop3A_50 = arith.constant 0 : i32
    %parallel_loop3A_51 = arith.constant 64 : i32
    %parallel_loop3A_52 = arith.constant 1 : i32
    scf.for %parallel_loop3A_120 = %parallel_loop3A_50 to %parallel_loop3A_51 step %parallel_loop3A_52  : i32 {
      %parallel_loop3A_121 = arith.constant 0 : i32
      %parallel_loop3A_122 = vector.broadcast %parallel_loop3A_121 : i32 to vector<16xi32>
      %parallel_loop3A_123 = vector.broadcast %parallel_loop3A_120 : i32 to vector<16xi32>
      %parallel_loop3A_124 = arith.addi %parallel_loop3A_122, %parallel_loop3A_123 : vector<16xi32>
      %parallel_loop3A_125 = arith.constant 3 : i32
      %parallel_loop3A_126 = arith.shrui %parallel_loop3A_120, %parallel_loop3A_125 : i32
      %parallel_loop3A_127 = arith.constant 7 : i32
      %parallel_loop3A_128 = arith.andi %parallel_loop3A_120, %parallel_loop3A_127 : i32
      %parallel_loop3A_129 = arith.constant 7 : i32
      %parallel_loop3A_130 = arith.shli %parallel_loop3A_128, %parallel_loop3A_129 : i32
      %parallel_loop3A_131 = tpu.vector_load_idx %arg7[%add3A_5, %parallel_loop3A_124] : memref<128x72xf32, #tpu.memory_space<vmem>>[vector<16xi32>, vector<16xi32>], vector<16xf32>,
      %parallel_loop3A_132 = arith.constant 0 : i32
      %parallel_loop3A_133 = arith.addi %parallel_loop3A_130, %parallel_loop3A_132 : i32
      %parallel_loop3A_134 = arith.index_cast %parallel_loop3A_126 : i32 to index
      %parallel_loop3A_135 = arith.index_cast %parallel_loop3A_133 : i32 to index
      %parallel_loop3A_136 = tpu.vector_load %arg10[%parallel_loop3A_134, %parallel_loop3A_135] {strides = array<i32>} : memref<8x1024xf32, #tpu.memory_space<vmem>>, vector<16xf32>,
      tpu.vector_store %arg10[%parallel_loop3A_134, %parallel_loop3A_135], %parallel_loop3A_131 {strides = array<i32>} : memref<8x1024xf32, #tpu.memory_space<vmem>>, vector<16xf32>,
      %parallel_loop3A_137 = tpu.vector_load_idx %arg7[%add3A_8, %parallel_loop3A_124] : memref<128x72xf32, #tpu.memory_space<vmem>>[vector<16xi32>, vector<16xi32>], vector<16xf32>,
      %parallel_loop3A_138 = arith.constant 16 : i32
      %parallel_loop3A_139 = arith.addi %parallel_loop3A_130, %parallel_loop3A_138 : i32
      %parallel_loop3A_140 = arith.index_cast %parallel_loop3A_126 : i32 to index
      %parallel_loop3A_141 = arith.index_cast %parallel_loop3A_139 : i32 to index
      %parallel_loop3A_142 = tpu.vector_load %arg10[%parallel_loop3A_140, %parallel_loop3A_141] {strides = array<i32>} : memref<8x1024xf32, #tpu.memory_space<vmem>>, vector<16xf32>,
      tpu.vector_store %arg10[%parallel_loop3A_140, %parallel_loop3A_141], %parallel_loop3A_137 {strides = array<i32>} : memref<8x1024xf32, #tpu.memory_space<vmem>>, vector<16xf32>,
      %parallel_loop3A_143 = tpu.vector_load_idx %arg7[%add3A_11, %parallel_loop3A_124] : memref<128x72xf32, #tpu.memory_space<vmem>>[vector<16xi32>, vector<16xi32>], vector<16xf32>,
      %parallel_loop3A_144 = arith.constant 32 : i32
      %parallel_loop3A_145 = arith.addi %parallel_loop3A_130, %parallel_loop3A_144 : i32
      %parallel_loop3A_146 = arith.index_cast %parallel_loop3A_126 : i32 to index
      %parallel_loop3A_147 = arith.index_cast %parallel_loop3A_145 : i32 to index
      %parallel_loop3A_148 = tpu.vector_load %arg10[%parallel_loop3A_146, %parallel_loop3A_147] {strides = array<i32>} : memref<8x1024xf32, #tpu.memory_space<vmem>>, vector<16xf32>,
      tpu.vector_store %arg10[%parallel_loop3A_146, %parallel_loop3A_147], %parallel_loop3A_143 {strides = array<i32>} : memref<8x1024xf32, #tpu.memory_space<vmem>>, vector<16xf32>,
      %parallel_loop3A_149 = tpu.vector_load_idx %arg7[%add3A_14, %parallel_loop3A_124] : memref<128x72xf32, #tpu.memory_space<vmem>>[vector<16xi32>, vector<16xi32>], vector<16xf32>,
      %parallel_loop3A_150 = arith.constant 48 : i32
      %parallel_loop3A_151 = arith.addi %parallel_loop3A_130, %parallel_loop3A_150 : i32
      %parallel_loop3A_152 = arith.index_cast %parallel_loop3A_126 : i32 to index
      %parallel_loop3A_153 = arith.index_cast %parallel_loop3A_151 : i32 to index
      %parallel_loop3A_154 = tpu.vector_load %arg10[%parallel_loop3A_152, %parallel_loop3A_153] {strides = array<i32>} : memref<8x1024xf32, #tpu.memory_space<vmem>>, vector<16xf32>,
      tpu.vector_store %arg10[%parallel_loop3A_152, %parallel_loop3A_153], %parallel_loop3A_149 {strides = array<i32>} : memref<8x1024xf32, #tpu.memory_space<vmem>>, vector<16xf32>,
      %parallel_loop3A_155 = tpu.vector_load_idx %arg7[%add3A_17, %parallel_loop3A_124] : memref<128x72xf32, #tpu.memory_space<vmem>>[vector<16xi32>, vector<16xi32>], vector<16xf32>,
      %parallel_loop3A_156 = arith.constant 64 : i32
      %parallel_loop3A_157 = arith.addi %parallel_loop3A_130, %parallel_loop3A_156 : i32
      %parallel_loop3A_158 = arith.index_cast %parallel_loop3A_126 : i32 to index
      %parallel_loop3A_159 = arith.index_cast %parallel_loop3A_157 : i32 to index
      %parallel_loop3A_160 = tpu.vector_load %arg10[%parallel_loop3A_158, %parallel_loop3A_159] {strides = array<i32>} : memref<8x1024xf32, #tpu.memory_space<vmem>>, vector<16xf32>,
      tpu.vector_store %arg10[%parallel_loop3A_158, %parallel_loop3A_159], %parallel_loop3A_155 {strides = array<i32>} : memref<8x1024xf32, #tpu.memory_space<vmem>>, vector<16xf32>,
      %parallel_loop3A_161 = tpu.vector_load_idx %arg7[%add3A_20, %parallel_loop3A_124] : memref<128x72xf32, #tpu.memory_space<vmem>>[vector<16xi32>, vector<16xi32>], vector<16xf32>,
      %parallel_loop3A_162 = arith.constant 80 : i32
      %parallel_loop3A_163 = arith.addi %parallel_loop3A_130, %parallel_loop3A_162 : i32
      %parallel_loop3A_164 = arith.index_cast %parallel_loop3A_126 : i32 to index
      %parallel_loop3A_165 = arith.index_cast %parallel_loop3A_163 : i32 to index
      %parallel_loop3A_166 = tpu.vector_load %arg10[%parallel_loop3A_164, %parallel_loop3A_165] {strides = array<i32>} : memref<8x1024xf32, #tpu.memory_space<vmem>>, vector<16xf32>,
      tpu.vector_store %arg10[%parallel_loop3A_164, %parallel_loop3A_165], %parallel_loop3A_161 {strides = array<i32>} : memref<8x1024xf32, #tpu.memory_space<vmem>>, vector<16xf32>,
      %parallel_loop3A_167 = tpu.vector_load_idx %arg7[%add3A_23, %parallel_loop3A_124] : memref<128x72xf32, #tpu.memory_space<vmem>>[vector<16xi32>, vector<16xi32>], vector<16xf32>,
      %parallel_loop3A_168 = arith.constant 96 : i32
      %parallel_loop3A_169 = arith.addi %parallel_loop3A_130, %parallel_loop3A_168 : i32
      %parallel_loop3A_170 = arith.index_cast %parallel_loop3A_126 : i32 to index
      %parallel_loop3A_171 = arith.index_cast %parallel_loop3A_169 : i32 to index
      %parallel_loop3A_172 = tpu.vector_load %arg10[%parallel_loop3A_170, %parallel_loop3A_171] {strides = array<i32>} : memref<8x1024xf32, #tpu.memory_space<vmem>>, vector<16xf32>,
      tpu.vector_store %arg10[%parallel_loop3A_170, %parallel_loop3A_171], %parallel_loop3A_167 {strides = array<i32>} : memref<8x1024xf32, #tpu.memory_space<vmem>>, vector<16xf32>,
      %parallel_loop3A_173 = tpu.vector_load_idx %arg7[%add3A_26, %parallel_loop3A_124] : memref<128x72xf32, #tpu.memory_space<vmem>>[vector<16xi32>, vector<16xi32>], vector<16xf32>,
      %parallel_loop3A_174 = arith.constant 112 : i32
      %parallel_loop3A_175 = arith.addi %parallel_loop3A_130, %parallel_loop3A_174 : i32
      %parallel_loop3A_176 = arith.index_cast %parallel_loop3A_126 : i32 to index
      %parallel_loop3A_177 = arith.index_cast %parallel_loop3A_175 : i32 to index
      %parallel_loop3A_178 = tpu.vector_load %arg10[%parallel_loop3A_176, %parallel_loop3A_177] {strides = array<i32>} : memref<8x1024xf32, #tpu.memory_space<vmem>>, vector<16xf32>,
      tpu.vector_store %arg10[%parallel_loop3A_176, %parallel_loop3A_177], %parallel_loop3A_173 {strides = array<i32>} : memref<8x1024xf32, #tpu.memory_space<vmem>>, vector<16xf32>,
    } {sc.loop_unroll_factor = 4 : i64, sc.parallel_access}
    %dma_start3A_53 = arith.constant 2 : i32
    %dma_start3A_54 = arith.constant 0 : i32
    %dma_start3A_55 = tpu.memref_slice %arg6[%dma_start3A_53, %dma_start3A_54] : memref<200x128xi32, #tpu.memory_space<vmem>> -> memref<1x128xi32, #tpu.memory_space<vmem>>
    %dma_start3A_56 = tpu.memref_squeeze %dma_start3A_55 : memref<1x128xi32, #tpu.memory_space<vmem>> -> memref<128xi32, #tpu.memory_space<vmem>>
    %dma_start3A_57 = arith.constant 0 : i32
    %dma_start3A_58 = arith.constant 0 : i32
    %dma_start3A_59 = tpu.memref_slice %arg3[%dma_start3A_57, %dma_start3A_58] : memref<1000000x64xf32, #tpu.memory_space<hbm>> -> memref<1000000x64xf32, #tpu.memory_space<hbm>>
    tpu.enqueue_indirect_dma source(%dma_start3A_59 : memref<1000000x64xf32, #tpu.memory_space<hbm>>) target(%arg8 : memref<128x64xf32, #tpu.memory_space<vmem>>) offsets(%dma_start3A_56 : memref<128xi32, #tpu.memory_space<vmem>>) semaphore(%arg12 : memref<!tpu.dma_semaphore, #tpu.memory_space<semaphore_mem>>)
    %dma_start3A_60 = arith.constant 0 : i32
    %dma_start3A_61 = arith.constant 0 : i32
    %dma_start3A_62 = arith.constant 0 : i32
    %dma_start3A_63 = tpu.memref_slice %arg4[%dma_start3A_60, %dma_start3A_61, %add3A, %dma_start3A_62] : memref<200x8x32x1024xf32, #tpu.memory_space<hbm>> -> memref<1x8x1x1024xf32, #tpu.memory_space<hbm>>
    %dma_start3A_64 = tpu.memref_squeeze %dma_start3A_63 : memref<1x8x1x1024xf32, #tpu.memory_space<hbm>> -> memref<8x1024xf32, #tpu.memory_space<hbm>>
    %dma_start3A_65 = arith.constant 0 : i32
    %dma_start3A_66 = arith.constant 0 : i32
    %dma_start3A_67 = tpu.memref_slice %arg4[%dma_start3A_60, %dma_start3A_65, %add3A, %dma_start3A_66] : memref<200x8x32x1024xf32, #tpu.memory_space<hbm>> -> memref<1x8x1x1024xf32, #tpu.memory_space<hbm>>
    %dma_start3A_68 = tpu.memref_squeeze %dma_start3A_67 : memref<1x8x1x1024xf32, #tpu.memory_space<hbm>> -> memref<8x1024xf32, #tpu.memory_space<hbm>>
    tpu.enqueue_dma source(%arg10 : memref<8x1024xf32, #tpu.memory_space<vmem>>) target(%dma_start3A_68 : memref<8x1024xf32, #tpu.memory_space<hbm>>) target_semaphore(%arg14 : memref<!tpu.dma_semaphore, #tpu.memory_space<semaphore_mem>>)
    %dma_wait3A_69 = arith.constant 0 : i32
    %dma_wait3A_70 = arith.constant 0 : i32
    %dma_wait3A_71 = tpu.memref_slice %arg3[%dma_wait3A_69, %dma_wait3A_70] : memref<1000000x64xf32, #tpu.memory_space<hbm>> -> memref<128x64xf32, #tpu.memory_space<hbm>>
    %dma_wait3A_72 = arith.constant 0 : i32
    %dma_wait3A_73 = arith.constant 0 : i32
    %dma_wait3A_74 = tpu.memref_slice %arg3[%dma_wait3A_72, %dma_wait3A_73] : memref<1000000x64xf32, #tpu.memory_space<hbm>> -> memref<128x64xf32, #tpu.memory_space<hbm>>
    tpu.wait_dma2 semaphore(%arg13 : memref<!tpu.dma_semaphore, #tpu.memory_space<semaphore_mem>>) src(%dma_wait3A_74 : memref<128x64xf32, #tpu.memory_space<hbm>>) dst(%arg9 : memref<128x64xf32, #tpu.memory_space<vmem>>)
    %parallel_loop3A_75 = arith.constant 0 : i32
    %parallel_loop3A_76 = arith.constant 128 : i32
    %parallel_loop3A_77 = arith.constant 1 : i32
    scf.for %parallel_loop3A_120 = %parallel_loop3A_75 to %parallel_loop3A_76 step %parallel_loop3A_77  : i32 {
      %parallel_loop3A_121 = arith.index_cast %parallel_loop3A_120 : i32 to index
      %parallel_loop3A_122 = arith.constant 0 : index
      %parallel_loop3A_123 = tpu.vector_load %arg9[%parallel_loop3A_121, %parallel_loop3A_122] {strides = array<i32>} : memref<128x64xf32, #tpu.memory_space<vmem>>, vector<16xf32>,
      %parallel_loop3A_124 = arith.index_cast %parallel_loop3A_120 : i32 to index
      %parallel_loop3A_125 = arith.constant 0 : index
      %parallel_loop3A_126 = tpu.vector_load %arg7[%parallel_loop3A_124, %parallel_loop3A_125] {strides = array<i32>} : memref<128x72xf32, #tpu.memory_space<vmem>>, vector<16xf32>,
      tpu.vector_store %arg7[%parallel_loop3A_124, %parallel_loop3A_125], %parallel_loop3A_123 {strides = array<i32>} : memref<128x72xf32, #tpu.memory_space<vmem>>, vector<16xf32>,
      %parallel_loop3A_127 = arith.index_cast %parallel_loop3A_120 : i32 to index
      %parallel_loop3A_128 = arith.constant 16 : index
      %parallel_loop3A_129 = tpu.vector_load %arg9[%parallel_loop3A_127, %parallel_loop3A_128] {strides = array<i32>} : memref<128x64xf32, #tpu.memory_space<vmem>>, vector<16xf32>,
      %parallel_loop3A_130 = arith.index_cast %parallel_loop3A_120 : i32 to index
      %parallel_loop3A_131 = arith.constant 16 : index
      %parallel_loop3A_132 = tpu.vector_load %arg7[%parallel_loop3A_130, %parallel_loop3A_131] {strides = array<i32>} : memref<128x72xf32, #tpu.memory_space<vmem>>, vector<16xf32>,
      tpu.vector_store %arg7[%parallel_loop3A_130, %parallel_loop3A_131], %parallel_loop3A_129 {strides = array<i32>} : memref<128x72xf32, #tpu.memory_space<vmem>>, vector<16xf32>,
      %parallel_loop3A_133 = arith.index_cast %parallel_loop3A_120 : i32 to index
      %parallel_loop3A_134 = arith.constant 32 : index
      %parallel_loop3A_135 = tpu.vector_load %arg9[%parallel_loop3A_133, %parallel_loop3A_134] {strides = array<i32>} : memref<128x64xf32, #tpu.memory_space<vmem>>, vector<16xf32>,
      %parallel_loop3A_136 = arith.index_cast %parallel_loop3A_120 : i32 to index
      %parallel_loop3A_137 = arith.constant 32 : index
      %parallel_loop3A_138 = tpu.vector_load %arg7[%parallel_loop3A_136, %parallel_loop3A_137] {strides = array<i32>} : memref<128x72xf32, #tpu.memory_space<vmem>>, vector<16xf32>,
      tpu.vector_store %arg7[%parallel_loop3A_136, %parallel_loop3A_137], %parallel_loop3A_135 {strides = array<i32>} : memref<128x72xf32, #tpu.memory_space<vmem>>, vector<16xf32>,
      %parallel_loop3A_139 = arith.index_cast %parallel_loop3A_120 : i32 to index
      %parallel_loop3A_140 = arith.constant 48 : index
      %parallel_loop3A_141 = tpu.vector_load %arg9[%parallel_loop3A_139, %parallel_loop3A_140] {strides = array<i32>} : memref<128x64xf32, #tpu.memory_space<vmem>>, vector<16xf32>,
      %parallel_loop3A_142 = arith.index_cast %parallel_loop3A_120 : i32 to index
      %parallel_loop3A_143 = arith.constant 48 : index
      %parallel_loop3A_144 = tpu.vector_load %arg7[%parallel_loop3A_142, %parallel_loop3A_143] {strides = array<i32>} : memref<128x72xf32, #tpu.memory_space<vmem>>, vector<16xf32>,
      tpu.vector_store %arg7[%parallel_loop3A_142, %parallel_loop3A_143], %parallel_loop3A_141 {strides = array<i32>} : memref<128x72xf32, #tpu.memory_space<vmem>>, vector<16xf32>,
    } {sc.loop_unroll_factor = 8 : i64, sc.parallel_access}
    %parallel_loop3A_78 = arith.constant 0 : i32
    %parallel_loop3A_79 = arith.constant 64 : i32
    %parallel_loop3A_80 = arith.constant 1 : i32
    scf.for %parallel_loop3A_120 = %parallel_loop3A_78 to %parallel_loop3A_79 step %parallel_loop3A_80  : i32 {
      %parallel_loop3A_121 = arith.constant 0 : i32
      %parallel_loop3A_122 = vector.broadcast %parallel_loop3A_121 : i32 to vector<16xi32>
      %parallel_loop3A_123 = vector.broadcast %parallel_loop3A_120 : i32 to vector<16xi32>
      %parallel_loop3A_124 = arith.addi %parallel_loop3A_122, %parallel_loop3A_123 : vector<16xi32>
      %parallel_loop3A_125 = arith.constant 3 : i32
      %parallel_loop3A_126 = arith.shrui %parallel_loop3A_120, %parallel_loop3A_125 : i32
      %parallel_loop3A_127 = arith.constant 7 : i32
      %parallel_loop3A_128 = arith.andi %parallel_loop3A_120, %parallel_loop3A_127 : i32
      %parallel_loop3A_129 = arith.constant 7 : i32
      %parallel_loop3A_130 = arith.shli %parallel_loop3A_128, %parallel_loop3A_129 : i32
      %parallel_loop3A_131 = tpu.vector_load_idx %arg7[%add3A_5, %parallel_loop3A_124] : memref<128x72xf32, #tpu.memory_space<vmem>>[vector<16xi32>, vector<16xi32>], vector<16xf32>,
      %parallel_loop3A_132 = arith.constant 0 : i32
      %parallel_loop3A_133 = arith.addi %parallel_loop3A_130, %parallel_loop3A_132 : i32
      %parallel_loop3A_134 = arith.index_cast %parallel_loop3A_126 : i32 to index
      %parallel_loop3A_135 = arith.index_cast %parallel_loop3A_133 : i32 to index
      %parallel_loop3A_136 = tpu.vector_load %arg11[%parallel_loop3A_134, %parallel_loop3A_135] {strides = array<i32>} : memref<8x1024xf32, #tpu.memory_space<vmem>>, vector<16xf32>,
      tpu.vector_store %arg11[%parallel_loop3A_134, %parallel_loop3A_135], %parallel_loop3A_131 {strides = array<i32>} : memref<8x1024xf32, #tpu.memory_space<vmem>>, vector<16xf32>,
      %parallel_loop3A_137 = tpu.vector_load_idx %arg7[%add3A_8, %parallel_loop3A_124] : memref<128x72xf32, #tpu.memory_space<vmem>>[vector<16xi32>, vector<16xi32>], vector<16xf32>,
      %parallel_loop3A_138 = arith.constant 16 : i32
      %parallel_loop3A_139 = arith.addi %parallel_loop3A_130, %parallel_loop3A_138 : i32
      %parallel_loop3A_140 = arith.index_cast %parallel_loop3A_126 : i32 to index
      %parallel_loop3A_141 = arith.index_cast %parallel_loop3A_139 : i32 to index
      %parallel_loop3A_142 = tpu.vector_load %arg11[%parallel_loop3A_140, %parallel_loop3A_141] {strides = array<i32>} : memref<8x1024xf32, #tpu.memory_space<vmem>>, vector<16xf32>,
      tpu.vector_store %arg11[%parallel_loop3A_140, %parallel_loop3A_141], %parallel_loop3A_137 {strides = array<i32>} : memref<8x1024xf32, #tpu.memory_space<vmem>>, vector<16xf32>,
      %parallel_loop3A_143 = tpu.vector_load_idx %arg7[%add3A_11, %parallel_loop3A_124] : memref<128x72xf32, #tpu.memory_space<vmem>>[vector<16xi32>, vector<16xi32>], vector<16xf32>,
      %parallel_loop3A_144 = arith.constant 32 : i32
      %parallel_loop3A_145 = arith.addi %parallel_loop3A_130, %parallel_loop3A_144 : i32
      %parallel_loop3A_146 = arith.index_cast %parallel_loop3A_126 : i32 to index
      %parallel_loop3A_147 = arith.index_cast %parallel_loop3A_145 : i32 to index
      %parallel_loop3A_148 = tpu.vector_load %arg11[%parallel_loop3A_146, %parallel_loop3A_147] {strides = array<i32>} : memref<8x1024xf32, #tpu.memory_space<vmem>>, vector<16xf32>,
      tpu.vector_store %arg11[%parallel_loop3A_146, %parallel_loop3A_147], %parallel_loop3A_143 {strides = array<i32>} : memref<8x1024xf32, #tpu.memory_space<vmem>>, vector<16xf32>,
      %parallel_loop3A_149 = tpu.vector_load_idx %arg7[%add3A_14, %parallel_loop3A_124] : memref<128x72xf32, #tpu.memory_space<vmem>>[vector<16xi32>, vector<16xi32>], vector<16xf32>,
      %parallel_loop3A_150 = arith.constant 48 : i32
      %parallel_loop3A_151 = arith.addi %parallel_loop3A_130, %parallel_loop3A_150 : i32
      %parallel_loop3A_152 = arith.index_cast %parallel_loop3A_126 : i32 to index
      %parallel_loop3A_153 = arith.index_cast %parallel_loop3A_151 : i32 to index
      %parallel_loop3A_154 = tpu.vector_load %arg11[%parallel_loop3A_152, %parallel_loop3A_153] {strides = array<i32>} : memref<8x1024xf32, #tpu.memory_space<vmem>>, vector<16xf32>,
      tpu.vector_store %arg11[%parallel_loop3A_152, %parallel_loop3A_153], %parallel_loop3A_149 {strides = array<i32>} : memref<8x1024xf32, #tpu.memory_space<vmem>>, vector<16xf32>,
      %parallel_loop3A_155 = tpu.vector_load_idx %arg7[%add3A_17, %parallel_loop3A_124] : memref<128x72xf32, #tpu.memory_space<vmem>>[vector<16xi32>, vector<16xi32>], vector<16xf32>,
      %parallel_loop3A_156 = arith.constant 64 : i32
      %parallel_loop3A_157 = arith.addi %parallel_loop3A_130, %parallel_loop3A_156 : i32
      %parallel_loop3A_158 = arith.index_cast %parallel_loop3A_126 : i32 to index
      %parallel_loop3A_159 = arith.index_cast %parallel_loop3A_157 : i32 to index
      %parallel_loop3A_160 = tpu.vector_load %arg11[%parallel_loop3A_158, %parallel_loop3A_159] {strides = array<i32>} : memref<8x1024xf32, #tpu.memory_space<vmem>>, vector<16xf32>,
      tpu.vector_store %arg11[%parallel_loop3A_158, %parallel_loop3A_159], %parallel_loop3A_155 {strides = array<i32>} : memref<8x1024xf32, #tpu.memory_space<vmem>>, vector<16xf32>,
      %parallel_loop3A_161 = tpu.vector_load_idx %arg7[%add3A_20, %parallel_loop3A_124] : memref<128x72xf32, #tpu.memory_space<vmem>>[vector<16xi32>, vector<16xi32>], vector<16xf32>,
      %parallel_loop3A_162 = arith.constant 80 : i32
      %parallel_loop3A_163 = arith.addi %parallel_loop3A_130, %parallel_loop3A_162 : i32
      %parallel_loop3A_164 = arith.index_cast %parallel_loop3A_126 : i32 to index
      %parallel_loop3A_165 = arith.index_cast %parallel_loop3A_163 : i32 to index
      %parallel_loop3A_166 = tpu.vector_load %arg11[%parallel_loop3A_164, %parallel_loop3A_165] {strides = array<i32>} : memref<8x1024xf32, #tpu.memory_space<vmem>>, vector<16xf32>,
      tpu.vector_store %arg11[%parallel_loop3A_164, %parallel_loop3A_165], %parallel_loop3A_161 {strides = array<i32>} : memref<8x1024xf32, #tpu.memory_space<vmem>>, vector<16xf32>,
      %parallel_loop3A_167 = tpu.vector_load_idx %arg7[%add3A_23, %parallel_loop3A_124] : memref<128x72xf32, #tpu.memory_space<vmem>>[vector<16xi32>, vector<16xi32>], vector<16xf32>,
      %parallel_loop3A_168 = arith.constant 96 : i32
      %parallel_loop3A_169 = arith.addi %parallel_loop3A_130, %parallel_loop3A_168 : i32
      %parallel_loop3A_170 = arith.index_cast %parallel_loop3A_126 : i32 to index
      %parallel_loop3A_171 = arith.index_cast %parallel_loop3A_169 : i32 to index
      %parallel_loop3A_172 = tpu.vector_load %arg11[%parallel_loop3A_170, %parallel_loop3A_171] {strides = array<i32>} : memref<8x1024xf32, #tpu.memory_space<vmem>>, vector<16xf32>,
      tpu.vector_store %arg11[%parallel_loop3A_170, %parallel_loop3A_171], %parallel_loop3A_167 {strides = array<i32>} : memref<8x1024xf32, #tpu.memory_space<vmem>>, vector<16xf32>,
      %parallel_loop3A_173 = tpu.vector_load_idx %arg7[%add3A_26, %parallel_loop3A_124] : memref<128x72xf32, #tpu.memory_space<vmem>>[vector<16xi32>, vector<16xi32>], vector<16xf32>,
      %parallel_loop3A_174 = arith.constant 112 : i32
      %parallel_loop3A_175 = arith.addi %parallel_loop3A_130, %parallel_loop3A_174 : i32
      %parallel_loop3A_176 = arith.index_cast %parallel_loop3A_126 : i32 to index
      %parallel_loop3A_177 = arith.index_cast %parallel_loop3A_175 : i32 to index
      %parallel_loop3A_178 = tpu.vector_load %arg11[%parallel_loop3A_176, %parallel_loop3A_177] {strides = array<i32>} : memref<8x1024xf32, #tpu.memory_space<vmem>>, vector<16xf32>,
      tpu.vector_store %arg11[%parallel_loop3A_176, %parallel_loop3A_177], %parallel_loop3A_173 {strides = array<i32>} : memref<8x1024xf32, #tpu.memory_space<vmem>>, vector<16xf32>,
    } {sc.loop_unroll_factor = 4 : i64, sc.parallel_access}
    %dma_start3A_81 = arith.constant 3 : i32
    %dma_start3A_82 = arith.constant 0 : i32
    %dma_start3A_83 = tpu.memref_slice %arg6[%dma_start3A_81, %dma_start3A_82] : memref<200x128xi32, #tpu.memory_space<vmem>> -> memref<1x128xi32, #tpu.memory_space<vmem>>
    %dma_start3A_84 = tpu.memref_squeeze %dma_start3A_83 : memref<1x128xi32, #tpu.memory_space<vmem>> -> memref<128xi32, #tpu.memory_space<vmem>>
    %dma_start3A_85 = arith.constant 0 : i32
    %dma_start3A_86 = arith.constant 0 : i32
    %dma_start3A_87 = tpu.memref_slice %arg3[%dma_start3A_85, %dma_start3A_86] : memref<1000000x64xf32, #tpu.memory_space<hbm>> -> memref<1000000x64xf32, #tpu.memory_space<hbm>>
    tpu.enqueue_indirect_dma source(%dma_start3A_87 : memref<1000000x64xf32, #tpu.memory_space<hbm>>) target(%arg9 : memref<128x64xf32, #tpu.memory_space<vmem>>) offsets(%dma_start3A_84 : memref<128xi32, #tpu.memory_space<vmem>>) semaphore(%arg13 : memref<!tpu.dma_semaphore, #tpu.memory_space<semaphore_mem>>)
    %dma_start3A_88 = arith.constant 1 : i32
    %dma_start3A_89 = arith.constant 0 : i32
    %dma_start3A_90 = arith.constant 0 : i32
    %dma_start3A_91 = tpu.memref_slice %arg4[%dma_start3A_88, %dma_start3A_89, %add3A, %dma_start3A_90] : memref<200x8x32x1024xf32, #tpu.memory_space<hbm>> -> memref<1x8x1x1024xf32, #tpu.memory_space<hbm>>
    %dma_start3A_92 = tpu.memref_squeeze %dma_start3A_91 : memref<1x8x1x1024xf32, #tpu.memory_space<hbm>> -> memref<8x1024xf32, #tpu.memory_space<hbm>>
    %dma_start3A_93 = arith.constant 0 : i32
    %dma_start3A_94 = arith.constant 0 : i32
    %dma_start3A_95 = tpu.memref_slice %arg4[%dma_start3A_88, %dma_start3A_93, %add3A, %dma_start3A_94] : memref<200x8x32x1024xf32, #tpu.memory_space<hbm>> -> memref<1x8x1x1024xf32, #tpu.memory_space<hbm>>
    %dma_start3A_96 = tpu.memref_squeeze %dma_start3A_95 : memref<1x8x1x1024xf32, #tpu.memory_space<hbm>> -> memref<8x1024xf32, #tpu.memory_space<hbm>>
    tpu.enqueue_dma source(%arg11 : memref<8x1024xf32, #tpu.memory_space<vmem>>) target(%dma_start3A_96 : memref<8x1024xf32, #tpu.memory_space<hbm>>) target_semaphore(%arg15 : memref<!tpu.dma_semaphore, #tpu.memory_space<semaphore_mem>>)
    %scan3A = arith.constant 0 : i32
    %scan3A_97 = arith.constant 1 : i32
    %scan3A_98 = arith.constant 99 : i32
    %scan3A_99 = arith.addi %scan3A_97, %scan3A_98 : i32
    %scan3A_100 = arith.constant 1 : i32
    scf.for %scan3A_120 = %scan3A_97 to %scan3A_99 step %scan3A_100  : i32 {
      %mul3A_121 = arith.constant 2 : i32
      %mul3A_122 = arith.muli %mul3A_121, %scan3A_120 : i32
      %dma_wait3A_123 = arith.constant 0 : i32
      %dma_wait3A_124 = arith.constant 0 : i32
      %dma_wait3A_125 = tpu.memref_slice %arg3[%dma_wait3A_123, %dma_wait3A_124] : memref<1000000x64xf32, #tpu.memory_space<hbm>> -> memref<128x64xf32, #tpu.memory_space<hbm>>
      %dma_wait3A_126 = arith.constant 0 : i32
      %dma_wait3A_127 = arith.constant 0 : i32
      %dma_wait3A_128 = tpu.memref_slice %arg3[%dma_wait3A_126, %dma_wait3A_127] : memref<1000000x64xf32, #tpu.memory_space<hbm>> -> memref<128x64xf32, #tpu.memory_space<hbm>>
      tpu.wait_dma2 semaphore(%arg12 : memref<!tpu.dma_semaphore, #tpu.memory_space<semaphore_mem>>) src(%dma_wait3A_128 : memref<128x64xf32, #tpu.memory_space<hbm>>) dst(%arg8 : memref<128x64xf32, #tpu.memory_space<vmem>>)
      %dma_wait3A_129 = arith.constant 0 : i32
      %dma_wait3A_130 = arith.constant 0 : i32
      %dma_wait3A_131 = arith.constant 0 : i32
      %dma_wait3A_132 = tpu.memref_slice %arg4[%dma_wait3A_129, %dma_wait3A_130, %add3A, %dma_wait3A_131] : memref<200x8x32x1024xf32, #tpu.memory_space<hbm>> -> memref<1x8x1x1024xf32, #tpu.memory_space<hbm>>
      %dma_wait3A_133 = tpu.memref_squeeze %dma_wait3A_132 : memref<1x8x1x1024xf32, #tpu.memory_space<hbm>> -> memref<8x1024xf32, #tpu.memory_space<hbm>>
      %dma_wait3A_134 = arith.constant 0 : i32
      %dma_wait3A_135 = arith.constant 0 : i32
      %dma_wait3A_136 = tpu.memref_slice %arg4[%dma_wait3A_129, %dma_wait3A_134, %add3A, %dma_wait3A_135] : memref<200x8x32x1024xf32, #tpu.memory_space<hbm>> -> memref<1x8x1x1024xf32, #tpu.memory_space<hbm>>
      %dma_wait3A_137 = tpu.memref_squeeze %dma_wait3A_136 : memref<1x8x1x1024xf32, #tpu.memory_space<hbm>> -> memref<8x1024xf32, #tpu.memory_space<hbm>>
      tpu.wait_dma2 semaphore(%arg14 : memref<!tpu.dma_semaphore, #tpu.memory_space<semaphore_mem>>) src(%arg10 : memref<8x1024xf32, #tpu.memory_space<vmem>>) dst(%dma_wait3A_137 : memref<8x1024xf32, #tpu.memory_space<hbm>>)
      %parallel_loop3A_138 = arith.constant 0 : i32
      %parallel_loop3A_139 = arith.constant 128 : i32
      %parallel_loop3A_140 = arith.constant 1 : i32
      scf.for %parallel_loop3A_190 = %parallel_loop3A_138 to %parallel_loop3A_139 step %parallel_loop3A_140  : i32 {
        %parallel_loop3A_191 = arith.index_cast %parallel_loop3A_190 : i32 to index
        %parallel_loop3A_192 = arith.constant 0 : index
        %parallel_loop3A_193 = tpu.vector_load %arg8[%parallel_loop3A_191, %parallel_loop3A_192] {strides = array<i32>} : memref<128x64xf32, #tpu.memory_space<vmem>>, vector<16xf32>,
        %parallel_loop3A_194 = arith.index_cast %parallel_loop3A_190 : i32 to index
        %parallel_loop3A_195 = arith.constant 0 : index
        %parallel_loop3A_196 = tpu.vector_load %arg7[%parallel_loop3A_194, %parallel_loop3A_195] {strides = array<i32>} : memref<128x72xf32, #tpu.memory_space<vmem>>, vector<16xf32>,
        tpu.vector_store %arg7[%parallel_loop3A_194, %parallel_loop3A_195], %parallel_loop3A_193 {strides = array<i32>} : memref<128x72xf32, #tpu.memory_space<vmem>>, vector<16xf32>,
        %parallel_loop3A_197 = arith.index_cast %parallel_loop3A_190 : i32 to index
        %parallel_loop3A_198 = arith.constant 16 : index
        %parallel_loop3A_199 = tpu.vector_load %arg8[%parallel_loop3A_197, %parallel_loop3A_198] {strides = array<i32>} : memref<128x64xf32, #tpu.memory_space<vmem>>, vector<16xf32>,
        %parallel_loop3A_200 = arith.index_cast %parallel_loop3A_190 : i32 to index
        %parallel_loop3A_201 = arith.constant 16 : index
        %parallel_loop3A_202 = tpu.vector_load %arg7[%parallel_loop3A_200, %parallel_loop3A_201] {strides = array<i32>} : memref<128x72xf32, #tpu.memory_space<vmem>>, vector<16xf32>,
        tpu.vector_store %arg7[%parallel_loop3A_200, %parallel_loop3A_201], %parallel_loop3A_199 {strides = array<i32>} : memref<128x72xf32, #tpu.memory_space<vmem>>, vector<16xf32>,
        %parallel_loop3A_203 = arith.index_cast %parallel_loop3A_190 : i32 to index
        %parallel_loop3A_204 = arith.constant 32 : index
        %parallel_loop3A_205 = tpu.vector_load %arg8[%parallel_loop3A_203, %parallel_loop3A_204] {strides = array<i32>} : memref<128x64xf32, #tpu.memory_space<vmem>>, vector<16xf32>,
        %parallel_loop3A_206 = arith.index_cast %parallel_loop3A_190 : i32 to index
        %parallel_loop3A_207 = arith.constant 32 : index
        %parallel_loop3A_208 = tpu.vector_load %arg7[%parallel_loop3A_206, %parallel_loop3A_207] {strides = array<i32>} : memref<128x72xf32, #tpu.memory_space<vmem>>, vector<16xf32>,
        tpu.vector_store %arg7[%parallel_loop3A_206, %parallel_loop3A_207], %parallel_loop3A_205 {strides = array<i32>} : memref<128x72xf32, #tpu.memory_space<vmem>>, vector<16xf32>,
        %parallel_loop3A_209 = arith.index_cast %parallel_loop3A_190 : i32 to index
        %parallel_loop3A_210 = arith.constant 48 : index
        %parallel_loop3A_211 = tpu.vector_load %arg8[%parallel_loop3A_209, %parallel_loop3A_210] {strides = array<i32>} : memref<128x64xf32, #tpu.memory_space<vmem>>, vector<16xf32>,
        %parallel_loop3A_212 = arith.index_cast %parallel_loop3A_190 : i32 to index
        %parallel_loop3A_213 = arith.constant 48 : index
        %parallel_loop3A_214 = tpu.vector_load %arg7[%parallel_loop3A_212, %parallel_loop3A_213] {strides = array<i32>} : memref<128x72xf32, #tpu.memory_space<vmem>>, vector<16xf32>,
        tpu.vector_store %arg7[%parallel_loop3A_212, %parallel_loop3A_213], %parallel_loop3A_211 {strides = array<i32>} : memref<128x72xf32, #tpu.memory_space<vmem>>, vector<16xf32>,
      } {sc.loop_unroll_factor = 8 : i64, sc.parallel_access}
      %parallel_loop3A_141 = arith.constant 0 : i32
      %parallel_loop3A_142 = arith.constant 64 : i32
      %parallel_loop3A_143 = arith.constant 1 : i32
      scf.for %parallel_loop3A_190 = %parallel_loop3A_141 to %parallel_loop3A_142 step %parallel_loop3A_143  : i32 {
        %parallel_loop3A_191 = arith.constant 0 : i32
        %parallel_loop3A_192 = vector.broadcast %parallel_loop3A_191 : i32 to vector<16xi32>
        %parallel_loop3A_193 = vector.broadcast %parallel_loop3A_190 : i32 to vector<16xi32>
        %parallel_loop3A_194 = arith.addi %parallel_loop3A_192, %parallel_loop3A_193 : vector<16xi32>
        %parallel_loop3A_195 = arith.constant 3 : i32
        %parallel_loop3A_196 = arith.shrui %parallel_loop3A_190, %parallel_loop3A_195 : i32
        %parallel_loop3A_197 = arith.constant 7 : i32
        %parallel_loop3A_198 = arith.andi %parallel_loop3A_190, %parallel_loop3A_197 : i32
        %parallel_loop3A_199 = arith.constant 7 : i32
        %parallel_loop3A_200 = arith.shli %parallel_loop3A_198, %parallel_loop3A_199 : i32
        %parallel_loop3A_201 = tpu.vector_load_idx %arg7[%add3A_5, %parallel_loop3A_194] : memref<128x72xf32, #tpu.memory_space<vmem>>[vector<16xi32>, vector<16xi32>], vector<16xf32>,
        %parallel_loop3A_202 = arith.constant 0 : i32
        %parallel_loop3A_203 = arith.addi %parallel_loop3A_200, %parallel_loop3A_202 : i32
        %parallel_loop3A_204 = arith.index_cast %parallel_loop3A_196 : i32 to index
        %parallel_loop3A_205 = arith.index_cast %parallel_loop3A_203 : i32 to index
        %parallel_loop3A_206 = tpu.vector_load %arg10[%parallel_loop3A_204, %parallel_loop3A_205] {strides = array<i32>} : memref<8x1024xf32, #tpu.memory_space<vmem>>, vector<16xf32>,
        tpu.vector_store %arg10[%parallel_loop3A_204, %parallel_loop3A_205], %parallel_loop3A_201 {strides = array<i32>} : memref<8x1024xf32, #tpu.memory_space<vmem>>, vector<16xf32>,
        %parallel_loop3A_207 = tpu.vector_load_idx %arg7[%add3A_8, %parallel_loop3A_194] : memref<128x72xf32, #tpu.memory_space<vmem>>[vector<16xi32>, vector<16xi32>], vector<16xf32>,
        %parallel_loop3A_208 = arith.constant 16 : i32
        %parallel_loop3A_209 = arith.addi %parallel_loop3A_200, %parallel_loop3A_208 : i32
        %parallel_loop3A_210 = arith.index_cast %parallel_loop3A_196 : i32 to index
        %parallel_loop3A_211 = arith.index_cast %parallel_loop3A_209 : i32 to index
        %parallel_loop3A_212 = tpu.vector_load %arg10[%parallel_loop3A_210, %parallel_loop3A_211] {strides = array<i32>} : memref<8x1024xf32, #tpu.memory_space<vmem>>, vector<16xf32>,
        tpu.vector_store %arg10[%parallel_loop3A_210, %parallel_loop3A_211], %parallel_loop3A_207 {strides = array<i32>} : memref<8x1024xf32, #tpu.memory_space<vmem>>, vector<16xf32>,
        %parallel_loop3A_213 = tpu.vector_load_idx %arg7[%add3A_11, %parallel_loop3A_194] : memref<128x72xf32, #tpu.memory_space<vmem>>[vector<16xi32>, vector<16xi32>], vector<16xf32>,
        %parallel_loop3A_214 = arith.constant 32 : i32
        %parallel_loop3A_215 = arith.addi %parallel_loop3A_200, %parallel_loop3A_214 : i32
        %parallel_loop3A_216 = arith.index_cast %parallel_loop3A_196 : i32 to index
        %parallel_loop3A_217 = arith.index_cast %parallel_loop3A_215 : i32 to index
        %parallel_loop3A_218 = tpu.vector_load %arg10[%parallel_loop3A_216, %parallel_loop3A_217] {strides = array<i32>} : memref<8x1024xf32, #tpu.memory_space<vmem>>, vector<16xf32>,
        tpu.vector_store %arg10[%parallel_loop3A_216, %parallel_loop3A_217], %parallel_loop3A_213 {strides = array<i32>} : memref<8x1024xf32, #tpu.memory_space<vmem>>, vector<16xf32>,
        %parallel_loop3A_219 = tpu.vector_load_idx %arg7[%add3A_14, %parallel_loop3A_194] : memref<128x72xf32, #tpu.memory_space<vmem>>[vector<16xi32>, vector<16xi32>], vector<16xf32>,
        %parallel_loop3A_220 = arith.constant 48 : i32
        %parallel_loop3A_221 = arith.addi %parallel_loop3A_200, %parallel_loop3A_220 : i32
        %parallel_loop3A_222 = arith.index_cast %parallel_loop3A_196 : i32 to index
        %parallel_loop3A_223 = arith.index_cast %parallel_loop3A_221 : i32 to index
        %parallel_loop3A_224 = tpu.vector_load %arg10[%parallel_loop3A_222, %parallel_loop3A_223] {strides = array<i32>} : memref<8x1024xf32, #tpu.memory_space<vmem>>, vector<16xf32>,
        tpu.vector_store %arg10[%parallel_loop3A_222, %parallel_loop3A_223], %parallel_loop3A_219 {strides = array<i32>} : memref<8x1024xf32, #tpu.memory_space<vmem>>, vector<16xf32>,
        %parallel_loop3A_225 = tpu.vector_load_idx %arg7[%add3A_17, %parallel_loop3A_194] : memref<128x72xf32, #tpu.memory_space<vmem>>[vector<16xi32>, vector<16xi32>], vector<16xf32>,
        %parallel_loop3A_226 = arith.constant 64 : i32
        %parallel_loop3A_227 = arith.addi %parallel_loop3A_200, %parallel_loop3A_226 : i32
        %parallel_loop3A_228 = arith.index_cast %parallel_loop3A_196 : i32 to index
        %parallel_loop3A_229 = arith.index_cast %parallel_loop3A_227 : i32 to index
        %parallel_loop3A_230 = tpu.vector_load %arg10[%parallel_loop3A_228, %parallel_loop3A_229] {strides = array<i32>} : memref<8x1024xf32, #tpu.memory_space<vmem>>, vector<16xf32>,
        tpu.vector_store %arg10[%parallel_loop3A_228, %parallel_loop3A_229], %parallel_loop3A_225 {strides = array<i32>} : memref<8x1024xf32, #tpu.memory_space<vmem>>, vector<16xf32>,
        %parallel_loop3A_231 = tpu.vector_load_idx %arg7[%add3A_20, %parallel_loop3A_194] : memref<128x72xf32, #tpu.memory_space<vmem>>[vector<16xi32>, vector<16xi32>], vector<16xf32>,
        %parallel_loop3A_232 = arith.constant 80 : i32
        %parallel_loop3A_233 = arith.addi %parallel_loop3A_200, %parallel_loop3A_232 : i32
        %parallel_loop3A_234 = arith.index_cast %parallel_loop3A_196 : i32 to index
        %parallel_loop3A_235 = arith.index_cast %parallel_loop3A_233 : i32 to index
        %parallel_loop3A_236 = tpu.vector_load %arg10[%parallel_loop3A_234, %parallel_loop3A_235] {strides = array<i32>} : memref<8x1024xf32, #tpu.memory_space<vmem>>, vector<16xf32>,
        tpu.vector_store %arg10[%parallel_loop3A_234, %parallel_loop3A_235], %parallel_loop3A_231 {strides = array<i32>} : memref<8x1024xf32, #tpu.memory_space<vmem>>, vector<16xf32>,
        %parallel_loop3A_237 = tpu.vector_load_idx %arg7[%add3A_23, %parallel_loop3A_194] : memref<128x72xf32, #tpu.memory_space<vmem>>[vector<16xi32>, vector<16xi32>], vector<16xf32>,
        %parallel_loop3A_238 = arith.constant 96 : i32
        %parallel_loop3A_239 = arith.addi %parallel_loop3A_200, %parallel_loop3A_238 : i32
        %parallel_loop3A_240 = arith.index_cast %parallel_loop3A_196 : i32 to index
        %parallel_loop3A_241 = arith.index_cast %parallel_loop3A_239 : i32 to index
        %parallel_loop3A_242 = tpu.vector_load %arg10[%parallel_loop3A_240, %parallel_loop3A_241] {strides = array<i32>} : memref<8x1024xf32, #tpu.memory_space<vmem>>, vector<16xf32>,
        tpu.vector_store %arg10[%parallel_loop3A_240, %parallel_loop3A_241], %parallel_loop3A_237 {strides = array<i32>} : memref<8x1024xf32, #tpu.memory_space<vmem>>, vector<16xf32>,
        %parallel_loop3A_243 = tpu.vector_load_idx %arg7[%add3A_26, %parallel_loop3A_194] : memref<128x72xf32, #tpu.memory_space<vmem>>[vector<16xi32>, vector<16xi32>], vector<16xf32>,
        %parallel_loop3A_244 = arith.constant 112 : i32
        %parallel_loop3A_245 = arith.addi %parallel_loop3A_200, %parallel_loop3A_244 : i32
        %parallel_loop3A_246 = arith.index_cast %parallel_loop3A_196 : i32 to index
        %parallel_loop3A_247 = arith.index_cast %parallel_loop3A_245 : i32 to index
        %parallel_loop3A_248 = tpu.vector_load %arg10[%parallel_loop3A_246, %parallel_loop3A_247] {strides = array<i32>} : memref<8x1024xf32, #tpu.memory_space<vmem>>, vector<16xf32>,
        tpu.vector_store %arg10[%parallel_loop3A_246, %parallel_loop3A_247], %parallel_loop3A_243 {strides = array<i32>} : memref<8x1024xf32, #tpu.memory_space<vmem>>, vector<16xf32>,
      } {sc.loop_unroll_factor = 4 : i64, sc.parallel_access}
      %lt3A = arith.constant 99 : i32
      %lt3A_144 = arith.cmpi slt, %scan3A_120, %lt3A : i32
      %convert_element_type3A = arith.extui %lt3A_144 : i1 to i32
      %cond3A = arith.constant 0 : i32
      %cond3A_145 = arith.cmpi ne, %convert_element_type3A, %cond3A : i32
      scf.if %cond3A_145 {
        %add3A_190 = arith.constant 2 : i32
        %add3A_191 = arith.addi %mul3A_122, %add3A_190 : i32
        %dma_start3A_192 = arith.constant 0 : i32
        %dma_start3A_193 = tpu.memref_slice %arg6[%add3A_191, %dma_start3A_192] : memref<200x128xi32, #tpu.memory_space<vmem>> -> memref<1x128xi32, #tpu.memory_space<vmem>>
        %dma_start3A_194 = tpu.memref_squeeze %dma_start3A_193 : memref<1x128xi32, #tpu.memory_space<vmem>> -> memref<128xi32, #tpu.memory_space<vmem>>
        %dma_start3A_195 = arith.constant 0 : i32
        %dma_start3A_196 = arith.constant 0 : i32
        %dma_start3A_197 = tpu.memref_slice %arg3[%dma_start3A_195, %dma_start3A_196] : memref<1000000x64xf32, #tpu.memory_space<hbm>> -> memref<1000000x64xf32, #tpu.memory_space<hbm>>
        tpu.enqueue_indirect_dma source(%dma_start3A_197 : memref<1000000x64xf32, #tpu.memory_space<hbm>>) target(%arg8 : memref<128x64xf32, #tpu.memory_space<vmem>>) offsets(%dma_start3A_194 : memref<128xi32, #tpu.memory_space<vmem>>) semaphore(%arg12 : memref<!tpu.dma_semaphore, #tpu.memory_space<semaphore_mem>>)
      } else {
      }
      %dma_start3A_146 = arith.constant 0 : i32
      %dma_start3A_147 = arith.constant 0 : i32
      %dma_start3A_148 = tpu.memref_slice %arg4[%mul3A_122, %dma_start3A_146, %add3A, %dma_start3A_147] : memref<200x8x32x1024xf32, #tpu.memory_space<hbm>> -> memref<1x8x1x1024xf32, #tpu.memory_space<hbm>>
      %dma_start3A_149 = tpu.memref_squeeze %dma_start3A_148 : memref<1x8x1x1024xf32, #tpu.memory_space<hbm>> -> memref<8x1024xf32, #tpu.memory_space<hbm>>
      %dma_start3A_150 = arith.constant 0 : i32
      %dma_start3A_151 = arith.constant 0 : i32
      %dma_start3A_152 = tpu.memref_slice %arg4[%mul3A_122, %dma_start3A_150, %add3A, %dma_start3A_151] : memref<200x8x32x1024xf32, #tpu.memory_space<hbm>> -> memref<1x8x1x1024xf32, #tpu.memory_space<hbm>>
      %dma_start3A_153 = tpu.memref_squeeze %dma_start3A_152 : memref<1x8x1x1024xf32, #tpu.memory_space<hbm>> -> memref<8x1024xf32, #tpu.memory_space<hbm>>
      tpu.enqueue_dma source(%arg10 : memref<8x1024xf32, #tpu.memory_space<vmem>>) target(%dma_start3A_153 : memref<8x1024xf32, #tpu.memory_space<hbm>>) target_semaphore(%arg14 : memref<!tpu.dma_semaphore, #tpu.memory_space<semaphore_mem>>)
      %dma_wait3A_154 = arith.constant 0 : i32
      %dma_wait3A_155 = arith.constant 0 : i32
      %dma_wait3A_156 = tpu.memref_slice %arg3[%dma_wait3A_154, %dma_wait3A_155] : memref<1000000x64xf32, #tpu.memory_space<hbm>> -> memref<128x64xf32, #tpu.memory_space<hbm>>
      %dma_wait3A_157 = arith.constant 0 : i32
      %dma_wait3A_158 = arith.constant 0 : i32
      %dma_wait3A_159 = tpu.memref_slice %arg3[%dma_wait3A_157, %dma_wait3A_158] : memref<1000000x64xf32, #tpu.memory_space<hbm>> -> memref<128x64xf32, #tpu.memory_space<hbm>>
      tpu.wait_dma2 semaphore(%arg13 : memref<!tpu.dma_semaphore, #tpu.memory_space<semaphore_mem>>) src(%dma_wait3A_159 : memref<128x64xf32, #tpu.memory_space<hbm>>) dst(%arg9 : memref<128x64xf32, #tpu.memory_space<vmem>>)
      %dma_wait3A_160 = arith.constant 0 : i32
      %dma_wait3A_161 = arith.constant 0 : i32
      %dma_wait3A_162 = arith.constant 0 : i32
      %dma_wait3A_163 = tpu.memref_slice %arg4[%dma_wait3A_160, %dma_wait3A_161, %add3A, %dma_wait3A_162] : memref<200x8x32x1024xf32, #tpu.memory_space<hbm>> -> memref<1x8x1x1024xf32, #tpu.memory_space<hbm>>
      %dma_wait3A_164 = tpu.memref_squeeze %dma_wait3A_163 : memref<1x8x1x1024xf32, #tpu.memory_space<hbm>> -> memref<8x1024xf32, #tpu.memory_space<hbm>>
      %dma_wait3A_165 = arith.constant 0 : i32
      %dma_wait3A_166 = arith.constant 0 : i32
      %dma_wait3A_167 = tpu.memref_slice %arg4[%dma_wait3A_160, %dma_wait3A_165, %add3A, %dma_wait3A_166] : memref<200x8x32x1024xf32, #tpu.memory_space<hbm>> -> memref<1x8x1x1024xf32, #tpu.memory_space<hbm>>
      %dma_wait3A_168 = tpu.memref_squeeze %dma_wait3A_167 : memref<1x8x1x1024xf32, #tpu.memory_space<hbm>> -> memref<8x1024xf32, #tpu.memory_space<hbm>>
      tpu.wait_dma2 semaphore(%arg15 : memref<!tpu.dma_semaphore, #tpu.memory_space<semaphore_mem>>) src(%arg11 : memref<8x1024xf32, #tpu.memory_space<vmem>>) dst(%dma_wait3A_168 : memref<8x1024xf32, #tpu.memory_space<hbm>>)
      %parallel_loop3A_169 = arith.constant 0 : i32
      %parallel_loop3A_170 = arith.constant 128 : i32
      %parallel_loop3A_171 = arith.constant 1 : i32
      scf.for %parallel_loop3A_190 = %parallel_loop3A_169 to %parallel_loop3A_170 step %parallel_loop3A_171  : i32 {
        %parallel_loop3A_191 = arith.index_cast %parallel_loop3A_190 : i32 to index
        %parallel_loop3A_192 = arith.constant 0 : index
        %parallel_loop3A_193 = tpu.vector_load %arg9[%parallel_loop3A_191, %parallel_loop3A_192] {strides = array<i32>} : memref<128x64xf32, #tpu.memory_space<vmem>>, vector<16xf32>,
        %parallel_loop3A_194 = arith.index_cast %parallel_loop3A_190 : i32 to index
        %parallel_loop3A_195 = arith.constant 0 : index
        %parallel_loop3A_196 = tpu.vector_load %arg7[%parallel_loop3A_194, %parallel_loop3A_195] {strides = array<i32>} : memref<128x72xf32, #tpu.memory_space<vmem>>, vector<16xf32>,
        tpu.vector_store %arg7[%parallel_loop3A_194, %parallel_loop3A_195], %parallel_loop3A_193 {strides = array<i32>} : memref<128x72xf32, #tpu.memory_space<vmem>>, vector<16xf32>,
        %parallel_loop3A_197 = arith.index_cast %parallel_loop3A_190 : i32 to index
        %parallel_loop3A_198 = arith.constant 16 : index
        %parallel_loop3A_199 = tpu.vector_load %arg9[%parallel_loop3A_197, %parallel_loop3A_198] {strides = array<i32>} : memref<128x64xf32, #tpu.memory_space<vmem>>, vector<16xf32>,
        %parallel_loop3A_200 = arith.index_cast %parallel_loop3A_190 : i32 to index
        %parallel_loop3A_201 = arith.constant 16 : index
        %parallel_loop3A_202 = tpu.vector_load %arg7[%parallel_loop3A_200, %parallel_loop3A_201] {strides = array<i32>} : memref<128x72xf32, #tpu.memory_space<vmem>>, vector<16xf32>,
        tpu.vector_store %arg7[%parallel_loop3A_200, %parallel_loop3A_201], %parallel_loop3A_199 {strides = array<i32>} : memref<128x72xf32, #tpu.memory_space<vmem>>, vector<16xf32>,
        %parallel_loop3A_203 = arith.index_cast %parallel_loop3A_190 : i32 to index
        %parallel_loop3A_204 = arith.constant 32 : index
        %parallel_loop3A_205 = tpu.vector_load %arg9[%parallel_loop3A_203, %parallel_loop3A_204] {strides = array<i32>} : memref<128x64xf32, #tpu.memory_space<vmem>>, vector<16xf32>,
        %parallel_loop3A_206 = arith.index_cast %parallel_loop3A_190 : i32 to index
        %parallel_loop3A_207 = arith.constant 32 : index
        %parallel_loop3A_208 = tpu.vector_load %arg7[%parallel_loop3A_206, %parallel_loop3A_207] {strides = array<i32>} : memref<128x72xf32, #tpu.memory_space<vmem>>, vector<16xf32>,
        tpu.vector_store %arg7[%parallel_loop3A_206, %parallel_loop3A_207], %parallel_loop3A_205 {strides = array<i32>} : memref<128x72xf32, #tpu.memory_space<vmem>>, vector<16xf32>,
        %parallel_loop3A_209 = arith.index_cast %parallel_loop3A_190 : i32 to index
        %parallel_loop3A_210 = arith.constant 48 : index
        %parallel_loop3A_211 = tpu.vector_load %arg9[%parallel_loop3A_209, %parallel_loop3A_210] {strides = array<i32>} : memref<128x64xf32, #tpu.memory_space<vmem>>, vector<16xf32>,
        %parallel_loop3A_212 = arith.index_cast %parallel_loop3A_190 : i32 to index
        %parallel_loop3A_213 = arith.constant 48 : index
        %parallel_loop3A_214 = tpu.vector_load %arg7[%parallel_loop3A_212, %parallel_loop3A_213] {strides = array<i32>} : memref<128x72xf32, #tpu.memory_space<vmem>>, vector<16xf32>,
        tpu.vector_store %arg7[%parallel_loop3A_212, %parallel_loop3A_213], %parallel_loop3A_211 {strides = array<i32>} : memref<128x72xf32, #tpu.memory_space<vmem>>, vector<16xf32>,
      } {sc.loop_unroll_factor = 8 : i64, sc.parallel_access}
      %parallel_loop3A_172 = arith.constant 0 : i32
      %parallel_loop3A_173 = arith.constant 64 : i32
      %parallel_loop3A_174 = arith.constant 1 : i32
      scf.for %parallel_loop3A_190 = %parallel_loop3A_172 to %parallel_loop3A_173 step %parallel_loop3A_174  : i32 {
        %parallel_loop3A_191 = arith.constant 0 : i32
        %parallel_loop3A_192 = vector.broadcast %parallel_loop3A_191 : i32 to vector<16xi32>
        %parallel_loop3A_193 = vector.broadcast %parallel_loop3A_190 : i32 to vector<16xi32>
        %parallel_loop3A_194 = arith.addi %parallel_loop3A_192, %parallel_loop3A_193 : vector<16xi32>
        %parallel_loop3A_195 = arith.constant 3 : i32
        %parallel_loop3A_196 = arith.shrui %parallel_loop3A_190, %parallel_loop3A_195 : i32
        %parallel_loop3A_197 = arith.constant 7 : i32
        %parallel_loop3A_198 = arith.andi %parallel_loop3A_190, %parallel_loop3A_197 : i32
        %parallel_loop3A_199 = arith.constant 7 : i32
        %parallel_loop3A_200 = arith.shli %parallel_loop3A_198, %parallel_loop3A_199 : i32
        %parallel_loop3A_201 = tpu.vector_load_idx %arg7[%add3A_5, %parallel_loop3A_194] : memref<128x72xf32, #tpu.memory_space<vmem>>[vector<16xi32>, vector<16xi32>], vector<16xf32>,
        %parallel_loop3A_202 = arith.constant 0 : i32
        %parallel_loop3A_203 = arith.addi %parallel_loop3A_200, %parallel_loop3A_202 : i32
        %parallel_loop3A_204 = arith.index_cast %parallel_loop3A_196 : i32 to index
        %parallel_loop3A_205 = arith.index_cast %parallel_loop3A_203 : i32 to index
        %parallel_loop3A_206 = tpu.vector_load %arg11[%parallel_loop3A_204, %parallel_loop3A_205] {strides = array<i32>} : memref<8x1024xf32, #tpu.memory_space<vmem>>, vector<16xf32>,
        tpu.vector_store %arg11[%parallel_loop3A_204, %parallel_loop3A_205], %parallel_loop3A_201 {strides = array<i32>} : memref<8x1024xf32, #tpu.memory_space<vmem>>, vector<16xf32>,
        %parallel_loop3A_207 = tpu.vector_load_idx %arg7[%add3A_8, %parallel_loop3A_194] : memref<128x72xf32, #tpu.memory_space<vmem>>[vector<16xi32>, vector<16xi32>], vector<16xf32>,
        %parallel_loop3A_208 = arith.constant 16 : i32
        %parallel_loop3A_209 = arith.addi %parallel_loop3A_200, %parallel_loop3A_208 : i32
        %parallel_loop3A_210 = arith.index_cast %parallel_loop3A_196 : i32 to index
        %parallel_loop3A_211 = arith.index_cast %parallel_loop3A_209 : i32 to index
        %parallel_loop3A_212 = tpu.vector_load %arg11[%parallel_loop3A_210, %parallel_loop3A_211] {strides = array<i32>} : memref<8x1024xf32, #tpu.memory_space<vmem>>, vector<16xf32>,
        tpu.vector_store %arg11[%parallel_loop3A_210, %parallel_loop3A_211], %parallel_loop3A_207 {strides = array<i32>} : memref<8x1024xf32, #tpu.memory_space<vmem>>, vector<16xf32>,
        %parallel_loop3A_213 = tpu.vector_load_idx %arg7[%add3A_11, %parallel_loop3A_194] : memref<128x72xf32, #tpu.memory_space<vmem>>[vector<16xi32>, vector<16xi32>], vector<16xf32>,
        %parallel_loop3A_214 = arith.constant 32 : i32
        %parallel_loop3A_215 = arith.addi %parallel_loop3A_200, %parallel_loop3A_214 : i32
        %parallel_loop3A_216 = arith.index_cast %parallel_loop3A_196 : i32 to index
        %parallel_loop3A_217 = arith.index_cast %parallel_loop3A_215 : i32 to index
        %parallel_loop3A_218 = tpu.vector_load %arg11[%parallel_loop3A_216, %parallel_loop3A_217] {strides = array<i32>} : memref<8x1024xf32, #tpu.memory_space<vmem>>, vector<16xf32>,
        tpu.vector_store %arg11[%parallel_loop3A_216, %parallel_loop3A_217], %parallel_loop3A_213 {strides = array<i32>} : memref<8x1024xf32, #tpu.memory_space<vmem>>, vector<16xf32>,
        %parallel_loop3A_219 = tpu.vector_load_idx %arg7[%add3A_14, %parallel_loop3A_194] : memref<128x72xf32, #tpu.memory_space<vmem>>[vector<16xi32>, vector<16xi32>], vector<16xf32>,
        %parallel_loop3A_220 = arith.constant 48 : i32
        %parallel_loop3A_221 = arith.addi %parallel_loop3A_200, %parallel_loop3A_220 : i32
        %parallel_loop3A_222 = arith.index_cast %parallel_loop3A_196 : i32 to index
        %parallel_loop3A_223 = arith.index_cast %parallel_loop3A_221 : i32 to index
        %parallel_loop3A_224 = tpu.vector_load %arg11[%parallel_loop3A_222, %parallel_loop3A_223] {strides = array<i32>} : memref<8x1024xf32, #tpu.memory_space<vmem>>, vector<16xf32>,
        tpu.vector_store %arg11[%parallel_loop3A_222, %parallel_loop3A_223], %parallel_loop3A_219 {strides = array<i32>} : memref<8x1024xf32, #tpu.memory_space<vmem>>, vector<16xf32>,
        %parallel_loop3A_225 = tpu.vector_load_idx %arg7[%add3A_17, %parallel_loop3A_194] : memref<128x72xf32, #tpu.memory_space<vmem>>[vector<16xi32>, vector<16xi32>], vector<16xf32>,
        %parallel_loop3A_226 = arith.constant 64 : i32
        %parallel_loop3A_227 = arith.addi %parallel_loop3A_200, %parallel_loop3A_226 : i32
        %parallel_loop3A_228 = arith.index_cast %parallel_loop3A_196 : i32 to index
        %parallel_loop3A_229 = arith.index_cast %parallel_loop3A_227 : i32 to index
        %parallel_loop3A_230 = tpu.vector_load %arg11[%parallel_loop3A_228, %parallel_loop3A_229] {strides = array<i32>} : memref<8x1024xf32, #tpu.memory_space<vmem>>, vector<16xf32>,
        tpu.vector_store %arg11[%parallel_loop3A_228, %parallel_loop3A_229], %parallel_loop3A_225 {strides = array<i32>} : memref<8x1024xf32, #tpu.memory_space<vmem>>, vector<16xf32>,
        %parallel_loop3A_231 = tpu.vector_load_idx %arg7[%add3A_20, %parallel_loop3A_194] : memref<128x72xf32, #tpu.memory_space<vmem>>[vector<16xi32>, vector<16xi32>], vector<16xf32>,
        %parallel_loop3A_232 = arith.constant 80 : i32
        %parallel_loop3A_233 = arith.addi %parallel_loop3A_200, %parallel_loop3A_232 : i32
        %parallel_loop3A_234 = arith.index_cast %parallel_loop3A_196 : i32 to index
        %parallel_loop3A_235 = arith.index_cast %parallel_loop3A_233 : i32 to index
        %parallel_loop3A_236 = tpu.vector_load %arg11[%parallel_loop3A_234, %parallel_loop3A_235] {strides = array<i32>} : memref<8x1024xf32, #tpu.memory_space<vmem>>, vector<16xf32>,
        tpu.vector_store %arg11[%parallel_loop3A_234, %parallel_loop3A_235], %parallel_loop3A_231 {strides = array<i32>} : memref<8x1024xf32, #tpu.memory_space<vmem>>, vector<16xf32>,
        %parallel_loop3A_237 = tpu.vector_load_idx %arg7[%add3A_23, %parallel_loop3A_194] : memref<128x72xf32, #tpu.memory_space<vmem>>[vector<16xi32>, vector<16xi32>], vector<16xf32>,
        %parallel_loop3A_238 = arith.constant 96 : i32
        %parallel_loop3A_239 = arith.addi %parallel_loop3A_200, %parallel_loop3A_238 : i32
        %parallel_loop3A_240 = arith.index_cast %parallel_loop3A_196 : i32 to index
        %parallel_loop3A_241 = arith.index_cast %parallel_loop3A_239 : i32 to index
        %parallel_loop3A_242 = tpu.vector_load %arg11[%parallel_loop3A_240, %parallel_loop3A_241] {strides = array<i32>} : memref<8x1024xf32, #tpu.memory_space<vmem>>, vector<16xf32>,
        tpu.vector_store %arg11[%parallel_loop3A_240, %parallel_loop3A_241], %parallel_loop3A_237 {strides = array<i32>} : memref<8x1024xf32, #tpu.memory_space<vmem>>, vector<16xf32>,
        %parallel_loop3A_243 = tpu.vector_load_idx %arg7[%add3A_26, %parallel_loop3A_194] : memref<128x72xf32, #tpu.memory_space<vmem>>[vector<16xi32>, vector<16xi32>], vector<16xf32>,
        %parallel_loop3A_244 = arith.constant 112 : i32
        %parallel_loop3A_245 = arith.addi %parallel_loop3A_200, %parallel_loop3A_244 : i32
        %parallel_loop3A_246 = arith.index_cast %parallel_loop3A_196 : i32 to index
        %parallel_loop3A_247 = arith.index_cast %parallel_loop3A_245 : i32 to index
        %parallel_loop3A_248 = tpu.vector_load %arg11[%parallel_loop3A_246, %parallel_loop3A_247] {strides = array<i32>} : memref<8x1024xf32, #tpu.memory_space<vmem>>, vector<16xf32>,
        tpu.vector_store %arg11[%parallel_loop3A_246, %parallel_loop3A_247], %parallel_loop3A_243 {strides = array<i32>} : memref<8x1024xf32, #tpu.memory_space<vmem>>, vector<16xf32>,
      } {sc.loop_unroll_factor = 4 : i64, sc.parallel_access}
      %lt3A_175 = arith.constant 99 : i32
      %lt3A_176 = arith.cmpi slt, %scan3A_120, %lt3A_175 : i32
      %convert_element_type3A_177 = arith.extui %lt3A_176 : i1 to i32
      %cond3A_178 = arith.constant 0 : i32
      %cond3A_179 = arith.cmpi ne, %convert_element_type3A_177, %cond3A_178 : i32
      scf.if %cond3A_179 {
        %add3A_190 = arith.constant 3 : i32
        %add3A_191 = arith.addi %mul3A_122, %add3A_190 : i32
        %dma_start3A_192 = arith.constant 0 : i32
        %dma_start3A_193 = tpu.memref_slice %arg6[%add3A_191, %dma_start3A_192] : memref<200x128xi32, #tpu.memory_space<vmem>> -> memref<1x128xi32, #tpu.memory_space<vmem>>
        %dma_start3A_194 = tpu.memref_squeeze %dma_start3A_193 : memref<1x128xi32, #tpu.memory_space<vmem>> -> memref<128xi32, #tpu.memory_space<vmem>>
        %dma_start3A_195 = arith.constant 0 : i32
        %dma_start3A_196 = arith.constant 0 : i32
        %dma_start3A_197 = tpu.memref_slice %arg3[%dma_start3A_195, %dma_start3A_196] : memref<1000000x64xf32, #tpu.memory_space<hbm>> -> memref<1000000x64xf32, #tpu.memory_space<hbm>>
        tpu.enqueue_indirect_dma source(%dma_start3A_197 : memref<1000000x64xf32, #tpu.memory_space<hbm>>) target(%arg9 : memref<128x64xf32, #tpu.memory_space<vmem>>) offsets(%dma_start3A_194 : memref<128xi32, #tpu.memory_space<vmem>>) semaphore(%arg13 : memref<!tpu.dma_semaphore, #tpu.memory_space<semaphore_mem>>)
      } else {
      }
      %add3A_180 = arith.constant 1 : i32
      %add3A_181 = arith.addi %mul3A_122, %add3A_180 : i32
      %dma_start3A_182 = arith.constant 0 : i32
      %dma_start3A_183 = arith.constant 0 : i32
      %dma_start3A_184 = tpu.memref_slice %arg4[%add3A_181, %dma_start3A_182, %add3A, %dma_start3A_183] : memref<200x8x32x1024xf32, #tpu.memory_space<hbm>> -> memref<1x8x1x1024xf32, #tpu.memory_space<hbm>>
      %dma_start3A_185 = tpu.memref_squeeze %dma_start3A_184 : memref<1x8x1x1024xf32, #tpu.memory_space<hbm>> -> memref<8x1024xf32, #tpu.memory_space<hbm>>
      %dma_start3A_186 = arith.constant 0 : i32
      %dma_start3A_187 = arith.constant 0 : i32
      %dma_start3A_188 = tpu.memref_slice %arg4[%add3A_181, %dma_start3A_186, %add3A, %dma_start3A_187] : memref<200x8x32x1024xf32, #tpu.memory_space<hbm>> -> memref<1x8x1x1024xf32, #tpu.memory_space<hbm>>
      %dma_start3A_189 = tpu.memref_squeeze %dma_start3A_188 : memref<1x8x1x1024xf32, #tpu.memory_space<hbm>> -> memref<8x1024xf32, #tpu.memory_space<hbm>>
      tpu.enqueue_dma source(%arg11 : memref<8x1024xf32, #tpu.memory_space<vmem>>) target(%dma_start3A_189 : memref<8x1024xf32, #tpu.memory_space<hbm>>) target_semaphore(%arg15 : memref<!tpu.dma_semaphore, #tpu.memory_space<semaphore_mem>>)
    }
    %scan3A_101 = arith.constant 99 : i32
    %dma_wait3A_102 = arith.constant 0 : i32
    %dma_wait3A_103 = arith.constant 0 : i32
    %dma_wait3A_104 = arith.constant 0 : i32
    %dma_wait3A_105 = tpu.memref_slice %arg4[%dma_wait3A_102, %dma_wait3A_103, %add3A, %dma_wait3A_104] : memref<200x8x32x1024xf32, #tpu.memory_space<hbm>> -> memref<1x8x1x1024xf32, #tpu.memory_space<hbm>>
    %dma_wait3A_106 = tpu.memref_squeeze %dma_wait3A_105 : memref<1x8x1x1024xf32, #tpu.memory_space<hbm>> -> memref<8x1024xf32, #tpu.memory_space<hbm>>
    %dma_wait3A_107 = arith.constant 0 : i32
    %dma_wait3A_108 = arith.constant 0 : i32
    %dma_wait3A_109 = tpu.memref_slice %arg4[%dma_wait3A_102, %dma_wait3A_107, %add3A, %dma_wait3A_108] : memref<200x8x32x1024xf32, #tpu.memory_space<hbm>> -> memref<1x8x1x1024xf32, #tpu.memory_space<hbm>>
    %dma_wait3A_110 = tpu.memref_squeeze %dma_wait3A_109 : memref<1x8x1x1024xf32, #tpu.memory_space<hbm>> -> memref<8x1024xf32, #tpu.memory_space<hbm>>
    tpu.wait_dma2 semaphore(%arg14 : memref<!tpu.dma_semaphore, #tpu.memory_space<semaphore_mem>>) src(%arg10 : memref<8x1024xf32, #tpu.memory_space<vmem>>) dst(%dma_wait3A_110 : memref<8x1024xf32, #tpu.memory_space<hbm>>)
    %dma_wait3A_111 = arith.constant 0 : i32
    %dma_wait3A_112 = arith.constant 0 : i32
    %dma_wait3A_113 = arith.constant 0 : i32
    %dma_wait3A_114 = tpu.memref_slice %arg4[%dma_wait3A_111, %dma_wait3A_112, %add3A, %dma_wait3A_113] : memref<200x8x32x1024xf32, #tpu.memory_space<hbm>> -> memref<1x8x1x1024xf32, #tpu.memory_space<hbm>>
    %dma_wait3A_115 = tpu.memref_squeeze %dma_wait3A_114 : memref<1x8x1x1024xf32, #tpu.memory_space<hbm>> -> memref<8x1024xf32, #tpu.memory_space<hbm>>
    %dma_wait3A_116 = arith.constant 0 : i32
    %dma_wait3A_117 = arith.constant 0 : i32
    %dma_wait3A_118 = tpu.memref_slice %arg4[%dma_wait3A_111, %dma_wait3A_116, %add3A, %dma_wait3A_117] : memref<200x8x32x1024xf32, #tpu.memory_space<hbm>> -> memref<1x8x1x1024xf32, #tpu.memory_space<hbm>>
    %dma_wait3A_119 = tpu.memref_squeeze %dma_wait3A_118 : memref<1x8x1x1024xf32, #tpu.memory_space<hbm>> -> memref<8x1024xf32, #tpu.memory_space<hbm>>
    tpu.wait_dma2 semaphore(%arg15 : memref<!tpu.dma_semaphore, #tpu.memory_space<semaphore_mem>>) src(%arg11 : memref<8x1024xf32, #tpu.memory_space<vmem>>) dst(%dma_wait3A_119 : memref<8x1024xf32, #tpu.memory_space<hbm>>)
    return
  }
}

</mosaic_0001>

<sc_bundles>
// kernel: kernel.4.cloned.1.call-start
scs
__scs_entry_jumppad:
0x0: {  	(pc) =	sbr.rel $0x88, $3  }
0x1: {  	(tag) =	ssettag $0x0;
	lr =	simm.s32 $0x1  }
0x2: {  	[smem:$0x3F9F] =	sst lr;
	_ =	strace $0xD0000000  }
0x3: {  	_ = 	snop  }
0x4: {  	_ = 	snop  }
0x5: {  	_ = 	snop  }
0x6: {  	_ = 	snop  }
0x7: {  	_ = 	snop  }
__scs_overlays_trampoline_lowered:
0x8: {  	[smem:$0x3FAE] =	sst s0  }
0x9: {  	[smem:$0x3FAF] =	sst s1  }
0xa: {  	[smem:$0x3FB0] =	sst s2  }
0xb: {  	[smem:$0x3FB1] =	sst s3  }
0xc: {  	[smem:$0x3FB2] =	sst s4  }
0xd: {  	[smem:$0x3FB3] =	sst s5  }
0xe: {  	[smem:$0x3FB4] =	sst s6  }
0xf: {  	[smem:$0x3FB5] =	sst s7  }
0x10: {  	[smem:$0x3FB6] =	sst s8  }
0x11: {  	[smem:$0x3FB7] =	sst s9;
	s0 =	simm.s32 @!p0 $0x0  }
0x12: {  	s1 =	sld [smem:$0x3F9D];
	s0 =	simm.s32 @p0 $0x1  }
0x13: {  	[smem:$0x3FB8] =	sst s0;
	s0 =	simm.s32 @!p1 $0x0  }
0x14: {  	s2 =	sld [smem:$0x3F9C];
	s0 =	simm.s32 @p1 $0x1  }
0x15: {  	[smem:$0x3FB9] =	sst s0;
	s0 =	simm.s32 @!p2 $0x0  }
0x16: {  	s3 =	sld [smem:$0x3FDB];
	s0 =	simm.s32 @p2 $0x1  }
0x17: {  	s4 =	simm.s32 $0x1BF5;
	[smem:$0x3FBB] =	sst s0  }
0x18: {  	s0 =	sld [smem:$0x3F9E];
	_ =	swait.ge [sflag:s4], $0x0  }
0x19: {  	s7 =	sld [smem:$0x3F9F]  }
0x1a: {  	s8 =	sadd.s32 $0xFFFFE003, lr  }
0x1b: {  	s9 =	sadd.s32 $0xFFFFFEF7, lr;
	s5 =	simm.s32 $0xFFFFFFFF;
	p2 =	slt.u32 s8, $0xFFFFF086  }
0x1c: {  	p1 =	slt.u32 s9, $0xF7A;
	s5 =	simm.s32 @!p2 $0x0  }
0x1d: {  	s5 =	simm.s32 @p1 $0x1;
	p0 =	seq.s32 s7, s2  }
0x1e: {  	s7 =	smul.u32 @!p0 $0xF7A, s2;
	p2 =	seq.s32 @!p0 s5, $0x0  }
0x1f: {  	s9 =	smul.u32 $0xF7A, s1;
	s8 =	simm.s32 @!p0 $0x1BF5;
	p2 =	por !p2, p0  }
0x20: {  	[sflag:s8] =	ssyncset.s32 @!p0 $0xFFFFF086;
	s6 =	sadd.s32 @!p0 s3, s7;
	s7 =	simm.s32 @!p0 $0x108  }
0x21: {  	s3 =	sadd.s32 s3, s9;
	s6 =	sadd.s32 @!p0 $0x88, s6;
	s7 =	simm.s32 @p2 $0x1082  }
0x22: {  	[simem:s7], [sflag:s8] =	dma.local @!p0 [hbm:s6], $0xF7A  }
0x23: {  	s9 =	sor.u32 $0xD0000000, s2;
	s6 =	simm.s32 $0x108;
	_ =	swait.ge @!p0 [sflag:s8], $0x0  }
0x24: {  	s3 =	sadd.s32 $0x88, s3;
	s6 =	simm.s32 @!p1 $0x1082;
	[sflag:s4] =	ssyncset.s32 $0xFFFFF086  }
0x25: {  	[simem:s6], [sflag:s4] =	dma.local [hbm:s3], $0xF7A  }
0x26: {  	[smem:$0x3F9F] =	sst s1;
	(tag) =	ssettag s2;
	_ =	strace s9  }
0x27: {  	s1 =	sld [smem:$0x3FAF]  }
0x28: {  	s2 =	sld [smem:$0x3FB0]  }
0x29: {  	s4 =	sld [smem:$0x3FB2]  }
0x2a: {  	p0 =	seq.s32 s5, $0x0;
	s5 =	sld [smem:$0x3FB3]  }
0x2b: {  	s6 =	sld [smem:$0x3FB4]  }
0x2c: {  	s7 =	sld [smem:$0x3FB5]  }
0x2d: {  	s3 =	simm.s32 $0x108;
	s8 =	sld [smem:$0x3FB6]  }
0x2e: {  	s3 =	simm.s32 @!p0 $0x1082;
	s9 =	sld [smem:$0x3FB7]  }
0x2f: {  	lr =	sadd.s32 s0, s3;
	s0 =	sld [smem:$0x3FAE]  }
0x30: {  	s3 =	sld [smem:$0x3FB1]  }
0x31: {  	[smem:$0x3FBA] =	sst s10  }
0x32: {  	s10 =	sld [smem:$0x3FB8];
	_ =	sdelay $0x3  }
0x33: {  	p0 =	seq.s32 s10, $0x1;
	s10 =	sld [smem:$0x3FBA];
	_ =	sdelay $0x3  }
0x34: {  	[smem:$0x3FBA] =	sst s10  }
0x35: {  	s10 =	sld [smem:$0x3FB9];
	_ =	sdelay $0x3  }
0x36: {  	p1 =	seq.s32 s10, $0x1;
	s10 =	sld [smem:$0x3FBA];
	_ =	sdelay $0x3  }
0x37: {  	[smem:$0x3FBA] =	sst s10  }
0x38: {  	s10 =	sld [smem:$0x3FBB]  }
0x39: {  	_ = 	snop;
	(pc) =	sbr.ind lr, $3  }
0x3a: {  	_ = 	snop  }
0x3b: {  	_ = 	snop  }
0x3c: {  	p2 =	seq.s32 s10, $0x1;
	s10 =	sld [smem:$0x3FBA]  }
0x3d: {  	_ =	shalt  }
0x3e: {  	_ =	shalt  }
0x3f: {  	_ =	shalt  }
0x40: {  	_ =	shalt  }
0x41: {  	_ =	shalt  }
0x42: {  	_ =	shalt  }
0x43: {  	_ =	shalt  }
0x44: {  	_ =	shalt  }
0x45: {  	_ =	shalt  }
0x46: {  	_ =	shalt  }
0x47: {  	_ =	shalt  }
0x48: {  	_ =	shalt  }
0x49: {  	_ =	shalt  }
0x4a: {  	_ =	shalt  }
0x4b: {  	_ =	shalt  }
0x4c: {  	_ =	shalt  }
0x4d: {  	_ =	shalt  }
0x4e: {  	_ =	shalt  }
0x4f: {  	_ =	shalt  }
0x50: {  	_ =	shalt  }
0x51: {  	_ =	shalt  }
0x52: {  	_ =	shalt  }
0x53: {  	_ =	shalt  }
0x54: {  	_ =	shalt  }
0x55: {  	_ =	shalt  }
0x56: {  	_ =	shalt  }
0x57: {  	_ =	shalt  }
0x58: {  	_ =	shalt  }
0x59: {  	_ =	shalt  }
0x5a: {  	_ =	shalt  }
0x5b: {  	_ =	shalt  }
0x5c: {  	_ =	shalt  }
0x5d: {  	_ =	shalt  }
0x5e: {  	_ =	shalt  }
0x5f: {  	_ =	shalt  }
0x60: {  	_ =	shalt  }
0x61: {  	_ =	shalt  }
0x62: {  	_ =	shalt  }
0x63: {  	_ =	shalt  }
0x64: {  	_ =	shalt  }
0x65: {  	_ =	shalt  }
0x66: {  	_ =	shalt  }
0x67: {  	_ =	shalt  }
0x68: {  	_ =	shalt  }
0x69: {  	_ =	shalt  }
0x6a: {  	_ =	shalt  }
0x6b: {  	_ =	shalt  }
0x6c: {  	_ =	shalt  }
0x6d: {  	_ =	shalt  }
0x6e: {  	_ =	shalt  }
0x6f: {  	_ =	shalt  }
0x70: {  	_ =	shalt  }
0x71: {  	_ =	shalt  }
0x72: {  	_ =	shalt  }
0x73: {  	_ =	shalt  }
0x74: {  	_ =	shalt  }
0x75: {  	_ =	shalt  }
0x76: {  	_ =	shalt  }
0x77: {  	_ =	shalt  }
0x78: {  	_ =	shalt  }
0x79: {  	_ =	shalt  }
0x7a: {  	_ =	shalt  }
0x7b: {  	_ =	shalt  }
0x7c: {  	_ =	shalt  }
0x7d: {  	_ =	shalt  }
0x7e: {  	_ =	shalt  }
0x7f: {  	_ =	shalt  }
0x80: {  	_ =	shalt  }
0x81: {  	_ =	shalt  }
0x82: {  	_ =	shalt  }
0x83: {  	_ =	shalt  }
0x84: {  	_ =	shalt  }
0x85: {  	_ =	shalt  }
0x86: {  	_ =	shalt  }
0x87: {  	_ =	shalt  }
.Lfunc_end0:
.L_simem_size_0:
called_computation_lowered:
.L_overlay_start_0:
0x88: {  	s2 =	sld [smem:$0x3FD9]  }
0x89: {  	s3 =	sld [smem:$0x3FFE];
	_ =	sdelay $0x1  }
0x8a: {  	s1 =	srdreg.scid  }
0x8b: {  	s0 =	sand.u32 $0x1, s1  }
0x8c: {  	s17 =	sshll.u32 s0, $0xA;
	s2 =	sadd.s32 s3, s2  }
0x8d: {  	s2 =	sadd.s32 s2, s17  }
0x8e: {  	[smem:$0x3FC6] =	sst s2  }
0x8f: {  	_ = 	snop  }
0x90: {  	s2 =	sld [smem:$0x3FC8]  }
0x91: {  	s18 =	sld [smem:$0x3FD0];
	(tm) =	ssettm $0x1  }
0x92: {  	s4 =	sld [smem:$0x3FFB];
	_ =	sdelay $0x3  }
0x93: {  	_ =	strace s4  }
0x94: {  	s4 =	sld [smem:$0x3FFC];
	_ =	sdelay $0x3  }
0x95: {  	_ =	strace s4  }
0x96: {  	s4 =	sld [smem:$0x3FFD];
	_ =	sdelay $0x3  }
0x97: {  	_ =	strace s4  }
0x98: {  	_ =	strace $0x8FFFFFFF  }
0x99: {  	s19 =	sld [smem:$0x3FDB];
	_ =	sdelay $0x1  }
0x9a: {  	s5 =	simm.s32 $_scs_section_size  }
0x9b: {  	s6 =	simm.s32 $_size__tile_overlayer_lowered;
	s7 =	simm.s32 $_tile_overlayer_lowered  }
0x9c: {  	s22 =	simm.s32 $0x1BFF;
	s21 =	sshll.u32 s7, $0x1;
	s4 =	sadd.s32 s5, s19  }
0x9d: {  	s8 =	simm.s32 $0x0;
	s20 =	sshll.u32 s6, $0x1;
	s6 =	sadd.s32 s21, s4  }
0x9e: {  	[timem:s8], [sflag:s22] =	dma.local [hbm:s6], s20  }
0x9f: {  	_ =	swait.ge [sflag:s22], s20  }
0xa0: {  	s5 =	ssub.s32 $0x0, s20;
	[sflag:s22] =	ssyncset.done $0x0  }
0xa1: {  	[sflag:s22] =	ssyncadd.s32 s5;
	_ =	sdelay $0x1  }
0xa2: {  	s23 =	simm.s32 $0x1B8B  }
0xa3: {  	_ =	swait.ge [sflag:s23], $0x1  }
0xa4: {  	[sflag:s23] =	ssyncset.done $0x0  }
0xa5: {  	s25 =	simm.s32 $0x1B8E;
	s24 =	sld [smem:$0x3FFE];
	[sflag:s23] =	ssyncadd.s32 $0xFFFFFFFF  }
0xa6: {  	s26 =	simm.s32 $execute0_lowered;
	[smem:$0x3FD2] =	sst s25  }
0xa7: {  	s6 =	sshll.u32 s26, $0x1;
	_ =	strace $0x80000046;
	[dreg:$0x1] =	wrdreg $0xFFFFFFFF  }
0xa8: {  	s28 =	simm.s32 $_size_execute0_lowered;
	s4 =	sadd.s32 s4, s6;
	[dreg:$0x0] =	wrdreg $0x0  }
0xa9: {  	s6 =	sshll.u32 s28, $0x1;
	[dreg:$0x2] =	wrdreg s4  }
0xaa: {  	[dreg:$0x3] =	wrdreg s6  }
0xab: {  	[dreg:$0x4] =	wrdreg $0xC0  }
0xac: {  	_ =	task [dreg:s8], $0x5FFFF  }
0xad: {  	[dreg:$0x1] =	wrdreg $0xFFFFFFFF  }
0xae: {  	[dreg:$0x0] =	wrdreg $0x60  }
0xaf: {  	[dreg:$0x2] =	wrdreg s2  }
0xb0: {  	[dreg:$0x3] =	wrdreg s18  }
0xb1: {  	[dreg:$0x4] =	wrdreg s24  }
0xb2: {  	[dreg:$0x5] =	wrdreg $0x9  }
0xb3: {  	_ =	task.clear_ibuf [dreg:s8], $0x6FFFF;
	_ =	strace $0x90000046  }
0xb4: {  	s29 =	simm.s32 $0x9;
	_ =	strace $0x80000048  }
0xb5: {  	_ =	swait.ge [sflag:s29], $0x1  }
0xb6: {  	[sflag:s29] =	ssyncadd.s32 $0xFFFFFFFF  }
0xb7: {  	_ =	strace $0x90000048  }
0xb8: {  	_ =	sfence  }
0xb9: {  	s30 =	sld [smem:$0x0];
	_ =	sdelay $0x2  }
0xba: {  	s31 =	sshll.u32 s1, $0xD;
	s1 =	sshrl.u32 s1, $0x2  }
0xbb: {  	s3 =	sand.u32 $0x4000, s31;
	s1 =	sadd.s32 s1, s30  }
0xbc: {  	s0 =	sor.u32 s3, s0;
	s1 =	sshll.u32 s1, $0x11  }
0xbd: {  	s0 =	sor.u32 s1, s0  }
0xbe: {  	s0 =	sadd.s32 $0x8F2B, s0  }
0xbf: {  	[sflag:s0] =	ssyncadd.remote.s32 $0x1  }
0xc0: {  	_ =	sfence.sel $0xFFFF  }
0xc1: {  	[dreg:$0x0] =	wrdreg $0xFFFFFFFF;
	(pc) =	sbr.abs _section_cstart, $3  }
0xc2: {  	[dreg:$0x1] =	wrdreg $0xFFFFFFFF  }
0xc3: {  	_ =	task.clear_ibuf [dreg:s8], $0x2FFFF;
	_ =	strace $0x9FFFFFFF  }
0xc4: {  	(tm) =	ssettm $0x7FFFFFFF  }
0xc5: {  	_ =	shalt  }
tec
execute0_lowered:
.L_overlay_start_1:
0x0: {  	(tag) =	ssettag $0x1  }
0x1: {  	v0 =	vimm.s32 $0x1380  }
0x2: {  	vm14 =	vcmask $0x300;
	vm13 =	vcmask $0x704;
	vm12 =	vcmask $0xB08  }
0x3: {  	vm11 =	vcmask $0xF0C;
	vm10 =	vcmask $0x1310;
	vm9 =	vcmask $0x1714  }
0x4: {  	vm8 =	vcmask $0x1B18;
	vm7 =	vcmask $0x1F1C;
	vm6 =	vcmask $0x2320  }
0x5: {  	vm5 =	vcmask $0x2724;
	vm4 =	vcmask $0x2B28;
	vm3 =	vcmask $0x2F2C  }
0x6: {  	vm2 =	vcmask $0x3330;
	vm1 =	vcmask $0x3734;
	vm0 =	vcmask $0x3B38  }
0x7: {  	v1 =	vimm.s32 $0x3380;
	v2 =	vimm.s32 $0x5380;
	v3 =	vimm.s32 $0x7380  }
0x8: {  	v0 =	vsel vm14, $0x0, v0;
	v1 =	vsel vm14, $0x2000, v1;
	v2 =	vsel vm14, $0x4000, v2  }
0x9: {  	v3 =	vsel vm14, $0x6000, v3;
	v0 =	vsel vm13, $0x80, v0;
	v1 =	vsel vm13, $0x2080, v1  }
0xa: {  	v2 =	vsel vm13, $0x4080, v2;
	v3 =	vsel vm13, $0x6080, v3;
	v0 =	vsel vm12, $0x100, v0  }
0xb: {  	v1 =	vsel vm12, $0x2100, v1;
	v2 =	vsel vm12, $0x4100, v2;
	v3 =	vsel vm12, $0x6100, v3  }
0xc: {  	v0 =	vsel vm11, $0x180, v0;
	v1 =	vsel vm11, $0x2180, v1;
	v2 =	vsel vm11, $0x4180, v2  }
0xd: {  	v3 =	vsel vm11, $0x6180, v3;
	v0 =	vsel vm10, $0x200, v0;
	v1 =	vsel vm10, $0x2200, v1  }
0xe: {  	s0 =	rddreg [dreg:$0x0];
	s1 =	srdreg.scid;
	v2 =	vsel vm10, $0x4200, v2;
	v3 =	vsel vm10, $0x6200, v3;
	v0 =	vsel vm9, $0x280, v0  }
0xf: {  	s3 =	stileid.u32;
	s2 =	rddreg [dreg:$0x2];
	v1 =	vsel vm9, $0x2280, v1;
	v2 =	vsel vm9, $0x4280, v2;
	v3 =	vsel vm9, $0x6280, v3  }
0x10: {  	s4 =	simm.s32 $0x0;
	s28 =	simm.s32 $0x2;
	s29 =	simm.s32 $0x8000;
	v0 =	vsel vm8, $0x300, v0;
	v1 =	vsel vm8, $0x2300, v1;
	v2 =	vsel vm8, $0x4300, v2  }
0x11: {  	s30 =	simm.s32 $0x16000;
	s1 =	sand.u32 $0x1, s1;
	s3 =	sshll.u32 s3, $0x1;
	v3 =	vsel vm8, $0x6300, v3;
	v0 =	vsel vm7, $0x380, v0;
	v1 =	vsel vm7, $0x2380, v1  }
0x12: {  	s31 =	simm.s32 $0x3;
	s22 =	sadd.s32 $0x7A1A00, s2;
	s5 =	sor.u32 s1, s3;
	v2 =	vsel vm7, $0x4380, v2;
	v3 =	vsel vm7, $0x6380, v3;
	v0 =	vsel vm6, $0x1000, v0  }
0x13: {  	[smem:$0x7FF] =	sst s4;
	s10 =	sadd.s32 $0xA00, s2;
	s3 =	smul.u32 $0x180, s5;
	v1 =	vsel vm6, $0x3000, v1;
	v2 =	vsel vm6, $0x5000, v2;
	v3 =	vsel vm6, $0x7000, v3  }
0x14: {  	_ =	strace $0x80000047;
	[dreg:$0x4] =	wrdreg s22;
	s1 =	ssub.s32 $0x2, s1;
	v0 =	vsel vm5, $0x1080, v0;
	v1 =	vsel vm5, $0x3080, v1;
	v2 =	vsel vm5, $0x5080, v2  }
0x15: {  	s25 =	sshrl.u32 s1, $0x1;
	s26 =	ssub.s32 $0xA4B, s5;
	s6 =	sadd.s32 s0, s3;
	v3 =	vsel vm5, $0x7080, v3;
	v0 =	vsel vm4, $0x1100, v0;
	v1 =	vsel vm4, $0x3100, v1  }
0x16: {  	p0 =	sne.s32 s5, $0x0;
	s1 =	ssub.s32 s1, s25;
	s23 =	sadd.s32 $0x1E8500, s6;
	v2 =	vsel vm4, $0x5100, v2;
	v3 =	vsel vm4, $0x7100, v3;
	v0 =	vsel vm3, $0x1180, v0  }
.Ltmp0:
0x17: {  	s13 =	sshrl.u32 s26, $0x5;
	s24 =	sadd.s32 $0x2DC780, s6;
	v1 =	vsel vm3, $0x3180, v1;
	v2 =	vsel vm3, $0x5180, v2;
	v3 =	vsel vm3, $0x7180, v3;
	(pc) =	sbr.rel .LBB2_1-.Ltmp0, $4  }
0x18: {  	s25 =	simm.s32 $0x1;
	s26 =	simm.s32 $0x10000;
	s11 =	sadd.s32 $0x3D0A00, s6;
	v0 =	vsel vm2, $0x1200, v0;
	v1 =	vsel vm2, $0x3200, v1;
	v2 =	vsel vm2, $0x5200, v2  }
0x19: {  	s16 =	smax.u32 s1, $0x1;
	s3 =	simm.s32 $0x4;
	s12 =	sadd.s32 $0x4C4C80, s6;
	v3 =	vsel vm2, $0x7200, v3;
	v0 =	vsel vm1, $0x1280, v0;
	v1 =	vsel vm1, $0x3280, v1  }
0x1a: {  	s1 =	simm.s32 $0x0;
	s15 =	sadd.s32 $0x5B8F00, s6;
	[dreg:$0x5] =	wrdreg s23;
	v2 =	vsel vm1, $0x5280, v2;
	v3 =	vsel vm1, $0x7280, v3;
	v0 =	vsel vm0, $0x1300, v0  }
0x1b: {  	s14 =	sadd.s32 $0xF4280, s6;
	s17 =	sadd.s32 $0x6AD180, s6;
	[dreg:$0x6] =	wrdreg s24;
	v1 =	vsel vm0, $0x3300, v1;
	v2 =	vsel vm0, $0x5300, v2;
	v3 =	vsel vm0, $0x7300, v3  }
.LBB2_11:
0x1c: {  	_ =	swait.ge [sflag:s31], $0x6000  }
0x1d: {  	[sflag:s31] =	ssyncset.done $0x0  }
0x1e: {  	[sflag:s31] =	ssyncadd.s32 $0xFFFFA000  }
0x1f: {  	_ =	swait.ge [sflag:s3], $0x6000  }
0x20: {  	[sflag:s3] =	ssyncset.done $0x0  }
0x21: {  	[sflag:s3] =	ssyncadd.s32 $0xFFFFA000  }
0x22: {  	s2 =	simm.s32 @!p0 $0x0;
	s7 =	simm.s32 @!p0 $0x10000;
	s8 =	rddreg [dreg:$0x1]  }
0x23: {  	[tilespmem:s7], [sflag:$0x5] =	stream.linear.gather @!p0 [hbm4b:s8+s2], $0x1000, $0x38;
	[tilespmem:$0x1C000] =	vst v63  }
0x24: {  	s8 =	simm.s32 @!p0 $0x5  }
0x25: {  	s1 =	sadd.s32 $0x1, s1;
	_ =	swait.ge @!p0 [sflag:s8], $0x1000  }
0x26: {  	p1 =	sne.s32 s1, s16;
	[sflag:s8] =	ssyncset.done @!p0 $0x0  }
.Ltmp1:
0x27: {  	s9 =	rddreg [dreg:$0x4];
	[sflag:s8] =	ssyncadd.s32 @!p0 $0xFFFFF000;
	(pc) =	sbr.rel @!p1 .LBB2_12-.Ltmp1, $4  }
0x28: {  	[hbm4b:s9+s2] =	stream.linear.scatter @!p0 [tilespmem:s7], [sflag:$0x5], $0x1000, $0x38;
	[tilespmem:$0x1C000] =	vst v63  }
0x29: {  	_ =	swait.ge @!p0 [sflag:s8], $0x1000  }
0x2a: {  	[sflag:s8] =	ssyncset.done @!p0 $0x0  }
0x2b: {  	[sflag:s8] =	ssyncadd.s32 @!p0 $0xFFFFF000  }
.LBB2_1:
0x2c: {  	[tilespmem:s4], [sflag:$0x1] =	stream.linear.gather [hbm4b:s6+s4], $0xC00, $0x38;
	[tilespmem:$0x1C000] =	vst v63  }
0x2d: {  	s2 =	simm.s32 $0x1000  }
0x2e: {  	[tilespmem:s2], [sflag:$0x1] =	stream.linear.gather [hbm4b:s14+s4], $0xC00, $0x38;
	[tilespmem:$0x1C000] =	vst v63  }
0x2f: {  	s18 =	rddreg [dreg:$0x5];
	s7 =	simm.s32 $0x2000  }
0x30: {  	[tilespmem:s7], [sflag:$0x1] =	stream.linear.gather [hbm4b:s18+s4], $0xC00, $0x38;
	[tilespmem:$0x1C000] =	vst v63  }
0x31: {  	s19 =	rddreg [dreg:$0x6];
	s20 =	simm.s32 $0x3000  }
0x32: {  	[tilespmem:s20], [sflag:$0x1] =	stream.linear.gather [hbm4b:s19+s4], $0xC00, $0x38;
	[tilespmem:$0x1C000] =	vst v63  }
0x33: {  	s21 =	simm.s32 $0x4000  }
0x34: {  	[tilespmem:s21], [sflag:$0x1] =	stream.linear.gather [hbm4b:s11+s4], $0xC00, $0x38;
	[tilespmem:$0x1C000] =	vst v63  }
0x35: {  	s22 =	simm.s32 $0x5000  }
0x36: {  	[tilespmem:s22], [sflag:$0x1] =	stream.linear.gather [hbm4b:s12+s4], $0xC00, $0x38;
	[tilespmem:$0x1C000] =	vst v63  }
.Ltmp2:
0x37: {  	_ = 	snop;
	(pc) =	sbr.rel .LBB2_2-.Ltmp2, $4  }
0x38: {  	s23 =	simm.s32 $0x6000  }
0x39: {  	[tilespmem:s23], [sflag:$0x1] =	stream.linear.gather [hbm4b:s15+s4], $0xC00, $0x38;
	[tilespmem:$0x1C000] =	vst v63  }
0x3a: {  	s24 =	simm.s32 $0x7000;
	s2 =	simm.s32 $0x0  }
0x3b: {  	[tilespmem:s24], [sflag:$0x1] =	stream.linear.gather [hbm4b:s17+s4], $0xC00, $0x38;
	[tilespmem:$0x1C000] =	vst v63  }
.LBB2_10:
0x3c: {  	s2 =	sadd.s32 $0x1, s2  }
0x3d: {  	p1 =	sne.s32 s2, $0x2A  }
.Ltmp3:
0x3e: {  	_ = 	snop;
	(pc) =	sbr.rel @!p1 .LBB2_11-.Ltmp3, $1  }
0x3f: {  	_ =	sdelay $0x3  }
.LBB2_2:
0x40: {  	s19 =	sshll.u32 s2, $0x1  }
0x41: {  	p2 =	sge.u32 s19, s13  }
.Ltmp4:
0x42: {  	_ = 	snop;
	(pc) =	sbr.rel @p2 .LBB2_6-.Ltmp4, $3  }
0x43: {  	_ =	sdelay $0x1  }
0x44: {  	s18 =	sshllo.u32 s2, $0x1  }
0x45: {  	p1 =	sge.u32 s18, s13  }
0x46: {  	s20 =	sshll.u32 @!p1 s18, $0x5  }
0x47: {  	s20 =	sor.u32 @!p1 s5, s20  }
0x48: {  	s20 =	smul.u32 @!p1 $0x180, s20;
	_ =	sdelay $0x1  }
0x49: {  	s21 =	simm.s32 @!p1 $0x0;
	s22 =	simm.s32 @!p1 $0x8000;
	s20 =	sadd.s32 @!p1 s0, s20  }
0x4a: {  	[tilespmem:s22], [sflag:$0x2] =	stream.linear.gather @!p1 [hbm4b:s20+s21], $0xC00, $0x38;
	[tilespmem:$0x1C000] =	vst v63  }
0x4b: {  	s23 =	simm.s32 @!p1 $0x9000;
	s22 =	sadd.s32 @!p1 $0xF4280, s20  }
0x4c: {  	[tilespmem:s23], [sflag:$0x2] =	stream.linear.gather @!p1 [hbm4b:s22+s21], $0xC00, $0x38;
	[tilespmem:$0x1C000] =	vst v63  }
0x4d: {  	s22 =	sadd.s32 @!p1 $0x1E8500, s20;
	s23 =	simm.s32 @!p1 $0xA000  }
0x4e: {  	[tilespmem:s23], [sflag:$0x2] =	stream.linear.gather @!p1 [hbm4b:s22+s21], $0xC00, $0x38;
	[tilespmem:$0x1C000] =	vst v63  }
0x4f: {  	s22 =	sadd.s32 @!p1 $0x2DC780, s20;
	s23 =	simm.s32 @!p1 $0xB000  }
0x50: {  	[tilespmem:s23], [sflag:$0x2] =	stream.linear.gather @!p1 [hbm4b:s22+s21], $0xC00, $0x38;
	[tilespmem:$0x1C000] =	vst v63  }
0x51: {  	s7 =	simm.s32 $0x0;
	s22 =	sadd.s32 @!p1 $0x3D0A00, s20;
	s23 =	simm.s32 @!p1 $0xC000  }
0x52: {  	[tilespmem:s23], [sflag:$0x2] =	stream.linear.gather @!p1 [hbm4b:s22+s21], $0xC00, $0x38;
	[tilespmem:$0x1C000] =	vst v63  }
0x53: {  	s24 =	simm.s32 $0x2;
	s22 =	sadd.s32 @!p1 $0x4C4C80, s20;
	s23 =	simm.s32 @!p1 $0xD000  }
0x54: {  	[tilespmem:s23], [sflag:$0x2] =	stream.linear.gather @!p1 [hbm4b:s22+s21], $0xC00, $0x38;
	[tilespmem:$0x1C000] =	vst v63  }
0x55: {  	s8 =	simm.s32 $0x4;
	s22 =	sadd.s32 @!p1 $0x5B8F00, s20;
	s23 =	simm.s32 @!p1 $0xE000  }
0x56: {  	v5 =	vmov s7;
	v6 =	vmov s24;
	[tilespmem:s23], [sflag:$0x2] =	stream.linear.gather @!p1 [hbm4b:s22+s21], $0xC00, $0x38;
	[tilespmem:$0x1C000] =	vst v63  }
0x57: {  	v9 =	vmov s8;
	v8 =	vshll.u32 v6, $0x3;
	v11 =	vshll.u32 v5, $0x3;
	s23 =	simm.s32 $0x6  }
0x58: {  	v12 =	vshll.u32 v9, $0x3;
	v5 =	vand.u32 $0x78, v5;
	s20 =	sadd.s32 @!p1 $0x6AD180, s20;
	v4 =	vmov s23;
	s23 =	simm.s32 @!p1 $0xF000  }
0x59: {  	v9 =	vand.u32 $0x7C, v9;
	v6 =	vand.u32 $0x7A, v6;
	v11 =	vand.u32 $0xC00, v11;
	[tilespmem:s23], [sflag:$0x2] =	stream.linear.gather @!p1 [hbm4b:s20+s21], $0xC00, $0x38;
	[tilespmem:$0x1C000] =	vst v63  }
0x5a: {  	v12 =	vand.u32 $0xC00, v12;
	v8 =	vand.u32 $0xC00, v8;
	v14 =	vor.u32 v0, v11;
	_ =	swait.ge [sflag:s25], $0x6000  }
0x5b: {  	p2 =	seq.s32 s2, $0x0;
	v15 =	vor.u32 v0, v12;
	v16 =	vor.u32 v5, v14;
	v7 =	vshll.u32 v4, $0x3;
	[sflag:s25] =	ssyncset.done $0x0  }
0x5c: {  	v18 =	vor.u32 v0, v8;
	v17 =	vor.u32 v9, v15;
	s20 =	simm.s32 @!p2 $0x3;
	v7 =	vand.u32 $0xC00, v7;
	[sflag:s25] =	ssyncadd.s32 $0xFFFFA000  }
0x5d: {  	v19 =	vor.u32 v6, v18;
	v4 =	vand.u32 $0x7E, v4;
	v10 =	vor.u32 v0, v7;
	_ =	swait.ge @!p2 [sflag:s20], $0x6000  }
0x5e: {  	v13 =	vor.u32 v4, v10;
	[sflag:s20] =	ssyncset.done @!p2 $0x0  }
0x5f: {  	[sflag:s20] =	ssyncadd.s32 @!p2 $0xFFFFA000  }
0x60: {  	v22 =	vor.u32 v1, v11;
	v16 =	vld.idx.msk [tilespmem:v16+s4+$0x0], $0xffff  }
0x61: {  	v24 =	vor.u32 v1, v12;
	v23 =	vor.u32 v5, v22;
	v17 =	vld.idx.msk [tilespmem:v17+s4+$0x0], $0xffff  }
0x62: {  	v26 =	vor.u32 v1, v8;
	v25 =	vor.u32 v9, v24;
	v19 =	vld.idx.msk [tilespmem:v19+s4+$0x0], $0xffff  }
0x63: {  	v27 =	vor.u32 v6, v26;
	v20 =	vor.u32 v1, v7;
	v13 =	vld.idx.msk [tilespmem:v13+s4+$0x0], $0xffff  }
0x64: {  	v21 =	vor.u32 v4, v20;
	s20 =	simm.s32 $0x10100  }
0x65: {  	[tilespmem:s20+$0xFFFFFF00] =	vst v16  }
0x66: {  	v29 =	vor.u32 v2, v12;
	[tilespmem:s20+$0x0] =	vst v17;
	v17 =	vld.idx.msk [tilespmem:v23+s4+$0x0], $0xffff;
	v23 =	vor.u32 v2, v11  }
0x67: {  	v30 =	vor.u32 v3, v11;
	[tilespmem:s20+$0xFFFFFF80] =	vst v19;
	v25 =	vld.idx.msk [tilespmem:v25+s4+$0x0], $0xffff;
	v28 =	vor.u32 v5, v23  }
0x68: {  	v19 =	vor.u32 v2, v8;
	[tilespmem:s20+$0x80] =	vst v13;
	v11 =	vor.u32 v9, v29;
	v27 =	vld.idx.msk [tilespmem:v27+s4+$0x0], $0xffff  }
0x69: {  	v13 =	vor.u32 v2, v7;
	v32 =	vor.u32 v6, v19;
	v16 =	vld.idx.msk [tilespmem:v21+s4+$0x0], $0xffff  }
0x6a: {  	v21 =	vor.u32 v4, v13  }
0x6b: {  	v31 =	vor.u32 $0x1, v5;
	v12 =	vor.u32 v3, v12;
	[tilespmem:s20+$0xFFFFFF10] =	vst v17  }
0x6c: {  	v37 =	vor.u32 $0x1, v9;
	v14 =	vor.u32 v31, v14;
	v22 =	vor.u32 v31, v22;
	s22 =	simm.s32 $0x8;
	[tilespmem:s20+$0x10] =	vst v25;
	v28 =	vld.idx.msk [tilespmem:v28+s4+$0x0], $0xffff  }
0x6d: {  	v15 =	vor.u32 v37, v15;
	v34 =	vmov s22;
	s23 =	simm.s32 $0xA;
	v8 =	vor.u32 v3, v8;
	[tilespmem:s20+$0xFFFFFF90] =	vst v27;
	v11 =	vld.idx.msk [tilespmem:v11+s4+$0x0], $0xffff  }
0x6e: {  	s9 =	simm.s32 $0xE;
	v35 =	vmov s23;
	v7 =	vor.u32 v3, v7;
	v5 =	vor.u32 v5, v30;
	[tilespmem:s20+$0x90] =	vst v16;
	v32 =	vld.idx.msk [tilespmem:v32+s4+$0x0], $0xffff  }
0x6f: {  	v25 =	vmov s9;
	v27 =	vor.u32 v9, v12;
	v9 =	vshll.u32 v35, $0x3;
	v17 =	vld.idx.msk [tilespmem:v21+s4+$0x0], $0xffff  }
0x70: {  	v16 =	vor.u32 $0x1, v4;
	v4 =	vor.u32 v4, v7;
	v33 =	vshll.u32 v25, $0x3  }
0x71: {  	v25 =	vand.u32 $0x7E, v25;
	v21 =	vor.u32 $0x1, v6;
	v6 =	vor.u32 v6, v8;
	[tilespmem:s20+$0xFFFFFF20] =	vst v28  }
0x72: {  	v38 =	vand.u32 $0xC00, v9;
	v10 =	vor.u32 v16, v10;
	v33 =	vand.u32 $0xC00, v33;
	[tilespmem:s20+$0x20] =	vst v11  }
0x73: {  	v20 =	vor.u32 v16, v20;
	v39 =	vor.u32 v0, v38;
	v36 =	vor.u32 v0, v33;
	[tilespmem:s20+$0xFFFFFFA0] =	vst v32  }
0x74: {  	v13 =	vor.u32 v16, v13;
	v32 =	vand.u32 $0x7A, v35;
	[tilespmem:s20+$0xA0] =	vst v17;
	v17 =	vor.u32 v25, v36;
	v5 =	vld.idx.msk [tilespmem:v5+s4+$0x0], $0xffff  }
0x75: {  	s24 =	simm.s32 $0xC;
	v18 =	vor.u32 v21, v18;
	v45 =	vor.u32 v21, v19;
	v27 =	vld.idx.msk [tilespmem:v27+s4+$0x0], $0xffff;
	v42 =	vor.u32 v32, v39  }
0x76: {  	v19 =	vor.u32 v1, v33;
	v28 =	vmov s24;
	v11 =	vshll.u32 v34, $0x3;
	v41 =	vld.idx.msk [tilespmem:v6+s4+$0x0], $0xffff  }
0x77: {  	v34 =	vand.u32 $0x78, v34;
	v9 =	vshll.u32 v28, $0x3;
	v56 =	vand.u32 $0xC00, v11;
	v4 =	vld.idx.msk [tilespmem:v4+s4+$0x0], $0xffff  }
0x78: {  	v11 =	vand.u32 $0x7C, v28;
	v40 =	vand.u32 $0xC00, v9;
	v28 =	vor.u32 v0, v56  }
0x79: {  	v9 =	vor.u32 v0, v40;
	v44 =	vor.u32 v34, v28;
	v17 =	vld.idx.msk [tilespmem:v17+s4+$0x0], $0xffff;
	[tilespmem:s20+$0xFFFFFF30] =	vst v5  }
0x7a: {  	v43 =	vor.u32 v11, v9;
	[tilespmem:s20+$0x30] =	vst v27;
	v5 =	vor.u32 v16, v7;
	v16 =	vld.idx.msk [tilespmem:v42+s4+$0x0], $0xffff  }
0x7b: {  	v7 =	vor.u32 v31, v30;
	v27 =	vor.u32 v1, v38;
	[tilespmem:s20+$0xFFFFFFB0] =	vst v41;
	v14 =	vld.idx.msk [tilespmem:v14+s4+$0x0], $0xffff  }
0x7c: {  	[tilespmem:s20+$0xB0] =	vst v4;
	v15 =	vld.idx.msk [tilespmem:v15+s4+$0x0], $0xffff;
	v4 =	vor.u32 v31, v23;
	v31 =	vor.u32 v32, v27  }
0x7d: {  	v58 =	vor.u32 v25, v19;
	v18 =	vld.idx.msk [tilespmem:v18+s4+$0x0], $0xffff  }
0x7e: {  	v24 =	vor.u32 v37, v24;
	s21 =	simm.s32 $0x10300;
	v29 =	vor.u32 v37, v29;
	v10 =	vld.idx.msk [tilespmem:v10+s4+$0x0], $0xffff  }
0x7f: {  	v60 =	vor.u32 v2, v38;
	v26 =	vor.u32 v21, v26;
	v57 =	vld.idx.msk [tilespmem:v44+s4+$0x0], $0xffff;
	[tilespmem:s21+$0x80] =	vst v17  }
0x80: {  	v6 =	vor.u32 v21, v8;
	v21 =	vor.u32 v2, v33;
	v23 =	vld.idx.msk [tilespmem:v43+s4+$0x0], $0xffff;
	[tilespmem:s21+$0xFFFFFF80] =	vst v16  }
0x81: {  	v33 =	vor.u32 v3, v33;
	v8 =	vor.u32 v1, v40;
	[tilespmem:s20+$0xFFFFFF40] =	vst v14;
	v16 =	vld.idx.msk [tilespmem:v31+s4+$0x0], $0xffff  }
0x82: {  	v59 =	vor.u32 v1, v56;
	v46 =	vor.u32 v11, v8;
	[tilespmem:s20+$0x40] =	vst v15;
	v61 =	vld.idx.msk [tilespmem:v58+s4+$0x0], $0xffff  }
0x83: {  	v49 =	vor.u32 v32, v60;
	[tilespmem:s20+$0xC0] =	vst v10;
	v10 =	vor.u32 v34, v59;
	v22 =	vld.idx.msk [tilespmem:v22+s4+$0x0], $0xffff  }
0x84: {  	v47 =	vor.u32 v25, v21;
	v62 =	vor.u32 v2, v56;
	[tilespmem:s20+$0xFFFFFFC0] =	vst v18;
	v20 =	vld.idx.msk [tilespmem:v20+s4+$0x0], $0xffff  }
0x85: {  	v50 =	vor.u32 v34, v62;
	v30 =	vor.u32 v3, v56;
	v15 =	vld.idx.msk [tilespmem:v24+s4+$0x0], $0xffff;
	[tilespmem:s21+$0xFFFFFF00] =	vst v57  }
0x86: {  	v48 =	vor.u32 $0x1, v34;
	v38 =	vor.u32 v3, v38;
	v17 =	vor.u32 v34, v30;
	v51 =	vld.idx.msk [tilespmem:v26+s4+$0x0], $0xffff;
	[tilespmem:s21+$0x0] =	vst v23  }
0x87: {  	v14 =	vor.u32 v48, v28;
	v18 =	vor.u32 v2, v40;
	v46 =	vld.idx.msk [tilespmem:v46+s4+$0x0], $0xffff;
	[tilespmem:s21+$0xFFFFFF90] =	vst v16  }
0x88: {  	v24 =	vor.u32 v32, v38;
	v26 =	vor.u32 v37, v12;
	[tilespmem:s21+$0x90] =	vst v61;
	v28 =	vld.idx.msk [tilespmem:v10+s4+$0x0], $0xffff  }
0x89: {  	v63 =	vor.u32 v11, v18;
	v23 =	vor.u32 v25, v33;
	v25 =	vor.u32 $0x1, v25;
	v34 =	vld.idx.msk [tilespmem:v49+s4+$0x0], $0xffff;
	[tilespmem:s20+$0xD0] =	vst v20  }
0x8a: {  	v12 =	vor.u32 v25, v21;
	v21 =	vor.u32 v48, v30;
	[tilespmem:s20+$0x50] =	vst v15;
	v52 =	vld.idx.msk [tilespmem:v13+s4+$0x0], $0xffff  }
0x8b: {  	v16 =	vor.u32 v25, v19;
	[tilespmem:s20+$0xFFFFFF50] =	vst v22;
	v10 =	vor.u32 v48, v59;
	v31 =	vld.idx.msk [tilespmem:v29+s4+$0x0], $0xffff  }
0x8c: {  	v22 =	vor.u32 v25, v36;
	v35 =	vld.idx.msk [tilespmem:v47+s4+$0x0], $0xffff;
	[tilespmem:s20+$0xFFFFFFD0] =	vst v51;
	v20 =	vor.u32 $0x1, v32;
	v29 =	vor.u32 v48, v62  }
0x8d: {  	v30 =	vld.idx.msk [tilespmem:v45+s4+$0x0], $0xffff;
	v19 =	vor.u32 v20, v39;
	v15 =	vor.u32 v20, v27;
	[tilespmem:s21+$0xFFFFFF10] =	vst v28  }
0x8e: {  	v13 =	vor.u32 v20, v60;
	v20 =	vor.u32 v20, v38;
	[tilespmem:s21+$0x10] =	vst v46;
	v32 =	vld.idx.msk [tilespmem:v50+s4+$0x0], $0xffff  }
0x8f: {  	s22 =	simm.s32 $0x10300;
	s23 =	simm.s32 $0x4;
	s24 =	simm.s32 $0x10;
	v28 =	vor.u32 v25, v33;
	v33 =	vld.idx.msk [tilespmem:v63+s4+$0x0], $0xffff;
	v25 =	vor.u32 v3, v40;
	[tilespmem:s20+$0xE0] =	vst v52  }
.LBB2_4:
0x90: {  	v36 =	vmov s24;
	s7 =	sadd.s32 $0x2, s24;
	s8 =	sadd.s32 $0x4, s24;
	s9 =	sadd.s32 $0x6, s24;
	v37 =	vor.u32 v11, v25;
	v38 =	vor.u32 $0x1, v11;
	[tilespmem:s20+$0x60] =	vst v31;
	v11 =	vld.idx.msk [tilespmem:v5+s4+$0x0], $0xffff;
	v5 =	vmovc v28  }
0x91: {  	s23 =	sadd.s32 $0x4, s23;
	v27 =	vmov s7;
	v28 =	vmov s9;
	[tilespmem:s21+$0xFFFFFFA0] =	vst v34;
	v31 =	vor.u32 v38, v9;
	v26 =	vld.idx.msk [tilespmem:v26+s4+$0x0], $0xffff  }
0x92: {  	v34 =	vmov s8;
	p2 =	slt.u32 s23, $0xBC;
	v9 =	vshll.u32 v27, $0x3;
	v39 =	vshll.u32 v28, $0x3;
	[tilespmem:s21+$0xA0] =	vst v35;
	v35 =	vld.idx.msk [tilespmem:v4+s4+$0x0], $0xffff;
	v4 =	vmovc v29  }
0x93: {  	v28 =	vand.u32 $0x7E, v28;
	v29 =	vand.u32 $0xC00, v9;
	v39 =	vand.u32 $0xC00, v39;
	[tilespmem:s21+$0xFFFFFF20] =	vst v32;
	v23 =	vld.idx.msk [tilespmem:v23+s4+$0x0], $0xffff  }
0x94: {  	v32 =	vor.u32 v0, v29;
	v40 =	vor.u32 v0, v39;
	v41 =	vor.u32 v2, v39;
	v17 =	vld.idx.msk [tilespmem:v17+s4+$0x0], $0xffff  }
0x95: {  	v42 =	vand.u32 $0x7A, v27;
	v9 =	vshll.u32 v34, $0x3;
	v43 =	vor.u32 v28, v40;
	v24 =	vld.idx.msk [tilespmem:v24+s4+$0x0], $0xffff;
	[tilespmem:s21+$0x20] =	vst v33  }
0x96: {  	v44 =	vor.u32 v1, v29;
	v27 =	vand.u32 $0xC00, v9;
	v33 =	vshll.u32 v36, $0x3;
	v37 =	vld.idx.msk [tilespmem:v37+s4+$0x0], $0xffff;
	[tilespmem:s20+$0xF0] =	vst v11  }
0x97: {  	v46 =	vor.u32 v1, v39;
	v45 =	vor.u32 v42, v32;
	v33 =	vand.u32 $0xC00, v33;
	[tilespmem:s20+$0xFFFFFFE0] =	vst v30  }
0x98: {  	v11 =	vand.u32 $0x7C, v34;
	v30 =	vor.u32 v0, v33;
	v47 =	vor.u32 v3, v33;
	[tilespmem:s20+$0xFFFFFF60] =	vst v35;
	v34 =	vld.idx.msk [tilespmem:v6+s4+$0x0], $0xffff  }
0x99: {  	v48 =	vor.u32 $0x1, v28;
	v9 =	vor.u32 v0, v27;
	v35 =	vor.u32 v2, v29;
	[tilespmem:s21+$0xB0] =	vst v23;
	v49 =	vld.idx.msk [tilespmem:v7+s4+$0x0], $0xffff  }
0x9a: {  	v36 =	vand.u32 $0x78, v36;
	v50 =	vor.u32 v42, v44;
	v51 =	vor.u32 v11, v9;
	v43 =	vld.idx.msk [tilespmem:v43+s4+$0x0], $0xffff;
	[tilespmem:s21+$0xFFFFFF30] =	vst v17  }
0x9b: {  	v54 =	vor.u32 v28, v41;
	v53 =	vor.u32 $0x1, v36;
	v52 =	vor.u32 v36, v30;
	[tilespmem:s21+$0xFFFFFFB0] =	vst v24;
	v22 =	vld.idx.msk [tilespmem:v22+s4+$0x0], $0xffff  }
0x9c: {  	v55 =	vor.u32 $0x1, v42;
	v56 =	vor.u32 v28, v46;
	v17 =	vor.u32 v36, v47;
	v57 =	vld.idx.msk [tilespmem:v14+s4+$0x0], $0xffff;
	[tilespmem:s21+$0x30] =	vst v37  }
0x9d: {  	v29 =	vor.u32 v3, v29;
	v6 =	vmov v20;
	v37 =	vor.u32 v3, v39;
	v31 =	vld.idx.msk [tilespmem:v31+s4+$0x0], $0xffff;
	[tilespmem:s20+$0x70] =	vst v26  }
0x9e: {  	v7 =	vmov v21;
	v39 =	vor.u32 v42, v35;
	s21 =	sadd.s32 $0x200, s21;
	v23 =	vor.u32 v28, v37;
	v20 =	vld.idx.msk [tilespmem:v45+s4+$0x0], $0xffff;
	[tilespmem:s20+$0xFFFFFFF0] =	vst v34  }
0x9f: {  	v14 =	vor.u32 v53, v30;
	v28 =	vor.u32 v38, v8;
	v21 =	vld.idx.msk [tilespmem:v51+s4+$0x0], $0xffff;
	[tilespmem:s20+$0xFFFFFF70] =	vst v49;
	s20 =	smov.u32 s22;
	s22 =	smov.u32 s21  }
0xa0: {  	v24 =	vor.u32 v42, v29;
	v34 =	vor.u32 v38, v18;
	v30 =	vld.idx.msk [tilespmem:v52+s4+$0x0], $0xffff;
	[tilespmem:s21+$0x80] =	vst v43  }
0xa1: {  	v26 =	vor.u32 v38, v25;
	v18 =	vor.u32 v1, v33;
	v42 =	vld.idx.msk [tilespmem:v19+s4+$0x0], $0xffff;
	[tilespmem:s20+$0xC0] =	vst v22  }
0xa2: {  	v8 =	vor.u32 v1, v27;
	v25 =	vor.u32 v36, v18;
	[tilespmem:s20+$0xFFFFFF40] =	vst v57;
	v38 =	vld.idx.msk [tilespmem:v16+s4+$0x0], $0xffff  }
0xa3: {  	v43 =	vor.u32 v11, v8;
	v45 =	vld.idx.msk [tilespmem:v10+s4+$0x0], $0xffff;
	v10 =	vor.u32 v53, v18;
	[tilespmem:s20+$0x40] =	vst v31  }
0xa4: {  	v22 =	vor.u32 v48, v40;
	v16 =	vor.u32 v48, v46;
	[tilespmem:s21+$0xFFFFFF80] =	vst v20;
	v31 =	vld.idx.msk [tilespmem:v28+s4+$0x0], $0xffff  }
0xa5: {  	v19 =	vor.u32 v55, v32;
	v32 =	vor.u32 v48, v41;
	v40 =	vld.idx.msk [tilespmem:v50+s4+$0x0], $0xffff;
	[tilespmem:s21+$0x0] =	vst v21  }
0xa6: {  	v41 =	vor.u32 v55, v35;
	[tilespmem:s21+$0xFFFFFF00] =	vst v30;
	v30 =	vor.u32 v55, v44;
	v35 =	vld.idx.msk [tilespmem:v56+s4+$0x0], $0xffff  }
0xa7: {  	v20 =	vor.u32 v55, v29;
	v28 =	vor.u32 v48, v37;
	v25 =	vld.idx.msk [tilespmem:v25+s4+$0x0], $0xffff;
	[tilespmem:s20+$0xFFFFFFC0] =	vst v42  }
0xa8: {  	v29 =	vor.u32 v2, v33;
	v21 =	vor.u32 v53, v47;
	v33 =	vld.idx.msk [tilespmem:v43+s4+$0x0], $0xffff;
	[tilespmem:s20+$0xD0] =	vst v38  }
0xa9: {  	v18 =	vor.u32 v2, v27;
	v36 =	vor.u32 v36, v29;
	[tilespmem:s20+$0xFFFFFF50] =	vst v45;
	v37 =	vld.idx.msk [tilespmem:v15+s4+$0x0], $0xffff;
	v15 =	vmov v30  }
0xaa: {  	v29 =	vor.u32 v53, v29;
	v30 =	vor.u32 v11, v18;
	[tilespmem:s20+$0x50] =	vst v31;
	v38 =	vld.idx.msk [tilespmem:v12+s4+$0x0], $0xffff;
	v12 =	vmov v32  }
0xab: {  	[tilespmem:s21+$0xFFFFFF90] =	vst v40;
	v31 =	vld.idx.msk [tilespmem:v34+s4+$0x0], $0xffff  }
.Ltmp5:
0xac: {  	v34 =	vld.idx.msk [tilespmem:v39+s4+$0x0], $0xffff;
	[tilespmem:s21+$0x90] =	vst v35;
	(pc) =	sbr.rel @p2 .LBB2_4-.Ltmp5, $4  }
0xad: {  	[tilespmem:s21+$0xFFFFFF10] =	vst v25;
	v35 =	vld.idx.msk [tilespmem:v54+s4+$0x0], $0xffff  }
0xae: {  	v32 =	vld.idx.msk [tilespmem:v36+s4+$0x0], $0xffff;
	[tilespmem:s21+$0x10] =	vst v33  }
0xaf: {  	v33 =	vld.idx.msk [tilespmem:v30+s4+$0x0], $0xffff;
	[tilespmem:s20+$0xFFFFFFD0] =	vst v37  }
0xb0: {  	s24 =	sadd.s32 $0x8, s24;
	v25 =	vor.u32 v3, v27;
	v30 =	vld.idx.msk [tilespmem:v13+s4+$0x0], $0xffff;
	[tilespmem:s20+$0xE0] =	vst v38;
	v13 =	vmov v41  }
0xb1: {  	_ =	sdelay $0x1  }
0xb2: {  	v27 =	vor.u32 v11, v25  }
0xb3: {  	[tilespmem:s21+$0xA0] =	vst v35  }
0xb4: {  	[tilespmem:s21+$0xFFFFFFA0] =	vst v34;
	v23 =	vld.idx.msk [tilespmem:v23+s4+$0x0], $0xffff  }
0xb5: {  	v24 =	vld.idx.msk [tilespmem:v24+s4+$0x0], $0xffff;
	[tilespmem:s21+$0xFFFFFF20] =	vst v32  }
0xb6: {  	[tilespmem:s21+$0x20] =	vst v33;
	v17 =	vld.idx.msk [tilespmem:v17+s4+$0x0], $0xffff  }
0xb7: {  	v58 =	vor.u32 $0x1, v11;
	v27 =	vld.idx.msk [tilespmem:v27+s4+$0x0], $0xffff  }
0xb8: {  	v9 =	vor.u32 v58, v9  }
0xb9: {  	v5 =	vld.idx.msk [tilespmem:v5+s4+$0x0], $0xffff;
	[tilespmem:s21+$0xB0] =	vst v23  }
0xba: {  	[tilespmem:s21+$0xFFFFFFB0] =	vst v24;
	v22 =	vld.idx.msk [tilespmem:v22+s4+$0x0], $0xffff  }
0xbb: {  	v59 =	vld.idx.msk [tilespmem:v19+s4+$0x0], $0xffff;
	[tilespmem:s21+$0xFFFFFF30] =	vst v17  }
0xbc: {  	v14 =	vld.idx.msk [tilespmem:v14+s4+$0x0], $0xffff;
	[tilespmem:s21+$0x30] =	vst v27  }
0xbd: {  	v9 =	vld.idx.msk [tilespmem:v9+s4+$0x0], $0xffff  }
0xbe: {  	v8 =	vor.u32 v58, v8;
	[tilespmem:s20+$0xF0] =	vst v5  }
0xbf: {  	v4 =	vld.idx.msk [tilespmem:v4+s4+$0x0], $0xffff;
	[tilespmem:s22+$0xC0] =	vst v22  }
0xc0: {  	[tilespmem:s22+$0xFFFFFFC0] =	vst v59;
	v16 =	vld.idx.msk [tilespmem:v16+s4+$0x0], $0xffff  }
0xc1: {  	v61 =	vld.idx.msk [tilespmem:v15+s4+$0x0], $0xffff;
	[tilespmem:s22+$0xFFFFFF40] =	vst v14  }
0xc2: {  	v5 =	vld.idx.msk [tilespmem:v10+s4+$0x0], $0xffff;
	[tilespmem:s22+$0x40] =	vst v9  }
0xc3: {  	[tilespmem:s20+$0x60] =	vst v31;
	v8 =	vld.idx.msk [tilespmem:v8+s4+$0x0], $0xffff  }
0xc4: {  	v60 =	vor.u32 v58, v18;
	[tilespmem:s20+$0xFFFFFF60] =	vst v4  }
0xc5: {  	v62 =	vld.idx.msk [tilespmem:v26+s4+$0x0], $0xffff;
	[tilespmem:s22+$0xD0] =	vst v16  }
0xc6: {  	[tilespmem:s22+$0xFFFFFFD0] =	vst v61;
	v63 =	vld.idx.msk [tilespmem:v12+s4+$0x0], $0xffff  }
0xc7: {  	[tilespmem:s22+$0xFFFFFF50] =	vst v5;
	v5 =	vld.idx.msk [tilespmem:v13+s4+$0x0], $0xffff  }
0xc8: {  	v4 =	vld.idx.msk [tilespmem:v29+s4+$0x0], $0xffff;
	[tilespmem:s22+$0x50] =	vst v8  }
0xc9: {  	[tilespmem:s20+$0xFFFFFFE0] =	vst v30;
	v9 =	vld.idx.msk [tilespmem:v60+s4+$0x0], $0xffff  }
0xca: {  	v11 =	vor.u32 v58, v25;
	v6 =	vld.idx.msk [tilespmem:v6+s4+$0x0], $0xffff;
	[tilespmem:s20+$0x70] =	vst v62  }
0xcb: {  	v7 =	vld.idx.msk [tilespmem:v7+s4+$0x0], $0xffff;
	[tilespmem:s22+$0xE0] =	vst v63  }
0xcc: {  	[tilespmem:s22+$0xFFFFFFE0] =	vst v5;
	v8 =	vld.idx.msk [tilespmem:v28+s4+$0x0], $0xffff  }
0xcd: {  	[tilespmem:s22+$0xFFFFFF60] =	vst v4;
	v4 =	vld.idx.msk [tilespmem:v20+s4+$0x0], $0xffff  }
0xce: {  	v5 =	vld.idx.msk [tilespmem:v21+s4+$0x0], $0xffff;
	[tilespmem:s22+$0x60] =	vst v9  }
0xcf: {  	[tilespmem:s20+$0xFFFFFFF0] =	vst v6;
	v9 =	vld.idx.msk [tilespmem:v11+s4+$0x0], $0xffff  }
0xd0: {  	s7 =	sshll.u32 s2, $0x6;
	[tilespmem:s20+$0xFFFFFF70] =	vst v7  }
0xd1: {  	s7 =	sor.u32 s5, s7;
	[tilespmem:s22+$0xF0] =	vst v8  }
0xd2: {  	s7 =	smul.u32 $0xC00, s7;
	[tilespmem:s22+$0xFFFFFFF0] =	vst v4  }
0xd3: {  	[tilespmem:s22+$0xFFFFFF70] =	vst v5  }
0xd4: {  	s7 =	sadd.s32 s10, s7;
	[tilespmem:s22+$0x70] =	vst v9  }
0xd5: {  	[hbm4b:s7+s4] =	stream.linear.scatter [tilespmem:s26], [sflag:$0x3], $0x6000, $0x38;
	[tilespmem:$0x1C000] =	vst v63  }
.LBB2_6:
.Ltmp6:
0xd6: {  	(pc) =	sbr.rel @p1 .LBB2_10-.Ltmp6, $1  }
0xd7: {  	_ =	sdelay $0x3  }
0xd8: {  	s7 =	sadd.s32 $0x2, s19  }
0xd9: {  	p1 =	sge.u32 s7, s13  }
0xda: {  	s7 =	sshll.u32 @!p1 s7, $0x5  }
0xdb: {  	s7 =	sor.u32 @!p1 s5, s7  }
0xdc: {  	s7 =	smul.u32 @!p1 $0x180, s7;
	_ =	sdelay $0x1  }
0xdd: {  	s8 =	simm.s32 @!p1 $0x0;
	s7 =	sadd.s32 @!p1 s0, s7  }
0xde: {  	[tilespmem:s8], [sflag:$0x1] =	stream.linear.gather @!p1 [hbm4b:s7+s8], $0xC00, $0x38;
	[tilespmem:$0x1C000] =	vst v63  }
0xdf: {  	s19 =	simm.s32 @!p1 $0x1000;
	s9 =	sadd.s32 @!p1 $0xF4280, s7  }
0xe0: {  	[tilespmem:s19], [sflag:$0x1] =	stream.linear.gather @!p1 [hbm4b:s9+s8], $0xC00, $0x38;
	[tilespmem:$0x1C000] =	vst v63  }
0xe1: {  	s9 =	sadd.s32 @!p1 $0x1E8500, s7;
	s19 =	simm.s32 @!p1 $0x2000  }
0xe2: {  	[tilespmem:s19], [sflag:$0x1] =	stream.linear.gather @!p1 [hbm4b:s9+s8], $0xC00, $0x38;
	[tilespmem:$0x1C000] =	vst v63  }
0xe3: {  	s22 =	simm.s32 $0x6;
	s9 =	sadd.s32 @!p1 $0x2DC780, s7;
	s19 =	simm.s32 @!p1 $0x3000  }
0xe4: {  	[tilespmem:s19], [sflag:$0x1] =	stream.linear.gather @!p1 [hbm4b:s9+s8], $0xC00, $0x38;
	[tilespmem:$0x1C000] =	vst v63  }
0xe5: {  	s23 =	simm.s32 $0x0;
	s9 =	sadd.s32 @!p1 $0x3D0A00, s7;
	s19 =	simm.s32 @!p1 $0x4000  }
0xe6: {  	[tilespmem:s19], [sflag:$0x1] =	stream.linear.gather @!p1 [hbm4b:s9+s8], $0xC00, $0x38;
	[tilespmem:$0x1C000] =	vst v63  }
0xe7: {  	s20 =	simm.s32 $0x2;
	s9 =	sadd.s32 @!p1 $0x4C4C80, s7;
	s19 =	simm.s32 @!p1 $0x5000  }
0xe8: {  	[tilespmem:s19], [sflag:$0x1] =	stream.linear.gather @!p1 [hbm4b:s9+s8], $0xC00, $0x38;
	[tilespmem:$0x1C000] =	vst v63  }
0xe9: {  	s24 =	simm.s32 $0x4;
	v4 =	vmov s22;
	v5 =	vmov s23;
	s9 =	sadd.s32 @!p1 $0x5B8F00, s7;
	s19 =	simm.s32 @!p1 $0x6000  }
0xea: {  	v6 =	vmov s20;
	v9 =	vmov s24;
	v7 =	vshll.u32 v4, $0x3;
	[tilespmem:s19], [sflag:$0x1] =	stream.linear.gather @!p1 [hbm4b:s9+s8], $0xC00, $0x38;
	[tilespmem:$0x1C000] =	vst v63  }
0xeb: {  	v8 =	vshll.u32 v6, $0x3;
	v4 =	vand.u32 $0x7E, v4;
	v11 =	vshll.u32 v5, $0x3;
	s7 =	sadd.s32 @!p1 $0x6AD180, s7;
	s19 =	simm.s32 @!p1 $0x7000  }
0xec: {  	v12 =	vshll.u32 v9, $0x3;
	v5 =	vand.u32 $0x78, v5;
	v7 =	vand.u32 $0xC00, v7;
	[tilespmem:s19], [sflag:$0x1] =	stream.linear.gather @!p1 [hbm4b:s7+s8], $0xC00, $0x38;
	[tilespmem:$0x1C000] =	vst v63  }
0xed: {  	v9 =	vand.u32 $0x7C, v9;
	v11 =	vand.u32 $0xC00, v11;
	v10 =	vor.u32 v0, v7;
	_ =	swait.ge [sflag:s28], $0x6000  }
0xee: {  	v12 =	vand.u32 $0xC00, v12;
	v14 =	vor.u32 v0, v11;
	v13 =	vor.u32 v4, v10;
	p1 =	seq.s32 s2, $0x0;
	[sflag:s28] =	ssyncset.done $0x0  }
0xef: {  	v8 =	vand.u32 $0xC00, v8;
	v15 =	vor.u32 v0, v12;
	v16 =	vor.u32 v5, v14;
	s7 =	simm.s32 @!p1 $0x4;
	[sflag:s28] =	ssyncadd.s32 $0xFFFFA000  }
0xf0: {  	v6 =	vand.u32 $0x7A, v6;
	v18 =	vor.u32 v0, v8;
	v17 =	vor.u32 v9, v15;
	_ =	swait.ge @!p1 [sflag:s7], $0x6000  }
0xf1: {  	v19 =	vor.u32 v6, v18;
	[sflag:s7] =	ssyncset.done @!p1 $0x0  }
0xf2: {  	[sflag:s7] =	ssyncadd.s32 @!p1 $0xFFFFA000  }
0xf3: {  	v13 =	vld.idx.msk [tilespmem:v13+s29+$0x0], $0xffff  }
0xf4: {  	v20 =	vor.u32 v1, v7;
	v16 =	vld.idx.msk [tilespmem:v16+s29+$0x0], $0xffff  }
0xf5: {  	v22 =	vor.u32 v1, v11;
	v21 =	vor.u32 v4, v20;
	v17 =	vld.idx.msk [tilespmem:v17+s29+$0x0], $0xffff  }
0xf6: {  	v26 =	vor.u32 v1, v8;
	v23 =	vor.u32 v5, v22;
	v19 =	vld.idx.msk [tilespmem:v19+s29+$0x0], $0xffff  }
0xf7: {  	v27 =	vor.u32 v6, v26;
	s19 =	simm.s32 $0x16100  }
0xf8: {  	v24 =	vor.u32 v1, v12;
	[tilespmem:s19+$0x80] =	vst v13  }
0xf9: {  	v25 =	vor.u32 v9, v24;
	[tilespmem:s19+$0xFFFFFF00] =	vst v16  }
0xfa: {  	v13 =	vor.u32 v2, v7;
	[tilespmem:s19+$0x0] =	vst v17;
	v16 =	vld.idx.msk [tilespmem:v21+s29+$0x0], $0xffff  }
0xfb: {  	[tilespmem:s19+$0xFFFFFF80] =	vst v19;
	v21 =	vor.u32 v4, v13;
	v17 =	vld.idx.msk [tilespmem:v23+s29+$0x0], $0xffff;
	v23 =	vor.u32 v2, v11  }
0xfc: {  	v19 =	vor.u32 v2, v8;
	v27 =	vld.idx.msk [tilespmem:v27+s29+$0x0], $0xffff;
	v28 =	vor.u32 v5, v23  }
0xfd: {  	s22 =	simm.s32 $0x8;
	v32 =	vor.u32 v6, v19  }
0xfe: {  	v34 =	vmov s22;
	v29 =	vor.u32 v2, v12;
	v25 =	vld.idx.msk [tilespmem:v25+s29+$0x0], $0xffff  }
0xff: {  	v31 =	vor.u32 $0x1, v5;
	v30 =	vor.u32 v3, v11;
	v11 =	vor.u32 v9, v29;
	[tilespmem:s19+$0x90] =	vst v16  }
0x100: {  	s23 =	simm.s32 $0xA;
	v37 =	vor.u32 $0x1, v9;
	v12 =	vor.u32 v3, v12;
	v14 =	vor.u32 v31, v14;
	[tilespmem:s19+$0xFFFFFF10] =	vst v17;
	v17 =	vld.idx.msk [tilespmem:v21+s29+$0x0], $0xffff  }
0x101: {  	v35 =	vmov s23;
	v15 =	vor.u32 v37, v15;
	v7 =	vor.u32 v3, v7;
	[tilespmem:s19+$0xFFFFFF90] =	vst v27;
	v28 =	vld.idx.msk [tilespmem:v28+s29+$0x0], $0xffff  }
0x102: {  	s21 =	simm.s32 $0xE;
	v8 =	vor.u32 v3, v8;
	v16 =	vor.u32 $0x1, v4;
	v4 =	vor.u32 v4, v7;
	v32 =	vld.idx.msk [tilespmem:v32+s29+$0x0], $0xffff  }
0x103: {  	v5 =	vor.u32 v5, v30;
	[tilespmem:s19+$0x10] =	vst v25;
	v25 =	vmov s21;
	v27 =	vor.u32 v9, v12  }
0x104: {  	v9 =	vshll.u32 v35, $0x3;
	v21 =	vor.u32 $0x1, v6;
	v11 =	vld.idx.msk [tilespmem:v11+s29+$0x0], $0xffff;
	v33 =	vshll.u32 v25, $0x3  }
0x105: {  	v6 =	vor.u32 v6, v8;
	v10 =	vor.u32 v16, v10;
	v33 =	vand.u32 $0xC00, v33;
	[tilespmem:s19+$0xA0] =	vst v17  }
0x106: {  	v25 =	vand.u32 $0x7E, v25;
	v38 =	vand.u32 $0xC00, v9;
	v36 =	vor.u32 v0, v33;
	[tilespmem:s19+$0xFFFFFF20] =	vst v28  }
0x107: {  	v39 =	vor.u32 v0, v38;
	v17 =	vor.u32 v25, v36;
	[tilespmem:s19+$0xFFFFFFA0] =	vst v32;
	v32 =	vand.u32 $0x7A, v35;
	v4 =	vld.idx.msk [tilespmem:v4+s29+$0x0], $0xffff  }
0x108: {  	s24 =	simm.s32 $0xC;
	v20 =	vor.u32 v16, v20;
	v13 =	vor.u32 v16, v13;
	v5 =	vld.idx.msk [tilespmem:v5+s29+$0x0], $0xffff;
	v42 =	vor.u32 v32, v39  }
0x109: {  	v18 =	vor.u32 v21, v18;
	v45 =	vor.u32 v21, v19;
	v28 =	vmov s24;
	[tilespmem:s19+$0x20] =	vst v11  }
0x10a: {  	v19 =	vor.u32 v1, v33;
	v11 =	vshll.u32 v34, $0x3;
	v9 =	vshll.u32 v28, $0x3;
	v27 =	vld.idx.msk [tilespmem:v27+s29+$0x0], $0xffff  }
0x10b: {  	v34 =	vand.u32 $0x78, v34;
	v56 =	vand.u32 $0xC00, v11;
	v41 =	vld.idx.msk [tilespmem:v6+s29+$0x0], $0xffff;
	v40 =	vand.u32 $0xC00, v9  }
0x10c: {  	v11 =	vand.u32 $0x7C, v28;
	v28 =	vor.u32 v0, v56;
	v9 =	vor.u32 v0, v40;
	v17 =	vld.idx.msk [tilespmem:v17+s29+$0x0], $0xffff;
	[tilespmem:s19+$0xB0] =	vst v4  }
0x10d: {  	v44 =	vor.u32 v34, v28;
	[tilespmem:s19+$0xFFFFFF30] =	vst v5;
	v5 =	vor.u32 v16, v7;
	v16 =	vld.idx.msk [tilespmem:v42+s29+$0x0], $0xffff  }
0x10e: {  	v22 =	vor.u32 v31, v22;
	v58 =	vor.u32 v25, v19;
	v43 =	vor.u32 v11, v9;
	v10 =	vld.idx.msk [tilespmem:v10+s29+$0x0], $0xffff  }
0x10f: {  	[tilespmem:s19+$0x30] =	vst v27;
	v7 =	vor.u32 v31, v30;
	v27 =	vor.u32 v1, v38;
	v14 =	vld.idx.msk [tilespmem:v14+s29+$0x0], $0xffff  }
0x110: {  	v4 =	vor.u32 v31, v23;
	[tilespmem:s19+$0xFFFFFFB0] =	vst v41;
	v15 =	vld.idx.msk [tilespmem:v15+s29+$0x0], $0xffff;
	v31 =	vor.u32 v32, v27  }
0x111: {  	s20 =	simm.s32 $0x16300;
	v24 =	vor.u32 v37, v24;
	v29 =	vor.u32 v37, v29;
	v18 =	vld.idx.msk [tilespmem:v18+s29+$0x0], $0xffff  }
0x112: {  	v26 =	vor.u32 v21, v26;
	v60 =	vor.u32 v2, v38;
	v57 =	vld.idx.msk [tilespmem:v44+s29+$0x0], $0xffff;
	[tilespmem:s20+$0x80] =	vst v17  }
0x113: {  	v6 =	vor.u32 v21, v8;
	v21 =	vor.u32 v2, v33;
	v23 =	vld.idx.msk [tilespmem:v43+s29+$0x0], $0xffff;
	[tilespmem:s20+$0xFFFFFF80] =	vst v16  }
0x114: {  	v33 =	vor.u32 v3, v33;
	v8 =	vor.u32 v1, v40;
	v61 =	vld.idx.msk [tilespmem:v58+s29+$0x0], $0xffff;
	[tilespmem:s19+$0xC0] =	vst v10  }
0x115: {  	v59 =	vor.u32 v1, v56;
	v46 =	vor.u32 v11, v8;
	[tilespmem:s19+$0xFFFFFF40] =	vst v14;
	v16 =	vld.idx.msk [tilespmem:v31+s29+$0x0], $0xffff  }
0x116: {  	v49 =	vor.u32 v32, v60;
	v10 =	vor.u32 v34, v59;
	[tilespmem:s19+$0x40] =	vst v15;
	v20 =	vld.idx.msk [tilespmem:v20+s29+$0x0], $0xffff  }
0x117: {  	v47 =	vor.u32 v25, v21;
	v62 =	vor.u32 v2, v56;
	[tilespmem:s19+$0xFFFFFFC0] =	vst v18;
	v22 =	vld.idx.msk [tilespmem:v22+s29+$0x0], $0xffff  }
0x118: {  	v50 =	vor.u32 v34, v62;
	v30 =	vor.u32 v3, v56;
	v15 =	vld.idx.msk [tilespmem:v24+s29+$0x0], $0xffff;
	[tilespmem:s20+$0xFFFFFF00] =	vst v57  }
0x119: {  	v48 =	vor.u32 $0x1, v34;
	v38 =	vor.u32 v3, v38;
	v17 =	vor.u32 v34, v30;
	v51 =	vld.idx.msk [tilespmem:v26+s29+$0x0], $0xffff;
	[tilespmem:s20+$0x0] =	vst v23  }
0x11a: {  	v14 =	vor.u32 v48, v28;
	v18 =	vor.u32 v2, v40;
	v46 =	vld.idx.msk [tilespmem:v46+s29+$0x0], $0xffff;
	[tilespmem:s20+$0x90] =	vst v61  }
0x11b: {  	v24 =	vor.u32 v32, v38;
	v26 =	vor.u32 v37, v12;
	v28 =	vld.idx.msk [tilespmem:v10+s29+$0x0], $0xffff;
	[tilespmem:s20+$0xFFFFFF90] =	vst v16  }
0x11c: {  	v63 =	vor.u32 v11, v18;
	v23 =	vor.u32 v25, v33;
	v25 =	vor.u32 $0x1, v25;
	v35 =	vld.idx.msk [tilespmem:v47+s29+$0x0], $0xffff;
	[tilespmem:s19+$0xD0] =	vst v20  }
0x11d: {  	v12 =	vor.u32 v25, v21;
	v21 =	vor.u32 v48, v30;
	[tilespmem:s19+$0x50] =	vst v15;
	v52 =	vld.idx.msk [tilespmem:v13+s29+$0x0], $0xffff  }
0x11e: {  	v10 =	vor.u32 v48, v59;
	v16 =	vor.u32 v25, v19;
	[tilespmem:s19+$0xFFFFFF50] =	vst v22;
	v20 =	vor.u32 $0x1, v32;
	v31 =	vld.idx.msk [tilespmem:v29+s29+$0x0], $0xffff  }
0x11f: {  	v22 =	vor.u32 v25, v36;
	v34 =	vld.idx.msk [tilespmem:v49+s29+$0x0], $0xffff;
	[tilespmem:s19+$0xFFFFFFD0] =	vst v51;
	v19 =	vor.u32 v20, v39  }
0x120: {  	v15 =	vor.u32 v20, v27;
	v13 =	vor.u32 v20, v60;
	v30 =	vld.idx.msk [tilespmem:v45+s29+$0x0], $0xffff;
	[tilespmem:s20+$0xFFFFFF10] =	vst v28  }
0x121: {  	v20 =	vor.u32 v20, v38;
	v29 =	vor.u32 v48, v62;
	[tilespmem:s20+$0x10] =	vst v46;
	v32 =	vld.idx.msk [tilespmem:v50+s29+$0x0], $0xffff  }
0x122: {  	s22 =	simm.s32 $0x4;
	s23 =	simm.s32 $0x10;
	s21 =	simm.s32 $0x16300;
	v28 =	vor.u32 v25, v33;
	v33 =	vld.idx.msk [tilespmem:v63+s29+$0x0], $0xffff;
	v25 =	vor.u32 v3, v40;
	[tilespmem:s19+$0xE0] =	vst v52  }
.LBB2_8:
0x123: {  	v36 =	vmov s23;
	s7 =	sadd.s32 $0x2, s23;
	s8 =	sadd.s32 $0x4, s23;
	s9 =	sadd.s32 $0x6, s23;
	v37 =	vor.u32 v11, v25;
	v38 =	vor.u32 $0x1, v11;
	[tilespmem:s19+$0x60] =	vst v31;
	v11 =	vld.idx.msk [tilespmem:v5+s29+$0x0], $0xffff;
	v5 =	vmovc v28  }
0x124: {  	s22 =	sadd.s32 $0x4, s22;
	v27 =	vmov s7;
	v28 =	vmov s9;
	[tilespmem:s20+$0xFFFFFFA0] =	vst v34;
	v31 =	vor.u32 v38, v9;
	v26 =	vld.idx.msk [tilespmem:v26+s29+$0x0], $0xffff  }
0x125: {  	v34 =	vmov s8;
	p1 =	slt.u32 s22, $0xBC;
	v9 =	vshll.u32 v27, $0x3;
	v39 =	vshll.u32 v28, $0x3;
	[tilespmem:s20+$0xA0] =	vst v35;
	v35 =	vld.idx.msk [tilespmem:v4+s29+$0x0], $0xffff;
	v4 =	vmovc v29  }
0x126: {  	v28 =	vand.u32 $0x7E, v28;
	v29 =	vand.u32 $0xC00, v9;
	v39 =	vand.u32 $0xC00, v39;
	[tilespmem:s20+$0xFFFFFF20] =	vst v32;
	v23 =	vld.idx.msk [tilespmem:v23+s29+$0x0], $0xffff  }
0x127: {  	v32 =	vor.u32 v0, v29;
	v40 =	vor.u32 v0, v39;
	v41 =	vor.u32 v2, v39;
	v17 =	vld.idx.msk [tilespmem:v17+s29+$0x0], $0xffff  }
0x128: {  	v42 =	vand.u32 $0x7A, v27;
	v9 =	vshll.u32 v34, $0x3;
	v43 =	vor.u32 v28, v40;
	v24 =	vld.idx.msk [tilespmem:v24+s29+$0x0], $0xffff;
	[tilespmem:s20+$0x20] =	vst v33  }
0x129: {  	v44 =	vor.u32 v1, v29;
	v27 =	vand.u32 $0xC00, v9;
	v33 =	vshll.u32 v36, $0x3;
	v37 =	vld.idx.msk [tilespmem:v37+s29+$0x0], $0xffff;
	[tilespmem:s19+$0xF0] =	vst v11  }
0x12a: {  	v46 =	vor.u32 v1, v39;
	v45 =	vor.u32 v42, v32;
	v33 =	vand.u32 $0xC00, v33;
	[tilespmem:s19+$0xFFFFFFE0] =	vst v30  }
0x12b: {  	v11 =	vand.u32 $0x7C, v34;
	v30 =	vor.u32 v0, v33;
	v47 =	vor.u32 v3, v33;
	[tilespmem:s19+$0xFFFFFF60] =	vst v35;
	v34 =	vld.idx.msk [tilespmem:v6+s29+$0x0], $0xffff  }
0x12c: {  	v48 =	vor.u32 $0x1, v28;
	v9 =	vor.u32 v0, v27;
	v35 =	vor.u32 v2, v29;
	[tilespmem:s20+$0xB0] =	vst v23;
	v49 =	vld.idx.msk [tilespmem:v7+s29+$0x0], $0xffff  }
0x12d: {  	v36 =	vand.u32 $0x78, v36;
	v50 =	vor.u32 v42, v44;
	v51 =	vor.u32 v11, v9;
	v43 =	vld.idx.msk [tilespmem:v43+s29+$0x0], $0xffff;
	[tilespmem:s20+$0xFFFFFF30] =	vst v17  }
0x12e: {  	v54 =	vor.u32 v28, v41;
	v53 =	vor.u32 $0x1, v36;
	v52 =	vor.u32 v36, v30;
	[tilespmem:s20+$0xFFFFFFB0] =	vst v24;
	v22 =	vld.idx.msk [tilespmem:v22+s29+$0x0], $0xffff  }
0x12f: {  	v55 =	vor.u32 $0x1, v42;
	v56 =	vor.u32 v28, v46;
	v17 =	vor.u32 v36, v47;
	v57 =	vld.idx.msk [tilespmem:v14+s29+$0x0], $0xffff;
	[tilespmem:s20+$0x30] =	vst v37  }
0x130: {  	v29 =	vor.u32 v3, v29;
	v6 =	vmov v20;
	v37 =	vor.u32 v3, v39;
	v31 =	vld.idx.msk [tilespmem:v31+s29+$0x0], $0xffff;
	[tilespmem:s19+$0x70] =	vst v26  }
0x131: {  	v7 =	vmov v21;
	v39 =	vor.u32 v42, v35;
	s20 =	sadd.s32 $0x200, s20;
	v23 =	vor.u32 v28, v37;
	v20 =	vld.idx.msk [tilespmem:v45+s29+$0x0], $0xffff;
	[tilespmem:s19+$0xFFFFFFF0] =	vst v34  }
0x132: {  	v14 =	vor.u32 v53, v30;
	v28 =	vor.u32 v38, v8;
	v21 =	vld.idx.msk [tilespmem:v51+s29+$0x0], $0xffff;
	[tilespmem:s19+$0xFFFFFF70] =	vst v49;
	s19 =	smov.u32 s21;
	s21 =	smov.u32 s20  }
0x133: {  	v24 =	vor.u32 v42, v29;
	v34 =	vor.u32 v38, v18;
	v30 =	vld.idx.msk [tilespmem:v52+s29+$0x0], $0xffff;
	[tilespmem:s20+$0x80] =	vst v43  }
0x134: {  	v26 =	vor.u32 v38, v25;
	v18 =	vor.u32 v1, v33;
	v42 =	vld.idx.msk [tilespmem:v19+s29+$0x0], $0xffff;
	[tilespmem:s19+$0xC0] =	vst v22  }
0x135: {  	v8 =	vor.u32 v1, v27;
	v25 =	vor.u32 v36, v18;
	[tilespmem:s19+$0xFFFFFF40] =	vst v57;
	v38 =	vld.idx.msk [tilespmem:v16+s29+$0x0], $0xffff  }
0x136: {  	v43 =	vor.u32 v11, v8;
	v45 =	vld.idx.msk [tilespmem:v10+s29+$0x0], $0xffff;
	v10 =	vor.u32 v53, v18;
	[tilespmem:s19+$0x40] =	vst v31  }
0x137: {  	v22 =	vor.u32 v48, v40;
	v16 =	vor.u32 v48, v46;
	[tilespmem:s20+$0xFFFFFF80] =	vst v20;
	v31 =	vld.idx.msk [tilespmem:v28+s29+$0x0], $0xffff  }
0x138: {  	v19 =	vor.u32 v55, v32;
	v32 =	vor.u32 v48, v41;
	v40 =	vld.idx.msk [tilespmem:v50+s29+$0x0], $0xffff;
	[tilespmem:s20+$0x0] =	vst v21  }
0x139: {  	v41 =	vor.u32 v55, v35;
	[tilespmem:s20+$0xFFFFFF00] =	vst v30;
	v30 =	vor.u32 v55, v44;
	v35 =	vld.idx.msk [tilespmem:v56+s29+$0x0], $0xffff  }
0x13a: {  	v20 =	vor.u32 v55, v29;
	v28 =	vor.u32 v48, v37;
	v25 =	vld.idx.msk [tilespmem:v25+s29+$0x0], $0xffff;
	[tilespmem:s19+$0xFFFFFFC0] =	vst v42  }
0x13b: {  	v29 =	vor.u32 v2, v33;
	v21 =	vor.u32 v53, v47;
	v33 =	vld.idx.msk [tilespmem:v43+s29+$0x0], $0xffff;
	[tilespmem:s19+$0xD0] =	vst v38  }
0x13c: {  	v18 =	vor.u32 v2, v27;
	v36 =	vor.u32 v36, v29;
	[tilespmem:s19+$0xFFFFFF50] =	vst v45;
	v37 =	vld.idx.msk [tilespmem:v15+s29+$0x0], $0xffff;
	v15 =	vmov v30  }
0x13d: {  	v29 =	vor.u32 v53, v29;
	v30 =	vor.u32 v11, v18;
	[tilespmem:s19+$0x50] =	vst v31;
	v38 =	vld.idx.msk [tilespmem:v12+s29+$0x0], $0xffff;
	v12 =	vmov v32  }
0x13e: {  	[tilespmem:s20+$0xFFFFFF90] =	vst v40;
	v31 =	vld.idx.msk [tilespmem:v34+s29+$0x0], $0xffff  }
.Ltmp7:
0x13f: {  	v34 =	vld.idx.msk [tilespmem:v39+s29+$0x0], $0xffff;
	[tilespmem:s20+$0x90] =	vst v35;
	(pc) =	sbr.rel @p1 .LBB2_8-.Ltmp7, $4  }
0x140: {  	[tilespmem:s20+$0xFFFFFF10] =	vst v25;
	v35 =	vld.idx.msk [tilespmem:v54+s29+$0x0], $0xffff  }
0x141: {  	v32 =	vld.idx.msk [tilespmem:v36+s29+$0x0], $0xffff;
	[tilespmem:s20+$0x10] =	vst v33  }
0x142: {  	v33 =	vld.idx.msk [tilespmem:v30+s29+$0x0], $0xffff;
	[tilespmem:s19+$0xFFFFFFD0] =	vst v37  }
0x143: {  	s23 =	sadd.s32 $0x8, s23;
	v25 =	vor.u32 v3, v27;
	v30 =	vld.idx.msk [tilespmem:v13+s29+$0x0], $0xffff;
	[tilespmem:s19+$0xE0] =	vst v38;
	v13 =	vmov v41  }
0x144: {  	_ =	sdelay $0x1  }
0x145: {  	v27 =	vor.u32 v11, v25  }
0x146: {  	[tilespmem:s20+$0xA0] =	vst v35  }
0x147: {  	[tilespmem:s20+$0xFFFFFFA0] =	vst v34;
	v23 =	vld.idx.msk [tilespmem:v23+s29+$0x0], $0xffff  }
0x148: {  	v24 =	vld.idx.msk [tilespmem:v24+s29+$0x0], $0xffff;
	[tilespmem:s20+$0xFFFFFF20] =	vst v32  }
0x149: {  	[tilespmem:s20+$0x20] =	vst v33;
	v17 =	vld.idx.msk [tilespmem:v17+s29+$0x0], $0xffff  }
0x14a: {  	v58 =	vor.u32 $0x1, v11;
	v27 =	vld.idx.msk [tilespmem:v27+s29+$0x0], $0xffff  }
0x14b: {  	v9 =	vor.u32 v58, v9  }
0x14c: {  	v5 =	vld.idx.msk [tilespmem:v5+s29+$0x0], $0xffff;
	[tilespmem:s20+$0xB0] =	vst v23  }
0x14d: {  	[tilespmem:s20+$0xFFFFFFB0] =	vst v24;
	v22 =	vld.idx.msk [tilespmem:v22+s29+$0x0], $0xffff  }
0x14e: {  	v59 =	vld.idx.msk [tilespmem:v19+s29+$0x0], $0xffff;
	[tilespmem:s20+$0xFFFFFF30] =	vst v17  }
0x14f: {  	v14 =	vld.idx.msk [tilespmem:v14+s29+$0x0], $0xffff;
	[tilespmem:s20+$0x30] =	vst v27  }
0x150: {  	v9 =	vld.idx.msk [tilespmem:v9+s29+$0x0], $0xffff  }
0x151: {  	v8 =	vor.u32 v58, v8;
	[tilespmem:s19+$0xF0] =	vst v5  }
0x152: {  	v4 =	vld.idx.msk [tilespmem:v4+s29+$0x0], $0xffff;
	[tilespmem:s21+$0xC0] =	vst v22  }
0x153: {  	[tilespmem:s21+$0xFFFFFFC0] =	vst v59;
	v16 =	vld.idx.msk [tilespmem:v16+s29+$0x0], $0xffff  }
0x154: {  	v61 =	vld.idx.msk [tilespmem:v15+s29+$0x0], $0xffff;
	[tilespmem:s21+$0xFFFFFF40] =	vst v14  }
0x155: {  	v5 =	vld.idx.msk [tilespmem:v10+s29+$0x0], $0xffff;
	[tilespmem:s21+$0x40] =	vst v9  }
0x156: {  	[tilespmem:s19+$0x60] =	vst v31;
	v8 =	vld.idx.msk [tilespmem:v8+s29+$0x0], $0xffff  }
0x157: {  	v60 =	vor.u32 v58, v18;
	[tilespmem:s19+$0xFFFFFF60] =	vst v4  }
0x158: {  	v62 =	vld.idx.msk [tilespmem:v26+s29+$0x0], $0xffff;
	[tilespmem:s21+$0xD0] =	vst v16  }
0x159: {  	[tilespmem:s21+$0xFFFFFFD0] =	vst v61;
	v63 =	vld.idx.msk [tilespmem:v12+s29+$0x0], $0xffff  }
0x15a: {  	[tilespmem:s21+$0xFFFFFF50] =	vst v5;
	v5 =	vld.idx.msk [tilespmem:v13+s29+$0x0], $0xffff  }
0x15b: {  	v4 =	vld.idx.msk [tilespmem:v29+s29+$0x0], $0xffff;
	[tilespmem:s21+$0x50] =	vst v8  }
0x15c: {  	[tilespmem:s19+$0xFFFFFFE0] =	vst v30;
	v9 =	vld.idx.msk [tilespmem:v60+s29+$0x0], $0xffff  }
0x15d: {  	v11 =	vor.u32 v58, v25;
	v6 =	vld.idx.msk [tilespmem:v6+s29+$0x0], $0xffff;
	[tilespmem:s19+$0x70] =	vst v62  }
0x15e: {  	v7 =	vld.idx.msk [tilespmem:v7+s29+$0x0], $0xffff;
	[tilespmem:s21+$0xE0] =	vst v63  }
0x15f: {  	[tilespmem:s21+$0xFFFFFFE0] =	vst v5;
	v8 =	vld.idx.msk [tilespmem:v28+s29+$0x0], $0xffff  }
0x160: {  	[tilespmem:s21+$0xFFFFFF60] =	vst v4;
	v4 =	vld.idx.msk [tilespmem:v20+s29+$0x0], $0xffff  }
0x161: {  	v5 =	vld.idx.msk [tilespmem:v21+s29+$0x0], $0xffff;
	[tilespmem:s21+$0x60] =	vst v9  }
0x162: {  	[tilespmem:s19+$0xFFFFFFF0] =	vst v6;
	v9 =	vld.idx.msk [tilespmem:v11+s29+$0x0], $0xffff  }
0x163: {  	s7 =	sshll.u32 s18, $0x5;
	[tilespmem:s19+$0xFFFFFF70] =	vst v7  }
.Ltmp8:
0x164: {  	s7 =	sor.u32 s5, s7;
	[tilespmem:s21+$0xF0] =	vst v8;
	(pc) =	sbr.rel .LBB2_10-.Ltmp8, $4  }
0x165: {  	s7 =	smul.u32 $0xC00, s7;
	[tilespmem:s21+$0xFFFFFFF0] =	vst v4  }
0x166: {  	[tilespmem:s21+$0xFFFFFF70] =	vst v5  }
0x167: {  	s7 =	sadd.s32 s10, s7;
	[tilespmem:s21+$0x70] =	vst v9  }
0x168: {  	[hbm4b:s7+s4] =	stream.linear.scatter [tilespmem:s30], [sflag:$0x4], $0x6000, $0x38;
	[tilespmem:$0x1C000] =	vst v63  }
.LBB2_12:
0x169: {  	_ =	sfence.sel $0x180000  }
0x16a: {  	[bflag:$0x0] =	sbarrier.arrive $0xFFFF  }
0x16b: {  	_ =	strace $0x90000047  }
0x16c: {  	s0 =	stileid.u32;
	[bflag:$0x2] =	sbarrier.arrive $0xFFFF  }
0x16d: {  	p0 =	sne.s32 s0, $0x0;
	s0 =	rddreg [dreg:$0x3]  }
0x16e: {  	s0 =	sadd.s32 @!p0 $0x100000, s0  }
0x16f: {  	[sflag:s0] =	ssyncadd.tile.s32 @!p0 $0x1;
	_ =	shalt  }
.Lfunc_end2:
_tile_overlayer_lowered:
.L_overlay_start_2:
0x170: {  	(tag) =	ssettag $0x2  }
0x171: {  	s0 =	rddreg [dreg:$0x0];
	s2 =	stileid.u32  }
0x172: {  	s1 =	rddreg [dreg:$0x1];
	p0 =	sne.s32 s2, $0x0  }
0x173: {  	s3 =	rddreg [dreg:$0x2];
	[bflag:$0x3] =	sbarrier.arrive $0xFFFF;
	s2 =	simm.s32 @!p0 $0x1C05  }
0x174: {  	[timem:s3], [sflag:s2] =	dma.local @!p0 [hbm:s0], s1  }
0x175: {  	s0 =	simm.s32 @!p0 $0x5  }
0x176: {  	_ =	swait.ge @!p0 [sflag:s0], s1  }
0x177: {  	s1 =	ssub.s32 @!p0 $0x0, s1;
	[sflag:s0] =	ssyncset.done @!p0 $0x0  }
0x178: {  	[sflag:s0] =	ssyncadd.s32 @!p0 s1  }
0x179: {  	[bflag:$0x3] =	sbarrier.arrive $0xFFFF  }
0x17a: {  	_ =	shalt  }

// kernel: kernel.7.cloned.1.call-start
scs
__scs_entry_jumppad:
0x0: {  	(pc) =	sbr.rel $0x88, $3  }
0x1: {  	(tag) =	ssettag $0x0;
	lr =	simm.s32 $0x1  }
0x2: {  	[smem:$0x3F9F] =	sst lr;
	_ =	strace $0xD0000000  }
0x3: {  	_ = 	snop  }
0x4: {  	_ = 	snop  }
0x5: {  	_ = 	snop  }
0x6: {  	_ = 	snop  }
0x7: {  	_ = 	snop  }
__scs_overlays_trampoline_lowered:
0x8: {  	[smem:$0x3FAE] =	sst s0  }
0x9: {  	[smem:$0x3FAF] =	sst s1  }
0xa: {  	[smem:$0x3FB0] =	sst s2  }
0xb: {  	[smem:$0x3FB1] =	sst s3  }
0xc: {  	[smem:$0x3FB2] =	sst s4  }
0xd: {  	[smem:$0x3FB3] =	sst s5  }
0xe: {  	[smem:$0x3FB4] =	sst s6  }
0xf: {  	[smem:$0x3FB5] =	sst s7  }
0x10: {  	[smem:$0x3FB6] =	sst s8  }
0x11: {  	[smem:$0x3FB7] =	sst s9;
	s0 =	simm.s32 @!p0 $0x0  }
0x12: {  	s1 =	sld [smem:$0x3F9D];
	s0 =	simm.s32 @p0 $0x1  }
0x13: {  	[smem:$0x3FB8] =	sst s0;
	s0 =	simm.s32 @!p1 $0x0  }
0x14: {  	s2 =	sld [smem:$0x3F9C];
	s0 =	simm.s32 @p1 $0x1  }
0x15: {  	[smem:$0x3FB9] =	sst s0;
	s0 =	simm.s32 @!p2 $0x0  }
0x16: {  	s3 =	sld [smem:$0x3FDB];
	s0 =	simm.s32 @p2 $0x1  }
0x17: {  	s4 =	simm.s32 $0x1BF5;
	[smem:$0x3FBB] =	sst s0  }
0x18: {  	s0 =	sld [smem:$0x3F9E];
	_ =	swait.ge [sflag:s4], $0x0  }
0x19: {  	s7 =	sld [smem:$0x3F9F]  }
0x1a: {  	s8 =	sadd.s32 $0xFFFFE003, lr  }
0x1b: {  	s9 =	sadd.s32 $0xFFFFFEF7, lr;
	s5 =	simm.s32 $0xFFFFFFFF;
	p2 =	slt.u32 s8, $0xFFFFF086  }
0x1c: {  	p1 =	slt.u32 s9, $0xF7A;
	s5 =	simm.s32 @!p2 $0x0  }
0x1d: {  	s5 =	simm.s32 @p1 $0x1;
	p0 =	seq.s32 s7, s2  }
0x1e: {  	s7 =	smul.u32 @!p0 $0xF7A, s2;
	p2 =	seq.s32 @!p0 s5, $0x0  }
0x1f: {  	s9 =	smul.u32 $0xF7A, s1;
	s8 =	simm.s32 @!p0 $0x1BF5;
	p2 =	por !p2, p0  }
0x20: {  	[sflag:s8] =	ssyncset.s32 @!p0 $0xFFFFF086;
	s6 =	sadd.s32 @!p0 s3, s7;
	s7 =	simm.s32 @!p0 $0x108  }
0x21: {  	s3 =	sadd.s32 s3, s9;
	s6 =	sadd.s32 @!p0 $0x88, s6;
	s7 =	simm.s32 @p2 $0x1082  }
0x22: {  	[simem:s7], [sflag:s8] =	dma.local @!p0 [hbm:s6], $0xF7A  }
0x23: {  	s9 =	sor.u32 $0xD0000000, s2;
	s6 =	simm.s32 $0x108;
	_ =	swait.ge @!p0 [sflag:s8], $0x0  }
0x24: {  	s3 =	sadd.s32 $0x88, s3;
	s6 =	simm.s32 @!p1 $0x1082;
	[sflag:s4] =	ssyncset.s32 $0xFFFFF086  }
0x25: {  	[simem:s6], [sflag:s4] =	dma.local [hbm:s3], $0xF7A  }
0x26: {  	[smem:$0x3F9F] =	sst s1;
	(tag) =	ssettag s2;
	_ =	strace s9  }
0x27: {  	s1 =	sld [smem:$0x3FAF]  }
0x28: {  	s2 =	sld [smem:$0x3FB0]  }
0x29: {  	s4 =	sld [smem:$0x3FB2]  }
0x2a: {  	p0 =	seq.s32 s5, $0x0;
	s5 =	sld [smem:$0x3FB3]  }
0x2b: {  	s6 =	sld [smem:$0x3FB4]  }
0x2c: {  	s7 =	sld [smem:$0x3FB5]  }
0x2d: {  	s3 =	simm.s32 $0x108;
	s8 =	sld [smem:$0x3FB6]  }
0x2e: {  	s3 =	simm.s32 @!p0 $0x1082;
	s9 =	sld [smem:$0x3FB7]  }
0x2f: {  	lr =	sadd.s32 s0, s3;
	s0 =	sld [smem:$0x3FAE]  }
0x30: {  	s3 =	sld [smem:$0x3FB1]  }
0x31: {  	[smem:$0x3FBA] =	sst s10  }
0x32: {  	s10 =	sld [smem:$0x3FB8];
	_ =	sdelay $0x3  }
0x33: {  	p0 =	seq.s32 s10, $0x1;
	s10 =	sld [smem:$0x3FBA];
	_ =	sdelay $0x3  }
0x34: {  	[smem:$0x3FBA] =	sst s10  }
0x35: {  	s10 =	sld [smem:$0x3FB9];
	_ =	sdelay $0x3  }
0x36: {  	p1 =	seq.s32 s10, $0x1;
	s10 =	sld [smem:$0x3FBA];
	_ =	sdelay $0x3  }
0x37: {  	[smem:$0x3FBA] =	sst s10  }
0x38: {  	s10 =	sld [smem:$0x3FBB]  }
0x39: {  	_ = 	snop;
	(pc) =	sbr.ind lr, $3  }
0x3a: {  	_ = 	snop  }
0x3b: {  	_ = 	snop  }
0x3c: {  	p2 =	seq.s32 s10, $0x1;
	s10 =	sld [smem:$0x3FBA]  }
0x3d: {  	_ =	shalt  }
0x3e: {  	_ =	shalt  }
0x3f: {  	_ =	shalt  }
0x40: {  	_ =	shalt  }
0x41: {  	_ =	shalt  }
0x42: {  	_ =	shalt  }
0x43: {  	_ =	shalt  }
0x44: {  	_ =	shalt  }
0x45: {  	_ =	shalt  }
0x46: {  	_ =	shalt  }
0x47: {  	_ =	shalt  }
0x48: {  	_ =	shalt  }
0x49: {  	_ =	shalt  }
0x4a: {  	_ =	shalt  }
0x4b: {  	_ =	shalt  }
0x4c: {  	_ =	shalt  }
0x4d: {  	_ =	shalt  }
0x4e: {  	_ =	shalt  }
0x4f: {  	_ =	shalt  }
0x50: {  	_ =	shalt  }
0x51: {  	_ =	shalt  }
0x52: {  	_ =	shalt  }
0x53: {  	_ =	shalt  }
0x54: {  	_ =	shalt  }
0x55: {  	_ =	shalt  }
0x56: {  	_ =	shalt  }
0x57: {  	_ =	shalt  }
0x58: {  	_ =	shalt  }
0x59: {  	_ =	shalt  }
0x5a: {  	_ =	shalt  }
0x5b: {  	_ =	shalt  }
0x5c: {  	_ =	shalt  }
0x5d: {  	_ =	shalt  }
0x5e: {  	_ =	shalt  }
0x5f: {  	_ =	shalt  }
0x60: {  	_ =	shalt  }
0x61: {  	_ =	shalt  }
0x62: {  	_ =	shalt  }
0x63: {  	_ =	shalt  }
0x64: {  	_ =	shalt  }
0x65: {  	_ =	shalt  }
0x66: {  	_ =	shalt  }
0x67: {  	_ =	shalt  }
0x68: {  	_ =	shalt  }
0x69: {  	_ =	shalt  }
0x6a: {  	_ =	shalt  }
0x6b: {  	_ =	shalt  }
0x6c: {  	_ =	shalt  }
0x6d: {  	_ =	shalt  }
0x6e: {  	_ =	shalt  }
0x6f: {  	_ =	shalt  }
0x70: {  	_ =	shalt  }
0x71: {  	_ =	shalt  }
0x72: {  	_ =	shalt  }
0x73: {  	_ =	shalt  }
0x74: {  	_ =	shalt  }
0x75: {  	_ =	shalt  }
0x76: {  	_ =	shalt  }
0x77: {  	_ =	shalt  }
0x78: {  	_ =	shalt  }
0x79: {  	_ =	shalt  }
0x7a: {  	_ =	shalt  }
0x7b: {  	_ =	shalt  }
0x7c: {  	_ =	shalt  }
0x7d: {  	_ =	shalt  }
0x7e: {  	_ =	shalt  }
0x7f: {  	_ =	shalt  }
0x80: {  	_ =	shalt  }
0x81: {  	_ =	shalt  }
0x82: {  	_ =	shalt  }
0x83: {  	_ =	shalt  }
0x84: {  	_ =	shalt  }
0x85: {  	_ =	shalt  }
0x86: {  	_ =	shalt  }
0x87: {  	_ =	shalt  }
.Lfunc_end0:
.L_simem_size_0:
called_computation.1_lowered:
.L_overlay_start_0:
0x88: {  	s2 =	sld [smem:$0x3FD9]  }
0x89: {  	s3 =	sld [smem:$0x3FFE];
	_ =	sdelay $0x1  }
0x8a: {  	s1 =	srdreg.scid  }
0x8b: {  	s0 =	sand.u32 $0x1, s1  }
0x8c: {  	s17 =	sshll.u32 s0, $0xA;
	s2 =	sadd.s32 s3, s2  }
0x8d: {  	s2 =	sadd.s32 s2, s17  }
0x8e: {  	[smem:$0x3FC6] =	sst s2  }
0x8f: {  	_ = 	snop  }
0x90: {  	s2 =	sld [smem:$0x3FD0];
	(tm) =	ssettm $0x1  }
0x91: {  	s18 =	sld [smem:$0x3FFB];
	_ =	sdelay $0x3  }
0x92: {  	_ =	strace s18  }
0x93: {  	s3 =	sld [smem:$0x3FFC];
	_ =	sdelay $0x3  }
0x94: {  	_ =	strace s3  }
0x95: {  	s3 =	sld [smem:$0x3FFD];
	_ =	sdelay $0x3  }
0x96: {  	_ =	strace s3  }
0x97: {  	_ =	strace $0x8FFFFFFF  }
0x98: {  	s19 =	sld [smem:$0x3FDB];
	_ =	sdelay $0x1  }
0x99: {  	s4 =	simm.s32 $_scs_section_size  }
0x9a: {  	s5 =	simm.s32 $_size__tile_overlayer_lowered;
	s6 =	simm.s32 $_tile_overlayer_lowered  }
0x9b: {  	s22 =	simm.s32 $0x1BFF;
	s21 =	sshll.u32 s6, $0x1;
	s3 =	sadd.s32 s4, s19  }
0x9c: {  	s7 =	simm.s32 $0x0;
	s20 =	sshll.u32 s5, $0x1;
	s5 =	sadd.s32 s21, s3  }
0x9d: {  	[timem:s7], [sflag:s22] =	dma.local [hbm:s5], s20  }
0x9e: {  	_ =	swait.ge [sflag:s22], s20  }
0x9f: {  	s4 =	ssub.s32 $0x0, s20;
	[sflag:s22] =	ssyncset.done $0x0  }
0xa0: {  	[sflag:s22] =	ssyncadd.s32 s4;
	_ =	sdelay $0x1  }
0xa1: {  	s23 =	simm.s32 $0x1B8B  }
0xa2: {  	_ =	swait.ge [sflag:s23], $0x1  }
0xa3: {  	[sflag:s23] =	ssyncset.done $0x0  }
0xa4: {  	s25 =	simm.s32 $0x1B8E;
	s24 =	sld [smem:$0x3FFE];
	[sflag:s23] =	ssyncadd.s32 $0xFFFFFFFF  }
0xa5: {  	s26 =	simm.s32 $execute0_lowered;
	[smem:$0x3FD2] =	sst s25  }
0xa6: {  	s5 =	sshll.u32 s26, $0x1;
	_ =	strace $0x80000049;
	[dreg:$0x1] =	wrdreg $0xFFFFFFFF  }
0xa7: {  	s28 =	simm.s32 $_size_execute0_lowered;
	s3 =	sadd.s32 s3, s5;
	[dreg:$0x0] =	wrdreg $0x0  }
0xa8: {  	s5 =	sshll.u32 s28, $0x1;
	[dreg:$0x2] =	wrdreg s3  }
0xa9: {  	[dreg:$0x3] =	wrdreg s5  }
0xaa: {  	[dreg:$0x4] =	wrdreg $0xC0  }
0xab: {  	_ =	task [dreg:s7], $0x5FFFF  }
0xac: {  	[dreg:$0x1] =	wrdreg $0xFFFFFFFF  }
0xad: {  	[dreg:$0x0] =	wrdreg $0x60  }
0xae: {  	[dreg:$0x2] =	wrdreg s24  }
0xaf: {  	[dreg:$0x3] =	wrdreg s2  }
0xb0: {  	[dreg:$0x4] =	wrdreg $0x9  }
0xb1: {  	_ =	task.clear_ibuf [dreg:s7], $0x5FFFF;
	_ =	strace $0x90000049  }
0xb2: {  	s29 =	simm.s32 $0x9;
	_ =	strace $0x8000004B  }
0xb3: {  	_ =	swait.ge [sflag:s29], $0x1  }
0xb4: {  	[sflag:s29] =	ssyncadd.s32 $0xFFFFFFFF  }
0xb5: {  	_ =	strace $0x9000004B  }
0xb6: {  	_ =	sfence  }
0xb7: {  	s30 =	sld [smem:$0x0];
	_ =	sdelay $0x2  }
0xb8: {  	s31 =	sshll.u32 s1, $0xD;
	s1 =	sshrl.u32 s1, $0x2  }
0xb9: {  	s3 =	sand.u32 $0x4000, s31;
	s1 =	sadd.s32 s1, s30  }
0xba: {  	s0 =	sor.u32 s3, s0;
	s1 =	sshll.u32 s1, $0x11  }
0xbb: {  	s0 =	sor.u32 s1, s0  }
0xbc: {  	s0 =	sadd.s32 $0x8F2B, s0  }
0xbd: {  	[sflag:s0] =	ssyncadd.remote.s32 $0x1  }
0xbe: {  	_ =	sfence.sel $0xFFFF  }
0xbf: {  	[dreg:$0x0] =	wrdreg $0xFFFFFFFF;
	(pc) =	sbr.abs _section_cstart, $3  }
0xc0: {  	[dreg:$0x1] =	wrdreg $0xFFFFFFFF  }
0xc1: {  	_ =	task.clear_ibuf [dreg:s7], $0x2FFFF;
	_ =	strace $0x9FFFFFFF  }
0xc2: {  	(tm) =	ssettm $0x7FFFFFFF  }
0xc3: {  	_ =	shalt  }
tec
execute0_lowered:
.L_overlay_start_1:
0x0: {  	(tag) =	ssettag $0x1  }
0x1: {  	s0 =	rddreg [dreg:$0x0];
	s1 =	srdreg.scid  }
0x2: {  	s3 =	stileid.u32;
	s2 =	rddreg [dreg:$0x1]  }
0x3: {  	s12 =	simm.s32 $0x80;
	s17 =	simm.s32 $0x1;
	s18 =	simm.s32 $0xC800  }
0x4: {  	s20 =	simm.s32 $0x400;
	s21 =	simm.s32 $0x8000;
	s22 =	simm.s32 $0x12C00  }
0x5: {  	s23 =	simm.s32 $0x2;
	s1 =	sand.u32 $0x1, s1;
	s4 =	sshll.u32 s3, $0x1  }
0x6: {  	v3 =	vlaneseq.u32;
	s25 =	simm.s32 $0x14C00;
	s5 =	sor.u32 s1, s4;
	s1 =	ssub.s32 $0x2, s1  }
0x7: {  	s3 =	simm.s32 $0x0;
	v0 =	vmul.u32 $0xC8, v3;
	s4 =	smul.u32 $0xC80, s5;
	s6 =	sshrl.u32 s1, $0x1  }
0x8: {  	[smem:$0x7FF] =	sst s3;
	s26 =	ssub.s32 s1, s6;
	s6 =	sshll.u32 s5, $0x7  }
0x9: {  	v3 =	vmul.u32 $0x48, v3;
	_ =	strace $0x8000004A;
	v1 =	vadd.s32 $0xC80, v0;
	v2 =	vadd.s32 $0x1900, v0;
	s7 =	sadd.s32 s4, s0;
	s30 =	sadd.s32 s2, s6  }
0xa: {  	v4 =	vadd.s32 $0x2580, v0;
	v5 =	vadd.s32 $0x3200, v0;
	v6 =	vadd.s32 $0x3E80, v0;
	s4 =	sadd.s32 $0xA00, s0;
	s0 =	smax.u32 s26, $0x1;
	[dreg:$0x4] =	wrdreg s30  }
0xb: {  	v7 =	vadd.s32 $0x4B00, v0;
	v8 =	vadd.s32 $0x5780, v0;
	v9 =	vadd.s32 $0x480, v3;
	s29 =	sadd.s32 $0x7A1C00, s7;
	s7 =	sadd.s32 $0x8000, s2;
	[dreg:$0x6] =	wrdreg s0  }
0xc: {  	s28 =	simm.s32 $0x4;
	v10 =	vadd.s32 $0x900, v3;
	v11 =	vadd.s32 $0xD80, v3;
	v12 =	vadd.s32 $0x1200, v3;
	[dreg:$0x3] =	wrdreg s29;
	s31 =	sadd.s32 s6, s7  }
0xd: {  	v13 =	vadd.s32 $0x1680, v3;
	v14 =	vadd.s32 $0x1B00, v3;
	v15 =	vadd.s32 $0x1F80, v3;
	s1 =	simm.s32 $0x0;
	s26 =	simm.s32 $0x3;
	[dreg:$0x5] =	wrdreg s31  }
.LBB2_1:
0xe: {  	s0 =	simm.s32 $0x3  }
0xf: {  	s14 =	simm.s32 $0x1;
	v16 =	vmov s0  }
0x10: {  	[dreg:$0x7] =	wrdreg s1;
	s15 =	simm.s32 $0x2;
	v17 =	vmov s14;
	v22 =	vand.u32 $0xFF, v16  }
0x11: {  	s16 =	rddreg [dreg:$0x3];
	s19 =	simm.s32 $0x5;
	v24 =	vand.u32 $0xFD, v17;
	v16 =	vmov s15;
	v17 =	vadd.s32 v0, v22  }
0x12: {  	[tilespmem:s3], [sflag:$0x5] =	stream.linear.gather [hbm4b:s16+s3], $0x6400, $0x38;
	v18 =	vadd.s32 v0, v24;
	v25 =	vand.u32 $0xFE, v16;
	[tilespmem:$0x16C00] =	vst v63  }
0x13: {  	_ =	swait.ge [sflag:s19], $0x6400;
	v16 =	vmov s3;
	v19 =	vadd.s32 v0, v25  }
0x14: {  	[sflag:s19] =	ssyncset.done $0x0;
	v21 =	vand.u32 $0xFC, v16  }
0x15: {  	[sflag:s19] =	ssyncadd.s32 $0xFFFF9C00;
	v16 =	vadd.s32 v0, v21  }
0x16: {  	v17 =	vld.idx.msk [tilespmem:v17+s3+$0x0], $0xffff  }
0x17: {  	v20 =	vadd.s32 v1, v22;
	v18 =	vld.idx.msk [tilespmem:v18+s3+$0x0], $0xffff  }
0x18: {  	v23 =	vadd.s32 v1, v24;
	v19 =	vld.idx.msk [tilespmem:v19+s3+$0x0], $0xffff  }
0x19: {  	v26 =	vadd.s32 v1, v25  }
0x1a: {  	s8 =	simm.s32 $0x6500;
	v16 =	vld.idx.msk [tilespmem:v16+s3+$0x0], $0xffff  }
0x1b: {  	v27 =	vadd.s32 v1, v21;
	[tilespmem:s8+$0x80] =	vst v17  }
0x1c: {  	[tilespmem:s8+$0xFFFFFF80] =	vst v18;
	v17 =	vld.idx.msk [tilespmem:v20+s3+$0x0], $0xffff  }
0x1d: {  	v18 =	vld.idx.msk [tilespmem:v23+s3+$0x0], $0xffff;
	[tilespmem:s8+$0x0] =	vst v19;
	v19 =	vadd.s32 v2, v22  }
0x1e: {  	v23 =	vadd.s32 v2, v24;
	v20 =	vld.idx.msk [tilespmem:v26+s3+$0x0], $0xffff  }
0x1f: {  	[tilespmem:s8+$0xFFFFFF00] =	vst v16;
	v16 =	vadd.s32 v2, v25  }
0x20: {  	v26 =	vld.idx.msk [tilespmem:v27+s3+$0x0], $0xffff  }
0x21: {  	v27 =	vadd.s32 v2, v21;
	[tilespmem:s8+$0x90] =	vst v17  }
0x22: {  	[tilespmem:s8+$0xFFFFFF90] =	vst v18;
	v18 =	vld.idx.msk [tilespmem:v19+s3+$0x0], $0xffff  }
0x23: {  	s24 =	simm.s32 $0x4;
	v19 =	vld.idx.msk [tilespmem:v23+s3+$0x0], $0xffff;
	[tilespmem:s8+$0x10] =	vst v20;
	v20 =	vadd.s32 v4, v22  }
0x24: {  	v28 =	vadd.s32 v4, v24;
	v17 =	vmov s24;
	v23 =	vld.idx.msk [tilespmem:v16+s3+$0x0], $0xffff  }
0x25: {  	s29 =	simm.s32 $0x5;
	v16 =	vand.u32 $0xFC, v17;
	[tilespmem:s8+$0xFFFFFF10] =	vst v26;
	v26 =	vadd.s32 v4, v25  }
0x26: {  	v17 =	vmov s29;
	v29 =	vadd.s32 v0, v16;
	v27 =	vld.idx.msk [tilespmem:v27+s3+$0x0], $0xffff  }
0x27: {  	v30 =	vadd.s32 v4, v21;
	v17 =	vand.u32 $0xFD, v17;
	[tilespmem:s8+$0xA0] =	vst v18  }
0x28: {  	v18 =	vadd.s32 v0, v17;
	[tilespmem:s8+$0xFFFFFFA0] =	vst v19;
	v19 =	vld.idx.msk [tilespmem:v20+s3+$0x0], $0xffff  }
0x29: {  	s30 =	simm.s32 $0x7;
	v28 =	vld.idx.msk [tilespmem:v28+s3+$0x0], $0xffff;
	[tilespmem:s8+$0x20] =	vst v23;
	v23 =	vadd.s32 v5, v22  }
0x2a: {  	v31 =	vadd.s32 v5, v24;
	v20 =	vmov s30;
	v26 =	vld.idx.msk [tilespmem:v26+s3+$0x0], $0xffff  }
0x2b: {  	s31 =	simm.s32 $0x6;
	v29 =	vld.idx.msk [tilespmem:v29+s3+$0x0], $0xffff;
	[tilespmem:s8+$0xFFFFFF20] =	vst v27;
	v27 =	vadd.s32 v5, v25;
	v20 =	vand.u32 $0xFF, v20  }
0x2c: {  	v32 =	vmov s31;
	v30 =	vld.idx.msk [tilespmem:v30+s3+$0x0], $0xffff;
	v33 =	vadd.s32 v0, v20  }
0x2d: {  	v50 =	vadd.s32 v5, v21;
	v34 =	vld.idx.msk [tilespmem:v18+s3+$0x0], $0xffff;
	v18 =	vand.u32 $0xFE, v32;
	[tilespmem:s8+$0xB0] =	vst v19  }
0x2e: {  	[tilespmem:s8+$0xFFFFFFB0] =	vst v28;
	v28 =	vadd.s32 v0, v18;
	v23 =	vld.idx.msk [tilespmem:v23+s3+$0x0], $0xffff  }
0x2f: {  	s1 =	simm.s32 $0x8;
	v38 =	vadd.s32 v1, v17;
	v31 =	vld.idx.msk [tilespmem:v31+s3+$0x0], $0xffff;
	[tilespmem:s8+$0x30] =	vst v26  }
0x30: {  	v19 =	vmov s1;
	v26 =	vadd.s32 v6, v22;
	v27 =	vld.idx.msk [tilespmem:v27+s3+$0x0], $0xffff  }
0x31: {  	v35 =	vadd.s32 v6, v24;
	v19 =	vand.u32 $0xFC, v19;
	[tilespmem:s8+$0xFFFFFF30] =	vst v30;
	v30 =	vld.idx.msk [tilespmem:v33+s3+$0x0], $0xffff  }
0x32: {  	s0 =	simm.s32 $0x6700;
	v36 =	vadd.s32 v0, v19;
	v32 =	vld.idx.msk [tilespmem:v50+s3+$0x0], $0xffff  }
0x33: {  	v53 =	vadd.s32 v1, v16;
	[tilespmem:s0+$0xFFFFFF80] =	vst v34;
	v28 =	vld.idx.msk [tilespmem:v28+s3+$0x0], $0xffff  }
0x34: {  	v51 =	vadd.s32 v6, v25;
	v55 =	vld.idx.msk [tilespmem:v38+s3+$0x0], $0xffff;
	[tilespmem:s8+$0xC0] =	vst v23  }
0x35: {  	v37 =	vadd.s32 v1, v20;
	[tilespmem:s8+$0xFFFFFFC0] =	vst v31;
	v26 =	vld.idx.msk [tilespmem:v26+s3+$0x0], $0xffff  }
0x36: {  	v54 =	vadd.s32 v6, v21;
	[tilespmem:s0+$0xFFFFFF00] =	vst v29;
	v35 =	vld.idx.msk [tilespmem:v35+s3+$0x0], $0xffff  }
0x37: {  	v31 =	vadd.s32 v1, v18;
	[tilespmem:s8+$0x40] =	vst v27;
	v23 =	vld.idx.msk [tilespmem:v36+s3+$0x0], $0xffff  }
0x38: {  	v52 =	vadd.s32 v7, v22;
	[tilespmem:s0+$0x80] =	vst v30;
	v36 =	vld.idx.msk [tilespmem:v53+s3+$0x0], $0xffff  }
0x39: {  	v29 =	vadd.s32 v2, v17;
	v27 =	vld.idx.msk [tilespmem:v51+s3+$0x0], $0xffff;
	[tilespmem:s8+$0xFFFFFF40] =	vst v32  }
0x3a: {  	v30 =	vld.idx.msk [tilespmem:v37+s3+$0x0], $0xffff;
	[tilespmem:s0+$0x0] =	vst v28;
	v28 =	vadd.s32 v7, v24  }
0x3b: {  	v56 =	vadd.s32 v2, v20;
	v32 =	vld.idx.msk [tilespmem:v54+s3+$0x0], $0xffff;
	[tilespmem:s0+$0xFFFFFF90] =	vst v55  }
0x3c: {  	v57 =	vadd.s32 v2, v16;
	v31 =	vld.idx.msk [tilespmem:v31+s3+$0x0], $0xffff;
	[tilespmem:s8+$0xD0] =	vst v26  }
0x3d: {  	v39 =	vadd.s32 v2, v18;
	[tilespmem:s8+$0xFFFFFFD0] =	vst v35;
	v33 =	vld.idx.msk [tilespmem:v52+s3+$0x0], $0xffff  }
0x3e: {  	v22 =	vadd.s32 v8, v22;
	v58 =	vld.idx.msk [tilespmem:v29+s3+$0x0], $0xffff;
	[tilespmem:s0+$0xFFFFFF10] =	vst v36  }
0x3f: {  	[tilespmem:s0+$0x90] =	vst v30;
	v30 =	vadd.s32 v7, v25;
	v26 =	vld.idx.msk [tilespmem:v28+s3+$0x0], $0xffff  }
0x40: {  	v61 =	vadd.s32 v4, v17;
	[tilespmem:s8+$0x50] =	vst v27;
	v28 =	vld.idx.msk [tilespmem:v56+s3+$0x0], $0xffff  }
0x41: {  	s5 =	simm.s32 $0x9;
	v63 =	vld.idx.msk [tilespmem:v57+s3+$0x0], $0xffff;
	[tilespmem:s0+$0x10] =	vst v31;
	v31 =	vadd.s32 v7, v21  }
0x42: {  	v60 =	vadd.s32 v4, v20;
	v29 =	vmov s5;
	v59 =	vld.idx.msk [tilespmem:v39+s3+$0x0], $0xffff;
	[tilespmem:s8+$0xE0] =	vst v33  }
0x43: {  	v40 =	vadd.s32 v4, v18;
	[tilespmem:s8+$0xFFFFFF50] =	vst v32;
	v62 =	vld.idx.msk [tilespmem:v22+s3+$0x0], $0xffff;
	v22 =	vand.u32 $0xFD, v29  }
0x44: {  	[tilespmem:s0+$0xFFFFFFA0] =	vst v58;
	v29 =	vld.idx.msk [tilespmem:v30+s3+$0x0], $0xffff;
	v41 =	vadd.s32 v0, v22  }
0x45: {  	v35 =	vadd.s32 v4, v16;
	[tilespmem:s0+$0xA0] =	vst v28;
	v28 =	vld.idx.msk [tilespmem:v61+s3+$0x0], $0xffff  }
0x46: {  	v34 =	vadd.s32 v8, v24;
	v27 =	vld.idx.msk [tilespmem:v31+s3+$0x0], $0xffff  }
0x47: {  	v32 =	vadd.s32 v8, v25;
	v30 =	vld.idx.msk [tilespmem:v60+s3+$0x0], $0xffff;
	[tilespmem:s0+$0x20] =	vst v59  }
0x48: {  	s9 =	simm.s32 $0xB;
	[tilespmem:s0+$0xFFFFFF20] =	vst v63;
	v31 =	vadd.s32 v5, v20;
	v25 =	vld.idx.msk [tilespmem:v40+s3+$0x0], $0xffff  }
0x49: {  	s19 =	simm.s32 $0x6500;
	s5 =	simm.s32 $0x6500;
	v33 =	vadd.s32 v5, v17;
	[tilespmem:s8+$0xF0] =	vst v62;
	s8 =	simm.s32 $0xC;
	v24 =	vld.idx.msk [tilespmem:v41+s3+$0x0], $0xffff  }
.LBB2_2:
0x4a: {  	p0 =	slt.u32 s8, $0xC4;
	v36 =	vmov s9;
	v35 =	vld.idx.msk [tilespmem:v35+s3+$0x0], $0xffff;
	v37 =	vadd.s32 v5, v18;
	[tilespmem:s5+$0xFFFFFFE0] =	vst v26  }
0x4b: {  	s9 =	sadd.s32 $0x2, s1;
	s1 =	smov.u32 s8;
	v26 =	vand.u32 $0xFF, v36;
	v36 =	vadd.s32 v8, v21;
	v34 =	vld.idx.msk [tilespmem:v34+s3+$0x0], $0xffff;
	[tilespmem:s5+$0x60] =	vst v29;
	v21 =	vmovc v16;
	v16 =	vmov v19  }
0x4c: {  	v19 =	vmov s9;
	v29 =	vadd.s32 v0, v26;
	[tilespmem:s0+$0xB0] =	vst v30;
	v30 =	vld.idx.msk [tilespmem:v32+s3+$0x0], $0xffff  }
0x4d: {  	v38 =	vand.u32 $0xFE, v19;
	v32 =	vadd.s32 v5, v21;
	[tilespmem:s0+$0xFFFFFFB0] =	vst v28;
	v28 =	vld.idx.msk [tilespmem:v31+s3+$0x0], $0xffff  }
0x4e: {  	v31 =	vadd.s32 v0, v38;
	v33 =	vld.idx.msk [tilespmem:v33+s3+$0x0], $0xffff;
	[tilespmem:s0+$0x30] =	vst v25  }
0x4f: {  	v25 =	vld.idx.msk [tilespmem:v37+s3+$0x0], $0xffff;
	v37 =	vadd.s32 v6, v20;
	[tilespmem:s5+$0xFFFFFF60] =	vst v27  }
0x50: {  	v19 =	vmov s8;
	v27 =	vadd.s32 v6, v17;
	[tilespmem:s0+$0xFFFFFF30] =	vst v35;
	v35 =	vld.idx.msk [tilespmem:v36+s3+$0x0], $0xffff  }
0x51: {  	v19 =	vand.u32 $0xFC, v19;
	v36 =	vadd.s32 v6, v18;
	v29 =	vld.idx.msk [tilespmem:v29+s3+$0x0], $0xffff;
	[tilespmem:s5+$0xFFFFFFF0] =	vst v34  }
0x52: {  	v34 =	vadd.s32 v0, v19;
	v32 =	vld.idx.msk [tilespmem:v32+s3+$0x0], $0xffff;
	[tilespmem:s5+$0x70] =	vst v30  }
0x53: {  	v30 =	vld.idx.msk [tilespmem:v31+s3+$0x0], $0xffff;
	v31 =	vadd.s32 v1, v26;
	[tilespmem:s0+$0xC0] =	vst v28  }
0x54: {  	v28 =	vadd.s32 v1, v22;
	[tilespmem:s0+$0xFFFFFFC0] =	vst v33;
	v33 =	vld.idx.msk [tilespmem:v37+s3+$0x0], $0xffff  }
0x55: {  	v37 =	vadd.s32 v1, v38;
	v27 =	vld.idx.msk [tilespmem:v27+s3+$0x0], $0xffff;
	[tilespmem:s0+$0x40] =	vst v25  }
0x56: {  	v25 =	vld.idx.msk [tilespmem:v36+s3+$0x0], $0xffff;
	v36 =	vadd.s32 v7, v20;
	[tilespmem:s5+$0xFFFFFF70] =	vst v35;
	s5 =	smov.u32 s0;
	s0 =	sadd.s32 $0x200, s0  }
0x57: {  	v35 =	vadd.s32 v1, v16;
	v34 =	vld.idx.msk [tilespmem:v34+s3+$0x0], $0xffff;
	[tilespmem:s0+$0x80] =	vst v29  }
0x58: {  	v29 =	vadd.s32 v6, v21;
	[tilespmem:s0+$0xFFFFFF80] =	vst v24;
	v24 =	vld.idx.msk [tilespmem:v31+s3+$0x0], $0xffff  }
0x59: {  	v28 =	vld.idx.msk [tilespmem:v28+s3+$0x0], $0xffff;
	[tilespmem:s0+$0x0] =	vst v30;
	v30 =	vadd.s32 v7, v17  }
0x5a: {  	v31 =	vld.idx.msk [tilespmem:v37+s3+$0x0], $0xffff;
	v37 =	vadd.s32 v2, v26;
	[tilespmem:s5+$0xD0] =	vst v33  }
0x5b: {  	v33 =	vadd.s32 v2, v22;
	[tilespmem:s0+$0xFFFFFF00] =	vst v23;
	v36 =	vld.idx.msk [tilespmem:v36+s3+$0x0], $0xffff  }
0x5c: {  	v39 =	vadd.s32 v2, v38;
	v35 =	vld.idx.msk [tilespmem:v35+s3+$0x0], $0xffff;
	[tilespmem:s5+$0xFFFFFF40] =	vst v32  }
0x5d: {  	v23 =	vmov v34;
	v29 =	vld.idx.msk [tilespmem:v29+s3+$0x0], $0xffff;
	[tilespmem:s5+$0xFFFFFFD0] =	vst v27;
	v27 =	vadd.s32 v8, v20;
	v20 =	vmov v26  }
0x5e: {  	v32 =	vadd.s32 v2, v16;
	[tilespmem:s0+$0x90] =	vst v24;
	v26 =	vld.idx.msk [tilespmem:v30+s3+$0x0], $0xffff  }
0x5f: {  	[tilespmem:s0+$0xFFFFFF90] =	vst v28;
	v24 =	vld.idx.msk [tilespmem:v37+s3+$0x0], $0xffff;
	v28 =	vadd.s32 v7, v18  }
0x60: {  	v30 =	vld.idx.msk [tilespmem:v33+s3+$0x0], $0xffff;
	[tilespmem:s0+$0x10] =	vst v31;
	v31 =	vadd.s32 v7, v21  }
0x61: {  	s9 =	sadd.s32 $0x1, s8;
	v34 =	vadd.s32 v4, v20;
	v33 =	vld.idx.msk [tilespmem:v39+s3+$0x0], $0xffff;
	[tilespmem:s5+$0xE0] =	vst v36  }
0x62: {  	v37 =	vadd.s32 v4, v22;
	v36 =	vmov s9;
	[tilespmem:s0+$0xFFFFFF10] =	vst v35;
	v39 =	vld.idx.msk [tilespmem:v27+s3+$0x0], $0xffff  }
0x63: {  	v41 =	vadd.s32 v4, v38;
	v36 =	vand.u32 $0xFD, v36;
	v40 =	vld.idx.msk [tilespmem:v32+s3+$0x0], $0xffff;
	[tilespmem:s5+$0x50] =	vst v25  }
0x64: {  	v42 =	vadd.s32 v0, v36;
	[tilespmem:s5+$0xFFFFFF50] =	vst v29;
	v29 =	vld.idx.msk [tilespmem:v28+s3+$0x0], $0xffff  }
.Ltmp0:
0x65: {  	v35 =	vadd.s32 v4, v16;
	[tilespmem:s0+$0xA0] =	vst v24;
	v27 =	vld.idx.msk [tilespmem:v31+s3+$0x0], $0xffff;
	(pc) =	sbr.rel @p0 .LBB2_2-.Ltmp0, $4  }
0x66: {  	[tilespmem:s0+$0xFFFFFFA0] =	vst v30;
	v30 =	vld.idx.msk [tilespmem:v34+s3+$0x0], $0xffff;
	v34 =	vadd.s32 v8, v17;
	v17 =	vmov v22;
	v22 =	vmov v36  }
0x67: {  	v32 =	vadd.s32 v8, v18;
	v18 =	vmov v38;
	v28 =	vld.idx.msk [tilespmem:v37+s3+$0x0], $0xffff;
	[tilespmem:s0+$0x20] =	vst v33  }
0x68: {  	v31 =	vadd.s32 v5, v20;
	v25 =	vld.idx.msk [tilespmem:v41+s3+$0x0], $0xffff;
	[tilespmem:s5+$0xF0] =	vst v39  }
0x69: {  	s8 =	sadd.s32 $0x4, s8;
	s9 =	sadd.s32 $0x3, s1;
	v33 =	vadd.s32 v5, v17;
	v24 =	vld.idx.msk [tilespmem:v42+s3+$0x0], $0xffff;
	[tilespmem:s0+$0xFFFFFF20] =	vst v40  }
0x6a: {  	_ =	sdelay $0x1  }
0x6b: {  	[tilespmem:s5+$0xFFFFFFE0] =	vst v26  }
0x6c: {  	v36 =	vmov s9;
	s1 =	sadd.s32 $0x2, s1;
	[tilespmem:s5+$0x60] =	vst v29  }
0x6d: {  	v63 =	vld.idx.msk [tilespmem:v35+s3+$0x0], $0xffff;
	[tilespmem:s5+$0xFFFFFF60] =	vst v27;
	v21 =	vadd.s32 v8, v21;
	v36 =	vand.u32 $0xFF, v36;
	v42 =	vmov s1  }
0x6e: {  	s16 =	sadd.s32 $0x200, s0;
	[tilespmem:s0+$0xB0] =	vst v30;
	v43 =	vld.idx.msk [tilespmem:v32+s3+$0x0], $0xffff;
	v37 =	vadd.s32 v0, v36;
	v32 =	vand.u32 $0xFE, v42  }
0x6f: {  	v41 =	vld.idx.msk [tilespmem:v34+s3+$0x0], $0xffff;
	[tilespmem:s16+$0xFFFFFF00] =	vst v23;
	v45 =	vadd.s32 v0, v32  }
0x70: {  	[tilespmem:s0+$0xFFFFFFB0] =	vst v28  }
0x71: {  	v40 =	vadd.s32 v5, v18;
	v44 =	vld.idx.msk [tilespmem:v31+s3+$0x0], $0xffff;
	[tilespmem:s0+$0x30] =	vst v25  }
0x72: {  	v52 =	vadd.s32 v1, v22;
	[tilespmem:s16+$0xFFFFFF80] =	vst v24;
	v21 =	vld.idx.msk [tilespmem:v21+s3+$0x0], $0xffff  }
0x73: {  	v54 =	vadd.s32 v1, v19;
	[tilespmem:s0+$0xFFFFFF30] =	vst v63;
	v49 =	vld.idx.msk [tilespmem:v37+s3+$0x0], $0xffff  }
0x74: {  	v50 =	vadd.s32 v1, v36;
	[tilespmem:s5+$0xFFFFFFF0] =	vst v41;
	v51 =	vld.idx.msk [tilespmem:v45+s3+$0x0], $0xffff  }
0x75: {  	v46 =	vld.idx.msk [tilespmem:v33+s3+$0x0], $0xffff;
	v53 =	vadd.s32 v1, v32;
	[tilespmem:s5+$0x70] =	vst v43  }
0x76: {  	v55 =	vadd.s32 v5, v16;
	v47 =	vld.idx.msk [tilespmem:v40+s3+$0x0], $0xffff;
	[tilespmem:s0+$0xC0] =	vst v44  }
0x77: {  	v48 =	vadd.s32 v6, v20;
	v28 =	vld.idx.msk [tilespmem:v52+s3+$0x0], $0xffff;
	[tilespmem:s5+$0xFFFFFF70] =	vst v21  }
0x78: {  	v56 =	vadd.s32 v6, v17;
	v21 =	vld.idx.msk [tilespmem:v54+s3+$0x0], $0xffff;
	[tilespmem:s16+$0x80] =	vst v49  }
0x79: {  	v23 =	vadd.s32 v2, v22;
	v57 =	vld.idx.msk [tilespmem:v50+s3+$0x0], $0xffff;
	[tilespmem:s16+$0x0] =	vst v51  }
0x7a: {  	v58 =	vadd.s32 v2, v36;
	[tilespmem:s0+$0xFFFFFFC0] =	vst v46;
	v25 =	vld.idx.msk [tilespmem:v53+s3+$0x0], $0xffff  }
0x7b: {  	v59 =	vadd.s32 v2, v32;
	v60 =	vld.idx.msk [tilespmem:v55+s3+$0x0], $0xffff;
	[tilespmem:s0+$0x40] =	vst v47  }
0x7c: {  	v61 =	vadd.s32 v2, v19;
	v26 =	vld.idx.msk [tilespmem:v48+s3+$0x0], $0xffff;
	[tilespmem:s16+$0xFFFFFF90] =	vst v28  }
0x7d: {  	v35 =	vadd.s32 v6, v18;
	v62 =	vld.idx.msk [tilespmem:v56+s3+$0x0], $0xffff;
	[tilespmem:s16+$0xFFFFFF10] =	vst v21  }
0x7e: {  	v63 =	vadd.s32 v7, v20;
	v23 =	vld.idx.msk [tilespmem:v23+s3+$0x0], $0xffff;
	[tilespmem:s16+$0x90] =	vst v57  }
0x7f: {  	v21 =	vadd.s32 v4, v22;
	v37 =	vld.idx.msk [tilespmem:v58+s3+$0x0], $0xffff;
	[tilespmem:s16+$0x10] =	vst v25  }
0x80: {  	v38 =	vadd.s32 v4, v36;
	[tilespmem:s0+$0xFFFFFF40] =	vst v60;
	v27 =	vld.idx.msk [tilespmem:v59+s3+$0x0], $0xffff  }
0x81: {  	v39 =	vadd.s32 v4, v32;
	[tilespmem:s0+$0xD0] =	vst v26;
	v26 =	vld.idx.msk [tilespmem:v61+s3+$0x0], $0xffff  }
0x82: {  	v41 =	vadd.s32 v4, v19;
	v24 =	vld.idx.msk [tilespmem:v35+s3+$0x0], $0xffff;
	[tilespmem:s0+$0xFFFFFFD0] =	vst v62  }
0x83: {  	v42 =	vadd.s32 v6, v16;
	v40 =	vld.idx.msk [tilespmem:v63+s3+$0x0], $0xffff;
	[tilespmem:s16+$0xFFFFFFA0] =	vst v23  }
0x84: {  	v20 =	vadd.s32 v8, v20;
	v21 =	vld.idx.msk [tilespmem:v21+s3+$0x0], $0xffff;
	[tilespmem:s16+$0xA0] =	vst v37  }
0x85: {  	v44 =	vadd.s32 v5, v22;
	v23 =	vld.idx.msk [tilespmem:v38+s3+$0x0], $0xffff;
	[tilespmem:s16+$0x20] =	vst v27  }
0x86: {  	v43 =	vadd.s32 v5, v36;
	[tilespmem:s16+$0xFFFFFF20] =	vst v26;
	v27 =	vld.idx.msk [tilespmem:v39+s3+$0x0], $0xffff  }
0x87: {  	v46 =	vadd.s32 v5, v32;
	[tilespmem:s0+$0x50] =	vst v24;
	v45 =	vld.idx.msk [tilespmem:v41+s3+$0x0], $0xffff  }
0x88: {  	v48 =	vadd.s32 v5, v19;
	v47 =	vld.idx.msk [tilespmem:v42+s3+$0x0], $0xffff;
	[tilespmem:s0+$0xE0] =	vst v40  }
0x89: {  	v49 =	vadd.s32 v7, v17;
	v20 =	vld.idx.msk [tilespmem:v20+s3+$0x0], $0xffff;
	[tilespmem:s16+$0xFFFFFFB0] =	vst v21  }
0x8a: {  	v50 =	vld.idx.msk [tilespmem:v44+s3+$0x0], $0xffff;
	[tilespmem:s16+$0xB0] =	vst v23;
	v23 =	vadd.s32 v7, v18  }
0x8b: {  	v52 =	vadd.s32 v6, v22;
	v21 =	vld.idx.msk [tilespmem:v43+s3+$0x0], $0xffff;
	[tilespmem:s16+$0x30] =	vst v27  }
0x8c: {  	v51 =	vadd.s32 v6, v36;
	[tilespmem:s16+$0xFFFFFF30] =	vst v45;
	v27 =	vld.idx.msk [tilespmem:v46+s3+$0x0], $0xffff  }
0x8d: {  	v53 =	vadd.s32 v6, v32;
	[tilespmem:s0+$0xFFFFFF50] =	vst v47;
	v24 =	vld.idx.msk [tilespmem:v48+s3+$0x0], $0xffff  }
0x8e: {  	v54 =	vld.idx.msk [tilespmem:v49+s3+$0x0], $0xffff;
	[tilespmem:s0+$0xF0] =	vst v20;
	v20 =	vadd.s32 v6, v19  }
0x8f: {  	v55 =	vadd.s32 v7, v16;
	[tilespmem:s16+$0xFFFFFFC0] =	vst v50;
	v23 =	vld.idx.msk [tilespmem:v23+s3+$0x0], $0xffff  }
0x90: {  	v17 =	vadd.s32 v8, v17;
	v25 =	vld.idx.msk [tilespmem:v52+s3+$0x0], $0xffff;
	[tilespmem:s16+$0xC0] =	vst v21  }
0x91: {  	v57 =	vadd.s32 v7, v22;
	v21 =	vld.idx.msk [tilespmem:v51+s3+$0x0], $0xffff;
	[tilespmem:s16+$0x40] =	vst v27  }
0x92: {  	v56 =	vadd.s32 v7, v36;
	[tilespmem:s16+$0xFFFFFF40] =	vst v24;
	v27 =	vld.idx.msk [tilespmem:v53+s3+$0x0], $0xffff  }
0x93: {  	v58 =	vadd.s32 v7, v32;
	[tilespmem:s0+$0xFFFFFFE0] =	vst v54;
	v20 =	vld.idx.msk [tilespmem:v20+s3+$0x0], $0xffff  }
0x94: {  	v59 =	vld.idx.msk [tilespmem:v55+s3+$0x0], $0xffff;
	[tilespmem:s0+$0x60] =	vst v23;
	v23 =	vadd.s32 v7, v19  }
0x95: {  	v16 =	vadd.s32 v8, v16;
	v17 =	vld.idx.msk [tilespmem:v17+s3+$0x0], $0xffff;
	[tilespmem:s16+$0xFFFFFFD0] =	vst v25  }
0x96: {  	v18 =	vadd.s32 v8, v18;
	v61 =	vld.idx.msk [tilespmem:v57+s3+$0x0], $0xffff;
	[tilespmem:s16+$0xD0] =	vst v21  }
0x97: {  	v22 =	vadd.s32 v8, v22;
	v21 =	vld.idx.msk [tilespmem:v56+s3+$0x0], $0xffff;
	[tilespmem:s16+$0x50] =	vst v27  }
0x98: {  	v60 =	vadd.s32 v8, v36;
	[tilespmem:s16+$0xFFFFFF50] =	vst v20;
	v20 =	vld.idx.msk [tilespmem:v58+s3+$0x0], $0xffff  }
0x99: {  	v62 =	vadd.s32 v8, v32;
	[tilespmem:s0+$0xFFFFFF60] =	vst v59;
	v23 =	vld.idx.msk [tilespmem:v23+s3+$0x0], $0xffff  }
0x9a: {  	v16 =	vld.idx.msk [tilespmem:v16+s3+$0x0], $0xffff;
	[tilespmem:s0+$0xFFFFFFF0] =	vst v17;
	v17 =	vadd.s32 v8, v19  }
0x9b: {  	v18 =	vld.idx.msk [tilespmem:v18+s3+$0x0], $0xffff;
	[tilespmem:s16+$0xFFFFFFE0] =	vst v61  }
0x9c: {  	[tilespmem:s16+$0xE0] =	vst v21;
	v21 =	vld.idx.msk [tilespmem:v22+s3+$0x0], $0xffff  }
0x9d: {  	v19 =	vld.idx.msk [tilespmem:v60+s3+$0x0], $0xffff;
	[tilespmem:s16+$0x60] =	vst v20  }
0x9e: {  	v20 =	vld.idx.msk [tilespmem:v62+s3+$0x0], $0xffff;
	[tilespmem:s16+$0xFFFFFF60] =	vst v23  }
0x9f: {  	[tilespmem:s0+$0xFFFFFF70] =	vst v16;
	v17 =	vld.idx.msk [tilespmem:v17+s3+$0x0], $0xffff  }
0xa0: {  	[tilespmem:s0+$0x70] =	vst v18  }
0xa1: {  	[tilespmem:s16+$0xFFFFFFF0] =	vst v21  }
0xa2: {  	[tilespmem:s16+$0xF0] =	vst v19  }
0xa3: {  	[tilespmem:s16+$0x70] =	vst v20  }
0xa4: {  	s24 =	simm.s32 $0x6400;
	s29 =	simm.s32 $0xEC00;
	[tilespmem:s16+$0xFFFFFF70] =	vst v17  }
0xa5: {  	[tilespmem:s29], [sflag:$0x1] =	stream.indirect.gather [hbm4b:s4+s12], $0x40, s24, s12, $0xb8;
	[tilespmem:$0x16C00] =	vst v63  }
0xa6: {  	s30 =	simm.s32 $0x6480;
	s31 =	simm.s32 $0x10C00  }
0xa7: {  	[tilespmem:s31], [sflag:$0x2] =	stream.indirect.gather [hbm4b:s4+s12], $0x40, s30, s12, $0xb8;
	[tilespmem:$0x16C00] =	vst v63  }
0xa8: {  	_ =	swait.ge [sflag:s17], $0x2000  }
0xa9: {  	[sflag:s17] =	ssyncset.done $0x0  }
0xaa: {  	s8 =	simm.s32 $0xED00;
	[sflag:s17] =	ssyncadd.s32 $0xFFFFE000  }
0xab: {  	v16 =	vld [tilespmem:s8+$0xC0]  }
0xac: {  	v17 =	vld [tilespmem:s8+$0xFFFFFF40]  }
0xad: {  	v18 =	vld [tilespmem:s8+$0xFFFFFF80]  }
0xae: {  	v19 =	vld [tilespmem:s8+$0xFFFFFFC0]  }
0xaf: {  	s0 =	simm.s32 $0xC920;
	v20 =	vld [tilespmem:s8+$0x0]  }
0xb0: {  	v21 =	vld [tilespmem:s8+$0x40];
	[tilespmem:s0+$0xD8] =	vst v16  }
0xb1: {  	[tilespmem:s0+$0xFFFFFF28] =	vst v17;
	v17 =	vld [tilespmem:s8+$0x80]  }
0xb2: {  	[tilespmem:s0+$0xFFFFFF70] =	vst v18;
	v18 =	vld [tilespmem:s8+$0xFFFFFF00]  }
0xb3: {  	[tilespmem:s0+$0xFFFFFFB8] =	vst v19;
	v16 =	vld [tilespmem:s8+$0xD0]  }
0xb4: {  	[tilespmem:s0+$0x0] =	vst v20;
	v19 =	vld [tilespmem:s8+$0xFFFFFF50]  }
0xb5: {  	[tilespmem:s0+$0x48] =	vst v21;
	v20 =	vld [tilespmem:s8+$0xFFFFFF90]  }
0xb6: {  	v21 =	vld [tilespmem:s8+$0xFFFFFFD0];
	[tilespmem:s0+$0x90] =	vst v17  }
0xb7: {  	[tilespmem:s0+$0xFFFFFEE0] =	vst v18;
	v17 =	vld [tilespmem:s8+$0x10]  }
0xb8: {  	[tilespmem:s0+$0xE8] =	vst v16;
	v18 =	vld [tilespmem:s8+$0xFFFFFF10]  }
0xb9: {  	[tilespmem:s0+$0xFFFFFF38] =	vst v19;
	v19 =	vld [tilespmem:s8+$0x50]  }
0xba: {  	[tilespmem:s0+$0xFFFFFF80] =	vst v20;
	v20 =	vld [tilespmem:s8+$0x90]  }
0xbb: {  	[tilespmem:s0+$0xFFFFFFC8] =	vst v21;
	v21 =	vld [tilespmem:s8+$0xFFFFFF60]  }
0xbc: {  	v16 =	vld [tilespmem:s8+$0xE0];
	[tilespmem:s0+$0x10] =	vst v17  }
0xbd: {  	v17 =	vld [tilespmem:s8+$0xFFFFFFA0];
	[tilespmem:s0+$0xFFFFFEF0] =	vst v18  }
0xbe: {  	[tilespmem:s0+$0x58] =	vst v19;
	v19 =	vld [tilespmem:s8+$0xFFFFFFE0]  }
0xbf: {  	[tilespmem:s0+$0xA0] =	vst v20;
	v18 =	vld [tilespmem:s8+$0xFFFFFF20]  }
0xc0: {  	[tilespmem:s0+$0xFFFFFF48] =	vst v21;
	v21 =	vld [tilespmem:s8+$0x20]  }
0xc1: {  	[tilespmem:s0+$0xF8] =	vst v16;
	v22 =	vld [tilespmem:s8+$0x60]  }
0xc2: {  	v23 =	vld [tilespmem:s8+$0xA0];
	[tilespmem:s0+$0xFFFFFF90] =	vst v17  }
0xc3: {  	v16 =	vld [tilespmem:s8+$0xF0];
	[tilespmem:s0+$0xFFFFFFD8] =	vst v19  }
0xc4: {  	[tilespmem:s0+$0xFFFFFF00] =	vst v18;
	v18 =	vld [tilespmem:s8+$0xFFFFFF70]  }
0xc5: {  	[tilespmem:s0+$0x20] =	vst v21;
	v63 =	vld [tilespmem:s8+$0xFFFFFF30]  }
0xc6: {  	v20 =	vld [tilespmem:s8+$0xFFFFFFB0];
	[tilespmem:s0+$0x68] =	vst v22  }
0xc7: {  	v17 =	vld [tilespmem:s8+$0xFFFFFFF0];
	[tilespmem:s0+$0xB0] =	vst v23  }
0xc8: {  	[tilespmem:s0+$0x108] =	vst v16;
	v16 =	vld [tilespmem:s8+$0x30]  }
0xc9: {  	[tilespmem:s0+$0xFFFFFF58] =	vst v18;
	v18 =	vld [tilespmem:s8+$0x70]  }
0xca: {  	s1 =	simm.s32 $0x180;
	s5 =	simm.s32 $0x0;
	v19 =	vld [tilespmem:s8+$0xB0];
	s8 =	simm.s32 $0xEF00;
	[tilespmem:s0+$0xFFFFFF10] =	vst v63  }
.LBB2_4:
0xcb: {  	v21 =	vld [tilespmem:s8+$0xC0];
	s5 =	sadd.s32 $0x8, s5;
	[tilespmem:s0+$0xFFFFFFA0] =	vst v20  }
0xcc: {  	v20 =	vld [tilespmem:s8+$0xFFFFFF40];
	p0 =	slt.u32 s5, $0x78;
	[tilespmem:s0+$0xFFFFFFE8] =	vst v17  }
0xcd: {  	v17 =	vld [tilespmem:s8+$0xFFFFFF80];
	[tilespmem:s0+$0x30] =	vst v16  }
0xce: {  	v16 =	vld [tilespmem:s8+$0xFFFFFFC0];
	[tilespmem:s0+$0x78] =	vst v18  }
0xcf: {  	v18 =	vld [tilespmem:s8+$0x0];
	[tilespmem:s0+$0xC0] =	vst v19;
	s0 =	sadd.s32 $0x240, s0  }
0xd0: {  	v19 =	vld [tilespmem:s8+$0x40];
	[tilespmem:s0+$0xD8] =	vst v21  }
0xd1: {  	[tilespmem:s0+$0xFFFFFF28] =	vst v20;
	v20 =	vld [tilespmem:s8+$0xD0]  }
0xd2: {  	[tilespmem:s0+$0xFFFFFF70] =	vst v17;
	v17 =	vld [tilespmem:s8+$0x80]  }
0xd3: {  	v21 =	vld [tilespmem:s8+$0xFFFFFF00];
	[tilespmem:s0+$0xFFFFFFB8] =	vst v16  }
0xd4: {  	v16 =	vld [tilespmem:s8+$0xFFFFFF50];
	[tilespmem:s0+$0x0] =	vst v18  }
0xd5: {  	v18 =	vld [tilespmem:s8+$0xFFFFFF90];
	[tilespmem:s0+$0x48] =	vst v19  }
0xd6: {  	v19 =	vld [tilespmem:s8+$0xFFFFFFD0];
	[tilespmem:s0+$0xE8] =	vst v20  }
0xd7: {  	[tilespmem:s0+$0x90] =	vst v17;
	v17 =	vld [tilespmem:s8+$0xE0]  }
0xd8: {  	[tilespmem:s0+$0xFFFFFEE0] =	vst v21;
	v20 =	vld [tilespmem:s8+$0x10]  }
0xd9: {  	v21 =	vld [tilespmem:s8+$0xFFFFFF10];
	[tilespmem:s0+$0xFFFFFF38] =	vst v16  }
0xda: {  	[tilespmem:s0+$0xFFFFFF80] =	vst v18;
	v16 =	vld [tilespmem:s8+$0x50]  }
0xdb: {  	[tilespmem:s0+$0xFFFFFFC8] =	vst v19;
	v18 =	vld [tilespmem:s8+$0x90]  }
0xdc: {  	v19 =	vld [tilespmem:s8+$0xFFFFFF60];
	[tilespmem:s0+$0xF8] =	vst v17  }
0xdd: {  	[tilespmem:s0+$0x10] =	vst v20;
	v17 =	vld [tilespmem:s8+$0xF0]  }
0xde: {  	[tilespmem:s0+$0xFFFFFEF0] =	vst v21;
	v20 =	vld [tilespmem:s8+$0xFFFFFFA0]  }
0xdf: {  	v21 =	vld [tilespmem:s8+$0xFFFFFF20];
	[tilespmem:s0+$0x58] =	vst v16  }
0xe0: {  	v16 =	vld [tilespmem:s8+$0xFFFFFFE0];
	[tilespmem:s0+$0xA0] =	vst v18  }
0xe1: {  	[tilespmem:s0+$0xFFFFFF48] =	vst v19;
	v18 =	vld [tilespmem:s8+$0x20]  }
0xe2: {  	s9 =	simm.s32 $0x0;
	v19 =	vld [tilespmem:s8+$0x60];
	[tilespmem:s0+$0x108] =	vst v17  }
0xe3: {  	[tilespmem:s0+$0xFFFFFF90] =	vst v20;
	v22 =	vld [tilespmem:s8+$0xA0]  }
0xe4: {  	[tilespmem:s0+$0xFFFFFF00] =	vst v21;
	v21 =	vld [tilespmem:s8+$0xFFFFFF70]  }
0xe5: {  	v23 =	vld [tilespmem:s8+$0xFFFFFF30];
	[tilespmem:s0+$0xFFFFFFD8] =	vst v16  }
.Ltmp1:
0xe6: {  	v20 =	vld [tilespmem:s8+$0xFFFFFFB0];
	[tilespmem:s0+$0x20] =	vst v18;
	(pc) =	sbr.rel @p0 .LBB2_4-.Ltmp1, $4  }
0xe7: {  	v17 =	vld [tilespmem:s8+$0xFFFFFFF0];
	[tilespmem:s0+$0x68] =	vst v19  }
0xe8: {  	v16 =	vld [tilespmem:s8+$0x30];
	[tilespmem:s0+$0xB0] =	vst v22  }
0xe9: {  	[tilespmem:s0+$0xFFFFFF58] =	vst v21;
	v18 =	vld [tilespmem:s8+$0x70]  }
0xea: {  	[tilespmem:s0+$0xFFFFFF10] =	vst v23;
	v19 =	vld [tilespmem:s8+$0xB0];
	s8 =	sadd.s32 $0x200, s8  }
0xeb: {  	s5 =	simm.s32 $0x3  }
0xec: {  	s8 =	simm.s32 $0x1;
	v21 =	vmov s5  }
0xed: {  	s30 =	simm.s32 $0x2;
	v23 =	vmov s8;
	v22 =	vand.u32 $0x3F, v21  }
0xee: {  	[tilespmem:s0+$0xFFFFFFA0] =	vst v20;
	v20 =	vmov s30;
	v24 =	vand.u32 $0x3D, v23;
	v23 =	vadd.s32 v3, v22  }
0xef: {  	[tilespmem:s0+$0xFFFFFFE8] =	vst v17;
	v25 =	vand.u32 $0x3E, v20;
	v17 =	vadd.s32 v3, v24  }
0xf0: {  	[tilespmem:s0+$0x30] =	vst v16;
	v16 =	vmov s9;
	v20 =	vadd.s32 v3, v25  }
0xf1: {  	[tilespmem:s0+$0x78] =	vst v18;
	v21 =	vand.u32 $0x3C, v16  }
0xf2: {  	[tilespmem:s0+$0xC0] =	vst v19;
	v16 =	vadd.s32 v3, v21  }
0xf3: {  	v18 =	vld.idx.msk [tilespmem:v23+s18+$0x0], $0xffff  }
0xf4: {  	s31 =	simm.s32 $0x0;
	v19 =	vadd.s32 v9, v22;
	v17 =	vld.idx.msk [tilespmem:v17+s18+$0x0], $0xffff  }
0xf5: {  	s10 =	sand.u32 $0x1C00, s31;
	v20 =	vld.idx.msk [tilespmem:v20+s18+$0x0], $0xffff;
	v23 =	vadd.s32 v9, v24  }
0xf6: {  	s11 =	simm.s32 $0x80;
	s1 =	sand.u32 $0x380, s1;
	s5 =	sadd.s32 $0x12C00, s10;
	v26 =	vadd.s32 v9, v25  }
0xf7: {  	s8 =	sand.u32 $0x280, s11;
	s10 =	simm.s32 $0x100;
	s9 =	sor.u32 s1, s5;
	v16 =	vld.idx.msk [tilespmem:v16+s18+$0x0], $0xffff  }
0xf8: {  	s13 =	sand.u32 $0x300, s10;
	s14 =	sor.u32 s8, s5;
	v27 =	vadd.s32 v9, v21;
	[tilespmem:s9+$0x0] =	vst v18  }
0xf9: {  	s16 =	sor.u32 s13, s5;
	[tilespmem:s14+$0x0] =	vst v17;
	v17 =	vld.idx.msk [tilespmem:v19+s18+$0x0], $0xffff  }
0xfa: {  	s0 =	sand.u32 $0x200, s31;
	[tilespmem:s16+$0x0] =	vst v20;
	v18 =	vld.idx.msk [tilespmem:v23+s18+$0x0], $0xffff;
	v19 =	vadd.s32 v10, v22  }
0xfb: {  	s0 =	sor.u32 s0, s5;
	v20 =	vld.idx.msk [tilespmem:v26+s18+$0x0], $0xffff;
	v23 =	vadd.s32 v10, v24  }
0xfc: {  	[tilespmem:s0+$0x0] =	vst v16;
	v16 =	vadd.s32 v10, v25  }
0xfd: {  	v26 =	vld.idx.msk [tilespmem:v27+s18+$0x0], $0xffff  }
0xfe: {  	v27 =	vadd.s32 v10, v21;
	[tilespmem:s9+$0x10] =	vst v17  }
0xff: {  	[tilespmem:s14+$0x10] =	vst v18;
	v18 =	vld.idx.msk [tilespmem:v19+s18+$0x0], $0xffff  }
0x100: {  	s15 =	simm.s32 $0x4;
	[tilespmem:s16+$0x10] =	vst v20;
	v20 =	vadd.s32 v11, v22;
	v19 =	vld.idx.msk [tilespmem:v23+s18+$0x0], $0xffff  }
0x101: {  	v28 =	vadd.s32 v11, v24;
	v17 =	vmov s15;
	v23 =	vld.idx.msk [tilespmem:v16+s18+$0x0], $0xffff  }
0x102: {  	s24 =	simm.s32 $0x5;
	v16 =	vand.u32 $0x3C, v17;
	[tilespmem:s0+$0x10] =	vst v26;
	v26 =	vadd.s32 v11, v25  }
0x103: {  	v17 =	vmov s24;
	v29 =	vadd.s32 v3, v16;
	v27 =	vld.idx.msk [tilespmem:v27+s18+$0x0], $0xffff  }
0x104: {  	v30 =	vadd.s32 v11, v21;
	v17 =	vand.u32 $0x3D, v17;
	[tilespmem:s9+$0x20] =	vst v18  }
0x105: {  	v18 =	vadd.s32 v3, v17;
	[tilespmem:s14+$0x20] =	vst v19;
	v19 =	vld.idx.msk [tilespmem:v20+s18+$0x0], $0xffff  }
0x106: {  	s29 =	simm.s32 $0x7;
	[tilespmem:s16+$0x20] =	vst v23;
	v23 =	vadd.s32 v12, v22;
	v28 =	vld.idx.msk [tilespmem:v28+s18+$0x0], $0xffff  }
0x107: {  	v31 =	vadd.s32 v12, v24;
	v26 =	vld.idx.msk [tilespmem:v26+s18+$0x0], $0xffff;
	v20 =	vmov s29  }
0x108: {  	s30 =	simm.s32 $0x6;
	v29 =	vld.idx.msk [tilespmem:v29+s18+$0x0], $0xffff;
	[tilespmem:s0+$0x20] =	vst v27;
	v27 =	vadd.s32 v12, v25;
	v20 =	vand.u32 $0x3F, v20  }
0x109: {  	v32 =	vmov s30;
	v30 =	vld.idx.msk [tilespmem:v30+s18+$0x0], $0xffff;
	v33 =	vadd.s32 v3, v20  }
0x10a: {  	v51 =	vadd.s32 v12, v21;
	v34 =	vld.idx.msk [tilespmem:v18+s18+$0x0], $0xffff;
	v18 =	vand.u32 $0x3E, v32;
	[tilespmem:s9+$0x30] =	vst v19  }
0x10b: {  	[tilespmem:s14+$0x30] =	vst v28;
	v28 =	vadd.s32 v3, v18;
	v23 =	vld.idx.msk [tilespmem:v23+s18+$0x0], $0xffff  }
0x10c: {  	s31 =	simm.s32 $0x200;
	v38 =	vadd.s32 v9, v17;
	[tilespmem:s16+$0x30] =	vst v26;
	v31 =	vld.idx.msk [tilespmem:v31+s18+$0x0], $0xffff  }
0x10d: {  	s11 =	simm.s32 $0x280;
	s8 =	simm.s32 $0x8;
	s29 =	sand.u32 $0x1C00, s31;
	v26 =	vadd.s32 v13, v22;
	v27 =	vld.idx.msk [tilespmem:v27+s18+$0x0], $0xffff  }
0x10e: {  	s11 =	sand.u32 $0x280, s11;
	v35 =	vadd.s32 v13, v24;
	s15 =	simm.s32 $0x300;
	s10 =	sadd.s32 $0x12C00, s29;
	v19 =	vmov s8;
	[tilespmem:s0+$0x30] =	vst v30;
	v30 =	vld.idx.msk [tilespmem:v33+s18+$0x0], $0xffff  }
0x10f: {  	v52 =	vadd.s32 v13, v25;
	s30 =	sand.u32 $0x300, s15;
	s15 =	sor.u32 s11, s10;
	v19 =	vand.u32 $0x3C, v19;
	v32 =	vld.idx.msk [tilespmem:v51+s18+$0x0], $0xffff  }
0x110: {  	v36 =	vadd.s32 v3, v19;
	[tilespmem:s15+$0x0] =	vst v34;
	v28 =	vld.idx.msk [tilespmem:v28+s18+$0x0], $0xffff  }
0x111: {  	v54 =	vadd.s32 v9, v16;
	v56 =	vld.idx.msk [tilespmem:v38+s18+$0x0], $0xffff;
	[tilespmem:s9+$0x40] =	vst v23  }
0x112: {  	s5 =	simm.s32 $0x380;
	s1 =	sand.u32 $0x200, s31;
	v37 =	vadd.s32 v9, v20;
	[tilespmem:s14+$0x40] =	vst v31;
	v26 =	vld.idx.msk [tilespmem:v26+s18+$0x0], $0xffff  }
0x113: {  	v55 =	vadd.s32 v13, v21;
	s13 =	sand.u32 $0x380, s5;
	s1 =	sor.u32 s1, s10;
	[tilespmem:s16+$0x40] =	vst v27;
	v35 =	vld.idx.msk [tilespmem:v35+s18+$0x0], $0xffff  }
0x114: {  	s24 =	sor.u32 s13, s10;
	[tilespmem:s1+$0x0] =	vst v29;
	v31 =	vadd.s32 v9, v18;
	v27 =	vld.idx.msk [tilespmem:v52+s18+$0x0], $0xffff  }
0x115: {  	v53 =	vadd.s32 v14, v22;
	v23 =	vld.idx.msk [tilespmem:v36+s18+$0x0], $0xffff;
	[tilespmem:s24+$0x0] =	vst v30  }
0x116: {  	s13 =	sor.u32 s30, s10;
	v29 =	vadd.s32 v10, v17;
	v36 =	vld.idx.msk [tilespmem:v54+s18+$0x0], $0xffff;
	[tilespmem:s0+$0x40] =	vst v32  }
0x117: {  	v30 =	vld.idx.msk [tilespmem:v37+s18+$0x0], $0xffff;
	[tilespmem:s13+$0x0] =	vst v28;
	v28 =	vadd.s32 v14, v24  }
0x118: {  	v57 =	vadd.s32 v10, v20;
	v32 =	vld.idx.msk [tilespmem:v55+s18+$0x0], $0xffff;
	[tilespmem:s15+$0x10] =	vst v56  }
0x119: {  	v58 =	vadd.s32 v10, v16;
	v31 =	vld.idx.msk [tilespmem:v31+s18+$0x0], $0xffff;
	[tilespmem:s9+$0x50] =	vst v26  }
0x11a: {  	v39 =	vadd.s32 v10, v18;
	[tilespmem:s14+$0x50] =	vst v35;
	v33 =	vld.idx.msk [tilespmem:v53+s18+$0x0], $0xffff  }
0x11b: {  	v22 =	vadd.s32 v15, v22;
	v59 =	vld.idx.msk [tilespmem:v29+s18+$0x0], $0xffff;
	[tilespmem:s1+$0x10] =	vst v36  }
0x11c: {  	[tilespmem:s24+$0x10] =	vst v30;
	v30 =	vadd.s32 v14, v25;
	v26 =	vld.idx.msk [tilespmem:v28+s18+$0x0], $0xffff  }
0x11d: {  	v62 =	vadd.s32 v11, v17;
	[tilespmem:s16+$0x50] =	vst v27;
	v28 =	vld.idx.msk [tilespmem:v57+s18+$0x0], $0xffff  }
0x11e: {  	s31 =	simm.s32 $0x9;
	v40 =	vld.idx.msk [tilespmem:v58+s18+$0x0], $0xffff;
	[tilespmem:s13+$0x10] =	vst v31;
	v31 =	vadd.s32 v14, v21  }
0x11f: {  	v61 =	vadd.s32 v11, v20;
	v29 =	vmov s31;
	v60 =	vld.idx.msk [tilespmem:v39+s18+$0x0], $0xffff;
	[tilespmem:s9+$0x60] =	vst v33  }
0x120: {  	v41 =	vadd.s32 v11, v18;
	[tilespmem:s0+$0x50] =	vst v32;
	v63 =	vld.idx.msk [tilespmem:v22+s18+$0x0], $0xffff;
	v22 =	vand.u32 $0x3D, v29  }
0x121: {  	[tilespmem:s15+$0x20] =	vst v59;
	v29 =	vld.idx.msk [tilespmem:v30+s18+$0x0], $0xffff;
	v42 =	vadd.s32 v3, v22  }
0x122: {  	v36 =	vadd.s32 v11, v16;
	[tilespmem:s24+$0x20] =	vst v28;
	v28 =	vld.idx.msk [tilespmem:v62+s18+$0x0], $0xffff  }
0x123: {  	v34 =	vadd.s32 v15, v24;
	v27 =	vld.idx.msk [tilespmem:v31+s18+$0x0], $0xffff  }
0x124: {  	v33 =	vadd.s32 v15, v25;
	v30 =	vld.idx.msk [tilespmem:v61+s18+$0x0], $0xffff;
	[tilespmem:s13+$0x20] =	vst v60  }
0x125: {  	v32 =	vadd.s32 v12, v20;
	[tilespmem:s1+$0x20] =	vst v40;
	v31 =	vld.idx.msk [tilespmem:v41+s18+$0x0], $0xffff  }
0x126: {  	s10 =	simm.s32 $0xB;
	v35 =	vadd.s32 v12, v17;
	[tilespmem:s9+$0x70] =	vst v63;
	s9 =	simm.s32 $0xC;
	v24 =	vld.idx.msk [tilespmem:v42+s18+$0x0], $0xffff  }
.LBB2_6:
0x127: {  	p0 =	slt.u32 s9, $0x3C;
	v25 =	vmov s10;
	v36 =	vld.idx.msk [tilespmem:v36+s18+$0x0], $0xffff;
	v37 =	vadd.s32 v12, v18;
	[tilespmem:s14+$0x60] =	vst v26  }
0x128: {  	s10 =	sadd.s32 $0x2, s8;
	v38 =	vadd.s32 v15, v21;
	v21 =	vmovc v16;
	v16 =	vmov v19;
	s8 =	smov.u32 s9;
	v26 =	vand.u32 $0x3F, v25;
	v34 =	vld.idx.msk [tilespmem:v34+s18+$0x0], $0xffff;
	[tilespmem:s16+$0x60] =	vst v29  }
0x129: {  	v19 =	vmov s10;
	v29 =	vadd.s32 v3, v26;
	[tilespmem:s24+$0x30] =	vst v30;
	v30 =	vld.idx.msk [tilespmem:v33+s18+$0x0], $0xffff  }
0x12a: {  	v25 =	vand.u32 $0x3E, v19;
	v33 =	vadd.s32 v12, v21;
	[tilespmem:s15+$0x30] =	vst v28;
	v28 =	vld.idx.msk [tilespmem:v32+s18+$0x0], $0xffff  }
0x12b: {  	v32 =	vadd.s32 v3, v25;
	v35 =	vld.idx.msk [tilespmem:v35+s18+$0x0], $0xffff;
	[tilespmem:s13+$0x30] =	vst v31  }
0x12c: {  	v31 =	vld.idx.msk [tilespmem:v37+s18+$0x0], $0xffff;
	v37 =	vadd.s32 v13, v20;
	[tilespmem:s0+$0x60] =	vst v27  }
0x12d: {  	v19 =	vmov s9;
	v27 =	vadd.s32 v13, v17;
	[tilespmem:s1+$0x30] =	vst v36;
	v36 =	vld.idx.msk [tilespmem:v38+s18+$0x0], $0xffff  }
0x12e: {  	v19 =	vand.u32 $0x3C, v19;
	v38 =	vadd.s32 v13, v18;
	v29 =	vld.idx.msk [tilespmem:v29+s18+$0x0], $0xffff;
	[tilespmem:s14+$0x70] =	vst v34;
	s14 =	smov.u32 s15  }
0x12f: {  	s5 =	sadd.s32 $0x200, s5;
	v34 =	vadd.s32 v3, v19;
	v33 =	vld.idx.msk [tilespmem:v33+s18+$0x0], $0xffff;
	[tilespmem:s16+$0x70] =	vst v30;
	s16 =	smov.u32 s13  }
0x130: {  	s10 =	sadd.s32 $0xFFFFFE80, s5;
	s11 =	sadd.s32 $0xFFFFFF00, s5;
	s13 =	sadd.s32 $0xFFFFFF80, s5;
	v30 =	vld.idx.msk [tilespmem:v32+s18+$0x0], $0xffff;
	v32 =	vadd.s32 v9, v26;
	[tilespmem:s24+$0x40] =	vst v28  }
0x131: {  	s11 =	sand.u32 $0x280, s11;
	s15 =	sand.u32 $0x200, s10;
	s10 =	sand.u32 $0x1C00, s10;
	v28 =	vadd.s32 v9, v22;
	[tilespmem:s14+$0x40] =	vst v35;
	v35 =	vld.idx.msk [tilespmem:v37+s18+$0x0], $0xffff  }
0x132: {  	s30 =	sadd.s32 $0x12C00, s10;
	s10 =	sand.u32 $0x380, s5;
	s13 =	sand.u32 $0x300, s13;
	v37 =	vadd.s32 v9, v25;
	v27 =	vld.idx.msk [tilespmem:v27+s18+$0x0], $0xffff;
	[tilespmem:s16+$0x40] =	vst v31  }
0x133: {  	s31 =	sor.u32 s15, s30;
	s15 =	sor.u32 s11, s30;
	s10 =	sor.u32 s10, s30;
	v31 =	vld.idx.msk [tilespmem:v38+s18+$0x0], $0xffff;
	v38 =	vadd.s32 v14, v20;
	[tilespmem:s0+$0x70] =	vst v36  }
0x134: {  	s13 =	sor.u32 s13, s30;
	v36 =	vadd.s32 v9, v16;
	s0 =	smov.u32 s1;
	s1 =	smov.u32 s31;
	v34 =	vld.idx.msk [tilespmem:v34+s18+$0x0], $0xffff;
	[tilespmem:s10+$0x0] =	vst v29  }
0x135: {  	v29 =	vadd.s32 v13, v21;
	[tilespmem:s15+$0x0] =	vst v24;
	v24 =	vld.idx.msk [tilespmem:v32+s18+$0x0], $0xffff  }
0x136: {  	v28 =	vld.idx.msk [tilespmem:v28+s18+$0x0], $0xffff;
	[tilespmem:s13+$0x0] =	vst v30;
	v30 =	vadd.s32 v14, v17  }
0x137: {  	v32 =	vld.idx.msk [tilespmem:v37+s18+$0x0], $0xffff;
	v37 =	vadd.s32 v10, v26;
	[tilespmem:s24+$0x50] =	vst v35  }
0x138: {  	v35 =	vadd.s32 v10, v22;
	[tilespmem:s1+$0x0] =	vst v23;
	v38 =	vld.idx.msk [tilespmem:v38+s18+$0x0], $0xffff  }
0x139: {  	v39 =	vadd.s32 v10, v25;
	v36 =	vld.idx.msk [tilespmem:v36+s18+$0x0], $0xffff;
	[tilespmem:s0+$0x40] =	vst v33  }
0x13a: {  	v23 =	vmov v34;
	v29 =	vld.idx.msk [tilespmem:v29+s18+$0x0], $0xffff;
	[tilespmem:s14+$0x50] =	vst v27;
	v27 =	vadd.s32 v15, v20;
	v20 =	vmov v26  }
0x13b: {  	v33 =	vadd.s32 v10, v16;
	[tilespmem:s10+$0x10] =	vst v24;
	v26 =	vld.idx.msk [tilespmem:v30+s18+$0x0], $0xffff  }
0x13c: {  	[tilespmem:s15+$0x10] =	vst v28;
	v24 =	vld.idx.msk [tilespmem:v37+s18+$0x0], $0xffff;
	v28 =	vadd.s32 v14, v18  }
0x13d: {  	v30 =	vld.idx.msk [tilespmem:v35+s18+$0x0], $0xffff;
	[tilespmem:s13+$0x10] =	vst v32;
	v32 =	vadd.s32 v14, v21  }
0x13e: {  	s11 =	sadd.s32 $0x1, s9;
	v34 =	vadd.s32 v11, v20;
	v35 =	vld.idx.msk [tilespmem:v39+s18+$0x0], $0xffff;
	[tilespmem:s24+$0x60] =	vst v38  }
0x13f: {  	v37 =	vmov s11;
	v38 =	vadd.s32 v11, v22;
	[tilespmem:s1+$0x10] =	vst v36;
	v39 =	vld.idx.msk [tilespmem:v27+s18+$0x0], $0xffff  }
0x140: {  	v41 =	vadd.s32 v11, v25;
	v37 =	vand.u32 $0x3D, v37;
	v40 =	vld.idx.msk [tilespmem:v33+s18+$0x0], $0xffff;
	[tilespmem:s16+$0x50] =	vst v31  }
0x141: {  	v42 =	vadd.s32 v3, v37;
	[tilespmem:s0+$0x50] =	vst v29;
	v29 =	vld.idx.msk [tilespmem:v28+s18+$0x0], $0xffff  }
.Ltmp2:
0x142: {  	v36 =	vadd.s32 v11, v16;
	[tilespmem:s10+$0x20] =	vst v24;
	v27 =	vld.idx.msk [tilespmem:v32+s18+$0x0], $0xffff;
	(pc) =	sbr.rel @p0 .LBB2_6-.Ltmp2, $4  }
0x143: {  	[tilespmem:s15+$0x20] =	vst v30;
	v30 =	vld.idx.msk [tilespmem:v34+s18+$0x0], $0xffff;
	v34 =	vadd.s32 v15, v17;
	v17 =	vmov v22;
	v22 =	vmov v37  }
0x144: {  	v33 =	vadd.s32 v15, v18;
	v18 =	vmov v25;
	v28 =	vld.idx.msk [tilespmem:v38+s18+$0x0], $0xffff;
	[tilespmem:s13+$0x20] =	vst v35  }
0x145: {  	v32 =	vadd.s32 v12, v20;
	v31 =	vld.idx.msk [tilespmem:v41+s18+$0x0], $0xffff;
	[tilespmem:s24+$0x70] =	vst v39;
	s24 =	smov.u32 s10  }
0x146: {  	s9 =	sadd.s32 $0x4, s9;
	v35 =	vadd.s32 v12, v17;
	s10 =	sadd.s32 $0x3, s8;
	v24 =	vld.idx.msk [tilespmem:v42+s18+$0x0], $0xffff;
	[tilespmem:s1+$0x20] =	vst v40  }
0x147: {  	_ =	sdelay $0x2  }
0x148: {  	[tilespmem:s14+$0x60] =	vst v26  }
0x149: {  	v25 =	vmov s10;
	v36 =	vld.idx.msk [tilespmem:v36+s18+$0x0], $0xffff;
	s8 =	sadd.s32 $0x2, s8;
	[tilespmem:s16+$0x60] =	vst v29  }
0x14a: {  	[tilespmem:s0+$0x60] =	vst v27;
	v21 =	vadd.s32 v15, v21;
	v26 =	vand.u32 $0x3F, v25;
	v41 =	vld.idx.msk [tilespmem:v34+s18+$0x0], $0xffff;
	v42 =	vmov s8  }
0x14b: {  	[tilespmem:s24+$0x30] =	vst v30;
	v44 =	vld.idx.msk [tilespmem:v33+s18+$0x0], $0xffff;
	v43 =	vadd.s32 v3, v26;
	v25 =	vand.u32 $0x3E, v42  }
0x14c: {  	[tilespmem:s15+$0x30] =	vst v28;
	v45 =	vld.idx.msk [tilespmem:v32+s18+$0x0], $0xffff;
	v46 =	vadd.s32 v3, v25  }
0x14d: {  	s5 =	sadd.s32 $0x200, s5;
	[tilespmem:s13+$0x30] =	vst v31  }
0x14e: {  	v37 =	vadd.s32 v12, v18;
	s9 =	sadd.s32 $0xFFFFFE80, s5;
	[tilespmem:s1+$0x30] =	vst v36  }
0x14f: {  	v52 =	vadd.s32 v9, v22;
	s11 =	sand.u32 $0x1C00, s9;
	v21 =	vld.idx.msk [tilespmem:v21+s18+$0x0], $0xffff;
	[tilespmem:s14+$0x70] =	vst v41;
	s14 =	sadd.s32 $0xFFFFFF00, s5  }
0x150: {  	v54 =	vadd.s32 v9, v19;
	s11 =	sadd.s32 $0x12C00, s11;
	[tilespmem:s16+$0x70] =	vst v44;
	v34 =	vld.idx.msk [tilespmem:v43+s18+$0x0], $0xffff;
	s10 =	sand.u32 $0x280, s14  }
0x151: {  	v50 =	vadd.s32 v9, v26;
	s9 =	sand.u32 $0x200, s9;
	[tilespmem:s24+$0x40] =	vst v45;
	v51 =	vld.idx.msk [tilespmem:v46+s18+$0x0], $0xffff;
	s31 =	sor.u32 s10, s11  }
0x152: {  	v47 =	vld.idx.msk [tilespmem:v35+s18+$0x0], $0xffff;
	v53 =	vadd.s32 v9, v25;
	s10 =	sor.u32 s9, s11;
	[tilespmem:s31+$0x0] =	vst v24  }
0x153: {  	v55 =	vadd.s32 v12, v16;
	s29 =	sadd.s32 $0xFFFFFF80, s5;
	v48 =	vld.idx.msk [tilespmem:v37+s18+$0x0], $0xffff;
	s16 =	sand.u32 $0x380, s5;
	[tilespmem:s10+$0x0] =	vst v23  }
0x154: {  	v49 =	vadd.s32 v13, v20;
	s30 =	sor.u32 s16, s11;
	s14 =	sand.u32 $0x300, s29;
	v28 =	vld.idx.msk [tilespmem:v52+s18+$0x0], $0xffff;
	[tilespmem:s0+$0x70] =	vst v21  }
0x155: {  	v56 =	vadd.s32 v13, v17;
	s16 =	sor.u32 s14, s11;
	v21 =	vld.idx.msk [tilespmem:v54+s18+$0x0], $0xffff;
	[tilespmem:s30+$0x0] =	vst v34  }
0x156: {  	v23 =	vadd.s32 v10, v22;
	v57 =	vld.idx.msk [tilespmem:v50+s18+$0x0], $0xffff;
	[tilespmem:s16+$0x0] =	vst v51  }
0x157: {  	v58 =	vadd.s32 v10, v26;
	[tilespmem:s15+$0x40] =	vst v47;
	v30 =	vld.idx.msk [tilespmem:v53+s18+$0x0], $0xffff  }
0x158: {  	v59 =	vadd.s32 v10, v25;
	v60 =	vld.idx.msk [tilespmem:v55+s18+$0x0], $0xffff;
	[tilespmem:s13+$0x40] =	vst v48  }
0x159: {  	v61 =	vadd.s32 v10, v19;
	v33 =	vld.idx.msk [tilespmem:v49+s18+$0x0], $0xffff;
	[tilespmem:s31+$0x10] =	vst v28  }
0x15a: {  	v36 =	vadd.s32 v13, v18;
	v62 =	vld.idx.msk [tilespmem:v56+s18+$0x0], $0xffff;
	[tilespmem:s10+$0x10] =	vst v21  }
0x15b: {  	v63 =	vadd.s32 v14, v20;
	v23 =	vld.idx.msk [tilespmem:v23+s18+$0x0], $0xffff;
	[tilespmem:s30+$0x10] =	vst v57  }
0x15c: {  	v21 =	vadd.s32 v11, v22;
	v37 =	vld.idx.msk [tilespmem:v58+s18+$0x0], $0xffff;
	[tilespmem:s16+$0x10] =	vst v30  }
0x15d: {  	v38 =	vadd.s32 v11, v26;
	[tilespmem:s1+$0x40] =	vst v60;
	v27 =	vld.idx.msk [tilespmem:v59+s18+$0x0], $0xffff  }
0x15e: {  	v40 =	vadd.s32 v11, v25;
	[tilespmem:s24+$0x50] =	vst v33;
	v39 =	vld.idx.msk [tilespmem:v61+s18+$0x0], $0xffff  }
0x15f: {  	v42 =	vadd.s32 v11, v19;
	v24 =	vld.idx.msk [tilespmem:v36+s18+$0x0], $0xffff;
	[tilespmem:s15+$0x50] =	vst v62  }
0x160: {  	v43 =	vadd.s32 v13, v16;
	v41 =	vld.idx.msk [tilespmem:v63+s18+$0x0], $0xffff;
	[tilespmem:s31+$0x20] =	vst v23  }
0x161: {  	v20 =	vadd.s32 v15, v20;
	v21 =	vld.idx.msk [tilespmem:v21+s18+$0x0], $0xffff;
	[tilespmem:s30+$0x20] =	vst v37  }
0x162: {  	v46 =	vadd.s32 v12, v22;
	v23 =	vld.idx.msk [tilespmem:v38+s18+$0x0], $0xffff;
	[tilespmem:s16+$0x20] =	vst v27  }
0x163: {  	v44 =	vadd.s32 v12, v26;
	[tilespmem:s10+$0x20] =	vst v39;
	v45 =	vld.idx.msk [tilespmem:v40+s18+$0x0], $0xffff  }
0x164: {  	v47 =	vadd.s32 v12, v25;
	[tilespmem:s13+$0x50] =	vst v24;
	v30 =	vld.idx.msk [tilespmem:v42+s18+$0x0], $0xffff  }
0x165: {  	v49 =	vadd.s32 v12, v19;
	v48 =	vld.idx.msk [tilespmem:v43+s18+$0x0], $0xffff;
	[tilespmem:s24+$0x60] =	vst v41  }
0x166: {  	v50 =	vadd.s32 v14, v17;
	v20 =	vld.idx.msk [tilespmem:v20+s18+$0x0], $0xffff;
	[tilespmem:s31+$0x30] =	vst v21  }
0x167: {  	v51 =	vld.idx.msk [tilespmem:v46+s18+$0x0], $0xffff;
	[tilespmem:s30+$0x30] =	vst v23;
	v23 =	vadd.s32 v14, v18  }
0x168: {  	v54 =	vadd.s32 v13, v22;
	v21 =	vld.idx.msk [tilespmem:v44+s18+$0x0], $0xffff;
	[tilespmem:s16+$0x30] =	vst v45  }
0x169: {  	v52 =	vadd.s32 v13, v26;
	[tilespmem:s10+$0x30] =	vst v30;
	v53 =	vld.idx.msk [tilespmem:v47+s18+$0x0], $0xffff  }
0x16a: {  	v55 =	vadd.s32 v13, v25;
	[tilespmem:s1+$0x50] =	vst v48;
	v24 =	vld.idx.msk [tilespmem:v49+s18+$0x0], $0xffff  }
0x16b: {  	v56 =	vld.idx.msk [tilespmem:v50+s18+$0x0], $0xffff;
	[tilespmem:s24+$0x70] =	vst v20;
	v20 =	vadd.s32 v13, v19  }
0x16c: {  	v57 =	vadd.s32 v14, v16;
	[tilespmem:s31+$0x40] =	vst v51;
	v23 =	vld.idx.msk [tilespmem:v23+s18+$0x0], $0xffff  }
0x16d: {  	v17 =	vadd.s32 v15, v17;
	v27 =	vld.idx.msk [tilespmem:v54+s18+$0x0], $0xffff;
	[tilespmem:s30+$0x40] =	vst v21  }
0x16e: {  	v59 =	vadd.s32 v14, v22;
	v21 =	vld.idx.msk [tilespmem:v52+s18+$0x0], $0xffff;
	[tilespmem:s16+$0x40] =	vst v53  }
0x16f: {  	v58 =	vadd.s32 v14, v26;
	[tilespmem:s10+$0x40] =	vst v24;
	v29 =	vld.idx.msk [tilespmem:v55+s18+$0x0], $0xffff  }
0x170: {  	v60 =	vadd.s32 v14, v25;
	[tilespmem:s15+$0x60] =	vst v56;
	v20 =	vld.idx.msk [tilespmem:v20+s18+$0x0], $0xffff  }
0x171: {  	v61 =	vld.idx.msk [tilespmem:v57+s18+$0x0], $0xffff;
	[tilespmem:s13+$0x60] =	vst v23;
	v23 =	vadd.s32 v14, v19  }
0x172: {  	v16 =	vadd.s32 v15, v16;
	v17 =	vld.idx.msk [tilespmem:v17+s18+$0x0], $0xffff;
	[tilespmem:s31+$0x50] =	vst v27  }
0x173: {  	v18 =	vadd.s32 v15, v18;
	v27 =	vld.idx.msk [tilespmem:v59+s18+$0x0], $0xffff;
	[tilespmem:s30+$0x50] =	vst v21  }
0x174: {  	v22 =	vadd.s32 v15, v22;
	v21 =	vld.idx.msk [tilespmem:v58+s18+$0x0], $0xffff;
	[tilespmem:s16+$0x50] =	vst v29  }
0x175: {  	v26 =	vadd.s32 v15, v26;
	[tilespmem:s10+$0x50] =	vst v20;
	v20 =	vld.idx.msk [tilespmem:v60+s18+$0x0], $0xffff  }
0x176: {  	v62 =	vadd.s32 v15, v25;
	[tilespmem:s1+$0x60] =	vst v61;
	v23 =	vld.idx.msk [tilespmem:v23+s18+$0x0], $0xffff  }
0x177: {  	[tilespmem:s15+$0x70] =	vst v17;
	v17 =	vadd.s32 v15, v19;
	v16 =	vld.idx.msk [tilespmem:v16+s18+$0x0], $0xffff  }
0x178: {  	v18 =	vld.idx.msk [tilespmem:v18+s18+$0x0], $0xffff;
	[tilespmem:s31+$0x60] =	vst v27  }
0x179: {  	[tilespmem:s30+$0x60] =	vst v21;
	v21 =	vld.idx.msk [tilespmem:v22+s18+$0x0], $0xffff  }
0x17a: {  	v19 =	vld.idx.msk [tilespmem:v26+s18+$0x0], $0xffff;
	[tilespmem:s16+$0x60] =	vst v20  }
0x17b: {  	v20 =	vld.idx.msk [tilespmem:v62+s18+$0x0], $0xffff;
	[tilespmem:s10+$0x60] =	vst v23  }
0x17c: {  	[tilespmem:s1+$0x70] =	vst v16;
	v17 =	vld.idx.msk [tilespmem:v17+s18+$0x0], $0xffff  }
0x17d: {  	[tilespmem:s13+$0x70] =	vst v18  }
0x17e: {  	[tilespmem:s31+$0x70] =	vst v21  }
0x17f: {  	[tilespmem:s30+$0x70] =	vst v19  }
0x180: {  	[tilespmem:s16+$0x70] =	vst v20  }
0x181: {  	s29 =	simm.s32 $0xEC00;
	[tilespmem:s10+$0x70] =	vst v17  }
0x182: {  	[tilespmem:s29], [sflag:$0x1] =	stream.indirect.gather [hbm4b:s4+s12], $0x40, s19, s12, $0xb8;
	[tilespmem:$0x16C00] =	vst v63  }
0x183: {  	s30 =	rddreg [dreg:$0x4]  }
0x184: {  	[hbm4b:s30+s20] =	stream.strided.scatter [tilespmem:s22], [sflag:$0x3], $0x2000, s21, s20, $0x38;
	[tilespmem:$0x16C00] =	vst v63  }
0x185: {  	_ =	swait.ge [sflag:s23], $0x2000  }
0x186: {  	[sflag:s23] =	ssyncset.done $0x0  }
0x187: {  	s31 =	simm.s32 $0x10D00;
	[sflag:s23] =	ssyncadd.s32 $0xFFFFE000  }
0x188: {  	v16 =	vld [tilespmem:s31+$0xC0]  }
0x189: {  	v17 =	vld [tilespmem:s31+$0xFFFFFF40]  }
0x18a: {  	v18 =	vld [tilespmem:s31+$0xFFFFFF80]  }
0x18b: {  	v19 =	vld [tilespmem:s31+$0xFFFFFFC0]  }
0x18c: {  	s0 =	simm.s32 $0xC920;
	v20 =	vld [tilespmem:s31+$0x0]  }
0x18d: {  	v21 =	vld [tilespmem:s31+$0x40];
	[tilespmem:s0+$0xD8] =	vst v16  }
0x18e: {  	[tilespmem:s0+$0xFFFFFF28] =	vst v17;
	v17 =	vld [tilespmem:s31+$0x80]  }
0x18f: {  	[tilespmem:s0+$0xFFFFFF70] =	vst v18;
	v18 =	vld [tilespmem:s31+$0xFFFFFF00]  }
0x190: {  	[tilespmem:s0+$0xFFFFFFB8] =	vst v19;
	v16 =	vld [tilespmem:s31+$0xD0]  }
0x191: {  	[tilespmem:s0+$0x0] =	vst v20;
	v19 =	vld [tilespmem:s31+$0xFFFFFF50]  }
0x192: {  	[tilespmem:s0+$0x48] =	vst v21;
	v20 =	vld [tilespmem:s31+$0xFFFFFF90]  }
0x193: {  	v21 =	vld [tilespmem:s31+$0xFFFFFFD0];
	[tilespmem:s0+$0x90] =	vst v17  }
0x194: {  	[tilespmem:s0+$0xFFFFFEE0] =	vst v18;
	v17 =	vld [tilespmem:s31+$0x10]  }
0x195: {  	[tilespmem:s0+$0xE8] =	vst v16;
	v18 =	vld [tilespmem:s31+$0xFFFFFF10]  }
0x196: {  	[tilespmem:s0+$0xFFFFFF38] =	vst v19;
	v19 =	vld [tilespmem:s31+$0x50]  }
0x197: {  	[tilespmem:s0+$0xFFFFFF80] =	vst v20;
	v20 =	vld [tilespmem:s31+$0x90]  }
0x198: {  	[tilespmem:s0+$0xFFFFFFC8] =	vst v21;
	v21 =	vld [tilespmem:s31+$0xFFFFFF60]  }
0x199: {  	v16 =	vld [tilespmem:s31+$0xE0];
	[tilespmem:s0+$0x10] =	vst v17  }
0x19a: {  	v17 =	vld [tilespmem:s31+$0xFFFFFFA0];
	[tilespmem:s0+$0xFFFFFEF0] =	vst v18  }
0x19b: {  	[tilespmem:s0+$0x58] =	vst v19;
	v19 =	vld [tilespmem:s31+$0xFFFFFFE0]  }
0x19c: {  	[tilespmem:s0+$0xA0] =	vst v20;
	v18 =	vld [tilespmem:s31+$0xFFFFFF20]  }
0x19d: {  	[tilespmem:s0+$0xFFFFFF48] =	vst v21;
	v21 =	vld [tilespmem:s31+$0x20]  }
0x19e: {  	[tilespmem:s0+$0xF8] =	vst v16;
	v22 =	vld [tilespmem:s31+$0x60]  }
0x19f: {  	v23 =	vld [tilespmem:s31+$0xA0];
	[tilespmem:s0+$0xFFFFFF90] =	vst v17  }
0x1a0: {  	v16 =	vld [tilespmem:s31+$0xF0];
	[tilespmem:s0+$0xFFFFFFD8] =	vst v19  }
0x1a1: {  	[tilespmem:s0+$0xFFFFFF00] =	vst v18;
	v18 =	vld [tilespmem:s31+$0xFFFFFF70]  }
0x1a2: {  	[tilespmem:s0+$0x20] =	vst v21;
	v63 =	vld [tilespmem:s31+$0xFFFFFF30]  }
0x1a3: {  	v20 =	vld [tilespmem:s31+$0xFFFFFFB0];
	[tilespmem:s0+$0x68] =	vst v22  }
0x1a4: {  	v17 =	vld [tilespmem:s31+$0xFFFFFFF0];
	[tilespmem:s0+$0xB0] =	vst v23  }
0x1a5: {  	[tilespmem:s0+$0x108] =	vst v16;
	v16 =	vld [tilespmem:s31+$0x30]  }
0x1a6: {  	[tilespmem:s0+$0xFFFFFF58] =	vst v18;
	v18 =	vld [tilespmem:s31+$0x70]  }
0x1a7: {  	s5 =	simm.s32 $0x10F00;
	s1 =	simm.s32 $0x0;
	v19 =	vld [tilespmem:s31+$0xB0];
	[tilespmem:s0+$0xFFFFFF10] =	vst v63  }
.LBB2_8:
0x1a8: {  	v21 =	vld [tilespmem:s5+$0xC0];
	s1 =	sadd.s32 $0x8, s1;
	[tilespmem:s0+$0xFFFFFFA0] =	vst v20  }
0x1a9: {  	v20 =	vld [tilespmem:s5+$0xFFFFFF40];
	p0 =	slt.u32 s1, $0x78;
	[tilespmem:s0+$0xFFFFFFE8] =	vst v17  }
0x1aa: {  	v17 =	vld [tilespmem:s5+$0xFFFFFF80];
	[tilespmem:s0+$0x30] =	vst v16  }
0x1ab: {  	v16 =	vld [tilespmem:s5+$0xFFFFFFC0];
	[tilespmem:s0+$0x78] =	vst v18  }
0x1ac: {  	v18 =	vld [tilespmem:s5+$0x0];
	[tilespmem:s0+$0xC0] =	vst v19;
	s0 =	sadd.s32 $0x240, s0  }
0x1ad: {  	v19 =	vld [tilespmem:s5+$0x40];
	[tilespmem:s0+$0xD8] =	vst v21  }
0x1ae: {  	[tilespmem:s0+$0xFFFFFF28] =	vst v20;
	v20 =	vld [tilespmem:s5+$0xD0]  }
0x1af: {  	[tilespmem:s0+$0xFFFFFF70] =	vst v17;
	v17 =	vld [tilespmem:s5+$0x80]  }
0x1b0: {  	v21 =	vld [tilespmem:s5+$0xFFFFFF00];
	[tilespmem:s0+$0xFFFFFFB8] =	vst v16  }
0x1b1: {  	v16 =	vld [tilespmem:s5+$0xFFFFFF50];
	[tilespmem:s0+$0x0] =	vst v18  }
0x1b2: {  	v18 =	vld [tilespmem:s5+$0xFFFFFF90];
	[tilespmem:s0+$0x48] =	vst v19  }
0x1b3: {  	v19 =	vld [tilespmem:s5+$0xFFFFFFD0];
	[tilespmem:s0+$0xE8] =	vst v20  }
0x1b4: {  	[tilespmem:s0+$0x90] =	vst v17;
	v17 =	vld [tilespmem:s5+$0xE0]  }
0x1b5: {  	[tilespmem:s0+$0xFFFFFEE0] =	vst v21;
	v20 =	vld [tilespmem:s5+$0x10]  }
0x1b6: {  	v21 =	vld [tilespmem:s5+$0xFFFFFF10];
	[tilespmem:s0+$0xFFFFFF38] =	vst v16  }
0x1b7: {  	[tilespmem:s0+$0xFFFFFF80] =	vst v18;
	v16 =	vld [tilespmem:s5+$0x50]  }
0x1b8: {  	[tilespmem:s0+$0xFFFFFFC8] =	vst v19;
	v18 =	vld [tilespmem:s5+$0x90]  }
0x1b9: {  	v19 =	vld [tilespmem:s5+$0xFFFFFF60];
	[tilespmem:s0+$0xF8] =	vst v17  }
0x1ba: {  	[tilespmem:s0+$0x10] =	vst v20;
	v17 =	vld [tilespmem:s5+$0xF0]  }
0x1bb: {  	[tilespmem:s0+$0xFFFFFEF0] =	vst v21;
	v20 =	vld [tilespmem:s5+$0xFFFFFFA0]  }
0x1bc: {  	v21 =	vld [tilespmem:s5+$0xFFFFFF20];
	[tilespmem:s0+$0x58] =	vst v16  }
0x1bd: {  	v16 =	vld [tilespmem:s5+$0xFFFFFFE0];
	[tilespmem:s0+$0xA0] =	vst v18  }
0x1be: {  	[tilespmem:s0+$0xFFFFFF48] =	vst v19;
	v18 =	vld [tilespmem:s5+$0x20]  }
0x1bf: {  	s9 =	simm.s32 $0x0;
	s8 =	simm.s32 $0x180;
	v19 =	vld [tilespmem:s5+$0x60];
	[tilespmem:s0+$0x108] =	vst v17  }
0x1c0: {  	[tilespmem:s0+$0xFFFFFF90] =	vst v20;
	v22 =	vld [tilespmem:s5+$0xA0]  }
0x1c1: {  	[tilespmem:s0+$0xFFFFFF00] =	vst v21;
	v21 =	vld [tilespmem:s5+$0xFFFFFF70]  }
0x1c2: {  	v23 =	vld [tilespmem:s5+$0xFFFFFF30];
	[tilespmem:s0+$0xFFFFFFD8] =	vst v16  }
.Ltmp3:
0x1c3: {  	v20 =	vld [tilespmem:s5+$0xFFFFFFB0];
	[tilespmem:s0+$0x20] =	vst v18;
	(pc) =	sbr.rel @p0 .LBB2_8-.Ltmp3, $4  }
0x1c4: {  	v17 =	vld [tilespmem:s5+$0xFFFFFFF0];
	[tilespmem:s0+$0x68] =	vst v19  }
0x1c5: {  	v16 =	vld [tilespmem:s5+$0x30];
	[tilespmem:s0+$0xB0] =	vst v22  }
0x1c6: {  	[tilespmem:s0+$0xFFFFFF58] =	vst v21;
	v18 =	vld [tilespmem:s5+$0x70]  }
0x1c7: {  	[tilespmem:s0+$0xFFFFFF10] =	vst v23;
	v19 =	vld [tilespmem:s5+$0xB0];
	s5 =	sadd.s32 $0x200, s5  }
0x1c8: {  	s1 =	simm.s32 $0x3  }
0x1c9: {  	s5 =	simm.s32 $0x1;
	v21 =	vmov s1  }
0x1ca: {  	s19 =	simm.s32 $0x2;
	v23 =	vmov s5;
	v22 =	vand.u32 $0x3F, v21  }
0x1cb: {  	[tilespmem:s0+$0xFFFFFFA0] =	vst v20;
	v20 =	vmov s19;
	v24 =	vand.u32 $0x3D, v23;
	v23 =	vadd.s32 v3, v22  }
0x1cc: {  	[tilespmem:s0+$0xFFFFFFE8] =	vst v17;
	v25 =	vand.u32 $0x3E, v20;
	v17 =	vadd.s32 v3, v24  }
0x1cd: {  	[tilespmem:s0+$0x30] =	vst v16;
	v16 =	vmov s9;
	v20 =	vadd.s32 v3, v25  }
0x1ce: {  	[tilespmem:s0+$0x78] =	vst v18;
	v21 =	vand.u32 $0x3C, v16  }
0x1cf: {  	[tilespmem:s0+$0xC0] =	vst v19;
	v16 =	vadd.s32 v3, v21  }
0x1d0: {  	v18 =	vld.idx.msk [tilespmem:v23+s18+$0x0], $0xffff  }
0x1d1: {  	s24 =	simm.s32 $0x0;
	v19 =	vadd.s32 v9, v22;
	v17 =	vld.idx.msk [tilespmem:v17+s18+$0x0], $0xffff  }
0x1d2: {  	s29 =	sand.u32 $0x1C00, s24;
	v20 =	vld.idx.msk [tilespmem:v20+s18+$0x0], $0xffff;
	v23 =	vadd.s32 v9, v24  }
0x1d3: {  	s30 =	simm.s32 $0x80;
	s8 =	sand.u32 $0x380, s8;
	s1 =	sadd.s32 $0x14C00, s29;
	v26 =	vadd.s32 v9, v25  }
0x1d4: {  	s10 =	simm.s32 $0x100;
	s5 =	sand.u32 $0x280, s30;
	s9 =	sor.u32 s8, s1;
	v16 =	vld.idx.msk [tilespmem:v16+s18+$0x0], $0xffff  }
0x1d5: {  	s31 =	sand.u32 $0x300, s10;
	s14 =	sor.u32 s5, s1;
	v27 =	vadd.s32 v9, v21;
	[tilespmem:s9+$0x0] =	vst v18  }
0x1d6: {  	s16 =	sor.u32 s31, s1;
	[tilespmem:s14+$0x0] =	vst v17;
	v17 =	vld.idx.msk [tilespmem:v19+s18+$0x0], $0xffff  }
0x1d7: {  	s0 =	sand.u32 $0x200, s24;
	[tilespmem:s16+$0x0] =	vst v20;
	v18 =	vld.idx.msk [tilespmem:v23+s18+$0x0], $0xffff;
	v19 =	vadd.s32 v10, v22  }
0x1d8: {  	s0 =	sor.u32 s0, s1;
	v20 =	vld.idx.msk [tilespmem:v26+s18+$0x0], $0xffff;
	v23 =	vadd.s32 v10, v24  }
0x1d9: {  	[tilespmem:s0+$0x0] =	vst v16;
	v16 =	vadd.s32 v10, v25  }
0x1da: {  	v26 =	vld.idx.msk [tilespmem:v27+s18+$0x0], $0xffff  }
0x1db: {  	v27 =	vadd.s32 v10, v21;
	[tilespmem:s9+$0x10] =	vst v17  }
0x1dc: {  	[tilespmem:s14+$0x10] =	vst v18;
	v18 =	vld.idx.msk [tilespmem:v19+s18+$0x0], $0xffff  }
0x1dd: {  	s10 =	simm.s32 $0x4;
	[tilespmem:s16+$0x10] =	vst v20;
	v20 =	vadd.s32 v11, v22;
	v19 =	vld.idx.msk [tilespmem:v23+s18+$0x0], $0xffff  }
0x1de: {  	v28 =	vadd.s32 v11, v24;
	v17 =	vmov s10;
	v23 =	vld.idx.msk [tilespmem:v16+s18+$0x0], $0xffff  }
0x1df: {  	s11 =	simm.s32 $0x5;
	v16 =	vand.u32 $0x3C, v17;
	[tilespmem:s0+$0x10] =	vst v26;
	v26 =	vadd.s32 v11, v25  }
0x1e0: {  	v17 =	vmov s11;
	v29 =	vadd.s32 v3, v16;
	v27 =	vld.idx.msk [tilespmem:v27+s18+$0x0], $0xffff  }
0x1e1: {  	v30 =	vadd.s32 v11, v21;
	v17 =	vand.u32 $0x3D, v17;
	[tilespmem:s9+$0x20] =	vst v18  }
0x1e2: {  	v18 =	vadd.s32 v3, v17;
	[tilespmem:s14+$0x20] =	vst v19;
	v19 =	vld.idx.msk [tilespmem:v20+s18+$0x0], $0xffff  }
0x1e3: {  	s13 =	simm.s32 $0x7;
	[tilespmem:s16+$0x20] =	vst v23;
	v23 =	vadd.s32 v12, v22;
	v28 =	vld.idx.msk [tilespmem:v28+s18+$0x0], $0xffff  }
0x1e4: {  	v31 =	vadd.s32 v12, v24;
	v26 =	vld.idx.msk [tilespmem:v26+s18+$0x0], $0xffff;
	v20 =	vmov s13  }
0x1e5: {  	s15 =	simm.s32 $0x6;
	v29 =	vld.idx.msk [tilespmem:v29+s18+$0x0], $0xffff;
	[tilespmem:s0+$0x20] =	vst v27;
	v27 =	vadd.s32 v12, v25;
	v20 =	vand.u32 $0x3F, v20  }
0x1e6: {  	v32 =	vmov s15;
	v30 =	vld.idx.msk [tilespmem:v30+s18+$0x0], $0xffff;
	v33 =	vadd.s32 v3, v20  }
0x1e7: {  	v51 =	vadd.s32 v12, v21;
	v34 =	vld.idx.msk [tilespmem:v18+s18+$0x0], $0xffff;
	v18 =	vand.u32 $0x3E, v32;
	[tilespmem:s9+$0x30] =	vst v19  }
0x1e8: {  	[tilespmem:s14+$0x30] =	vst v28;
	v28 =	vadd.s32 v3, v18;
	v23 =	vld.idx.msk [tilespmem:v23+s18+$0x0], $0xffff  }
0x1e9: {  	s19 =	simm.s32 $0x200;
	v38 =	vadd.s32 v9, v17;
	[tilespmem:s16+$0x30] =	vst v26;
	v31 =	vld.idx.msk [tilespmem:v31+s18+$0x0], $0xffff  }
0x1ea: {  	s29 =	sand.u32 $0x1C00, s19;
	s8 =	simm.s32 $0x8;
	s11 =	simm.s32 $0x280;
	v26 =	vadd.s32 v13, v22;
	v27 =	vld.idx.msk [tilespmem:v27+s18+$0x0], $0xffff  }
0x1eb: {  	s15 =	simm.s32 $0x300;
	v35 =	vadd.s32 v13, v24;
	s10 =	sadd.s32 $0x14C00, s29;
	s11 =	sand.u32 $0x280, s11;
	v19 =	vmov s8;
	[tilespmem:s0+$0x30] =	vst v30;
	v30 =	vld.idx.msk [tilespmem:v33+s18+$0x0], $0xffff  }
0x1ec: {  	s30 =	sand.u32 $0x300, s15;
	v52 =	vadd.s32 v13, v25;
	s15 =	sor.u32 s11, s10;
	v19 =	vand.u32 $0x3C, v19;
	v32 =	vld.idx.msk [tilespmem:v51+s18+$0x0], $0xffff  }
0x1ed: {  	v36 =	vadd.s32 v3, v19;
	[tilespmem:s15+$0x0] =	vst v34;
	v28 =	vld.idx.msk [tilespmem:v28+s18+$0x0], $0xffff  }
0x1ee: {  	v54 =	vadd.s32 v9, v16;
	v56 =	vld.idx.msk [tilespmem:v38+s18+$0x0], $0xffff;
	[tilespmem:s9+$0x40] =	vst v23  }
0x1ef: {  	s5 =	simm.s32 $0x380;
	s1 =	sand.u32 $0x200, s19;
	v37 =	vadd.s32 v9, v20;
	[tilespmem:s14+$0x40] =	vst v31;
	v26 =	vld.idx.msk [tilespmem:v26+s18+$0x0], $0xffff  }
0x1f0: {  	v55 =	vadd.s32 v13, v21;
	s1 =	sor.u32 s1, s10;
	s13 =	sand.u32 $0x380, s5;
	[tilespmem:s16+$0x40] =	vst v27;
	v35 =	vld.idx.msk [tilespmem:v35+s18+$0x0], $0xffff  }
0x1f1: {  	s24 =	sor.u32 s13, s10;
	[tilespmem:s1+$0x0] =	vst v29;
	v31 =	vadd.s32 v9, v18;
	v27 =	vld.idx.msk [tilespmem:v52+s18+$0x0], $0xffff  }
0x1f2: {  	v53 =	vadd.s32 v14, v22;
	v23 =	vld.idx.msk [tilespmem:v36+s18+$0x0], $0xffff;
	[tilespmem:s24+$0x0] =	vst v30  }
0x1f3: {  	s13 =	sor.u32 s30, s10;
	v29 =	vadd.s32 v10, v17;
	v36 =	vld.idx.msk [tilespmem:v54+s18+$0x0], $0xffff;
	[tilespmem:s0+$0x40] =	vst v32  }
0x1f4: {  	v30 =	vld.idx.msk [tilespmem:v37+s18+$0x0], $0xffff;
	[tilespmem:s13+$0x0] =	vst v28;
	v28 =	vadd.s32 v14, v24  }
0x1f5: {  	v57 =	vadd.s32 v10, v20;
	v32 =	vld.idx.msk [tilespmem:v55+s18+$0x0], $0xffff;
	[tilespmem:s15+$0x10] =	vst v56  }
0x1f6: {  	v58 =	vadd.s32 v10, v16;
	v31 =	vld.idx.msk [tilespmem:v31+s18+$0x0], $0xffff;
	[tilespmem:s9+$0x50] =	vst v26  }
0x1f7: {  	v39 =	vadd.s32 v10, v18;
	[tilespmem:s14+$0x50] =	vst v35;
	v33 =	vld.idx.msk [tilespmem:v53+s18+$0x0], $0xffff  }
0x1f8: {  	v22 =	vadd.s32 v15, v22;
	v59 =	vld.idx.msk [tilespmem:v29+s18+$0x0], $0xffff;
	[tilespmem:s1+$0x10] =	vst v36  }
0x1f9: {  	[tilespmem:s24+$0x10] =	vst v30;
	v30 =	vadd.s32 v14, v25;
	v26 =	vld.idx.msk [tilespmem:v28+s18+$0x0], $0xffff  }
0x1fa: {  	v62 =	vadd.s32 v11, v17;
	[tilespmem:s16+$0x50] =	vst v27;
	v28 =	vld.idx.msk [tilespmem:v57+s18+$0x0], $0xffff  }
0x1fb: {  	s31 =	simm.s32 $0x9;
	v40 =	vld.idx.msk [tilespmem:v58+s18+$0x0], $0xffff;
	[tilespmem:s13+$0x10] =	vst v31;
	v31 =	vadd.s32 v14, v21  }
0x1fc: {  	v61 =	vadd.s32 v11, v20;
	v29 =	vmov s31;
	v60 =	vld.idx.msk [tilespmem:v39+s18+$0x0], $0xffff;
	[tilespmem:s9+$0x60] =	vst v33  }
0x1fd: {  	v41 =	vadd.s32 v11, v18;
	[tilespmem:s0+$0x50] =	vst v32;
	v63 =	vld.idx.msk [tilespmem:v22+s18+$0x0], $0xffff;
	v22 =	vand.u32 $0x3D, v29  }
0x1fe: {  	[tilespmem:s15+$0x20] =	vst v59;
	v29 =	vld.idx.msk [tilespmem:v30+s18+$0x0], $0xffff;
	v42 =	vadd.s32 v3, v22  }
0x1ff: {  	v36 =	vadd.s32 v11, v16;
	[tilespmem:s24+$0x20] =	vst v28;
	v28 =	vld.idx.msk [tilespmem:v62+s18+$0x0], $0xffff  }
0x200: {  	v34 =	vadd.s32 v15, v24;
	v27 =	vld.idx.msk [tilespmem:v31+s18+$0x0], $0xffff  }
0x201: {  	v33 =	vadd.s32 v15, v25;
	v30 =	vld.idx.msk [tilespmem:v61+s18+$0x0], $0xffff;
	[tilespmem:s13+$0x20] =	vst v60  }
0x202: {  	v32 =	vadd.s32 v12, v20;
	[tilespmem:s1+$0x20] =	vst v40;
	v31 =	vld.idx.msk [tilespmem:v41+s18+$0x0], $0xffff  }
0x203: {  	s10 =	simm.s32 $0xB;
	v35 =	vadd.s32 v12, v17;
	[tilespmem:s9+$0x70] =	vst v63;
	s9 =	simm.s32 $0xC;
	v24 =	vld.idx.msk [tilespmem:v42+s18+$0x0], $0xffff  }
.LBB2_10:
0x204: {  	p0 =	slt.u32 s9, $0x3C;
	v25 =	vmov s10;
	v36 =	vld.idx.msk [tilespmem:v36+s18+$0x0], $0xffff;
	v37 =	vadd.s32 v12, v18;
	[tilespmem:s14+$0x60] =	vst v26  }
0x205: {  	s10 =	sadd.s32 $0x2, s8;
	v38 =	vadd.s32 v15, v21;
	v21 =	vmovc v16;
	v16 =	vmov v19;
	s8 =	smov.u32 s9;
	v26 =	vand.u32 $0x3F, v25;
	v34 =	vld.idx.msk [tilespmem:v34+s18+$0x0], $0xffff;
	[tilespmem:s16+$0x60] =	vst v29  }
0x206: {  	v19 =	vmov s10;
	v29 =	vadd.s32 v3, v26;
	[tilespmem:s24+$0x30] =	vst v30;
	v30 =	vld.idx.msk [tilespmem:v33+s18+$0x0], $0xffff  }
0x207: {  	v25 =	vand.u32 $0x3E, v19;
	v33 =	vadd.s32 v12, v21;
	[tilespmem:s15+$0x30] =	vst v28;
	v28 =	vld.idx.msk [tilespmem:v32+s18+$0x0], $0xffff  }
0x208: {  	v32 =	vadd.s32 v3, v25;
	v35 =	vld.idx.msk [tilespmem:v35+s18+$0x0], $0xffff;
	[tilespmem:s13+$0x30] =	vst v31  }
0x209: {  	v31 =	vld.idx.msk [tilespmem:v37+s18+$0x0], $0xffff;
	v37 =	vadd.s32 v13, v20;
	[tilespmem:s0+$0x60] =	vst v27  }
0x20a: {  	v19 =	vmov s9;
	v27 =	vadd.s32 v13, v17;
	[tilespmem:s1+$0x30] =	vst v36;
	v36 =	vld.idx.msk [tilespmem:v38+s18+$0x0], $0xffff  }
0x20b: {  	v19 =	vand.u32 $0x3C, v19;
	v38 =	vadd.s32 v13, v18;
	v29 =	vld.idx.msk [tilespmem:v29+s18+$0x0], $0xffff;
	[tilespmem:s14+$0x70] =	vst v34;
	s14 =	smov.u32 s15  }
0x20c: {  	s5 =	sadd.s32 $0x200, s5;
	v34 =	vadd.s32 v3, v19;
	v33 =	vld.idx.msk [tilespmem:v33+s18+$0x0], $0xffff;
	[tilespmem:s16+$0x70] =	vst v30;
	s16 =	smov.u32 s13  }
0x20d: {  	s10 =	sadd.s32 $0xFFFFFE80, s5;
	s11 =	sadd.s32 $0xFFFFFF00, s5;
	s13 =	sadd.s32 $0xFFFFFF80, s5;
	v30 =	vld.idx.msk [tilespmem:v32+s18+$0x0], $0xffff;
	v32 =	vadd.s32 v9, v26;
	[tilespmem:s24+$0x40] =	vst v28  }
0x20e: {  	s11 =	sand.u32 $0x280, s11;
	s15 =	sand.u32 $0x200, s10;
	s10 =	sand.u32 $0x1C00, s10;
	v28 =	vadd.s32 v9, v22;
	[tilespmem:s14+$0x40] =	vst v35;
	v35 =	vld.idx.msk [tilespmem:v37+s18+$0x0], $0xffff  }
0x20f: {  	s30 =	sadd.s32 $0x14C00, s10;
	s10 =	sand.u32 $0x380, s5;
	s13 =	sand.u32 $0x300, s13;
	v37 =	vadd.s32 v9, v25;
	v27 =	vld.idx.msk [tilespmem:v27+s18+$0x0], $0xffff;
	[tilespmem:s16+$0x40] =	vst v31  }
0x210: {  	s31 =	sor.u32 s15, s30;
	s15 =	sor.u32 s11, s30;
	s10 =	sor.u32 s10, s30;
	v31 =	vld.idx.msk [tilespmem:v38+s18+$0x0], $0xffff;
	v38 =	vadd.s32 v14, v20;
	[tilespmem:s0+$0x70] =	vst v36  }
0x211: {  	s13 =	sor.u32 s13, s30;
	v36 =	vadd.s32 v9, v16;
	s0 =	smov.u32 s1;
	s1 =	smov.u32 s31;
	v34 =	vld.idx.msk [tilespmem:v34+s18+$0x0], $0xffff;
	[tilespmem:s10+$0x0] =	vst v29  }
0x212: {  	v29 =	vadd.s32 v13, v21;
	[tilespmem:s15+$0x0] =	vst v24;
	v24 =	vld.idx.msk [tilespmem:v32+s18+$0x0], $0xffff  }
0x213: {  	v28 =	vld.idx.msk [tilespmem:v28+s18+$0x0], $0xffff;
	[tilespmem:s13+$0x0] =	vst v30;
	v30 =	vadd.s32 v14, v17  }
0x214: {  	v32 =	vld.idx.msk [tilespmem:v37+s18+$0x0], $0xffff;
	v37 =	vadd.s32 v10, v26;
	[tilespmem:s24+$0x50] =	vst v35  }
0x215: {  	v35 =	vadd.s32 v10, v22;
	[tilespmem:s1+$0x0] =	vst v23;
	v38 =	vld.idx.msk [tilespmem:v38+s18+$0x0], $0xffff  }
0x216: {  	v39 =	vadd.s32 v10, v25;
	v36 =	vld.idx.msk [tilespmem:v36+s18+$0x0], $0xffff;
	[tilespmem:s0+$0x40] =	vst v33  }
0x217: {  	v23 =	vmov v34;
	v29 =	vld.idx.msk [tilespmem:v29+s18+$0x0], $0xffff;
	[tilespmem:s14+$0x50] =	vst v27;
	v27 =	vadd.s32 v15, v20;
	v20 =	vmov v26  }
0x218: {  	v33 =	vadd.s32 v10, v16;
	[tilespmem:s10+$0x10] =	vst v24;
	v26 =	vld.idx.msk [tilespmem:v30+s18+$0x0], $0xffff  }
0x219: {  	[tilespmem:s15+$0x10] =	vst v28;
	v24 =	vld.idx.msk [tilespmem:v37+s18+$0x0], $0xffff;
	v28 =	vadd.s32 v14, v18  }
0x21a: {  	v30 =	vld.idx.msk [tilespmem:v35+s18+$0x0], $0xffff;
	[tilespmem:s13+$0x10] =	vst v32;
	v32 =	vadd.s32 v14, v21  }
0x21b: {  	s11 =	sadd.s32 $0x1, s9;
	v34 =	vadd.s32 v11, v20;
	v35 =	vld.idx.msk [tilespmem:v39+s18+$0x0], $0xffff;
	[tilespmem:s24+$0x60] =	vst v38  }
0x21c: {  	v37 =	vmov s11;
	v38 =	vadd.s32 v11, v22;
	[tilespmem:s1+$0x10] =	vst v36;
	v39 =	vld.idx.msk [tilespmem:v27+s18+$0x0], $0xffff  }
0x21d: {  	v41 =	vadd.s32 v11, v25;
	v37 =	vand.u32 $0x3D, v37;
	v40 =	vld.idx.msk [tilespmem:v33+s18+$0x0], $0xffff;
	[tilespmem:s16+$0x50] =	vst v31  }
0x21e: {  	v42 =	vadd.s32 v3, v37;
	[tilespmem:s0+$0x50] =	vst v29;
	v29 =	vld.idx.msk [tilespmem:v28+s18+$0x0], $0xffff  }
.Ltmp4:
0x21f: {  	v36 =	vadd.s32 v11, v16;
	[tilespmem:s10+$0x20] =	vst v24;
	v27 =	vld.idx.msk [tilespmem:v32+s18+$0x0], $0xffff;
	(pc) =	sbr.rel @p0 .LBB2_10-.Ltmp4, $4  }
0x220: {  	[tilespmem:s15+$0x20] =	vst v30;
	v30 =	vld.idx.msk [tilespmem:v34+s18+$0x0], $0xffff;
	v34 =	vadd.s32 v15, v17;
	v17 =	vmov v22;
	v22 =	vmov v37  }
0x221: {  	v33 =	vadd.s32 v15, v18;
	v18 =	vmov v25;
	v28 =	vld.idx.msk [tilespmem:v38+s18+$0x0], $0xffff;
	[tilespmem:s13+$0x20] =	vst v35  }
0x222: {  	v32 =	vadd.s32 v12, v20;
	v31 =	vld.idx.msk [tilespmem:v41+s18+$0x0], $0xffff;
	[tilespmem:s24+$0x70] =	vst v39;
	s24 =	smov.u32 s10  }
0x223: {  	s9 =	sadd.s32 $0x4, s9;
	v35 =	vadd.s32 v12, v17;
	s10 =	sadd.s32 $0x3, s8;
	v24 =	vld.idx.msk [tilespmem:v42+s18+$0x0], $0xffff;
	[tilespmem:s1+$0x20] =	vst v40  }
0x224: {  	_ =	sdelay $0x2  }
0x225: {  	[tilespmem:s14+$0x60] =	vst v26  }
0x226: {  	v36 =	vld.idx.msk [tilespmem:v36+s18+$0x0], $0xffff;
	[tilespmem:s16+$0x60] =	vst v29  }
0x227: {  	[tilespmem:s0+$0x60] =	vst v27;
	v56 =	vld.idx.msk [tilespmem:v34+s18+$0x0], $0xffff  }
0x228: {  	v25 =	vmov s10;
	v37 =	vadd.s32 v12, v18;
	s8 =	sadd.s32 $0x2, s8;
	[tilespmem:s24+$0x30] =	vst v30;
	v59 =	vld.idx.msk [tilespmem:v33+s18+$0x0], $0xffff  }
0x229: {  	v21 =	vadd.s32 v15, v21;
	v26 =	vand.u32 $0x3F, v25;
	v57 =	vmov s8;
	[tilespmem:s15+$0x30] =	vst v28;
	v60 =	vld.idx.msk [tilespmem:v32+s18+$0x0], $0xffff  }
0x22a: {  	v58 =	vadd.s32 v3, v26;
	v25 =	vand.u32 $0x3E, v57;
	[tilespmem:s13+$0x30] =	vst v31;
	v62 =	vld.idx.msk [tilespmem:v35+s18+$0x0], $0xffff  }
0x22b: {  	s5 =	sadd.s32 $0x200, s5;
	v61 =	vadd.s32 v3, v25;
	[tilespmem:s1+$0x30] =	vst v36  }
0x22c: {  	v42 =	vadd.s32 v12, v16;
	s9 =	sadd.s32 $0xFFFFFE80, s5;
	[tilespmem:s14+$0x70] =	vst v56  }
0x22d: {  	v43 =	vadd.s32 v13, v17;
	s11 =	sand.u32 $0x1C00, s9;
	v63 =	vld.idx.msk [tilespmem:v37+s18+$0x0], $0xffff;
	[tilespmem:s16+$0x70] =	vst v59;
	s14 =	sadd.s32 $0xFFFFFF00, s5  }
0x22e: {  	v39 =	vadd.s32 v9, v22;
	s11 =	sadd.s32 $0x14C00, s11;
	v21 =	vld.idx.msk [tilespmem:v21+s18+$0x0], $0xffff;
	s16 =	sand.u32 $0x380, s5;
	[tilespmem:s24+$0x40] =	vst v60;
	s10 =	sand.u32 $0x280, s14  }
0x22f: {  	v41 =	vadd.s32 v9, v19;
	v34 =	vld.idx.msk [tilespmem:v58+s18+$0x0], $0xffff;
	s29 =	sor.u32 s16, s11;
	s16 =	sand.u32 $0x200, s9;
	[tilespmem:s15+$0x40] =	vst v62;
	s31 =	sor.u32 s10, s11  }
0x230: {  	v37 =	vadd.s32 v9, v26;
	v38 =	vld.idx.msk [tilespmem:v61+s18+$0x0], $0xffff;
	s10 =	sor.u32 s16, s11;
	[tilespmem:s31+$0x0] =	vst v24  }
0x231: {  	v40 =	vadd.s32 v9, v25;
	v49 =	vld.idx.msk [tilespmem:v42+s18+$0x0], $0xffff;
	[tilespmem:s10+$0x0] =	vst v23  }
0x232: {  	s19 =	sadd.s32 $0xFFFFFF80, s5;
	v36 =	vadd.s32 v13, v20;
	v51 =	vld.idx.msk [tilespmem:v43+s18+$0x0], $0xffff;
	[tilespmem:s13+$0x40] =	vst v63  }
0x233: {  	v53 =	vadd.s32 v13, v18;
	s14 =	sand.u32 $0x300, s19;
	v28 =	vld.idx.msk [tilespmem:v39+s18+$0x0], $0xffff;
	[tilespmem:s0+$0x70] =	vst v21  }
0x234: {  	v46 =	vadd.s32 v10, v22;
	s19 =	sor.u32 s14, s11;
	v47 =	vld.idx.msk [tilespmem:v41+s18+$0x0], $0xffff;
	[tilespmem:s29+$0x0] =	vst v34  }
0x235: {  	v50 =	vadd.s32 v10, v19;
	v44 =	vld.idx.msk [tilespmem:v37+s18+$0x0], $0xffff;
	[tilespmem:s19+$0x0] =	vst v38  }
0x236: {  	v45 =	vadd.s32 v10, v26;
	[tilespmem:s1+$0x40] =	vst v49;
	v30 =	vld.idx.msk [tilespmem:v40+s18+$0x0], $0xffff  }
0x237: {  	v48 =	vadd.s32 v10, v25;
	v33 =	vld.idx.msk [tilespmem:v36+s18+$0x0], $0xffff;
	[tilespmem:s15+$0x50] =	vst v51  }
0x238: {  	v61 =	vadd.s32 v13, v16;
	v24 =	vld.idx.msk [tilespmem:v53+s18+$0x0], $0xffff;
	[tilespmem:s31+$0x10] =	vst v28  }
0x239: {  	v52 =	vadd.s32 v14, v20;
	[tilespmem:s10+$0x10] =	vst v47;
	v23 =	vld.idx.msk [tilespmem:v46+s18+$0x0], $0xffff  }
0x23a: {  	v56 =	vadd.s32 v11, v22;
	v57 =	vld.idx.msk [tilespmem:v50+s18+$0x0], $0xffff;
	[tilespmem:s29+$0x10] =	vst v44  }
0x23b: {  	v60 =	vadd.s32 v11, v19;
	v54 =	vld.idx.msk [tilespmem:v45+s18+$0x0], $0xffff;
	[tilespmem:s19+$0x10] =	vst v30  }
0x23c: {  	v55 =	vadd.s32 v11, v26;
	[tilespmem:s24+$0x50] =	vst v33;
	v27 =	vld.idx.msk [tilespmem:v48+s18+$0x0], $0xffff  }
0x23d: {  	v58 =	vadd.s32 v11, v25;
	v40 =	vld.idx.msk [tilespmem:v61+s18+$0x0], $0xffff;
	[tilespmem:s13+$0x50] =	vst v24  }
0x23e: {  	v42 =	vadd.s32 v14, v17;
	v59 =	vld.idx.msk [tilespmem:v52+s18+$0x0], $0xffff;
	[tilespmem:s31+$0x20] =	vst v23  }
0x23f: {  	v62 =	vadd.s32 v15, v20;
	[tilespmem:s10+$0x20] =	vst v57;
	v21 =	vld.idx.msk [tilespmem:v56+s18+$0x0], $0xffff  }
0x240: {  	v38 =	vadd.s32 v12, v22;
	v30 =	vld.idx.msk [tilespmem:v60+s18+$0x0], $0xffff;
	[tilespmem:s29+$0x20] =	vst v54  }
0x241: {  	v41 =	vadd.s32 v12, v19;
	v63 =	vld.idx.msk [tilespmem:v55+s18+$0x0], $0xffff;
	[tilespmem:s19+$0x20] =	vst v27  }
0x242: {  	v36 =	vadd.s32 v12, v26;
	[tilespmem:s1+$0x50] =	vst v40;
	v37 =	vld.idx.msk [tilespmem:v58+s18+$0x0], $0xffff  }
0x243: {  	v39 =	vadd.s32 v12, v25;
	v50 =	vld.idx.msk [tilespmem:v42+s18+$0x0], $0xffff;
	[tilespmem:s24+$0x60] =	vst v59  }
0x244: {  	v43 =	vadd.s32 v14, v18;
	v20 =	vld.idx.msk [tilespmem:v62+s18+$0x0], $0xffff;
	[tilespmem:s31+$0x30] =	vst v21  }
0x245: {  	v17 =	vadd.s32 v15, v17;
	[tilespmem:s10+$0x30] =	vst v30;
	v45 =	vld.idx.msk [tilespmem:v38+s18+$0x0], $0xffff  }
0x246: {  	v48 =	vadd.s32 v13, v22;
	v24 =	vld.idx.msk [tilespmem:v41+s18+$0x0], $0xffff;
	[tilespmem:s29+$0x30] =	vst v63  }
0x247: {  	v51 =	vadd.s32 v13, v19;
	v44 =	vld.idx.msk [tilespmem:v36+s18+$0x0], $0xffff;
	[tilespmem:s19+$0x30] =	vst v37  }
0x248: {  	v46 =	vadd.s32 v13, v26;
	[tilespmem:s15+$0x60] =	vst v50;
	v47 =	vld.idx.msk [tilespmem:v39+s18+$0x0], $0xffff  }
0x249: {  	v49 =	vadd.s32 v13, v25;
	v23 =	vld.idx.msk [tilespmem:v43+s18+$0x0], $0xffff;
	[tilespmem:s24+$0x70] =	vst v20  }
0x24a: {  	v52 =	vadd.s32 v14, v16;
	v17 =	vld.idx.msk [tilespmem:v17+s18+$0x0], $0xffff;
	[tilespmem:s31+$0x40] =	vst v45  }
0x24b: {  	[tilespmem:s10+$0x40] =	vst v24;
	v27 =	vld.idx.msk [tilespmem:v48+s18+$0x0], $0xffff  }
0x24c: {  	v54 =	vadd.s32 v14, v22;
	v20 =	vld.idx.msk [tilespmem:v51+s18+$0x0], $0xffff;
	[tilespmem:s29+$0x40] =	vst v44  }
0x24d: {  	v57 =	vadd.s32 v14, v19;
	v21 =	vld.idx.msk [tilespmem:v46+s18+$0x0], $0xffff;
	[tilespmem:s19+$0x40] =	vst v47  }
0x24e: {  	v53 =	vadd.s32 v14, v26;
	[tilespmem:s13+$0x60] =	vst v23;
	v29 =	vld.idx.msk [tilespmem:v49+s18+$0x0], $0xffff  }
0x24f: {  	v56 =	vld.idx.msk [tilespmem:v52+s18+$0x0], $0xffff;
	v55 =	vadd.s32 v14, v25;
	[tilespmem:s15+$0x70] =	vst v17  }
0x250: {  	v16 =	vadd.s32 v15, v16;
	[tilespmem:s31+$0x50] =	vst v27  }
0x251: {  	v58 =	vadd.s32 v15, v18;
	[tilespmem:s10+$0x50] =	vst v20;
	v27 =	vld.idx.msk [tilespmem:v54+s18+$0x0], $0xffff  }
0x252: {  	v60 =	vadd.s32 v15, v22;
	v23 =	vld.idx.msk [tilespmem:v57+s18+$0x0], $0xffff;
	[tilespmem:s29+$0x50] =	vst v21  }
0x253: {  	v17 =	vadd.s32 v15, v19;
	v21 =	vld.idx.msk [tilespmem:v53+s18+$0x0], $0xffff;
	[tilespmem:s19+$0x50] =	vst v29  }
0x254: {  	v26 =	vadd.s32 v15, v26;
	[tilespmem:s1+$0x60] =	vst v56;
	v59 =	vld.idx.msk [tilespmem:v55+s18+$0x0], $0xffff  }
0x255: {  	v61 =	vadd.s32 v15, v25;
	v16 =	vld.idx.msk [tilespmem:v16+s18+$0x0], $0xffff  }
0x256: {  	v18 =	vld.idx.msk [tilespmem:v58+s18+$0x0], $0xffff;
	[tilespmem:s31+$0x60] =	vst v27  }
0x257: {  	[tilespmem:s10+$0x60] =	vst v23;
	v63 =	vld.idx.msk [tilespmem:v60+s18+$0x0], $0xffff  }
0x258: {  	v17 =	vld.idx.msk [tilespmem:v17+s18+$0x0], $0xffff;
	[tilespmem:s29+$0x60] =	vst v21  }
0x259: {  	v62 =	vld.idx.msk [tilespmem:v26+s18+$0x0], $0xffff;
	[tilespmem:s19+$0x60] =	vst v59  }
0x25a: {  	[tilespmem:s1+$0x70] =	vst v16;
	v20 =	vld.idx.msk [tilespmem:v61+s18+$0x0], $0xffff  }
0x25b: {  	[tilespmem:s13+$0x70] =	vst v18  }
0x25c: {  	[tilespmem:s31+$0x70] =	vst v63  }
0x25d: {  	[tilespmem:s10+$0x70] =	vst v17  }
0x25e: {  	[tilespmem:s29+$0x70] =	vst v62  }
0x25f: {  	s24 =	simm.s32 $0x10C00;
	s29 =	simm.s32 $0x6580;
	[tilespmem:s19+$0x70] =	vst v20  }
0x260: {  	[tilespmem:s24], [sflag:$0x2] =	stream.indirect.gather [hbm4b:s4+s12], $0x40, s29, s12, $0xb8;
	[tilespmem:$0x16C00] =	vst v63  }
0x261: {  	s30 =	simm.s32 $0x1;
	s31 =	rddreg [dreg:$0x5]  }
0x262: {  	[hbm4b:s31+s20] =	stream.strided.scatter [tilespmem:s25], [sflag:$0x4], $0x2000, s21, s20, $0x38;
	[tilespmem:$0x16C00] =	vst v63  }
.LBB2_12:
0x263: {  	_ =	swait.ge [sflag:s17], $0x2000  }
0x264: {  	[sflag:s17] =	ssyncset.done $0x0  }
0x265: {  	[sflag:s17] =	ssyncadd.s32 $0xFFFFE000  }
0x266: {  	_ =	swait.ge [sflag:s26], $0x2000  }
0x267: {  	[sflag:s26] =	ssyncset.done $0x0  }
0x268: {  	s5 =	simm.s32 $0xED00;
	[sflag:s26] =	ssyncadd.s32 $0xFFFFE000  }
0x269: {  	v16 =	vld [tilespmem:s5+$0xC0]  }
0x26a: {  	v17 =	vld [tilespmem:s5+$0xFFFFFF40]  }
0x26b: {  	v18 =	vld [tilespmem:s5+$0xFFFFFF80]  }
0x26c: {  	v19 =	vld [tilespmem:s5+$0xFFFFFFC0]  }
0x26d: {  	s0 =	simm.s32 $0xC920;
	v20 =	vld [tilespmem:s5+$0x0]  }
0x26e: {  	v21 =	vld [tilespmem:s5+$0x40];
	[tilespmem:s0+$0xD8] =	vst v16  }
0x26f: {  	[tilespmem:s0+$0xFFFFFF28] =	vst v17;
	v17 =	vld [tilespmem:s5+$0x80]  }
0x270: {  	[tilespmem:s0+$0xFFFFFF70] =	vst v18;
	v18 =	vld [tilespmem:s5+$0xFFFFFF00]  }
0x271: {  	[tilespmem:s0+$0xFFFFFFB8] =	vst v19;
	v16 =	vld [tilespmem:s5+$0xD0]  }
0x272: {  	[tilespmem:s0+$0x0] =	vst v20;
	v19 =	vld [tilespmem:s5+$0xFFFFFF50]  }
0x273: {  	[tilespmem:s0+$0x48] =	vst v21;
	v20 =	vld [tilespmem:s5+$0xFFFFFF90]  }
0x274: {  	v21 =	vld [tilespmem:s5+$0xFFFFFFD0];
	[tilespmem:s0+$0x90] =	vst v17  }
0x275: {  	[tilespmem:s0+$0xFFFFFEE0] =	vst v18;
	v17 =	vld [tilespmem:s5+$0x10]  }
0x276: {  	[tilespmem:s0+$0xE8] =	vst v16;
	v18 =	vld [tilespmem:s5+$0xFFFFFF10]  }
0x277: {  	[tilespmem:s0+$0xFFFFFF38] =	vst v19;
	v19 =	vld [tilespmem:s5+$0x50]  }
0x278: {  	[tilespmem:s0+$0xFFFFFF80] =	vst v20;
	v20 =	vld [tilespmem:s5+$0x90]  }
0x279: {  	[tilespmem:s0+$0xFFFFFFC8] =	vst v21;
	v21 =	vld [tilespmem:s5+$0xFFFFFF60]  }
0x27a: {  	v16 =	vld [tilespmem:s5+$0xE0];
	[tilespmem:s0+$0x10] =	vst v17  }
0x27b: {  	v17 =	vld [tilespmem:s5+$0xFFFFFFA0];
	[tilespmem:s0+$0xFFFFFEF0] =	vst v18  }
0x27c: {  	[tilespmem:s0+$0x58] =	vst v19;
	v19 =	vld [tilespmem:s5+$0xFFFFFFE0]  }
0x27d: {  	[tilespmem:s0+$0xA0] =	vst v20;
	v18 =	vld [tilespmem:s5+$0xFFFFFF20]  }
0x27e: {  	[tilespmem:s0+$0xFFFFFF48] =	vst v21;
	v21 =	vld [tilespmem:s5+$0x20]  }
0x27f: {  	[tilespmem:s0+$0xF8] =	vst v16;
	v22 =	vld [tilespmem:s5+$0x60]  }
0x280: {  	v23 =	vld [tilespmem:s5+$0xA0];
	[tilespmem:s0+$0xFFFFFF90] =	vst v17  }
0x281: {  	v16 =	vld [tilespmem:s5+$0xF0];
	[tilespmem:s0+$0xFFFFFFD8] =	vst v19  }
0x282: {  	[tilespmem:s0+$0xFFFFFF00] =	vst v18;
	v18 =	vld [tilespmem:s5+$0xFFFFFF70]  }
0x283: {  	[tilespmem:s0+$0x20] =	vst v21;
	v24 =	vld [tilespmem:s5+$0xFFFFFF30]  }
0x284: {  	v20 =	vld [tilespmem:s5+$0xFFFFFFB0];
	[tilespmem:s0+$0x68] =	vst v22  }
0x285: {  	v17 =	vld [tilespmem:s5+$0xFFFFFFF0];
	[tilespmem:s0+$0xB0] =	vst v23  }
0x286: {  	[tilespmem:s0+$0x108] =	vst v16;
	v16 =	vld [tilespmem:s5+$0x30]  }
0x287: {  	[tilespmem:s0+$0xFFFFFF58] =	vst v18;
	v18 =	vld [tilespmem:s5+$0x70]  }
0x288: {  	s1 =	simm.s32 $0x0;
	v19 =	vld [tilespmem:s5+$0xB0];
	s5 =	simm.s32 $0xEF00;
	[tilespmem:s0+$0xFFFFFF10] =	vst v24  }
.LBB2_13:
0x289: {  	v21 =	vld [tilespmem:s5+$0xC0];
	s1 =	sadd.s32 $0x8, s1;
	[tilespmem:s0+$0xFFFFFFA0] =	vst v20  }
0x28a: {  	v20 =	vld [tilespmem:s5+$0xFFFFFF40];
	p0 =	slt.u32 s1, $0x78;
	[tilespmem:s0+$0xFFFFFFE8] =	vst v17  }
0x28b: {  	v17 =	vld [tilespmem:s5+$0xFFFFFF80];
	[tilespmem:s0+$0x30] =	vst v16  }
0x28c: {  	v16 =	vld [tilespmem:s5+$0xFFFFFFC0];
	[tilespmem:s0+$0x78] =	vst v18  }
0x28d: {  	v18 =	vld [tilespmem:s5+$0x0];
	[tilespmem:s0+$0xC0] =	vst v19;
	s0 =	sadd.s32 $0x240, s0  }
0x28e: {  	v19 =	vld [tilespmem:s5+$0x40];
	[tilespmem:s0+$0xD8] =	vst v21  }
0x28f: {  	[tilespmem:s0+$0xFFFFFF28] =	vst v20;
	v20 =	vld [tilespmem:s5+$0xD0]  }
0x290: {  	[tilespmem:s0+$0xFFFFFF70] =	vst v17;
	v17 =	vld [tilespmem:s5+$0x80]  }
0x291: {  	v21 =	vld [tilespmem:s5+$0xFFFFFF00];
	[tilespmem:s0+$0xFFFFFFB8] =	vst v16  }
0x292: {  	v16 =	vld [tilespmem:s5+$0xFFFFFF50];
	[tilespmem:s0+$0x0] =	vst v18  }
0x293: {  	v18 =	vld [tilespmem:s5+$0xFFFFFF90];
	[tilespmem:s0+$0x48] =	vst v19  }
0x294: {  	v19 =	vld [tilespmem:s5+$0xFFFFFFD0];
	[tilespmem:s0+$0xE8] =	vst v20  }
0x295: {  	[tilespmem:s0+$0x90] =	vst v17;
	v17 =	vld [tilespmem:s5+$0xE0]  }
0x296: {  	[tilespmem:s0+$0xFFFFFEE0] =	vst v21;
	v20 =	vld [tilespmem:s5+$0x10]  }
0x297: {  	v21 =	vld [tilespmem:s5+$0xFFFFFF10];
	[tilespmem:s0+$0xFFFFFF38] =	vst v16  }
0x298: {  	[tilespmem:s0+$0xFFFFFF80] =	vst v18;
	v16 =	vld [tilespmem:s5+$0x50]  }
0x299: {  	[tilespmem:s0+$0xFFFFFFC8] =	vst v19;
	v18 =	vld [tilespmem:s5+$0x90]  }
0x29a: {  	v19 =	vld [tilespmem:s5+$0xFFFFFF60];
	[tilespmem:s0+$0xF8] =	vst v17  }
0x29b: {  	[tilespmem:s0+$0x10] =	vst v20;
	v17 =	vld [tilespmem:s5+$0xF0]  }
0x29c: {  	[tilespmem:s0+$0xFFFFFEF0] =	vst v21;
	v20 =	vld [tilespmem:s5+$0xFFFFFFA0]  }
0x29d: {  	v21 =	vld [tilespmem:s5+$0xFFFFFF20];
	[tilespmem:s0+$0x58] =	vst v16  }
0x29e: {  	v16 =	vld [tilespmem:s5+$0xFFFFFFE0];
	[tilespmem:s0+$0xA0] =	vst v18  }
0x29f: {  	[tilespmem:s0+$0xFFFFFF48] =	vst v19;
	v18 =	vld [tilespmem:s5+$0x20]  }
0x2a0: {  	s9 =	simm.s32 $0x0;
	s8 =	simm.s32 $0x180;
	v19 =	vld [tilespmem:s5+$0x60];
	[tilespmem:s0+$0x108] =	vst v17  }
0x2a1: {  	[tilespmem:s0+$0xFFFFFF90] =	vst v20;
	v22 =	vld [tilespmem:s5+$0xA0]  }
0x2a2: {  	[tilespmem:s0+$0xFFFFFF00] =	vst v21;
	v21 =	vld [tilespmem:s5+$0xFFFFFF70]  }
0x2a3: {  	v23 =	vld [tilespmem:s5+$0xFFFFFF30];
	[tilespmem:s0+$0xFFFFFFD8] =	vst v16  }
.Ltmp5:
0x2a4: {  	v20 =	vld [tilespmem:s5+$0xFFFFFFB0];
	[tilespmem:s0+$0x20] =	vst v18;
	(pc) =	sbr.rel @p0 .LBB2_13-.Ltmp5, $4  }
0x2a5: {  	v17 =	vld [tilespmem:s5+$0xFFFFFFF0];
	[tilespmem:s0+$0x68] =	vst v19  }
0x2a6: {  	v16 =	vld [tilespmem:s5+$0x30];
	[tilespmem:s0+$0xB0] =	vst v22  }
0x2a7: {  	[tilespmem:s0+$0xFFFFFF58] =	vst v21;
	v18 =	vld [tilespmem:s5+$0x70]  }
0x2a8: {  	[tilespmem:s0+$0xFFFFFF10] =	vst v23;
	v19 =	vld [tilespmem:s5+$0xB0];
	s5 =	sadd.s32 $0x200, s5  }
0x2a9: {  	s1 =	simm.s32 $0x3  }
0x2aa: {  	s5 =	simm.s32 $0x1;
	v21 =	vmov s1  }
0x2ab: {  	s29 =	simm.s32 $0x2;
	v23 =	vmov s5;
	v22 =	vand.u32 $0x3F, v21  }
0x2ac: {  	[tilespmem:s0+$0xFFFFFFA0] =	vst v20;
	v20 =	vmov s29;
	v24 =	vand.u32 $0x3D, v23;
	v23 =	vadd.s32 v3, v22  }
0x2ad: {  	[tilespmem:s0+$0xFFFFFFE8] =	vst v17;
	v25 =	vand.u32 $0x3E, v20;
	v17 =	vadd.s32 v3, v24  }
0x2ae: {  	[tilespmem:s0+$0x30] =	vst v16;
	v16 =	vmov s9;
	v20 =	vadd.s32 v3, v25  }
0x2af: {  	[tilespmem:s0+$0x78] =	vst v18;
	v21 =	vand.u32 $0x3C, v16  }
0x2b0: {  	[tilespmem:s0+$0xC0] =	vst v19;
	v16 =	vadd.s32 v3, v21  }
0x2b1: {  	v18 =	vld.idx.msk [tilespmem:v23+s18+$0x0], $0xffff  }
0x2b2: {  	s31 =	simm.s32 $0x0;
	v19 =	vadd.s32 v9, v22;
	v17 =	vld.idx.msk [tilespmem:v17+s18+$0x0], $0xffff  }
0x2b3: {  	s5 =	sand.u32 $0x1C00, s31;
	v20 =	vld.idx.msk [tilespmem:v20+s18+$0x0], $0xffff;
	v23 =	vadd.s32 v9, v24  }
0x2b4: {  	s8 =	sand.u32 $0x380, s8;
	s9 =	simm.s32 $0x80;
	s1 =	sadd.s32 $0x12C00, s5;
	v26 =	vadd.s32 v9, v25  }
0x2b5: {  	s10 =	simm.s32 $0x100;
	s5 =	sand.u32 $0x280, s9;
	s9 =	sor.u32 s8, s1;
	v16 =	vld.idx.msk [tilespmem:v16+s18+$0x0], $0xffff  }
0x2b6: {  	s10 =	sand.u32 $0x300, s10;
	s14 =	sor.u32 s5, s1;
	v27 =	vadd.s32 v9, v21;
	[tilespmem:s9+$0x0] =	vst v18  }
0x2b7: {  	s16 =	sor.u32 s10, s1;
	[tilespmem:s14+$0x0] =	vst v17;
	v17 =	vld.idx.msk [tilespmem:v19+s18+$0x0], $0xffff  }
0x2b8: {  	s0 =	sand.u32 $0x200, s31;
	[tilespmem:s16+$0x0] =	vst v20;
	v18 =	vld.idx.msk [tilespmem:v23+s18+$0x0], $0xffff;
	v19 =	vadd.s32 v10, v22  }
0x2b9: {  	s0 =	sor.u32 s0, s1;
	v20 =	vld.idx.msk [tilespmem:v26+s18+$0x0], $0xffff;
	v23 =	vadd.s32 v10, v24  }
0x2ba: {  	[tilespmem:s0+$0x0] =	vst v16;
	v16 =	vadd.s32 v10, v25  }
0x2bb: {  	v26 =	vld.idx.msk [tilespmem:v27+s18+$0x0], $0xffff  }
0x2bc: {  	v27 =	vadd.s32 v10, v21;
	[tilespmem:s9+$0x10] =	vst v17  }
0x2bd: {  	[tilespmem:s14+$0x10] =	vst v18;
	v18 =	vld.idx.msk [tilespmem:v19+s18+$0x0], $0xffff  }
0x2be: {  	s11 =	simm.s32 $0x4;
	[tilespmem:s16+$0x10] =	vst v20;
	v20 =	vadd.s32 v11, v22;
	v19 =	vld.idx.msk [tilespmem:v23+s18+$0x0], $0xffff  }
0x2bf: {  	v28 =	vadd.s32 v11, v24;
	v17 =	vmov s11;
	v23 =	vld.idx.msk [tilespmem:v16+s18+$0x0], $0xffff  }
0x2c0: {  	s12 =	simm.s32 $0x5;
	v16 =	vand.u32 $0x3C, v17;
	[tilespmem:s0+$0x10] =	vst v26;
	v26 =	vadd.s32 v11, v25  }
0x2c1: {  	v17 =	vmov s12;
	v29 =	vadd.s32 v3, v16;
	v27 =	vld.idx.msk [tilespmem:v27+s18+$0x0], $0xffff  }
0x2c2: {  	v30 =	vadd.s32 v11, v21;
	v17 =	vand.u32 $0x3D, v17;
	[tilespmem:s9+$0x20] =	vst v18  }
0x2c3: {  	v18 =	vadd.s32 v3, v17;
	[tilespmem:s14+$0x20] =	vst v19;
	v19 =	vld.idx.msk [tilespmem:v20+s18+$0x0], $0xffff  }
0x2c4: {  	s13 =	simm.s32 $0x7;
	[tilespmem:s16+$0x20] =	vst v23;
	v23 =	vadd.s32 v12, v22;
	v28 =	vld.idx.msk [tilespmem:v28+s18+$0x0], $0xffff  }
0x2c5: {  	v31 =	vadd.s32 v12, v24;
	v26 =	vld.idx.msk [tilespmem:v26+s18+$0x0], $0xffff;
	v20 =	vmov s13  }
0x2c6: {  	s15 =	simm.s32 $0x6;
	v29 =	vld.idx.msk [tilespmem:v29+s18+$0x0], $0xffff;
	[tilespmem:s0+$0x20] =	vst v27;
	v27 =	vadd.s32 v12, v25;
	v20 =	vand.u32 $0x3F, v20  }
0x2c7: {  	v32 =	vmov s15;
	v30 =	vld.idx.msk [tilespmem:v30+s18+$0x0], $0xffff;
	v33 =	vadd.s32 v3, v20  }
0x2c8: {  	v51 =	vadd.s32 v12, v21;
	v34 =	vld.idx.msk [tilespmem:v18+s18+$0x0], $0xffff;
	v18 =	vand.u32 $0x3E, v32;
	[tilespmem:s9+$0x30] =	vst v19  }
0x2c9: {  	[tilespmem:s14+$0x30] =	vst v28;
	v28 =	vadd.s32 v3, v18;
	v23 =	vld.idx.msk [tilespmem:v23+s18+$0x0], $0xffff  }
0x2ca: {  	s19 =	simm.s32 $0x200;
	v38 =	vadd.s32 v9, v17;
	[tilespmem:s16+$0x30] =	vst v26;
	v31 =	vld.idx.msk [tilespmem:v31+s18+$0x0], $0xffff  }
0x2cb: {  	s24 =	sand.u32 $0x1C00, s19;
	s8 =	simm.s32 $0x8;
	s11 =	simm.s32 $0x280;
	v26 =	vadd.s32 v13, v22;
	v27 =	vld.idx.msk [tilespmem:v27+s18+$0x0], $0xffff  }
0x2cc: {  	s15 =	simm.s32 $0x300;
	v35 =	vadd.s32 v13, v24;
	s10 =	sadd.s32 $0x12C00, s24;
	s11 =	sand.u32 $0x280, s11;
	v19 =	vmov s8;
	[tilespmem:s0+$0x30] =	vst v30;
	v30 =	vld.idx.msk [tilespmem:v33+s18+$0x0], $0xffff  }
0x2cd: {  	s29 =	sand.u32 $0x300, s15;
	v52 =	vadd.s32 v13, v25;
	s15 =	sor.u32 s11, s10;
	v19 =	vand.u32 $0x3C, v19;
	v32 =	vld.idx.msk [tilespmem:v51+s18+$0x0], $0xffff  }
0x2ce: {  	v36 =	vadd.s32 v3, v19;
	[tilespmem:s15+$0x0] =	vst v34;
	v28 =	vld.idx.msk [tilespmem:v28+s18+$0x0], $0xffff  }
0x2cf: {  	v54 =	vadd.s32 v9, v16;
	v56 =	vld.idx.msk [tilespmem:v38+s18+$0x0], $0xffff;
	[tilespmem:s9+$0x40] =	vst v23  }
0x2d0: {  	s5 =	simm.s32 $0x380;
	s1 =	sand.u32 $0x200, s19;
	v37 =	vadd.s32 v9, v20;
	[tilespmem:s14+$0x40] =	vst v31;
	v26 =	vld.idx.msk [tilespmem:v26+s18+$0x0], $0xffff  }
0x2d1: {  	v55 =	vadd.s32 v13, v21;
	s1 =	sor.u32 s1, s10;
	s13 =	sand.u32 $0x380, s5;
	[tilespmem:s16+$0x40] =	vst v27;
	v35 =	vld.idx.msk [tilespmem:v35+s18+$0x0], $0xffff  }
0x2d2: {  	s24 =	sor.u32 s13, s10;
	[tilespmem:s1+$0x0] =	vst v29;
	v31 =	vadd.s32 v9, v18;
	v27 =	vld.idx.msk [tilespmem:v52+s18+$0x0], $0xffff  }
0x2d3: {  	v53 =	vadd.s32 v14, v22;
	v23 =	vld.idx.msk [tilespmem:v36+s18+$0x0], $0xffff;
	[tilespmem:s24+$0x0] =	vst v30  }
0x2d4: {  	s13 =	sor.u32 s29, s10;
	v29 =	vadd.s32 v10, v17;
	v36 =	vld.idx.msk [tilespmem:v54+s18+$0x0], $0xffff;
	[tilespmem:s0+$0x40] =	vst v32  }
0x2d5: {  	v30 =	vld.idx.msk [tilespmem:v37+s18+$0x0], $0xffff;
	[tilespmem:s13+$0x0] =	vst v28;
	v28 =	vadd.s32 v14, v24  }
0x2d6: {  	v57 =	vadd.s32 v10, v20;
	v32 =	vld.idx.msk [tilespmem:v55+s18+$0x0], $0xffff;
	[tilespmem:s15+$0x10] =	vst v56  }
0x2d7: {  	v58 =	vadd.s32 v10, v16;
	v31 =	vld.idx.msk [tilespmem:v31+s18+$0x0], $0xffff;
	[tilespmem:s9+$0x50] =	vst v26  }
0x2d8: {  	v39 =	vadd.s32 v10, v18;
	[tilespmem:s14+$0x50] =	vst v35;
	v33 =	vld.idx.msk [tilespmem:v53+s18+$0x0], $0xffff  }
0x2d9: {  	v22 =	vadd.s32 v15, v22;
	v59 =	vld.idx.msk [tilespmem:v29+s18+$0x0], $0xffff;
	[tilespmem:s1+$0x10] =	vst v36  }
0x2da: {  	[tilespmem:s24+$0x10] =	vst v30;
	v30 =	vadd.s32 v14, v25;
	v26 =	vld.idx.msk [tilespmem:v28+s18+$0x0], $0xffff  }
0x2db: {  	v62 =	vadd.s32 v11, v17;
	[tilespmem:s16+$0x50] =	vst v27;
	v28 =	vld.idx.msk [tilespmem:v57+s18+$0x0], $0xffff  }
0x2dc: {  	s31 =	simm.s32 $0x9;
	v40 =	vld.idx.msk [tilespmem:v58+s18+$0x0], $0xffff;
	[tilespmem:s13+$0x10] =	vst v31;
	v31 =	vadd.s32 v14, v21  }
0x2dd: {  	v61 =	vadd.s32 v11, v20;
	v29 =	vmov s31;
	v60 =	vld.idx.msk [tilespmem:v39+s18+$0x0], $0xffff;
	[tilespmem:s9+$0x60] =	vst v33  }
0x2de: {  	v41 =	vadd.s32 v11, v18;
	[tilespmem:s0+$0x50] =	vst v32;
	v63 =	vld.idx.msk [tilespmem:v22+s18+$0x0], $0xffff;
	v22 =	vand.u32 $0x3D, v29  }
0x2df: {  	[tilespmem:s15+$0x20] =	vst v59;
	v29 =	vld.idx.msk [tilespmem:v30+s18+$0x0], $0xffff;
	v42 =	vadd.s32 v3, v22  }
0x2e0: {  	v36 =	vadd.s32 v11, v16;
	[tilespmem:s24+$0x20] =	vst v28;
	v28 =	vld.idx.msk [tilespmem:v62+s18+$0x0], $0xffff  }
0x2e1: {  	v34 =	vadd.s32 v15, v24;
	v27 =	vld.idx.msk [tilespmem:v31+s18+$0x0], $0xffff  }
0x2e2: {  	v33 =	vadd.s32 v15, v25;
	v30 =	vld.idx.msk [tilespmem:v61+s18+$0x0], $0xffff;
	[tilespmem:s13+$0x20] =	vst v60  }
0x2e3: {  	v32 =	vadd.s32 v12, v20;
	[tilespmem:s1+$0x20] =	vst v40;
	v31 =	vld.idx.msk [tilespmem:v41+s18+$0x0], $0xffff  }
0x2e4: {  	s10 =	simm.s32 $0xB;
	v35 =	vadd.s32 v12, v17;
	[tilespmem:s9+$0x70] =	vst v63;
	s9 =	simm.s32 $0xC;
	v24 =	vld.idx.msk [tilespmem:v42+s18+$0x0], $0xffff  }
.LBB2_15:
0x2e5: {  	p0 =	slt.u32 s9, $0x3C;
	v25 =	vmov s10;
	v36 =	vld.idx.msk [tilespmem:v36+s18+$0x0], $0xffff;
	v37 =	vadd.s32 v12, v18;
	[tilespmem:s14+$0x60] =	vst v26  }
0x2e6: {  	s10 =	sadd.s32 $0x2, s8;
	v38 =	vadd.s32 v15, v21;
	v21 =	vmovc v16;
	v16 =	vmov v19;
	s8 =	smov.u32 s9;
	v26 =	vand.u32 $0x3F, v25;
	v34 =	vld.idx.msk [tilespmem:v34+s18+$0x0], $0xffff;
	[tilespmem:s16+$0x60] =	vst v29  }
0x2e7: {  	v19 =	vmov s10;
	v29 =	vadd.s32 v3, v26;
	[tilespmem:s24+$0x30] =	vst v30;
	v30 =	vld.idx.msk [tilespmem:v33+s18+$0x0], $0xffff  }
0x2e8: {  	v25 =	vand.u32 $0x3E, v19;
	v33 =	vadd.s32 v12, v21;
	[tilespmem:s15+$0x30] =	vst v28;
	v28 =	vld.idx.msk [tilespmem:v32+s18+$0x0], $0xffff  }
0x2e9: {  	v32 =	vadd.s32 v3, v25;
	v35 =	vld.idx.msk [tilespmem:v35+s18+$0x0], $0xffff;
	[tilespmem:s13+$0x30] =	vst v31  }
0x2ea: {  	v31 =	vld.idx.msk [tilespmem:v37+s18+$0x0], $0xffff;
	v37 =	vadd.s32 v13, v20;
	[tilespmem:s0+$0x60] =	vst v27  }
0x2eb: {  	v19 =	vmov s9;
	v27 =	vadd.s32 v13, v17;
	[tilespmem:s1+$0x30] =	vst v36;
	v36 =	vld.idx.msk [tilespmem:v38+s18+$0x0], $0xffff  }
0x2ec: {  	v19 =	vand.u32 $0x3C, v19;
	v38 =	vadd.s32 v13, v18;
	v29 =	vld.idx.msk [tilespmem:v29+s18+$0x0], $0xffff;
	[tilespmem:s14+$0x70] =	vst v34;
	s14 =	smov.u32 s15  }
0x2ed: {  	s5 =	sadd.s32 $0x200, s5;
	v34 =	vadd.s32 v3, v19;
	v33 =	vld.idx.msk [tilespmem:v33+s18+$0x0], $0xffff;
	[tilespmem:s16+$0x70] =	vst v30;
	s16 =	smov.u32 s13  }
0x2ee: {  	s10 =	sadd.s32 $0xFFFFFE80, s5;
	s11 =	sadd.s32 $0xFFFFFF00, s5;
	s13 =	sadd.s32 $0xFFFFFF80, s5;
	v30 =	vld.idx.msk [tilespmem:v32+s18+$0x0], $0xffff;
	v32 =	vadd.s32 v9, v26;
	[tilespmem:s24+$0x40] =	vst v28  }
0x2ef: {  	s11 =	sand.u32 $0x280, s11;
	s15 =	sand.u32 $0x200, s10;
	s10 =	sand.u32 $0x1C00, s10;
	v28 =	vadd.s32 v9, v22;
	[tilespmem:s14+$0x40] =	vst v35;
	v35 =	vld.idx.msk [tilespmem:v37+s18+$0x0], $0xffff  }
0x2f0: {  	s31 =	sadd.s32 $0x12C00, s10;
	s10 =	sand.u32 $0x380, s5;
	s13 =	sand.u32 $0x300, s13;
	v37 =	vadd.s32 v9, v25;
	v27 =	vld.idx.msk [tilespmem:v27+s18+$0x0], $0xffff;
	[tilespmem:s16+$0x40] =	vst v31  }
0x2f1: {  	s12 =	sor.u32 s15, s31;
	s15 =	sor.u32 s11, s31;
	s10 =	sor.u32 s10, s31;
	v31 =	vld.idx.msk [tilespmem:v38+s18+$0x0], $0xffff;
	v38 =	vadd.s32 v14, v20;
	[tilespmem:s0+$0x70] =	vst v36  }
0x2f2: {  	s13 =	sor.u32 s13, s31;
	v36 =	vadd.s32 v9, v16;
	s0 =	smov.u32 s1;
	s1 =	smov.u32 s12;
	v34 =	vld.idx.msk [tilespmem:v34+s18+$0x0], $0xffff;
	[tilespmem:s10+$0x0] =	vst v29  }
0x2f3: {  	v29 =	vadd.s32 v13, v21;
	[tilespmem:s15+$0x0] =	vst v24;
	v24 =	vld.idx.msk [tilespmem:v32+s18+$0x0], $0xffff  }
0x2f4: {  	v28 =	vld.idx.msk [tilespmem:v28+s18+$0x0], $0xffff;
	[tilespmem:s13+$0x0] =	vst v30;
	v30 =	vadd.s32 v14, v17  }
0x2f5: {  	v32 =	vld.idx.msk [tilespmem:v37+s18+$0x0], $0xffff;
	v37 =	vadd.s32 v10, v26;
	[tilespmem:s24+$0x50] =	vst v35  }
0x2f6: {  	v35 =	vadd.s32 v10, v22;
	[tilespmem:s1+$0x0] =	vst v23;
	v38 =	vld.idx.msk [tilespmem:v38+s18+$0x0], $0xffff  }
0x2f7: {  	v39 =	vadd.s32 v10, v25;
	v36 =	vld.idx.msk [tilespmem:v36+s18+$0x0], $0xffff;
	[tilespmem:s0+$0x40] =	vst v33  }
0x2f8: {  	v23 =	vmov v34;
	v29 =	vld.idx.msk [tilespmem:v29+s18+$0x0], $0xffff;
	[tilespmem:s14+$0x50] =	vst v27;
	v27 =	vadd.s32 v15, v20;
	v20 =	vmov v26  }
0x2f9: {  	v33 =	vadd.s32 v10, v16;
	[tilespmem:s10+$0x10] =	vst v24;
	v26 =	vld.idx.msk [tilespmem:v30+s18+$0x0], $0xffff  }
0x2fa: {  	[tilespmem:s15+$0x10] =	vst v28;
	v24 =	vld.idx.msk [tilespmem:v37+s18+$0x0], $0xffff;
	v28 =	vadd.s32 v14, v18  }
0x2fb: {  	v30 =	vld.idx.msk [tilespmem:v35+s18+$0x0], $0xffff;
	[tilespmem:s13+$0x10] =	vst v32;
	v32 =	vadd.s32 v14, v21  }
0x2fc: {  	s11 =	sadd.s32 $0x1, s9;
	v34 =	vadd.s32 v11, v20;
	v35 =	vld.idx.msk [tilespmem:v39+s18+$0x0], $0xffff;
	[tilespmem:s24+$0x60] =	vst v38  }
0x2fd: {  	v37 =	vmov s11;
	v38 =	vadd.s32 v11, v22;
	[tilespmem:s1+$0x10] =	vst v36;
	v39 =	vld.idx.msk [tilespmem:v27+s18+$0x0], $0xffff  }
0x2fe: {  	v41 =	vadd.s32 v11, v25;
	v37 =	vand.u32 $0x3D, v37;
	v40 =	vld.idx.msk [tilespmem:v33+s18+$0x0], $0xffff;
	[tilespmem:s16+$0x50] =	vst v31  }
0x2ff: {  	v42 =	vadd.s32 v3, v37;
	[tilespmem:s0+$0x50] =	vst v29;
	v29 =	vld.idx.msk [tilespmem:v28+s18+$0x0], $0xffff  }
.Ltmp6:
0x300: {  	v36 =	vadd.s32 v11, v16;
	[tilespmem:s10+$0x20] =	vst v24;
	v27 =	vld.idx.msk [tilespmem:v32+s18+$0x0], $0xffff;
	(pc) =	sbr.rel @p0 .LBB2_15-.Ltmp6, $4  }
0x301: {  	[tilespmem:s15+$0x20] =	vst v30;
	v30 =	vld.idx.msk [tilespmem:v34+s18+$0x0], $0xffff;
	v34 =	vadd.s32 v15, v17;
	v17 =	vmov v22;
	v22 =	vmov v37  }
0x302: {  	v33 =	vadd.s32 v15, v18;
	v18 =	vmov v25;
	v28 =	vld.idx.msk [tilespmem:v38+s18+$0x0], $0xffff;
	[tilespmem:s13+$0x20] =	vst v35  }
0x303: {  	v32 =	vadd.s32 v12, v20;
	v31 =	vld.idx.msk [tilespmem:v41+s18+$0x0], $0xffff;
	[tilespmem:s24+$0x70] =	vst v39;
	s24 =	smov.u32 s10  }
0x304: {  	s9 =	sadd.s32 $0x4, s9;
	v35 =	vadd.s32 v12, v17;
	s10 =	sadd.s32 $0x3, s8;
	v24 =	vld.idx.msk [tilespmem:v42+s18+$0x0], $0xffff;
	[tilespmem:s1+$0x20] =	vst v40  }
0x305: {  	_ =	sdelay $0x2  }
0x306: {  	[tilespmem:s14+$0x60] =	vst v26  }
0x307: {  	v25 =	vmov s10;
	v36 =	vld.idx.msk [tilespmem:v36+s18+$0x0], $0xffff;
	s8 =	sadd.s32 $0x2, s8;
	[tilespmem:s16+$0x60] =	vst v29  }
0x308: {  	[tilespmem:s0+$0x60] =	vst v27;
	v21 =	vadd.s32 v15, v21;
	v26 =	vand.u32 $0x3F, v25;
	v42 =	vmov s8;
	v44 =	vld.idx.msk [tilespmem:v33+s18+$0x0], $0xffff  }
0x309: {  	v41 =	vld.idx.msk [tilespmem:v34+s18+$0x0], $0xffff;
	[tilespmem:s24+$0x30] =	vst v30;
	v43 =	vadd.s32 v3, v26;
	v25 =	vand.u32 $0x3E, v42  }
0x30a: {  	[tilespmem:s15+$0x30] =	vst v28;
	v45 =	vld.idx.msk [tilespmem:v32+s18+$0x0], $0xffff;
	v46 =	vadd.s32 v3, v25  }
0x30b: {  	s5 =	sadd.s32 $0x200, s5;
	[tilespmem:s13+$0x30] =	vst v31  }
0x30c: {  	v37 =	vadd.s32 v12, v18;
	s9 =	sadd.s32 $0xFFFFFE80, s5;
	[tilespmem:s1+$0x30] =	vst v36  }
0x30d: {  	v52 =	vadd.s32 v9, v22;
	s19 =	sadd.s32 $0xFFFFFF00, s5;
	v21 =	vld.idx.msk [tilespmem:v21+s18+$0x0], $0xffff;
	[tilespmem:s16+$0x70] =	vst v44;
	s16 =	sand.u32 $0x1C00, s9  }
0x30e: {  	v54 =	vadd.s32 v9, v19;
	s10 =	sand.u32 $0x280, s19;
	[tilespmem:s14+$0x70] =	vst v41;
	v34 =	vld.idx.msk [tilespmem:v43+s18+$0x0], $0xffff;
	s11 =	sadd.s32 $0x12C00, s16  }
0x30f: {  	v50 =	vadd.s32 v9, v26;
	s9 =	sand.u32 $0x200, s9;
	[tilespmem:s24+$0x40] =	vst v45;
	v51 =	vld.idx.msk [tilespmem:v46+s18+$0x0], $0xffff;
	s14 =	sor.u32 s10, s11  }
0x310: {  	v47 =	vld.idx.msk [tilespmem:v35+s18+$0x0], $0xffff;
	v53 =	vadd.s32 v9, v25;
	s9 =	sor.u32 s9, s11;
	[tilespmem:s14+$0x0] =	vst v24  }
0x311: {  	v55 =	vadd.s32 v12, v16;
	s29 =	sand.u32 $0x380, s5;
	s12 =	sadd.s32 $0xFFFFFF80, s5;
	v48 =	vld.idx.msk [tilespmem:v37+s18+$0x0], $0xffff;
	[tilespmem:s9+$0x0] =	vst v23  }
0x312: {  	v49 =	vadd.s32 v13, v20;
	s12 =	sand.u32 $0x300, s12;
	s8 =	sor.u32 s29, s11;
	v28 =	vld.idx.msk [tilespmem:v52+s18+$0x0], $0xffff;
	[tilespmem:s0+$0x70] =	vst v21  }
0x313: {  	v56 =	vadd.s32 v13, v17;
	s16 =	sor.u32 s12, s11;
	v21 =	vld.idx.msk [tilespmem:v54+s18+$0x0], $0xffff;
	[tilespmem:s8+$0x0] =	vst v34  }
0x314: {  	v23 =	vadd.s32 v10, v22;
	v57 =	vld.idx.msk [tilespmem:v50+s18+$0x0], $0xffff;
	[tilespmem:s16+$0x0] =	vst v51  }
0x315: {  	v58 =	vadd.s32 v10, v26;
	[tilespmem:s15+$0x40] =	vst v47;
	v30 =	vld.idx.msk [tilespmem:v53+s18+$0x0], $0xffff  }
0x316: {  	v59 =	vadd.s32 v10, v25;
	v60 =	vld.idx.msk [tilespmem:v55+s18+$0x0], $0xffff;
	[tilespmem:s13+$0x40] =	vst v48  }
0x317: {  	v61 =	vadd.s32 v10, v19;
	v33 =	vld.idx.msk [tilespmem:v49+s18+$0x0], $0xffff;
	[tilespmem:s14+$0x10] =	vst v28  }
0x318: {  	v36 =	vadd.s32 v13, v18;
	v62 =	vld.idx.msk [tilespmem:v56+s18+$0x0], $0xffff;
	[tilespmem:s9+$0x10] =	vst v21  }
0x319: {  	v63 =	vadd.s32 v14, v20;
	v23 =	vld.idx.msk [tilespmem:v23+s18+$0x0], $0xffff;
	[tilespmem:s8+$0x10] =	vst v57  }
0x31a: {  	v21 =	vadd.s32 v11, v22;
	v37 =	vld.idx.msk [tilespmem:v58+s18+$0x0], $0xffff;
	[tilespmem:s16+$0x10] =	vst v30  }
0x31b: {  	v38 =	vadd.s32 v11, v26;
	[tilespmem:s1+$0x40] =	vst v60;
	v27 =	vld.idx.msk [tilespmem:v59+s18+$0x0], $0xffff  }
0x31c: {  	v40 =	vadd.s32 v11, v25;
	[tilespmem:s24+$0x50] =	vst v33;
	v39 =	vld.idx.msk [tilespmem:v61+s18+$0x0], $0xffff  }
0x31d: {  	v42 =	vadd.s32 v11, v19;
	v24 =	vld.idx.msk [tilespmem:v36+s18+$0x0], $0xffff;
	[tilespmem:s15+$0x50] =	vst v62  }
0x31e: {  	v43 =	vadd.s32 v13, v16;
	v41 =	vld.idx.msk [tilespmem:v63+s18+$0x0], $0xffff;
	[tilespmem:s14+$0x20] =	vst v23  }
0x31f: {  	v20 =	vadd.s32 v15, v20;
	v21 =	vld.idx.msk [tilespmem:v21+s18+$0x0], $0xffff;
	[tilespmem:s8+$0x20] =	vst v37  }
0x320: {  	v46 =	vadd.s32 v12, v22;
	v23 =	vld.idx.msk [tilespmem:v38+s18+$0x0], $0xffff;
	[tilespmem:s16+$0x20] =	vst v27  }
0x321: {  	v44 =	vadd.s32 v12, v26;
	[tilespmem:s9+$0x20] =	vst v39;
	v45 =	vld.idx.msk [tilespmem:v40+s18+$0x0], $0xffff  }
0x322: {  	v47 =	vadd.s32 v12, v25;
	[tilespmem:s13+$0x50] =	vst v24;
	v30 =	vld.idx.msk [tilespmem:v42+s18+$0x0], $0xffff  }
0x323: {  	v49 =	vadd.s32 v12, v19;
	v48 =	vld.idx.msk [tilespmem:v43+s18+$0x0], $0xffff;
	[tilespmem:s24+$0x60] =	vst v41  }
0x324: {  	v50 =	vadd.s32 v14, v17;
	v20 =	vld.idx.msk [tilespmem:v20+s18+$0x0], $0xffff;
	[tilespmem:s14+$0x30] =	vst v21  }
0x325: {  	v51 =	vld.idx.msk [tilespmem:v46+s18+$0x0], $0xffff;
	[tilespmem:s8+$0x30] =	vst v23;
	v23 =	vadd.s32 v14, v18  }
0x326: {  	v54 =	vadd.s32 v13, v22;
	v21 =	vld.idx.msk [tilespmem:v44+s18+$0x0], $0xffff;
	[tilespmem:s16+$0x30] =	vst v45  }
0x327: {  	v52 =	vadd.s32 v13, v26;
	[tilespmem:s9+$0x30] =	vst v30;
	v53 =	vld.idx.msk [tilespmem:v47+s18+$0x0], $0xffff  }
0x328: {  	v55 =	vadd.s32 v13, v25;
	[tilespmem:s1+$0x50] =	vst v48;
	v24 =	vld.idx.msk [tilespmem:v49+s18+$0x0], $0xffff  }
0x329: {  	v56 =	vld.idx.msk [tilespmem:v50+s18+$0x0], $0xffff;
	[tilespmem:s24+$0x70] =	vst v20;
	v20 =	vadd.s32 v13, v19  }
0x32a: {  	v57 =	vadd.s32 v14, v16;
	[tilespmem:s14+$0x40] =	vst v51;
	v23 =	vld.idx.msk [tilespmem:v23+s18+$0x0], $0xffff  }
0x32b: {  	v17 =	vadd.s32 v15, v17;
	v27 =	vld.idx.msk [tilespmem:v54+s18+$0x0], $0xffff;
	[tilespmem:s8+$0x40] =	vst v21  }
0x32c: {  	v59 =	vadd.s32 v14, v22;
	v21 =	vld.idx.msk [tilespmem:v52+s18+$0x0], $0xffff;
	[tilespmem:s16+$0x40] =	vst v53  }
0x32d: {  	v58 =	vadd.s32 v14, v26;
	[tilespmem:s9+$0x40] =	vst v24;
	v29 =	vld.idx.msk [tilespmem:v55+s18+$0x0], $0xffff  }
0x32e: {  	v60 =	vadd.s32 v14, v25;
	[tilespmem:s15+$0x60] =	vst v56;
	v20 =	vld.idx.msk [tilespmem:v20+s18+$0x0], $0xffff  }
0x32f: {  	v61 =	vld.idx.msk [tilespmem:v57+s18+$0x0], $0xffff;
	[tilespmem:s13+$0x60] =	vst v23;
	v23 =	vadd.s32 v14, v19  }
0x330: {  	v16 =	vadd.s32 v15, v16;
	v17 =	vld.idx.msk [tilespmem:v17+s18+$0x0], $0xffff;
	[tilespmem:s14+$0x50] =	vst v27  }
0x331: {  	v18 =	vadd.s32 v15, v18;
	v27 =	vld.idx.msk [tilespmem:v59+s18+$0x0], $0xffff;
	[tilespmem:s8+$0x50] =	vst v21  }
0x332: {  	v22 =	vadd.s32 v15, v22;
	v21 =	vld.idx.msk [tilespmem:v58+s18+$0x0], $0xffff;
	[tilespmem:s16+$0x50] =	vst v29  }
0x333: {  	v26 =	vadd.s32 v15, v26;
	[tilespmem:s9+$0x50] =	vst v20;
	v20 =	vld.idx.msk [tilespmem:v60+s18+$0x0], $0xffff  }
0x334: {  	v62 =	vadd.s32 v15, v25;
	[tilespmem:s1+$0x60] =	vst v61;
	v23 =	vld.idx.msk [tilespmem:v23+s18+$0x0], $0xffff  }
0x335: {  	[tilespmem:s15+$0x70] =	vst v17;
	v17 =	vadd.s32 v15, v19;
	v16 =	vld.idx.msk [tilespmem:v16+s18+$0x0], $0xffff  }
0x336: {  	v18 =	vld.idx.msk [tilespmem:v18+s18+$0x0], $0xffff;
	[tilespmem:s14+$0x60] =	vst v27  }
0x337: {  	[tilespmem:s8+$0x60] =	vst v21;
	v21 =	vld.idx.msk [tilespmem:v22+s18+$0x0], $0xffff  }
0x338: {  	v19 =	vld.idx.msk [tilespmem:v26+s18+$0x0], $0xffff;
	[tilespmem:s16+$0x60] =	vst v20  }
0x339: {  	v20 =	vld.idx.msk [tilespmem:v62+s18+$0x0], $0xffff;
	[tilespmem:s9+$0x60] =	vst v23  }
0x33a: {  	[tilespmem:s1+$0x70] =	vst v16;
	v17 =	vld.idx.msk [tilespmem:v17+s18+$0x0], $0xffff  }
0x33b: {  	[tilespmem:s13+$0x70] =	vst v18  }
0x33c: {  	p0 =	seq.s32 s30, $0x63;
	[tilespmem:s14+$0x70] =	vst v21  }
0x33d: {  	s0 =	sshll.u32 @!p0 s30, $0x8;
	[tilespmem:s8+$0x70] =	vst v19  }
0x33e: {  	s5 =	simm.s32 @!p0 $0x80;
	s19 =	sshll.u32 s30, $0x10;
	s31 =	sand.u32 @!p0 $0x3FFFFF00, s0;
	[tilespmem:s16+$0x70] =	vst v20  }
0x33f: {  	s0 =	sadd.s32 @!p0 $0x6500, s31;
	s1 =	sor.u32 s6, s19;
	s8 =	simm.s32 @!p0 $0xEC00;
	[tilespmem:s9+$0x70] =	vst v17  }
0x340: {  	[tilespmem:s8], [sflag:$0x1] =	stream.indirect.gather @!p0 [hbm4b:s4+s5], $0x40, s0, s5, $0xb8;
	[tilespmem:$0x16C00] =	vst v63  }
0x341: {  	s24 =	sadd.s32 s2, s1  }
0x342: {  	[hbm4b:s24+s20] =	stream.strided.scatter [tilespmem:s22], [sflag:$0x3], $0x2000, s21, s20, $0x38;
	[tilespmem:$0x16C00] =	vst v63  }
0x343: {  	_ =	swait.ge [sflag:s23], $0x2000  }
0x344: {  	[sflag:s23] =	ssyncset.done $0x0  }
0x345: {  	[sflag:s23] =	ssyncadd.s32 $0xFFFFE000  }
0x346: {  	_ =	swait.ge [sflag:s28], $0x2000  }
0x347: {  	[sflag:s28] =	ssyncset.done $0x0  }
0x348: {  	s29 =	simm.s32 $0x10D00;
	[sflag:s28] =	ssyncadd.s32 $0xFFFFE000  }
0x349: {  	v16 =	vld [tilespmem:s29+$0xC0]  }
0x34a: {  	v17 =	vld [tilespmem:s29+$0xFFFFFF40]  }
0x34b: {  	v18 =	vld [tilespmem:s29+$0xFFFFFF80]  }
0x34c: {  	v19 =	vld [tilespmem:s29+$0xFFFFFFC0]  }
0x34d: {  	s0 =	simm.s32 $0xC920;
	v20 =	vld [tilespmem:s29+$0x0]  }
0x34e: {  	v21 =	vld [tilespmem:s29+$0x40];
	[tilespmem:s0+$0xD8] =	vst v16  }
0x34f: {  	[tilespmem:s0+$0xFFFFFF28] =	vst v17;
	v17 =	vld [tilespmem:s29+$0x80]  }
0x350: {  	[tilespmem:s0+$0xFFFFFF70] =	vst v18;
	v18 =	vld [tilespmem:s29+$0xFFFFFF00]  }
0x351: {  	[tilespmem:s0+$0xFFFFFFB8] =	vst v19;
	v16 =	vld [tilespmem:s29+$0xD0]  }
0x352: {  	[tilespmem:s0+$0x0] =	vst v20;
	v19 =	vld [tilespmem:s29+$0xFFFFFF50]  }
0x353: {  	[tilespmem:s0+$0x48] =	vst v21;
	v20 =	vld [tilespmem:s29+$0xFFFFFF90]  }
0x354: {  	v21 =	vld [tilespmem:s29+$0xFFFFFFD0];
	[tilespmem:s0+$0x90] =	vst v17  }
0x355: {  	[tilespmem:s0+$0xFFFFFEE0] =	vst v18;
	v17 =	vld [tilespmem:s29+$0x10]  }
0x356: {  	[tilespmem:s0+$0xE8] =	vst v16;
	v18 =	vld [tilespmem:s29+$0xFFFFFF10]  }
0x357: {  	[tilespmem:s0+$0xFFFFFF38] =	vst v19;
	v19 =	vld [tilespmem:s29+$0x50]  }
0x358: {  	[tilespmem:s0+$0xFFFFFF80] =	vst v20;
	v20 =	vld [tilespmem:s29+$0x90]  }
0x359: {  	[tilespmem:s0+$0xFFFFFFC8] =	vst v21;
	v21 =	vld [tilespmem:s29+$0xFFFFFF60]  }
0x35a: {  	v16 =	vld [tilespmem:s29+$0xE0];
	[tilespmem:s0+$0x10] =	vst v17  }
0x35b: {  	v17 =	vld [tilespmem:s29+$0xFFFFFFA0];
	[tilespmem:s0+$0xFFFFFEF0] =	vst v18  }
0x35c: {  	[tilespmem:s0+$0x58] =	vst v19;
	v19 =	vld [tilespmem:s29+$0xFFFFFFE0]  }
0x35d: {  	[tilespmem:s0+$0xA0] =	vst v20;
	v18 =	vld [tilespmem:s29+$0xFFFFFF20]  }
0x35e: {  	[tilespmem:s0+$0xFFFFFF48] =	vst v21;
	v21 =	vld [tilespmem:s29+$0x20]  }
0x35f: {  	[tilespmem:s0+$0xF8] =	vst v16;
	v22 =	vld [tilespmem:s29+$0x60]  }
0x360: {  	v23 =	vld [tilespmem:s29+$0xA0];
	[tilespmem:s0+$0xFFFFFF90] =	vst v17  }
0x361: {  	v16 =	vld [tilespmem:s29+$0xF0];
	[tilespmem:s0+$0xFFFFFFD8] =	vst v19  }
0x362: {  	[tilespmem:s0+$0xFFFFFF00] =	vst v18;
	v18 =	vld [tilespmem:s29+$0xFFFFFF70]  }
0x363: {  	[tilespmem:s0+$0x20] =	vst v21;
	v63 =	vld [tilespmem:s29+$0xFFFFFF30]  }
0x364: {  	v20 =	vld [tilespmem:s29+$0xFFFFFFB0];
	[tilespmem:s0+$0x68] =	vst v22  }
0x365: {  	v17 =	vld [tilespmem:s29+$0xFFFFFFF0];
	[tilespmem:s0+$0xB0] =	vst v23  }
0x366: {  	[tilespmem:s0+$0x108] =	vst v16;
	v16 =	vld [tilespmem:s29+$0x30]  }
0x367: {  	[tilespmem:s0+$0xFFFFFF58] =	vst v18;
	v18 =	vld [tilespmem:s29+$0x70]  }
0x368: {  	s5 =	simm.s32 $0x0;
	s8 =	simm.s32 $0x10F00;
	v19 =	vld [tilespmem:s29+$0xB0];
	[tilespmem:s0+$0xFFFFFF10] =	vst v63  }
.LBB2_17:
0x369: {  	v21 =	vld [tilespmem:s8+$0xC0];
	s5 =	sadd.s32 $0x8, s5;
	[tilespmem:s0+$0xFFFFFFA0] =	vst v20  }
0x36a: {  	v20 =	vld [tilespmem:s8+$0xFFFFFF40];
	p1 =	slt.u32 s5, $0x78;
	[tilespmem:s0+$0xFFFFFFE8] =	vst v17  }
0x36b: {  	v17 =	vld [tilespmem:s8+$0xFFFFFF80];
	[tilespmem:s0+$0x30] =	vst v16  }
0x36c: {  	v16 =	vld [tilespmem:s8+$0xFFFFFFC0];
	[tilespmem:s0+$0x78] =	vst v18  }
0x36d: {  	v18 =	vld [tilespmem:s8+$0x0];
	[tilespmem:s0+$0xC0] =	vst v19;
	s0 =	sadd.s32 $0x240, s0  }
0x36e: {  	v19 =	vld [tilespmem:s8+$0x40];
	[tilespmem:s0+$0xD8] =	vst v21  }
0x36f: {  	[tilespmem:s0+$0xFFFFFF28] =	vst v20;
	v20 =	vld [tilespmem:s8+$0xD0]  }
0x370: {  	[tilespmem:s0+$0xFFFFFF70] =	vst v17;
	v17 =	vld [tilespmem:s8+$0x80]  }
0x371: {  	v21 =	vld [tilespmem:s8+$0xFFFFFF00];
	[tilespmem:s0+$0xFFFFFFB8] =	vst v16  }
0x372: {  	v16 =	vld [tilespmem:s8+$0xFFFFFF50];
	[tilespmem:s0+$0x0] =	vst v18  }
0x373: {  	v18 =	vld [tilespmem:s8+$0xFFFFFF90];
	[tilespmem:s0+$0x48] =	vst v19  }
0x374: {  	v19 =	vld [tilespmem:s8+$0xFFFFFFD0];
	[tilespmem:s0+$0xE8] =	vst v20  }
0x375: {  	[tilespmem:s0+$0x90] =	vst v17;
	v17 =	vld [tilespmem:s8+$0xE0]  }
0x376: {  	[tilespmem:s0+$0xFFFFFEE0] =	vst v21;
	v20 =	vld [tilespmem:s8+$0x10]  }
0x377: {  	v21 =	vld [tilespmem:s8+$0xFFFFFF10];
	[tilespmem:s0+$0xFFFFFF38] =	vst v16  }
0x378: {  	[tilespmem:s0+$0xFFFFFF80] =	vst v18;
	v16 =	vld [tilespmem:s8+$0x50]  }
0x379: {  	[tilespmem:s0+$0xFFFFFFC8] =	vst v19;
	v18 =	vld [tilespmem:s8+$0x90]  }
0x37a: {  	v19 =	vld [tilespmem:s8+$0xFFFFFF60];
	[tilespmem:s0+$0xF8] =	vst v17  }
0x37b: {  	[tilespmem:s0+$0x10] =	vst v20;
	v17 =	vld [tilespmem:s8+$0xF0]  }
0x37c: {  	[tilespmem:s0+$0xFFFFFEF0] =	vst v21;
	v20 =	vld [tilespmem:s8+$0xFFFFFFA0]  }
0x37d: {  	v21 =	vld [tilespmem:s8+$0xFFFFFF20];
	[tilespmem:s0+$0x58] =	vst v16  }
0x37e: {  	v16 =	vld [tilespmem:s8+$0xFFFFFFE0];
	[tilespmem:s0+$0xA0] =	vst v18  }
0x37f: {  	[tilespmem:s0+$0xFFFFFF48] =	vst v19;
	v18 =	vld [tilespmem:s8+$0x20]  }
0x380: {  	s10 =	simm.s32 $0x0;
	s9 =	simm.s32 $0x180;
	v19 =	vld [tilespmem:s8+$0x60];
	[tilespmem:s0+$0x108] =	vst v17  }
0x381: {  	[tilespmem:s0+$0xFFFFFF90] =	vst v20;
	v22 =	vld [tilespmem:s8+$0xA0]  }
0x382: {  	[tilespmem:s0+$0xFFFFFF00] =	vst v21;
	v21 =	vld [tilespmem:s8+$0xFFFFFF70]  }
0x383: {  	v23 =	vld [tilespmem:s8+$0xFFFFFF30];
	[tilespmem:s0+$0xFFFFFFD8] =	vst v16  }
.Ltmp7:
0x384: {  	v20 =	vld [tilespmem:s8+$0xFFFFFFB0];
	[tilespmem:s0+$0x20] =	vst v18;
	(pc) =	sbr.rel @p1 .LBB2_17-.Ltmp7, $4  }
0x385: {  	v17 =	vld [tilespmem:s8+$0xFFFFFFF0];
	[tilespmem:s0+$0x68] =	vst v19  }
0x386: {  	v16 =	vld [tilespmem:s8+$0x30];
	[tilespmem:s0+$0xB0] =	vst v22  }
0x387: {  	[tilespmem:s0+$0xFFFFFF58] =	vst v21;
	v18 =	vld [tilespmem:s8+$0x70]  }
0x388: {  	[tilespmem:s0+$0xFFFFFF10] =	vst v23;
	v19 =	vld [tilespmem:s8+$0xB0];
	s8 =	sadd.s32 $0x200, s8  }
0x389: {  	s5 =	simm.s32 $0x3  }
0x38a: {  	s8 =	simm.s32 $0x1;
	v21 =	vmov s5  }
0x38b: {  	s14 =	simm.s32 $0x2;
	v23 =	vmov s8;
	v22 =	vand.u32 $0x3F, v21  }
0x38c: {  	[tilespmem:s0+$0xFFFFFFA0] =	vst v20;
	v20 =	vmov s14;
	v24 =	vand.u32 $0x3D, v23;
	v23 =	vadd.s32 v3, v22  }
0x38d: {  	[tilespmem:s0+$0xFFFFFFE8] =	vst v17;
	v25 =	vand.u32 $0x3E, v20;
	v17 =	vadd.s32 v3, v24  }
0x38e: {  	[tilespmem:s0+$0x30] =	vst v16;
	v16 =	vmov s10;
	v20 =	vadd.s32 v3, v25  }
0x38f: {  	[tilespmem:s0+$0x78] =	vst v18;
	v21 =	vand.u32 $0x3C, v16  }
0x390: {  	[tilespmem:s0+$0xC0] =	vst v19;
	v16 =	vadd.s32 v3, v21  }
0x391: {  	v18 =	vld.idx.msk [tilespmem:v23+s18+$0x0], $0xffff  }
0x392: {  	s15 =	simm.s32 $0x0;
	v19 =	vadd.s32 v9, v22;
	v17 =	vld.idx.msk [tilespmem:v17+s18+$0x0], $0xffff  }
0x393: {  	s16 =	sand.u32 $0x1C00, s15;
	v20 =	vld.idx.msk [tilespmem:v20+s18+$0x0], $0xffff;
	v23 =	vadd.s32 v9, v24  }
0x394: {  	s19 =	simm.s32 $0x80;
	s24 =	sand.u32 $0x380, s9;
	s11 =	sadd.s32 $0x14C00, s16;
	v26 =	vadd.s32 v9, v25  }
0x395: {  	s29 =	simm.s32 $0x100;
	s8 =	sand.u32 $0x280, s19;
	s10 =	sor.u32 s24, s11;
	v16 =	vld.idx.msk [tilespmem:v16+s18+$0x0], $0xffff  }
0x396: {  	s9 =	sand.u32 $0x300, s29;
	s16 =	sor.u32 s8, s11;
	v27 =	vadd.s32 v9, v21;
	[tilespmem:s10+$0x0] =	vst v18  }
0x397: {  	s5 =	sor.u32 s9, s11;
	[tilespmem:s16+$0x0] =	vst v17;
	v17 =	vld.idx.msk [tilespmem:v19+s18+$0x0], $0xffff  }
0x398: {  	s0 =	sand.u32 $0x200, s15;
	[tilespmem:s5+$0x0] =	vst v20;
	v18 =	vld.idx.msk [tilespmem:v23+s18+$0x0], $0xffff;
	v19 =	vadd.s32 v10, v22  }
0x399: {  	s13 =	sor.u32 s0, s11;
	v20 =	vld.idx.msk [tilespmem:v26+s18+$0x0], $0xffff;
	v23 =	vadd.s32 v10, v24  }
0x39a: {  	[tilespmem:s13+$0x0] =	vst v16;
	v16 =	vadd.s32 v10, v25  }
0x39b: {  	v26 =	vld.idx.msk [tilespmem:v27+s18+$0x0], $0xffff  }
0x39c: {  	v27 =	vadd.s32 v10, v21;
	[tilespmem:s10+$0x10] =	vst v17  }
0x39d: {  	[tilespmem:s16+$0x10] =	vst v18;
	v18 =	vld.idx.msk [tilespmem:v19+s18+$0x0], $0xffff  }
0x39e: {  	s11 =	simm.s32 $0x4;
	[tilespmem:s5+$0x10] =	vst v20;
	v20 =	vadd.s32 v11, v22;
	v19 =	vld.idx.msk [tilespmem:v23+s18+$0x0], $0xffff  }
0x39f: {  	v28 =	vadd.s32 v11, v24;
	v17 =	vmov s11;
	v23 =	vld.idx.msk [tilespmem:v16+s18+$0x0], $0xffff  }
0x3a0: {  	s12 =	simm.s32 $0x5;
	v16 =	vand.u32 $0x3C, v17;
	[tilespmem:s13+$0x10] =	vst v26;
	v26 =	vadd.s32 v11, v25  }
0x3a1: {  	v17 =	vmov s12;
	v29 =	vadd.s32 v3, v16;
	v27 =	vld.idx.msk [tilespmem:v27+s18+$0x0], $0xffff  }
0x3a2: {  	v30 =	vadd.s32 v11, v21;
	v17 =	vand.u32 $0x3D, v17;
	[tilespmem:s10+$0x20] =	vst v18  }
0x3a3: {  	v18 =	vadd.s32 v3, v17;
	[tilespmem:s16+$0x20] =	vst v19;
	v19 =	vld.idx.msk [tilespmem:v20+s18+$0x0], $0xffff  }
0x3a4: {  	s14 =	simm.s32 $0x7;
	[tilespmem:s5+$0x20] =	vst v23;
	v23 =	vadd.s32 v12, v22;
	v28 =	vld.idx.msk [tilespmem:v28+s18+$0x0], $0xffff  }
0x3a5: {  	v31 =	vadd.s32 v12, v24;
	v26 =	vld.idx.msk [tilespmem:v26+s18+$0x0], $0xffff;
	v20 =	vmov s14  }
0x3a6: {  	s15 =	simm.s32 $0x6;
	v29 =	vld.idx.msk [tilespmem:v29+s18+$0x0], $0xffff;
	[tilespmem:s13+$0x20] =	vst v27;
	v27 =	vadd.s32 v12, v25;
	v20 =	vand.u32 $0x3F, v20  }
0x3a7: {  	v32 =	vmov s15;
	v30 =	vld.idx.msk [tilespmem:v30+s18+$0x0], $0xffff;
	v33 =	vadd.s32 v3, v20  }
0x3a8: {  	v51 =	vadd.s32 v12, v21;
	v34 =	vld.idx.msk [tilespmem:v18+s18+$0x0], $0xffff;
	v18 =	vand.u32 $0x3E, v32;
	[tilespmem:s10+$0x30] =	vst v19  }
0x3a9: {  	[tilespmem:s16+$0x30] =	vst v28;
	v28 =	vadd.s32 v3, v18;
	v23 =	vld.idx.msk [tilespmem:v23+s18+$0x0], $0xffff  }
0x3aa: {  	s19 =	simm.s32 $0x200;
	v38 =	vadd.s32 v9, v17;
	[tilespmem:s5+$0x30] =	vst v26;
	v31 =	vld.idx.msk [tilespmem:v31+s18+$0x0], $0xffff  }
0x3ab: {  	s9 =	simm.s32 $0x8;
	s24 =	sand.u32 $0x1C00, s19;
	s12 =	simm.s32 $0x280;
	v26 =	vadd.s32 v13, v22;
	v27 =	vld.idx.msk [tilespmem:v27+s18+$0x0], $0xffff  }
0x3ac: {  	v35 =	vadd.s32 v13, v24;
	s11 =	sadd.s32 $0x14C00, s24;
	s12 =	sand.u32 $0x280, s12;
	v19 =	vmov s9;
	[tilespmem:s13+$0x30] =	vst v30;
	v30 =	vld.idx.msk [tilespmem:v33+s18+$0x0], $0xffff  }
0x3ad: {  	v52 =	vadd.s32 v13, v25;
	s24 =	sor.u32 s12, s11;
	v19 =	vand.u32 $0x3C, v19;
	v32 =	vld.idx.msk [tilespmem:v51+s18+$0x0], $0xffff  }
0x3ae: {  	v36 =	vadd.s32 v3, v19;
	[tilespmem:s24+$0x0] =	vst v34;
	v28 =	vld.idx.msk [tilespmem:v28+s18+$0x0], $0xffff  }
0x3af: {  	v54 =	vadd.s32 v9, v16;
	v56 =	vld.idx.msk [tilespmem:v38+s18+$0x0], $0xffff;
	[tilespmem:s10+$0x40] =	vst v23  }
0x3b0: {  	s8 =	simm.s32 $0x380;
	s0 =	sand.u32 $0x200, s19;
	v37 =	vadd.s32 v9, v20;
	[tilespmem:s16+$0x40] =	vst v31;
	v26 =	vld.idx.msk [tilespmem:v26+s18+$0x0], $0xffff  }
0x3b1: {  	v55 =	vadd.s32 v13, v21;
	s0 =	sor.u32 s0, s11;
	s14 =	sand.u32 $0x380, s8;
	[tilespmem:s5+$0x40] =	vst v27;
	v35 =	vld.idx.msk [tilespmem:v35+s18+$0x0], $0xffff  }
0x3b2: {  	s15 =	simm.s32 $0x300;
	s14 =	sor.u32 s14, s11;
	[tilespmem:s0+$0x0] =	vst v29;
	v31 =	vadd.s32 v9, v18;
	v27 =	vld.idx.msk [tilespmem:v52+s18+$0x0], $0xffff  }
0x3b3: {  	v53 =	vadd.s32 v14, v22;
	s15 =	sand.u32 $0x300, s15;
	v23 =	vld.idx.msk [tilespmem:v36+s18+$0x0], $0xffff;
	[tilespmem:s14+$0x0] =	vst v30  }
0x3b4: {  	s15 =	sor.u32 s15, s11;
	v29 =	vadd.s32 v10, v17;
	v36 =	vld.idx.msk [tilespmem:v54+s18+$0x0], $0xffff;
	[tilespmem:s13+$0x40] =	vst v32  }
0x3b5: {  	v30 =	vld.idx.msk [tilespmem:v37+s18+$0x0], $0xffff;
	[tilespmem:s15+$0x0] =	vst v28;
	v28 =	vadd.s32 v14, v24  }
0x3b6: {  	v57 =	vadd.s32 v10, v20;
	v32 =	vld.idx.msk [tilespmem:v55+s18+$0x0], $0xffff;
	[tilespmem:s24+$0x10] =	vst v56  }
0x3b7: {  	v58 =	vadd.s32 v10, v16;
	v31 =	vld.idx.msk [tilespmem:v31+s18+$0x0], $0xffff;
	[tilespmem:s10+$0x50] =	vst v26  }
0x3b8: {  	v39 =	vadd.s32 v10, v18;
	[tilespmem:s16+$0x50] =	vst v35;
	v33 =	vld.idx.msk [tilespmem:v53+s18+$0x0], $0xffff  }
0x3b9: {  	v22 =	vadd.s32 v15, v22;
	v59 =	vld.idx.msk [tilespmem:v29+s18+$0x0], $0xffff;
	[tilespmem:s0+$0x10] =	vst v36  }
0x3ba: {  	[tilespmem:s14+$0x10] =	vst v30;
	v30 =	vadd.s32 v14, v25;
	v26 =	vld.idx.msk [tilespmem:v28+s18+$0x0], $0xffff  }
0x3bb: {  	v62 =	vadd.s32 v11, v17;
	[tilespmem:s5+$0x50] =	vst v27;
	v28 =	vld.idx.msk [tilespmem:v57+s18+$0x0], $0xffff  }
0x3bc: {  	s29 =	simm.s32 $0x9;
	v40 =	vld.idx.msk [tilespmem:v58+s18+$0x0], $0xffff;
	[tilespmem:s15+$0x10] =	vst v31;
	v31 =	vadd.s32 v14, v21  }
0x3bd: {  	v61 =	vadd.s32 v11, v20;
	v29 =	vmov s29;
	v60 =	vld.idx.msk [tilespmem:v39+s18+$0x0], $0xffff;
	[tilespmem:s10+$0x60] =	vst v33  }
0x3be: {  	v41 =	vadd.s32 v11, v18;
	[tilespmem:s13+$0x50] =	vst v32;
	v63 =	vld.idx.msk [tilespmem:v22+s18+$0x0], $0xffff;
	v22 =	vand.u32 $0x3D, v29  }
0x3bf: {  	[tilespmem:s24+$0x20] =	vst v59;
	v29 =	vld.idx.msk [tilespmem:v30+s18+$0x0], $0xffff;
	v42 =	vadd.s32 v3, v22  }
0x3c0: {  	v36 =	vadd.s32 v11, v16;
	[tilespmem:s14+$0x20] =	vst v28;
	v28 =	vld.idx.msk [tilespmem:v62+s18+$0x0], $0xffff  }
0x3c1: {  	v34 =	vadd.s32 v15, v24;
	v27 =	vld.idx.msk [tilespmem:v31+s18+$0x0], $0xffff  }
0x3c2: {  	v33 =	vadd.s32 v15, v25;
	v30 =	vld.idx.msk [tilespmem:v61+s18+$0x0], $0xffff;
	[tilespmem:s15+$0x20] =	vst v60  }
0x3c3: {  	v32 =	vadd.s32 v12, v20;
	[tilespmem:s0+$0x20] =	vst v40;
	v31 =	vld.idx.msk [tilespmem:v41+s18+$0x0], $0xffff  }
0x3c4: {  	s11 =	simm.s32 $0xB;
	v35 =	vadd.s32 v12, v17;
	[tilespmem:s10+$0x70] =	vst v63;
	s10 =	simm.s32 $0xC;
	v24 =	vld.idx.msk [tilespmem:v42+s18+$0x0], $0xffff  }
.LBB2_19:
0x3c5: {  	p1 =	slt.u32 s10, $0x3C;
	v25 =	vmov s11;
	v36 =	vld.idx.msk [tilespmem:v36+s18+$0x0], $0xffff;
	v37 =	vadd.s32 v12, v18;
	[tilespmem:s16+$0x60] =	vst v26  }
0x3c6: {  	s11 =	sadd.s32 $0x2, s9;
	v38 =	vadd.s32 v15, v21;
	v21 =	vmovc v16;
	v16 =	vmov v19;
	s9 =	smov.u32 s10;
	v26 =	vand.u32 $0x3F, v25;
	v34 =	vld.idx.msk [tilespmem:v34+s18+$0x0], $0xffff;
	[tilespmem:s5+$0x60] =	vst v29  }
0x3c7: {  	v19 =	vmov s11;
	v29 =	vadd.s32 v3, v26;
	[tilespmem:s14+$0x30] =	vst v30;
	v30 =	vld.idx.msk [tilespmem:v33+s18+$0x0], $0xffff  }
0x3c8: {  	v25 =	vand.u32 $0x3E, v19;
	v33 =	vadd.s32 v12, v21;
	[tilespmem:s24+$0x30] =	vst v28;
	v28 =	vld.idx.msk [tilespmem:v32+s18+$0x0], $0xffff  }
0x3c9: {  	v32 =	vadd.s32 v3, v25;
	v35 =	vld.idx.msk [tilespmem:v35+s18+$0x0], $0xffff;
	[tilespmem:s15+$0x30] =	vst v31  }
0x3ca: {  	v31 =	vld.idx.msk [tilespmem:v37+s18+$0x0], $0xffff;
	v37 =	vadd.s32 v13, v20;
	[tilespmem:s13+$0x60] =	vst v27  }
0x3cb: {  	v19 =	vmov s10;
	v27 =	vadd.s32 v13, v17;
	[tilespmem:s0+$0x30] =	vst v36;
	v36 =	vld.idx.msk [tilespmem:v38+s18+$0x0], $0xffff  }
0x3cc: {  	v19 =	vand.u32 $0x3C, v19;
	v38 =	vadd.s32 v13, v18;
	v29 =	vld.idx.msk [tilespmem:v29+s18+$0x0], $0xffff;
	[tilespmem:s16+$0x70] =	vst v34;
	s16 =	smov.u32 s24  }
0x3cd: {  	s8 =	sadd.s32 $0x200, s8;
	v34 =	vadd.s32 v3, v19;
	v33 =	vld.idx.msk [tilespmem:v33+s18+$0x0], $0xffff;
	[tilespmem:s5+$0x70] =	vst v30;
	s5 =	smov.u32 s15  }
0x3ce: {  	s11 =	sadd.s32 $0xFFFFFE80, s8;
	s12 =	sadd.s32 $0xFFFFFF00, s8;
	s15 =	sadd.s32 $0xFFFFFF80, s8;
	v30 =	vld.idx.msk [tilespmem:v32+s18+$0x0], $0xffff;
	v32 =	vadd.s32 v9, v26;
	[tilespmem:s14+$0x40] =	vst v28  }
0x3cf: {  	s12 =	sand.u32 $0x280, s12;
	s24 =	sand.u32 $0x200, s11;
	s11 =	sand.u32 $0x1C00, s11;
	v28 =	vadd.s32 v9, v22;
	[tilespmem:s16+$0x40] =	vst v35;
	v35 =	vld.idx.msk [tilespmem:v37+s18+$0x0], $0xffff  }
0x3d0: {  	s29 =	sadd.s32 $0x14C00, s11;
	s11 =	sand.u32 $0x380, s8;
	s15 =	sand.u32 $0x300, s15;
	v37 =	vadd.s32 v9, v25;
	v27 =	vld.idx.msk [tilespmem:v27+s18+$0x0], $0xffff;
	[tilespmem:s5+$0x40] =	vst v31  }
0x3d1: {  	s19 =	sor.u32 s24, s29;
	s24 =	sor.u32 s12, s29;
	s11 =	sor.u32 s11, s29;
	v31 =	vld.idx.msk [tilespmem:v38+s18+$0x0], $0xffff;
	v38 =	vadd.s32 v14, v20;
	[tilespmem:s13+$0x70] =	vst v36  }
0x3d2: {  	s15 =	sor.u32 s15, s29;
	v36 =	vadd.s32 v9, v16;
	s13 =	smov.u32 s0;
	s0 =	smov.u32 s19;
	v34 =	vld.idx.msk [tilespmem:v34+s18+$0x0], $0xffff;
	[tilespmem:s11+$0x0] =	vst v29  }
0x3d3: {  	v29 =	vadd.s32 v13, v21;
	[tilespmem:s24+$0x0] =	vst v24;
	v24 =	vld.idx.msk [tilespmem:v32+s18+$0x0], $0xffff  }
0x3d4: {  	v28 =	vld.idx.msk [tilespmem:v28+s18+$0x0], $0xffff;
	[tilespmem:s15+$0x0] =	vst v30;
	v30 =	vadd.s32 v14, v17  }
0x3d5: {  	v32 =	vld.idx.msk [tilespmem:v37+s18+$0x0], $0xffff;
	v37 =	vadd.s32 v10, v26;
	[tilespmem:s14+$0x50] =	vst v35  }
0x3d6: {  	v35 =	vadd.s32 v10, v22;
	[tilespmem:s0+$0x0] =	vst v23;
	v38 =	vld.idx.msk [tilespmem:v38+s18+$0x0], $0xffff  }
0x3d7: {  	v39 =	vadd.s32 v10, v25;
	v36 =	vld.idx.msk [tilespmem:v36+s18+$0x0], $0xffff;
	[tilespmem:s13+$0x40] =	vst v33  }
0x3d8: {  	v23 =	vmov v34;
	v29 =	vld.idx.msk [tilespmem:v29+s18+$0x0], $0xffff;
	[tilespmem:s16+$0x50] =	vst v27;
	v27 =	vadd.s32 v15, v20;
	v20 =	vmov v26  }
0x3d9: {  	v33 =	vadd.s32 v10, v16;
	[tilespmem:s11+$0x10] =	vst v24;
	v26 =	vld.idx.msk [tilespmem:v30+s18+$0x0], $0xffff  }
0x3da: {  	[tilespmem:s24+$0x10] =	vst v28;
	v24 =	vld.idx.msk [tilespmem:v37+s18+$0x0], $0xffff;
	v28 =	vadd.s32 v14, v18  }
0x3db: {  	v30 =	vld.idx.msk [tilespmem:v35+s18+$0x0], $0xffff;
	[tilespmem:s15+$0x10] =	vst v32;
	v32 =	vadd.s32 v14, v21  }
0x3dc: {  	s12 =	sadd.s32 $0x1, s10;
	v34 =	vadd.s32 v11, v20;
	v35 =	vld.idx.msk [tilespmem:v39+s18+$0x0], $0xffff;
	[tilespmem:s14+$0x60] =	vst v38  }
0x3dd: {  	v37 =	vmov s12;
	v38 =	vadd.s32 v11, v22;
	[tilespmem:s0+$0x10] =	vst v36;
	v39 =	vld.idx.msk [tilespmem:v27+s18+$0x0], $0xffff  }
0x3de: {  	v41 =	vadd.s32 v11, v25;
	v37 =	vand.u32 $0x3D, v37;
	v40 =	vld.idx.msk [tilespmem:v33+s18+$0x0], $0xffff;
	[tilespmem:s5+$0x50] =	vst v31  }
0x3df: {  	v42 =	vadd.s32 v3, v37;
	[tilespmem:s13+$0x50] =	vst v29;
	v29 =	vld.idx.msk [tilespmem:v28+s18+$0x0], $0xffff  }
.Ltmp8:
0x3e0: {  	v36 =	vadd.s32 v11, v16;
	[tilespmem:s11+$0x20] =	vst v24;
	v27 =	vld.idx.msk [tilespmem:v32+s18+$0x0], $0xffff;
	(pc) =	sbr.rel @p1 .LBB2_19-.Ltmp8, $4  }
0x3e1: {  	[tilespmem:s24+$0x20] =	vst v30;
	v30 =	vld.idx.msk [tilespmem:v34+s18+$0x0], $0xffff;
	v34 =	vadd.s32 v15, v17;
	v17 =	vmov v22;
	v22 =	vmov v37  }
0x3e2: {  	v33 =	vadd.s32 v15, v18;
	v18 =	vmov v25;
	v28 =	vld.idx.msk [tilespmem:v38+s18+$0x0], $0xffff;
	[tilespmem:s15+$0x20] =	vst v35  }
0x3e3: {  	v32 =	vadd.s32 v12, v20;
	v31 =	vld.idx.msk [tilespmem:v41+s18+$0x0], $0xffff;
	[tilespmem:s14+$0x70] =	vst v39;
	s14 =	smov.u32 s11  }
0x3e4: {  	s10 =	sadd.s32 $0x4, s10;
	v35 =	vadd.s32 v12, v17;
	s11 =	sadd.s32 $0x3, s9;
	v24 =	vld.idx.msk [tilespmem:v42+s18+$0x0], $0xffff;
	[tilespmem:s0+$0x20] =	vst v40  }
0x3e5: {  	_ =	sdelay $0x2  }
0x3e6: {  	[tilespmem:s16+$0x60] =	vst v26  }
0x3e7: {  	v36 =	vld.idx.msk [tilespmem:v36+s18+$0x0], $0xffff;
	[tilespmem:s5+$0x60] =	vst v29  }
0x3e8: {  	[tilespmem:s13+$0x60] =	vst v27;
	v56 =	vld.idx.msk [tilespmem:v34+s18+$0x0], $0xffff  }
0x3e9: {  	v25 =	vmov s11;
	v37 =	vadd.s32 v12, v18;
	s9 =	sadd.s32 $0x2, s9;
	[tilespmem:s14+$0x30] =	vst v30;
	v59 =	vld.idx.msk [tilespmem:v33+s18+$0x0], $0xffff  }
0x3ea: {  	v21 =	vadd.s32 v15, v21;
	v26 =	vand.u32 $0x3F, v25;
	v57 =	vmov s9;
	[tilespmem:s24+$0x30] =	vst v28;
	v60 =	vld.idx.msk [tilespmem:v32+s18+$0x0], $0xffff  }
0x3eb: {  	s8 =	sadd.s32 $0x200, s8;
	v58 =	vadd.s32 v3, v26;
	v25 =	vand.u32 $0x3E, v57;
	[tilespmem:s15+$0x30] =	vst v31  }
0x3ec: {  	s29 =	sadd.s32 $0xFFFFFE80, s8;
	v61 =	vadd.s32 v3, v25;
	[tilespmem:s0+$0x30] =	vst v36  }
0x3ed: {  	v42 =	vadd.s32 v12, v16;
	s10 =	sadd.s32 $0xFFFFFF00, s8;
	s11 =	sand.u32 $0x1C00, s29;
	v62 =	vld.idx.msk [tilespmem:v35+s18+$0x0], $0xffff;
	[tilespmem:s16+$0x70] =	vst v56  }
0x3ee: {  	v39 =	vadd.s32 v9, v22;
	s10 =	sand.u32 $0x280, s10;
	s11 =	sadd.s32 $0x14C00, s11;
	v63 =	vld.idx.msk [tilespmem:v37+s18+$0x0], $0xffff;
	[tilespmem:s5+$0x70] =	vst v59  }
0x3ef: {  	v41 =	vadd.s32 v9, v19;
	s19 =	sand.u32 $0x200, s29;
	v21 =	vld.idx.msk [tilespmem:v21+s18+$0x0], $0xffff;
	s16 =	sor.u32 s10, s11;
	[tilespmem:s14+$0x40] =	vst v60  }
0x3f0: {  	v43 =	vadd.s32 v13, v17;
	s10 =	sor.u32 s19, s11;
	v34 =	vld.idx.msk [tilespmem:v58+s18+$0x0], $0xffff;
	[tilespmem:s16+$0x0] =	vst v24  }
0x3f1: {  	v37 =	vadd.s32 v9, v26;
	[tilespmem:s10+$0x0] =	vst v23;
	v38 =	vld.idx.msk [tilespmem:v61+s18+$0x0], $0xffff  }
0x3f2: {  	v40 =	vadd.s32 v9, v25;
	v49 =	vld.idx.msk [tilespmem:v42+s18+$0x0], $0xffff;
	[tilespmem:s24+$0x40] =	vst v62  }
0x3f3: {  	s12 =	sand.u32 $0x380, s8;
	s8 =	sadd.s32 $0xFFFFFF80, s8;
	v36 =	vadd.s32 v13, v20;
	v28 =	vld.idx.msk [tilespmem:v39+s18+$0x0], $0xffff;
	[tilespmem:s15+$0x40] =	vst v63  }
0x3f4: {  	v53 =	vadd.s32 v13, v18;
	s5 =	sor.u32 s12, s11;
	s12 =	sand.u32 $0x300, s8;
	v47 =	vld.idx.msk [tilespmem:v41+s18+$0x0], $0xffff;
	[tilespmem:s13+$0x70] =	vst v21  }
0x3f5: {  	v46 =	vadd.s32 v10, v22;
	s29 =	sor.u32 s12, s11;
	v51 =	vld.idx.msk [tilespmem:v43+s18+$0x0], $0xffff;
	[tilespmem:s5+$0x0] =	vst v34  }
0x3f6: {  	v50 =	vadd.s32 v10, v19;
	v44 =	vld.idx.msk [tilespmem:v37+s18+$0x0], $0xffff;
	[tilespmem:s29+$0x0] =	vst v38  }
0x3f7: {  	v45 =	vadd.s32 v10, v26;
	[tilespmem:s0+$0x40] =	vst v49;
	v30 =	vld.idx.msk [tilespmem:v40+s18+$0x0], $0xffff  }
0x3f8: {  	v48 =	vadd.s32 v10, v25;
	v33 =	vld.idx.msk [tilespmem:v36+s18+$0x0], $0xffff;
	[tilespmem:s16+$0x10] =	vst v28  }
0x3f9: {  	v61 =	vadd.s32 v13, v16;
	v24 =	vld.idx.msk [tilespmem:v53+s18+$0x0], $0xffff;
	[tilespmem:s10+$0x10] =	vst v47  }
0x3fa: {  	v52 =	vadd.s32 v14, v20;
	v23 =	vld.idx.msk [tilespmem:v46+s18+$0x0], $0xffff;
	[tilespmem:s24+$0x50] =	vst v51  }
0x3fb: {  	v56 =	vadd.s32 v11, v22;
	v57 =	vld.idx.msk [tilespmem:v50+s18+$0x0], $0xffff;
	[tilespmem:s5+$0x10] =	vst v44  }
0x3fc: {  	v60 =	vadd.s32 v11, v19;
	v54 =	vld.idx.msk [tilespmem:v45+s18+$0x0], $0xffff;
	[tilespmem:s29+$0x10] =	vst v30  }
0x3fd: {  	v55 =	vadd.s32 v11, v26;
	[tilespmem:s14+$0x50] =	vst v33;
	v27 =	vld.idx.msk [tilespmem:v48+s18+$0x0], $0xffff  }
0x3fe: {  	v58 =	vadd.s32 v11, v25;
	v40 =	vld.idx.msk [tilespmem:v61+s18+$0x0], $0xffff;
	[tilespmem:s15+$0x50] =	vst v24  }
0x3ff: {  	v42 =	vadd.s32 v14, v17;
	v59 =	vld.idx.msk [tilespmem:v52+s18+$0x0], $0xffff;
	[tilespmem:s16+$0x20] =	vst v23  }
0x400: {  	v62 =	vadd.s32 v15, v20;
	[tilespmem:s10+$0x20] =	vst v57;
	v21 =	vld.idx.msk [tilespmem:v56+s18+$0x0], $0xffff  }
0x401: {  	v38 =	vadd.s32 v12, v22;
	v30 =	vld.idx.msk [tilespmem:v60+s18+$0x0], $0xffff;
	[tilespmem:s5+$0x20] =	vst v54  }
0x402: {  	v41 =	vadd.s32 v12, v19;
	v63 =	vld.idx.msk [tilespmem:v55+s18+$0x0], $0xffff;
	[tilespmem:s29+$0x20] =	vst v27  }
0x403: {  	v36 =	vadd.s32 v12, v26;
	[tilespmem:s0+$0x50] =	vst v40;
	v37 =	vld.idx.msk [tilespmem:v58+s18+$0x0], $0xffff  }
0x404: {  	v39 =	vadd.s32 v12, v25;
	v50 =	vld.idx.msk [tilespmem:v42+s18+$0x0], $0xffff;
	[tilespmem:s14+$0x60] =	vst v59  }
0x405: {  	v43 =	vadd.s32 v14, v18;
	v20 =	vld.idx.msk [tilespmem:v62+s18+$0x0], $0xffff;
	[tilespmem:s16+$0x30] =	vst v21  }
0x406: {  	v17 =	vadd.s32 v15, v17;
	[tilespmem:s10+$0x30] =	vst v30;
	v45 =	vld.idx.msk [tilespmem:v38+s18+$0x0], $0xffff  }
0x407: {  	v48 =	vadd.s32 v13, v22;
	v24 =	vld.idx.msk [tilespmem:v41+s18+$0x0], $0xffff;
	[tilespmem:s5+$0x30] =	vst v63  }
0x408: {  	v51 =	vadd.s32 v13, v19;
	v44 =	vld.idx.msk [tilespmem:v36+s18+$0x0], $0xffff;
	[tilespmem:s29+$0x30] =	vst v37  }
0x409: {  	v46 =	vadd.s32 v13, v26;
	[tilespmem:s24+$0x60] =	vst v50;
	v47 =	vld.idx.msk [tilespmem:v39+s18+$0x0], $0xffff  }
0x40a: {  	v49 =	vadd.s32 v13, v25;
	v23 =	vld.idx.msk [tilespmem:v43+s18+$0x0], $0xffff;
	[tilespmem:s14+$0x70] =	vst v20  }
0x40b: {  	v52 =	vadd.s32 v14, v16;
	v17 =	vld.idx.msk [tilespmem:v17+s18+$0x0], $0xffff;
	[tilespmem:s16+$0x40] =	vst v45  }
0x40c: {  	[tilespmem:s10+$0x40] =	vst v24;
	v27 =	vld.idx.msk [tilespmem:v48+s18+$0x0], $0xffff  }
0x40d: {  	v54 =	vadd.s32 v14, v22;
	v20 =	vld.idx.msk [tilespmem:v51+s18+$0x0], $0xffff;
	[tilespmem:s5+$0x40] =	vst v44  }
0x40e: {  	v57 =	vadd.s32 v14, v19;
	v21 =	vld.idx.msk [tilespmem:v46+s18+$0x0], $0xffff;
	[tilespmem:s29+$0x40] =	vst v47  }
0x40f: {  	v53 =	vadd.s32 v14, v26;
	[tilespmem:s15+$0x60] =	vst v23;
	v29 =	vld.idx.msk [tilespmem:v49+s18+$0x0], $0xffff  }
0x410: {  	v56 =	vld.idx.msk [tilespmem:v52+s18+$0x0], $0xffff;
	v55 =	vadd.s32 v14, v25;
	[tilespmem:s24+$0x70] =	vst v17  }
0x411: {  	v16 =	vadd.s32 v15, v16;
	[tilespmem:s16+$0x50] =	vst v27  }
0x412: {  	v58 =	vadd.s32 v15, v18;
	[tilespmem:s10+$0x50] =	vst v20;
	v27 =	vld.idx.msk [tilespmem:v54+s18+$0x0], $0xffff  }
0x413: {  	v60 =	vadd.s32 v15, v22;
	v23 =	vld.idx.msk [tilespmem:v57+s18+$0x0], $0xffff;
	[tilespmem:s5+$0x50] =	vst v21  }
0x414: {  	v17 =	vadd.s32 v15, v19;
	v21 =	vld.idx.msk [tilespmem:v53+s18+$0x0], $0xffff;
	[tilespmem:s29+$0x50] =	vst v29  }
0x415: {  	v26 =	vadd.s32 v15, v26;
	[tilespmem:s0+$0x60] =	vst v56;
	v59 =	vld.idx.msk [tilespmem:v55+s18+$0x0], $0xffff  }
0x416: {  	v61 =	vadd.s32 v15, v25;
	v16 =	vld.idx.msk [tilespmem:v16+s18+$0x0], $0xffff  }
0x417: {  	v18 =	vld.idx.msk [tilespmem:v58+s18+$0x0], $0xffff;
	[tilespmem:s16+$0x60] =	vst v27  }
0x418: {  	[tilespmem:s10+$0x60] =	vst v23;
	v63 =	vld.idx.msk [tilespmem:v60+s18+$0x0], $0xffff  }
0x419: {  	v17 =	vld.idx.msk [tilespmem:v17+s18+$0x0], $0xffff;
	[tilespmem:s5+$0x60] =	vst v21  }
0x41a: {  	v62 =	vld.idx.msk [tilespmem:v26+s18+$0x0], $0xffff;
	[tilespmem:s29+$0x60] =	vst v59  }
0x41b: {  	[tilespmem:s0+$0x70] =	vst v16;
	v20 =	vld.idx.msk [tilespmem:v61+s18+$0x0], $0xffff  }
0x41c: {  	[tilespmem:s15+$0x70] =	vst v18  }
0x41d: {  	[tilespmem:s16+$0x70] =	vst v63  }
0x41e: {  	[tilespmem:s10+$0x70] =	vst v17  }
0x41f: {  	s30 =	sadd.s32 $0x1, s30;
	[tilespmem:s5+$0x70] =	vst v62  }
0x420: {  	s8 =	simm.s32 @!p0 $0x10C00;
	s0 =	sadd.s32 @!p0 $0x6580, s31;
	s5 =	simm.s32 @!p0 $0x80;
	[tilespmem:s29+$0x70] =	vst v20  }
0x421: {  	[tilespmem:s8], [sflag:$0x2] =	stream.indirect.gather @!p0 [hbm4b:s4+s5], $0x40, s0, s5, $0xb8;
	[tilespmem:$0x16C00] =	vst v63  }
0x422: {  	p0 =	sne.s32 s30, $0x64  }
.Ltmp9:
0x423: {  	_ = 	snop;
	(pc) =	sbr.rel @p0 .LBB2_12-.Ltmp9, $3  }
0x424: {  	_ =	sdelay $0x1  }
0x425: {  	s31 =	sadd.s32 s1, s7  }
0x426: {  	[hbm4b:s31+s20] =	stream.strided.scatter [tilespmem:s25], [sflag:$0x4], $0x2000, s21, s20, $0x38;
	[tilespmem:$0x16C00] =	vst v63  }
0x427: {  	_ =	swait.ge [sflag:s26], $0x2000  }
0x428: {  	[sflag:s26] =	ssyncset.done $0x0  }
0x429: {  	[sflag:s26] =	ssyncadd.s32 $0xFFFFE000  }
0x42a: {  	_ =	swait.ge [sflag:s28], $0x2000  }
0x42b: {  	s1 =	rddreg [dreg:$0x7]  }
0x42c: {  	s0 =	rddreg [dreg:$0x6];
	s1 =	sadd.s32 $0x1, s1  }
0x42d: {  	p0 =	sne.s32 s1, s0  }
.Ltmp10:
0x42e: {  	_ = 	snop;
	(pc) =	sbr.rel @p0 .LBB2_1-.Ltmp10, $3  }
0x42f: {  	_ =	sdelay $0x1  }
0x430: {  	[sflag:s28] =	ssyncset.done $0x0  }
0x431: {  	s12 =	simm.s32 $0x80;
	[sflag:s28] =	ssyncadd.s32 $0xFFFFE000  }
0x432: {  	_ =	sfence.sel $0x180000  }
0x433: {  	[bflag:$0x0] =	sbarrier.arrive $0xFFFF  }
0x434: {  	_ =	strace $0x9000004A  }
0x435: {  	s0 =	stileid.u32;
	[bflag:$0x2] =	sbarrier.arrive $0xFFFF  }
0x436: {  	p0 =	sne.s32 s0, $0x0;
	s0 =	rddreg [dreg:$0x2]  }
0x437: {  	s0 =	sadd.s32 @!p0 $0x100000, s0  }
0x438: {  	[sflag:s0] =	ssyncadd.tile.s32 @!p0 $0x1;
	_ =	shalt  }
.Lfunc_end2:
_tile_overlayer_lowered:
.L_overlay_start_2:
0x439: {  	(tag) =	ssettag $0x2  }
0x43a: {  	s0 =	rddreg [dreg:$0x0];
	s2 =	stileid.u32  }
0x43b: {  	s1 =	rddreg [dreg:$0x1];
	p0 =	sne.s32 s2, $0x0  }
0x43c: {  	s3 =	rddreg [dreg:$0x2];
	[bflag:$0x3] =	sbarrier.arrive $0xFFFF;
	s2 =	simm.s32 @!p0 $0x1C05  }
0x43d: {  	[timem:s3], [sflag:s2] =	dma.local @!p0 [hbm:s0], s1  }
0x43e: {  	s0 =	simm.s32 @!p0 $0x5  }
0x43f: {  	_ =	swait.ge @!p0 [sflag:s0], s1  }
0x440: {  	s1 =	ssub.s32 @!p0 $0x0, s1;
	[sflag:s0] =	ssyncset.done @!p0 $0x0  }
0x441: {  	[sflag:s0] =	ssyncadd.s32 @!p0 s1  }
0x442: {  	[bflag:$0x3] =	sbarrier.arrive $0xFFFF  }
0x443: {  	_ =	shalt  }

</sc_bundles>
